<compile_context>
chip_gen: v7x
topology: tpu7x:2x2x1
jax: 0.10.2.dev20260603
libtpu: 0.0.44.dev20260713+nightly
codegen_flags: <defaults>
</compile_context>

<pallas_src>
import functools

import jax
import jax.numpy as jnp
from jax import lax
from jax.experimental import pallas as pl
from jax.experimental.pallas import tpu as pltpu
from jax.experimental.pallas import tpu_sc as plsc

TOTAL = 81920
DIM = 256
LANES = 16
VECS_PER_ROW = DIM // LANES

TC_BLOCK = 4096
TC_ROWS = 53248
SC_ROWS = TOTAL - TC_ROWS

NUM_CORES = 2
NUM_SUBCORES = 16
NW = NUM_CORES * NUM_SUBCORES
ROWS_PER_W = SC_ROWS // NW
CHUNK = 128
NCHUNK = ROWS_PER_W // CHUNK
UNROLL = 2


def _rsqrt16(s):
    s = jnp.maximum(s, 1e-24)
    i = lax.bitcast_convert_type(s, jnp.int32)
    i = 0x5F3759DF - lax.shift_right_arithmetic(i, 1)
    y = lax.bitcast_convert_type(i, jnp.float32)
    h = 0.5 * s
    for _ in range(1):
        y = y * (1.5 - h * y * y)
    return y


def _allreduce16(v):
    lanes = lax.iota(jnp.int32, LANES)
    for k in (1, 2, 4, 8):
        idx = jnp.bitwise_xor(lanes, k)
        v = v + v.at[idx].get(mode="promise_in_bounds")
    return v


def _compute_chunk(buf):
    @plsc.parallel_loop(0, CHUNK, step=1, unroll=UNROLL)
    def _row(i):
        vs = [buf[i, pl.ds(j * LANES, LANES)] for j in range(VECS_PER_ROW)]
        sq = [v * v for v in vs]
        while len(sq) > 1:
            sq = [sq[k] + sq[k + 1] for k in range(0, len(sq) - 1, 2)] + (
                [sq[-1]] if len(sq) % 2 else []
            )
        r = _rsqrt16(_allreduce16(sq[0]))
        for j in range(VECS_PER_ROW):
            buf[i, pl.ds(j * LANES, LANES)] = vs[j] * r


def _sc_body(x_hbm, o_hbm, buf0, buf1, lsem0, lsem1, ssem0, ssem1):
    wid = lax.axis_index("s") * NUM_CORES + lax.axis_index("c")
    bufs = [buf0, buf1]
    lsems = [lsem0, lsem1]
    ssems = [ssem0, ssem1]

    def in_row0(c):
        return TC_ROWS + wid * ROWS_PER_W + c * CHUNK

    def out_row0(c):
        return wid * ROWS_PER_W + c * CHUNK

    def load(c):
        b = c % 2
        return pltpu.async_copy(x_hbm.at[pl.ds(in_row0(c), CHUNK)], bufs[b], lsems[b])

    def store(c):
        b = c % 2
        return pltpu.async_copy(bufs[b], o_hbm.at[pl.ds(out_row0(c), CHUNK)], ssems[b])

    loads = {0: load(0)}
    stores = {}
    for c in range(NCHUNK):
        b = c % 2
        loads.pop(c).wait()
        if c + 1 < NCHUNK:
            if c - 1 in stores:
                stores.pop(c - 1).wait()
            loads[c + 1] = load(c + 1)
        _compute_chunk(bufs[b])
        stores[c] = store(c)
    for c in sorted(stores):
        stores.pop(c).wait()


def _sc_normalize_tail(x):
    mesh = plsc.VectorSubcoreMesh(core_axis_name="c", subcore_axis_name="s")
    return pl.kernel(
        _sc_body,
        mesh=mesh,
        out_type=jax.ShapeDtypeStruct((SC_ROWS, DIM), jnp.float32),
        scratch_types=[
            pltpu.VMEM((CHUNK, DIM), jnp.float32),
            pltpu.VMEM((CHUNK, DIM), jnp.float32),
            pltpu.SemaphoreType.DMA,
            pltpu.SemaphoreType.DMA,
            pltpu.SemaphoreType.DMA,
            pltpu.SemaphoreType.DMA,
        ],
        compiler_params=pltpu.CompilerParams(use_tc_tiling_on_sc=True),
    )(x)


def _tc_norm_body(x_ref, o_ref):
    x = x_ref[...]
    s = jnp.sum(x * x, axis=-1, keepdims=True)
    o_ref[...] = x * jax.lax.rsqrt(jnp.maximum(s, 1e-24))


def _tc_normalize_head(x):
    return pl.pallas_call(
        _tc_norm_body,
        grid=(TC_ROWS // TC_BLOCK,),
        in_specs=[pl.BlockSpec((TC_BLOCK, DIM), lambda i: (i, 0))],
        out_specs=pl.BlockSpec((TC_BLOCK, DIM), lambda i: (i, 0)),
        out_shape=jax.ShapeDtypeStruct((TOTAL, DIM), jnp.float32),
    )(x)


def _tc_copy_body(s_ref, _, o_ref):
    o_ref[...] = s_ref[...]


def _merge_tail(sc_part, head_out):
    nblk = SC_ROWS // TC_BLOCK
    off = TC_ROWS // TC_BLOCK
    return pl.pallas_call(
        _tc_copy_body,
        grid=(nblk,),
        in_specs=[
            pl.BlockSpec((TC_BLOCK, DIM), lambda i: (i, 0)),
            pl.BlockSpec((TC_BLOCK, DIM), lambda i: (i + off, 0)),
        ],
        out_specs=pl.BlockSpec((TC_BLOCK, DIM), lambda i: (i + off, 0)),
        out_shape=jax.ShapeDtypeStruct((TOTAL, DIM), jnp.float32),
        input_output_aliases={1: 0},
    )(sc_part, head_out)


def kernel(prototypes):
    sc_part = _sc_normalize_tail(prototypes)
    head = _tc_normalize_head(prototypes)
    return _merge_tail(sc_part, head)

# --- scband reference (transcript-rebuilt; emitter-appended) ---
"""Pipeline reference for scband-dynamic-prototype-manager-optimal-78219944394811 (READ-ONLY COPY).

The authoritative reference and input builder live on the scoring server;
editing this copy changes nothing except your own understanding.
"""

import jax, jax.numpy as jnp
import numpy as np

NUM_CLASSES = 8192
EMB_DIM = 256
MAX_PROTOTYPES = 10
TOTAL_MAX = NUM_CLASSES * MAX_PROTOTYPES


def setup_inputs(seed: int = 0) -> dict:
    key = jax.random.key(seed)
    # nn.Parameter initialized with randn*0.01 then overwritten by xavier_uniform_
    # xavier_uniform on a [TOTAL_MAX, EMB_DIM] matrix: bound = sqrt(6/(fan_in+fan_out))
    fan_out, fan_in = TOTAL_MAX, EMB_DIM
    bound = float(np.sqrt(6.0 / (fan_in + fan_out)))
    prototypes = jax.random.uniform(
        key, (TOTAL_MAX, EMB_DIM), dtype=jnp.float32, minval=-bound, maxval=bound
    )
    return {"prototypes": prototypes}


def reference(prototypes):
    # Faithful translation of get_prototypes(): F.normalize(prototypes, p=2, dim=-1)
    # F.normalize uses eps=1e-12 via clamp on the norm
    norm = jnp.linalg.norm(prototypes, ord=2, axis=-1, keepdims=True)
    norm = jnp.maximum(norm, 1e-12)
    return prototypes / norm

if __name__ == "__main__":
    import jax
    _d = setup_inputs()
    print(jax.jit(kernel)(*tuple(_d.values())))

</pallas_src>

<mosaic_0001>
#map = affine_map<(d0, d1) -> (0, 0)>
module attributes {stable_mosaic.version = 14 : i64} {
  func.func @_sc_body(%arg0: i32, %arg1: i32, %arg2: memref<81920x256xf32, #tpu.memory_space<hbm>>, %arg3: memref<28672x256xf32, #tpu.memory_space<hbm>>, %arg4: memref<128x256xf32, #tpu.memory_space<vmem>>, %arg5: memref<128x256xf32, #tpu.memory_space<vmem>>, %arg6: memref<!tpu.dma_semaphore, #tpu.memory_space<semaphore_mem>>, %arg7: memref<!tpu.dma_semaphore, #tpu.memory_space<semaphore_mem>>, %arg8: memref<!tpu.dma_semaphore, #tpu.memory_space<semaphore_mem>>, %arg9: memref<!tpu.dma_semaphore, #tpu.memory_space<semaphore_mem>>) attributes {dimension_semantics = [#tpu.dimension_semantics<core_parallel>, #tpu.dimension_semantics<subcore_parallel>], iteration_bounds = array<i64: 2, 16>, scalar_prefetch = 0 : i64, scratch_operands = 6 : i64, tpu.core_type = #tpu.core_type<sc_vector_subcore>, window_params = [{transform_indices = #map}, {transform_indices = #map}]} {
    %mul3A = arith.constant 2 : i32
    %mul3A_0 = arith.muli %arg1, %mul3A : i32
    %add3A = arith.addi %mul3A_0, %arg0 : i32
    %mul3A_1 = arith.constant 896 : i32
    %mul3A_2 = arith.muli %add3A, %mul3A_1 : i32
    %add3A_3 = arith.constant 53248 : i32
    %add3A_4 = arith.addi %add3A_3, %mul3A_2 : i32
    %add3A_5 = arith.constant 0 : i32
    %add3A_6 = arith.addi %add3A_4, %add3A_5 : i32
    %dma_start3A = arith.constant 0 : i32
    %dma_start3A_7 = tpu.memref_slice %arg2[%add3A_6, %dma_start3A] : memref<81920x256xf32, #tpu.memory_space<hbm>> -> memref<128x256xf32, #tpu.memory_space<hbm>>
    %dma_start3A_8 = arith.constant 0 : i32
    %dma_start3A_9 = tpu.memref_slice %arg2[%add3A_6, %dma_start3A_8] : memref<81920x256xf32, #tpu.memory_space<hbm>> -> memref<128x256xf32, #tpu.memory_space<hbm>>
    tpu.enqueue_dma source(%dma_start3A_9 : memref<128x256xf32, #tpu.memory_space<hbm>>) target(%arg4 : memref<128x256xf32, #tpu.memory_space<vmem>>) target_semaphore(%arg6 : memref<!tpu.dma_semaphore, #tpu.memory_space<semaphore_mem>>)
    %dma_wait3A = arith.constant 0 : i32
    %dma_wait3A_10 = tpu.memref_slice %arg2[%add3A_6, %dma_wait3A] : memref<81920x256xf32, #tpu.memory_space<hbm>> -> memref<128x256xf32, #tpu.memory_space<hbm>>
    %dma_wait3A_11 = arith.constant 0 : i32
    %dma_wait3A_12 = tpu.memref_slice %arg2[%add3A_6, %dma_wait3A_11] : memref<81920x256xf32, #tpu.memory_space<hbm>> -> memref<128x256xf32, #tpu.memory_space<hbm>>
    tpu.wait_dma2 semaphore(%arg6 : memref<!tpu.dma_semaphore, #tpu.memory_space<semaphore_mem>>) src(%dma_wait3A_12 : memref<128x256xf32, #tpu.memory_space<hbm>>) dst(%arg4 : memref<128x256xf32, #tpu.memory_space<vmem>>)
    %mul3A_13 = arith.constant 896 : i32
    %mul3A_14 = arith.muli %add3A, %mul3A_13 : i32
    %add3A_15 = arith.constant 53248 : i32
    %add3A_16 = arith.addi %add3A_15, %mul3A_14 : i32
    %add3A_17 = arith.constant 128 : i32
    %add3A_18 = arith.addi %add3A_16, %add3A_17 : i32
    %dma_start3A_19 = arith.constant 0 : i32
    %dma_start3A_20 = tpu.memref_slice %arg2[%add3A_18, %dma_start3A_19] : memref<81920x256xf32, #tpu.memory_space<hbm>> -> memref<128x256xf32, #tpu.memory_space<hbm>>
    %dma_start3A_21 = arith.constant 0 : i32
    %dma_start3A_22 = tpu.memref_slice %arg2[%add3A_18, %dma_start3A_21] : memref<81920x256xf32, #tpu.memory_space<hbm>> -> memref<128x256xf32, #tpu.memory_space<hbm>>
    tpu.enqueue_dma source(%dma_start3A_22 : memref<128x256xf32, #tpu.memory_space<hbm>>) target(%arg5 : memref<128x256xf32, #tpu.memory_space<vmem>>) target_semaphore(%arg7 : memref<!tpu.dma_semaphore, #tpu.memory_space<semaphore_mem>>)
    %parallel_loop3A = arith.constant 0 : i32
    %parallel_loop3A_23 = arith.constant 128 : i32
    %parallel_loop3A_24 = arith.constant 1 : i32
    scf.for %parallel_loop3A_201 = %parallel_loop3A to %parallel_loop3A_23 step %parallel_loop3A_24  : i32 {
      %parallel_loop3A_202 = arith.index_cast %parallel_loop3A_201 : i32 to index
      %parallel_loop3A_203 = arith.constant 0 : index
      %parallel_loop3A_204 = tpu.vector_load %arg4[%parallel_loop3A_202, %parallel_loop3A_203] {strides = array<i32>} : memref<128x256xf32, #tpu.memory_space<vmem>>, vector<1x16xf32>,
      %parallel_loop3A_205 = vector.shape_cast %parallel_loop3A_204 : vector<1x16xf32> to vector<16xf32>
      %parallel_loop3A_206 = arith.index_cast %parallel_loop3A_201 : i32 to index
      %parallel_loop3A_207 = arith.constant 16 : index
      %parallel_loop3A_208 = tpu.vector_load %arg4[%parallel_loop3A_206, %parallel_loop3A_207] {strides = array<i32>} : memref<128x256xf32, #tpu.memory_space<vmem>>, vector<1x16xf32>,
      %parallel_loop3A_209 = vector.shape_cast %parallel_loop3A_208 : vector<1x16xf32> to vector<16xf32>
      %parallel_loop3A_210 = arith.index_cast %parallel_loop3A_201 : i32 to index
      %parallel_loop3A_211 = arith.constant 32 : index
      %parallel_loop3A_212 = tpu.vector_load %arg4[%parallel_loop3A_210, %parallel_loop3A_211] {strides = array<i32>} : memref<128x256xf32, #tpu.memory_space<vmem>>, vector<1x16xf32>,
      %parallel_loop3A_213 = vector.shape_cast %parallel_loop3A_212 : vector<1x16xf32> to vector<16xf32>
      %parallel_loop3A_214 = arith.index_cast %parallel_loop3A_201 : i32 to index
      %parallel_loop3A_215 = arith.constant 48 : index
      %parallel_loop3A_216 = tpu.vector_load %arg4[%parallel_loop3A_214, %parallel_loop3A_215] {strides = array<i32>} : memref<128x256xf32, #tpu.memory_space<vmem>>, vector<1x16xf32>,
      %parallel_loop3A_217 = vector.shape_cast %parallel_loop3A_216 : vector<1x16xf32> to vector<16xf32>
      %parallel_loop3A_218 = arith.index_cast %parallel_loop3A_201 : i32 to index
      %parallel_loop3A_219 = arith.constant 64 : index
      %parallel_loop3A_220 = tpu.vector_load %arg4[%parallel_loop3A_218, %parallel_loop3A_219] {strides = array<i32>} : memref<128x256xf32, #tpu.memory_space<vmem>>, vector<1x16xf32>,
      %parallel_loop3A_221 = vector.shape_cast %parallel_loop3A_220 : vector<1x16xf32> to vector<16xf32>
      %parallel_loop3A_222 = arith.index_cast %parallel_loop3A_201 : i32 to index
      %parallel_loop3A_223 = arith.constant 80 : index
      %parallel_loop3A_224 = tpu.vector_load %arg4[%parallel_loop3A_222, %parallel_loop3A_223] {strides = array<i32>} : memref<128x256xf32, #tpu.memory_space<vmem>>, vector<1x16xf32>,
      %parallel_loop3A_225 = vector.shape_cast %parallel_loop3A_224 : vector<1x16xf32> to vector<16xf32>
      %parallel_loop3A_226 = arith.index_cast %parallel_loop3A_201 : i32 to index
      %parallel_loop3A_227 = arith.constant 96 : index
      %parallel_loop3A_228 = tpu.vector_load %arg4[%parallel_loop3A_226, %parallel_loop3A_227] {strides = array<i32>} : memref<128x256xf32, #tpu.memory_space<vmem>>, vector<1x16xf32>,
      %parallel_loop3A_229 = vector.shape_cast %parallel_loop3A_228 : vector<1x16xf32> to vector<16xf32>
      %parallel_loop3A_230 = arith.index_cast %parallel_loop3A_201 : i32 to index
      %parallel_loop3A_231 = arith.constant 112 : index
      %parallel_loop3A_232 = tpu.vector_load %arg4[%parallel_loop3A_230, %parallel_loop3A_231] {strides = array<i32>} : memref<128x256xf32, #tpu.memory_space<vmem>>, vector<1x16xf32>,
      %parallel_loop3A_233 = vector.shape_cast %parallel_loop3A_232 : vector<1x16xf32> to vector<16xf32>
      %parallel_loop3A_234 = arith.index_cast %parallel_loop3A_201 : i32 to index
      %parallel_loop3A_235 = arith.constant 128 : index
      %parallel_loop3A_236 = tpu.vector_load %arg4[%parallel_loop3A_234, %parallel_loop3A_235] {strides = array<i32>} : memref<128x256xf32, #tpu.memory_space<vmem>>, vector<1x16xf32>,
      %parallel_loop3A_237 = vector.shape_cast %parallel_loop3A_236 : vector<1x16xf32> to vector<16xf32>
      %parallel_loop3A_238 = arith.index_cast %parallel_loop3A_201 : i32 to index
      %parallel_loop3A_239 = arith.constant 144 : index
      %parallel_loop3A_240 = tpu.vector_load %arg4[%parallel_loop3A_238, %parallel_loop3A_239] {strides = array<i32>} : memref<128x256xf32, #tpu.memory_space<vmem>>, vector<1x16xf32>,
      %parallel_loop3A_241 = vector.shape_cast %parallel_loop3A_240 : vector<1x16xf32> to vector<16xf32>
      %parallel_loop3A_242 = arith.index_cast %parallel_loop3A_201 : i32 to index
      %parallel_loop3A_243 = arith.constant 160 : index
      %parallel_loop3A_244 = tpu.vector_load %arg4[%parallel_loop3A_242, %parallel_loop3A_243] {strides = array<i32>} : memref<128x256xf32, #tpu.memory_space<vmem>>, vector<1x16xf32>,
      %parallel_loop3A_245 = vector.shape_cast %parallel_loop3A_244 : vector<1x16xf32> to vector<16xf32>
      %parallel_loop3A_246 = arith.index_cast %parallel_loop3A_201 : i32 to index
      %parallel_loop3A_247 = arith.constant 176 : index
      %parallel_loop3A_248 = tpu.vector_load %arg4[%parallel_loop3A_246, %parallel_loop3A_247] {strides = array<i32>} : memref<128x256xf32, #tpu.memory_space<vmem>>, vector<1x16xf32>,
      %parallel_loop3A_249 = vector.shape_cast %parallel_loop3A_248 : vector<1x16xf32> to vector<16xf32>
      %parallel_loop3A_250 = arith.index_cast %parallel_loop3A_201 : i32 to index
      %parallel_loop3A_251 = arith.constant 192 : index
      %parallel_loop3A_252 = tpu.vector_load %arg4[%parallel_loop3A_250, %parallel_loop3A_251] {strides = array<i32>} : memref<128x256xf32, #tpu.memory_space<vmem>>, vector<1x16xf32>,
      %parallel_loop3A_253 = vector.shape_cast %parallel_loop3A_252 : vector<1x16xf32> to vector<16xf32>
      %parallel_loop3A_254 = arith.index_cast %parallel_loop3A_201 : i32 to index
      %parallel_loop3A_255 = arith.constant 208 : index
      %parallel_loop3A_256 = tpu.vector_load %arg4[%parallel_loop3A_254, %parallel_loop3A_255] {strides = array<i32>} : memref<128x256xf32, #tpu.memory_space<vmem>>, vector<1x16xf32>,
      %parallel_loop3A_257 = vector.shape_cast %parallel_loop3A_256 : vector<1x16xf32> to vector<16xf32>
      %parallel_loop3A_258 = arith.index_cast %parallel_loop3A_201 : i32 to index
      %parallel_loop3A_259 = arith.constant 224 : index
      %parallel_loop3A_260 = tpu.vector_load %arg4[%parallel_loop3A_258, %parallel_loop3A_259] {strides = array<i32>} : memref<128x256xf32, #tpu.memory_space<vmem>>, vector<1x16xf32>,
      %parallel_loop3A_261 = vector.shape_cast %parallel_loop3A_260 : vector<1x16xf32> to vector<16xf32>
      %parallel_loop3A_262 = arith.index_cast %parallel_loop3A_201 : i32 to index
      %parallel_loop3A_263 = arith.constant 240 : index
      %parallel_loop3A_264 = tpu.vector_load %arg4[%parallel_loop3A_262, %parallel_loop3A_263] {strides = array<i32>} : memref<128x256xf32, #tpu.memory_space<vmem>>, vector<1x16xf32>,
      %parallel_loop3A_265 = vector.shape_cast %parallel_loop3A_264 : vector<1x16xf32> to vector<16xf32>
      %parallel_loop3A_266 = arith.mulf %parallel_loop3A_205, %parallel_loop3A_205 : vector<16xf32>
      %parallel_loop3A_267 = arith.mulf %parallel_loop3A_209, %parallel_loop3A_209 : vector<16xf32>
      %parallel_loop3A_268 = arith.mulf %parallel_loop3A_213, %parallel_loop3A_213 : vector<16xf32>
      %parallel_loop3A_269 = arith.mulf %parallel_loop3A_217, %parallel_loop3A_217 : vector<16xf32>
      %parallel_loop3A_270 = arith.mulf %parallel_loop3A_221, %parallel_loop3A_221 : vector<16xf32>
      %parallel_loop3A_271 = arith.mulf %parallel_loop3A_225, %parallel_loop3A_225 : vector<16xf32>
      %parallel_loop3A_272 = arith.mulf %parallel_loop3A_229, %parallel_loop3A_229 : vector<16xf32>
      %parallel_loop3A_273 = arith.mulf %parallel_loop3A_233, %parallel_loop3A_233 : vector<16xf32>
      %parallel_loop3A_274 = arith.mulf %parallel_loop3A_237, %parallel_loop3A_237 : vector<16xf32>
      %parallel_loop3A_275 = arith.mulf %parallel_loop3A_241, %parallel_loop3A_241 : vector<16xf32>
      %parallel_loop3A_276 = arith.mulf %parallel_loop3A_245, %parallel_loop3A_245 : vector<16xf32>
      %parallel_loop3A_277 = arith.mulf %parallel_loop3A_249, %parallel_loop3A_249 : vector<16xf32>
      %parallel_loop3A_278 = arith.mulf %parallel_loop3A_253, %parallel_loop3A_253 : vector<16xf32>
      %parallel_loop3A_279 = arith.mulf %parallel_loop3A_257, %parallel_loop3A_257 : vector<16xf32>
      %parallel_loop3A_280 = arith.mulf %parallel_loop3A_261, %parallel_loop3A_261 : vector<16xf32>
      %parallel_loop3A_281 = arith.mulf %parallel_loop3A_265, %parallel_loop3A_265 : vector<16xf32>
      %parallel_loop3A_282 = arith.addf %parallel_loop3A_266, %parallel_loop3A_267 : vector<16xf32>
      %parallel_loop3A_283 = arith.addf %parallel_loop3A_268, %parallel_loop3A_269 : vector<16xf32>
      %parallel_loop3A_284 = arith.addf %parallel_loop3A_270, %parallel_loop3A_271 : vector<16xf32>
      %parallel_loop3A_285 = arith.addf %parallel_loop3A_272, %parallel_loop3A_273 : vector<16xf32>
      %parallel_loop3A_286 = arith.addf %parallel_loop3A_274, %parallel_loop3A_275 : vector<16xf32>
      %parallel_loop3A_287 = arith.addf %parallel_loop3A_276, %parallel_loop3A_277 : vector<16xf32>
      %parallel_loop3A_288 = arith.addf %parallel_loop3A_278, %parallel_loop3A_279 : vector<16xf32>
      %parallel_loop3A_289 = arith.addf %parallel_loop3A_280, %parallel_loop3A_281 : vector<16xf32>
      %parallel_loop3A_290 = arith.addf %parallel_loop3A_282, %parallel_loop3A_283 : vector<16xf32>
      %parallel_loop3A_291 = arith.addf %parallel_loop3A_284, %parallel_loop3A_285 : vector<16xf32>
      %parallel_loop3A_292 = arith.addf %parallel_loop3A_286, %parallel_loop3A_287 : vector<16xf32>
      %parallel_loop3A_293 = arith.addf %parallel_loop3A_288, %parallel_loop3A_289 : vector<16xf32>
      %parallel_loop3A_294 = arith.addf %parallel_loop3A_290, %parallel_loop3A_291 : vector<16xf32>
      %parallel_loop3A_295 = arith.addf %parallel_loop3A_292, %parallel_loop3A_293 : vector<16xf32>
      %parallel_loop3A_296 = arith.addf %parallel_loop3A_294, %parallel_loop3A_295 : vector<16xf32>
      %parallel_loop3A_297 = tpu.iota {dimensions = array<i32: 0>} : vector<16xi32>
      %parallel_loop3A_298 = arith.constant 1 : i32
      %parallel_loop3A_299 = vector.broadcast %parallel_loop3A_298 : i32 to vector<16xi32>
      %parallel_loop3A_300 = arith.xori %parallel_loop3A_297, %parallel_loop3A_299 : vector<16xi32>
      %parallel_loop3A_301 = arith.constant 0 : i32
      %parallel_loop3A_302 = vector.broadcast %parallel_loop3A_301 : i32 to vector<16xi32>
      %parallel_loop3A_303 = arith.cmpi slt, %parallel_loop3A_300, %parallel_loop3A_302 : vector<16xi32>
      %parallel_loop3A_304 = arith.constant 16 : i32
      %parallel_loop3A_305 = vector.broadcast %parallel_loop3A_304 : i32 to vector<16xi32>
      %parallel_loop3A_306 = arith.addi %parallel_loop3A_300, %parallel_loop3A_305 : vector<16xi32>
      %parallel_loop3A_307 = arith.select %parallel_loop3A_303, %parallel_loop3A_306, %parallel_loop3A_300 : vector<16xi1>, vector<16xi32>
      %parallel_loop3A_308 = vector.shape_cast %parallel_loop3A_307 : vector<16xi32> to vector<16x1xi32>
      %parallel_loop3A_309 = vector.shape_cast %parallel_loop3A_308 : vector<16x1xi32> to vector<16xi32>
      %parallel_loop3A_310 = tpu.dynamic_gather %parallel_loop3A_296[%parallel_loop3A_309] in [0] : vector<16xf32>, vector<16xi32> -> vector<16xf32>
      %parallel_loop3A_311 = arith.addf %parallel_loop3A_296, %parallel_loop3A_310 : vector<16xf32>
      %parallel_loop3A_312 = arith.constant 2 : i32
      %parallel_loop3A_313 = vector.broadcast %parallel_loop3A_312 : i32 to vector<16xi32>
      %parallel_loop3A_314 = arith.xori %parallel_loop3A_297, %parallel_loop3A_313 : vector<16xi32>
      %parallel_loop3A_315 = arith.constant 0 : i32
      %parallel_loop3A_316 = vector.broadcast %parallel_loop3A_315 : i32 to vector<16xi32>
      %parallel_loop3A_317 = arith.cmpi slt, %parallel_loop3A_314, %parallel_loop3A_316 : vector<16xi32>
      %parallel_loop3A_318 = arith.constant 16 : i32
      %parallel_loop3A_319 = vector.broadcast %parallel_loop3A_318 : i32 to vector<16xi32>
      %parallel_loop3A_320 = arith.addi %parallel_loop3A_314, %parallel_loop3A_319 : vector<16xi32>
      %parallel_loop3A_321 = arith.select %parallel_loop3A_317, %parallel_loop3A_320, %parallel_loop3A_314 : vector<16xi1>, vector<16xi32>
      %parallel_loop3A_322 = vector.shape_cast %parallel_loop3A_321 : vector<16xi32> to vector<16x1xi32>
      %parallel_loop3A_323 = vector.shape_cast %parallel_loop3A_322 : vector<16x1xi32> to vector<16xi32>
      %parallel_loop3A_324 = tpu.dynamic_gather %parallel_loop3A_311[%parallel_loop3A_323] in [0] : vector<16xf32>, vector<16xi32> -> vector<16xf32>
      %parallel_loop3A_325 = arith.addf %parallel_loop3A_311, %parallel_loop3A_324 : vector<16xf32>
      %parallel_loop3A_326 = arith.constant 4 : i32
      %parallel_loop3A_327 = vector.broadcast %parallel_loop3A_326 : i32 to vector<16xi32>
      %parallel_loop3A_328 = arith.xori %parallel_loop3A_297, %parallel_loop3A_327 : vector<16xi32>
      %parallel_loop3A_329 = arith.constant 0 : i32
      %parallel_loop3A_330 = vector.broadcast %parallel_loop3A_329 : i32 to vector<16xi32>
      %parallel_loop3A_331 = arith.cmpi slt, %parallel_loop3A_328, %parallel_loop3A_330 : vector<16xi32>
      %parallel_loop3A_332 = arith.constant 16 : i32
      %parallel_loop3A_333 = vector.broadcast %parallel_loop3A_332 : i32 to vector<16xi32>
      %parallel_loop3A_334 = arith.addi %parallel_loop3A_328, %parallel_loop3A_333 : vector<16xi32>
      %parallel_loop3A_335 = arith.select %parallel_loop3A_331, %parallel_loop3A_334, %parallel_loop3A_328 : vector<16xi1>, vector<16xi32>
      %parallel_loop3A_336 = vector.shape_cast %parallel_loop3A_335 : vector<16xi32> to vector<16x1xi32>
      %parallel_loop3A_337 = vector.shape_cast %parallel_loop3A_336 : vector<16x1xi32> to vector<16xi32>
      %parallel_loop3A_338 = tpu.dynamic_gather %parallel_loop3A_325[%parallel_loop3A_337] in [0] : vector<16xf32>, vector<16xi32> -> vector<16xf32>
      %parallel_loop3A_339 = arith.addf %parallel_loop3A_325, %parallel_loop3A_338 : vector<16xf32>
      %parallel_loop3A_340 = arith.constant 8 : i32
      %parallel_loop3A_341 = vector.broadcast %parallel_loop3A_340 : i32 to vector<16xi32>
      %parallel_loop3A_342 = arith.xori %parallel_loop3A_297, %parallel_loop3A_341 : vector<16xi32>
      %parallel_loop3A_343 = arith.constant 0 : i32
      %parallel_loop3A_344 = vector.broadcast %parallel_loop3A_343 : i32 to vector<16xi32>
      %parallel_loop3A_345 = arith.cmpi slt, %parallel_loop3A_342, %parallel_loop3A_344 : vector<16xi32>
      %parallel_loop3A_346 = arith.constant 16 : i32
      %parallel_loop3A_347 = vector.broadcast %parallel_loop3A_346 : i32 to vector<16xi32>
      %parallel_loop3A_348 = arith.addi %parallel_loop3A_342, %parallel_loop3A_347 : vector<16xi32>
      %parallel_loop3A_349 = arith.select %parallel_loop3A_345, %parallel_loop3A_348, %parallel_loop3A_342 : vector<16xi1>, vector<16xi32>
      %parallel_loop3A_350 = vector.shape_cast %parallel_loop3A_349 : vector<16xi32> to vector<16x1xi32>
      %parallel_loop3A_351 = vector.shape_cast %parallel_loop3A_350 : vector<16x1xi32> to vector<16xi32>
      %parallel_loop3A_352 = tpu.dynamic_gather %parallel_loop3A_339[%parallel_loop3A_351] in [0] : vector<16xf32>, vector<16xi32> -> vector<16xf32>
      %parallel_loop3A_353 = arith.addf %parallel_loop3A_339, %parallel_loop3A_352 : vector<16xf32>
      %parallel_loop3A_354 = arith.constant 1.000000e-24 : f32
      %parallel_loop3A_355 = vector.broadcast %parallel_loop3A_354 : f32 to vector<16xf32>
      %parallel_loop3A_356 = arith.maximumf %parallel_loop3A_353, %parallel_loop3A_355 : vector<16xf32>
      %parallel_loop3A_357 = tpu.bitcast %parallel_loop3A_356 : vector<16xf32> -> vector<16xi32>
      %parallel_loop3A_358 = arith.constant 1 : i32
      %parallel_loop3A_359 = vector.broadcast %parallel_loop3A_358 : i32 to vector<16xi32>
      %parallel_loop3A_360 = arith.shrsi %parallel_loop3A_357, %parallel_loop3A_359 : vector<16xi32>
      %parallel_loop3A_361 = arith.constant 1597463007 : i32
      %parallel_loop3A_362 = vector.broadcast %parallel_loop3A_361 : i32 to vector<16xi32>
      %parallel_loop3A_363 = arith.subi %parallel_loop3A_362, %parallel_loop3A_360 : vector<16xi32>
      %parallel_loop3A_364 = tpu.bitcast %parallel_loop3A_363 : vector<16xi32> -> vector<16xf32>
      %parallel_loop3A_365 = arith.constant 5.000000e-01 : f32
      %parallel_loop3A_366 = vector.broadcast %parallel_loop3A_365 : f32 to vector<16xf32>
      %parallel_loop3A_367 = arith.mulf %parallel_loop3A_366, %parallel_loop3A_356 : vector<16xf32>
      %parallel_loop3A_368 = arith.mulf %parallel_loop3A_367, %parallel_loop3A_364 : vector<16xf32>
      %parallel_loop3A_369 = arith.mulf %parallel_loop3A_368, %parallel_loop3A_364 : vector<16xf32>
      %parallel_loop3A_370 = arith.constant 1.500000e+00 : f32
      %parallel_loop3A_371 = vector.broadcast %parallel_loop3A_370 : f32 to vector<16xf32>
      %parallel_loop3A_372 = arith.subf %parallel_loop3A_371, %parallel_loop3A_369 : vector<16xf32>
      %parallel_loop3A_373 = arith.mulf %parallel_loop3A_364, %parallel_loop3A_372 : vector<16xf32>
      %parallel_loop3A_374 = arith.mulf %parallel_loop3A_205, %parallel_loop3A_373 : vector<16xf32>
      %parallel_loop3A_375 = arith.index_cast %parallel_loop3A_201 : i32 to index
      %parallel_loop3A_376 = arith.constant 0 : index
      %parallel_loop3A_377 = tpu.vector_load %arg4[%parallel_loop3A_375, %parallel_loop3A_376] {strides = array<i32>} : memref<128x256xf32, #tpu.memory_space<vmem>>, vector<1x16xf32>,
      %parallel_loop3A_378 = vector.shape_cast %parallel_loop3A_377 : vector<1x16xf32> to vector<16xf32>
      %parallel_loop3A_379 = vector.shape_cast %parallel_loop3A_374 : vector<16xf32> to vector<1x16xf32>
      tpu.vector_store %arg4[%parallel_loop3A_375, %parallel_loop3A_376], %parallel_loop3A_379 {strides = array<i32>} : memref<128x256xf32, #tpu.memory_space<vmem>>, vector<1x16xf32>,
      %parallel_loop3A_380 = arith.mulf %parallel_loop3A_209, %parallel_loop3A_373 : vector<16xf32>
      %parallel_loop3A_381 = arith.index_cast %parallel_loop3A_201 : i32 to index
      %parallel_loop3A_382 = arith.constant 16 : index
      %parallel_loop3A_383 = tpu.vector_load %arg4[%parallel_loop3A_381, %parallel_loop3A_382] {strides = array<i32>} : memref<128x256xf32, #tpu.memory_space<vmem>>, vector<1x16xf32>,
      %parallel_loop3A_384 = vector.shape_cast %parallel_loop3A_383 : vector<1x16xf32> to vector<16xf32>
      %parallel_loop3A_385 = vector.shape_cast %parallel_loop3A_380 : vector<16xf32> to vector<1x16xf32>
      tpu.vector_store %arg4[%parallel_loop3A_381, %parallel_loop3A_382], %parallel_loop3A_385 {strides = array<i32>} : memref<128x256xf32, #tpu.memory_space<vmem>>, vector<1x16xf32>,
      %parallel_loop3A_386 = arith.mulf %parallel_loop3A_213, %parallel_loop3A_373 : vector<16xf32>
      %parallel_loop3A_387 = arith.index_cast %parallel_loop3A_201 : i32 to index
      %parallel_loop3A_388 = arith.constant 32 : index
      %parallel_loop3A_389 = tpu.vector_load %arg4[%parallel_loop3A_387, %parallel_loop3A_388] {strides = array<i32>} : memref<128x256xf32, #tpu.memory_space<vmem>>, vector<1x16xf32>,
      %parallel_loop3A_390 = vector.shape_cast %parallel_loop3A_389 : vector<1x16xf32> to vector<16xf32>
      %parallel_loop3A_391 = vector.shape_cast %parallel_loop3A_386 : vector<16xf32> to vector<1x16xf32>
      tpu.vector_store %arg4[%parallel_loop3A_387, %parallel_loop3A_388], %parallel_loop3A_391 {strides = array<i32>} : memref<128x256xf32, #tpu.memory_space<vmem>>, vector<1x16xf32>,
      %parallel_loop3A_392 = arith.mulf %parallel_loop3A_217, %parallel_loop3A_373 : vector<16xf32>
      %parallel_loop3A_393 = arith.index_cast %parallel_loop3A_201 : i32 to index
      %parallel_loop3A_394 = arith.constant 48 : index
      %parallel_loop3A_395 = tpu.vector_load %arg4[%parallel_loop3A_393, %parallel_loop3A_394] {strides = array<i32>} : memref<128x256xf32, #tpu.memory_space<vmem>>, vector<1x16xf32>,
      %parallel_loop3A_396 = vector.shape_cast %parallel_loop3A_395 : vector<1x16xf32> to vector<16xf32>
      %parallel_loop3A_397 = vector.shape_cast %parallel_loop3A_392 : vector<16xf32> to vector<1x16xf32>
      tpu.vector_store %arg4[%parallel_loop3A_393, %parallel_loop3A_394], %parallel_loop3A_397 {strides = array<i32>} : memref<128x256xf32, #tpu.memory_space<vmem>>, vector<1x16xf32>,
      %parallel_loop3A_398 = arith.mulf %parallel_loop3A_221, %parallel_loop3A_373 : vector<16xf32>
      %parallel_loop3A_399 = arith.index_cast %parallel_loop3A_201 : i32 to index
      %parallel_loop3A_400 = arith.constant 64 : index
      %parallel_loop3A_401 = tpu.vector_load %arg4[%parallel_loop3A_399, %parallel_loop3A_400] {strides = array<i32>} : memref<128x256xf32, #tpu.memory_space<vmem>>, vector<1x16xf32>,
      %parallel_loop3A_402 = vector.shape_cast %parallel_loop3A_401 : vector<1x16xf32> to vector<16xf32>
      %parallel_loop3A_403 = vector.shape_cast %parallel_loop3A_398 : vector<16xf32> to vector<1x16xf32>
      tpu.vector_store %arg4[%parallel_loop3A_399, %parallel_loop3A_400], %parallel_loop3A_403 {strides = array<i32>} : memref<128x256xf32, #tpu.memory_space<vmem>>, vector<1x16xf32>,
      %parallel_loop3A_404 = arith.mulf %parallel_loop3A_225, %parallel_loop3A_373 : vector<16xf32>
      %parallel_loop3A_405 = arith.index_cast %parallel_loop3A_201 : i32 to index
      %parallel_loop3A_406 = arith.constant 80 : index
      %parallel_loop3A_407 = tpu.vector_load %arg4[%parallel_loop3A_405, %parallel_loop3A_406] {strides = array<i32>} : memref<128x256xf32, #tpu.memory_space<vmem>>, vector<1x16xf32>,
      %parallel_loop3A_408 = vector.shape_cast %parallel_loop3A_407 : vector<1x16xf32> to vector<16xf32>
      %parallel_loop3A_409 = vector.shape_cast %parallel_loop3A_404 : vector<16xf32> to vector<1x16xf32>
      tpu.vector_store %arg4[%parallel_loop3A_405, %parallel_loop3A_406], %parallel_loop3A_409 {strides = array<i32>} : memref<128x256xf32, #tpu.memory_space<vmem>>, vector<1x16xf32>,
      %parallel_loop3A_410 = arith.mulf %parallel_loop3A_229, %parallel_loop3A_373 : vector<16xf32>
      %parallel_loop3A_411 = arith.index_cast %parallel_loop3A_201 : i32 to index
      %parallel_loop3A_412 = arith.constant 96 : index
      %parallel_loop3A_413 = tpu.vector_load %arg4[%parallel_loop3A_411, %parallel_loop3A_412] {strides = array<i32>} : memref<128x256xf32, #tpu.memory_space<vmem>>, vector<1x16xf32>,
      %parallel_loop3A_414 = vector.shape_cast %parallel_loop3A_413 : vector<1x16xf32> to vector<16xf32>
      %parallel_loop3A_415 = vector.shape_cast %parallel_loop3A_410 : vector<16xf32> to vector<1x16xf32>
      tpu.vector_store %arg4[%parallel_loop3A_411, %parallel_loop3A_412], %parallel_loop3A_415 {strides = array<i32>} : memref<128x256xf32, #tpu.memory_space<vmem>>, vector<1x16xf32>,
      %parallel_loop3A_416 = arith.mulf %parallel_loop3A_233, %parallel_loop3A_373 : vector<16xf32>
      %parallel_loop3A_417 = arith.index_cast %parallel_loop3A_201 : i32 to index
      %parallel_loop3A_418 = arith.constant 112 : index
      %parallel_loop3A_419 = tpu.vector_load %arg4[%parallel_loop3A_417, %parallel_loop3A_418] {strides = array<i32>} : memref<128x256xf32, #tpu.memory_space<vmem>>, vector<1x16xf32>,
      %parallel_loop3A_420 = vector.shape_cast %parallel_loop3A_419 : vector<1x16xf32> to vector<16xf32>
      %parallel_loop3A_421 = vector.shape_cast %parallel_loop3A_416 : vector<16xf32> to vector<1x16xf32>
      tpu.vector_store %arg4[%parallel_loop3A_417, %parallel_loop3A_418], %parallel_loop3A_421 {strides = array<i32>} : memref<128x256xf32, #tpu.memory_space<vmem>>, vector<1x16xf32>,
      %parallel_loop3A_422 = arith.mulf %parallel_loop3A_237, %parallel_loop3A_373 : vector<16xf32>
      %parallel_loop3A_423 = arith.index_cast %parallel_loop3A_201 : i32 to index
      %parallel_loop3A_424 = arith.constant 128 : index
      %parallel_loop3A_425 = tpu.vector_load %arg4[%parallel_loop3A_423, %parallel_loop3A_424] {strides = array<i32>} : memref<128x256xf32, #tpu.memory_space<vmem>>, vector<1x16xf32>,
      %parallel_loop3A_426 = vector.shape_cast %parallel_loop3A_425 : vector<1x16xf32> to vector<16xf32>
      %parallel_loop3A_427 = vector.shape_cast %parallel_loop3A_422 : vector<16xf32> to vector<1x16xf32>
      tpu.vector_store %arg4[%parallel_loop3A_423, %parallel_loop3A_424], %parallel_loop3A_427 {strides = array<i32>} : memref<128x256xf32, #tpu.memory_space<vmem>>, vector<1x16xf32>,
      %parallel_loop3A_428 = arith.mulf %parallel_loop3A_241, %parallel_loop3A_373 : vector<16xf32>
      %parallel_loop3A_429 = arith.index_cast %parallel_loop3A_201 : i32 to index
      %parallel_loop3A_430 = arith.constant 144 : index
      %parallel_loop3A_431 = tpu.vector_load %arg4[%parallel_loop3A_429, %parallel_loop3A_430] {strides = array<i32>} : memref<128x256xf32, #tpu.memory_space<vmem>>, vector<1x16xf32>,
      %parallel_loop3A_432 = vector.shape_cast %parallel_loop3A_431 : vector<1x16xf32> to vector<16xf32>
      %parallel_loop3A_433 = vector.shape_cast %parallel_loop3A_428 : vector<16xf32> to vector<1x16xf32>
      tpu.vector_store %arg4[%parallel_loop3A_429, %parallel_loop3A_430], %parallel_loop3A_433 {strides = array<i32>} : memref<128x256xf32, #tpu.memory_space<vmem>>, vector<1x16xf32>,
      %parallel_loop3A_434 = arith.mulf %parallel_loop3A_245, %parallel_loop3A_373 : vector<16xf32>
      %parallel_loop3A_435 = arith.index_cast %parallel_loop3A_201 : i32 to index
      %parallel_loop3A_436 = arith.constant 160 : index
      %parallel_loop3A_437 = tpu.vector_load %arg4[%parallel_loop3A_435, %parallel_loop3A_436] {strides = array<i32>} : memref<128x256xf32, #tpu.memory_space<vmem>>, vector<1x16xf32>,
      %parallel_loop3A_438 = vector.shape_cast %parallel_loop3A_437 : vector<1x16xf32> to vector<16xf32>
      %parallel_loop3A_439 = vector.shape_cast %parallel_loop3A_434 : vector<16xf32> to vector<1x16xf32>
      tpu.vector_store %arg4[%parallel_loop3A_435, %parallel_loop3A_436], %parallel_loop3A_439 {strides = array<i32>} : memref<128x256xf32, #tpu.memory_space<vmem>>, vector<1x16xf32>,
      %parallel_loop3A_440 = arith.mulf %parallel_loop3A_249, %parallel_loop3A_373 : vector<16xf32>
      %parallel_loop3A_441 = arith.index_cast %parallel_loop3A_201 : i32 to index
      %parallel_loop3A_442 = arith.constant 176 : index
      %parallel_loop3A_443 = tpu.vector_load %arg4[%parallel_loop3A_441, %parallel_loop3A_442] {strides = array<i32>} : memref<128x256xf32, #tpu.memory_space<vmem>>, vector<1x16xf32>,
      %parallel_loop3A_444 = vector.shape_cast %parallel_loop3A_443 : vector<1x16xf32> to vector<16xf32>
      %parallel_loop3A_445 = vector.shape_cast %parallel_loop3A_440 : vector<16xf32> to vector<1x16xf32>
      tpu.vector_store %arg4[%parallel_loop3A_441, %parallel_loop3A_442], %parallel_loop3A_445 {strides = array<i32>} : memref<128x256xf32, #tpu.memory_space<vmem>>, vector<1x16xf32>,
      %parallel_loop3A_446 = arith.mulf %parallel_loop3A_253, %parallel_loop3A_373 : vector<16xf32>
      %parallel_loop3A_447 = arith.index_cast %parallel_loop3A_201 : i32 to index
      %parallel_loop3A_448 = arith.constant 192 : index
      %parallel_loop3A_449 = tpu.vector_load %arg4[%parallel_loop3A_447, %parallel_loop3A_448] {strides = array<i32>} : memref<128x256xf32, #tpu.memory_space<vmem>>, vector<1x16xf32>,
      %parallel_loop3A_450 = vector.shape_cast %parallel_loop3A_449 : vector<1x16xf32> to vector<16xf32>
      %parallel_loop3A_451 = vector.shape_cast %parallel_loop3A_446 : vector<16xf32> to vector<1x16xf32>
      tpu.vector_store %arg4[%parallel_loop3A_447, %parallel_loop3A_448], %parallel_loop3A_451 {strides = array<i32>} : memref<128x256xf32, #tpu.memory_space<vmem>>, vector<1x16xf32>,
      %parallel_loop3A_452 = arith.mulf %parallel_loop3A_257, %parallel_loop3A_373 : vector<16xf32>
      %parallel_loop3A_453 = arith.index_cast %parallel_loop3A_201 : i32 to index
      %parallel_loop3A_454 = arith.constant 208 : index
      %parallel_loop3A_455 = tpu.vector_load %arg4[%parallel_loop3A_453, %parallel_loop3A_454] {strides = array<i32>} : memref<128x256xf32, #tpu.memory_space<vmem>>, vector<1x16xf32>,
      %parallel_loop3A_456 = vector.shape_cast %parallel_loop3A_455 : vector<1x16xf32> to vector<16xf32>
      %parallel_loop3A_457 = vector.shape_cast %parallel_loop3A_452 : vector<16xf32> to vector<1x16xf32>
      tpu.vector_store %arg4[%parallel_loop3A_453, %parallel_loop3A_454], %parallel_loop3A_457 {strides = array<i32>} : memref<128x256xf32, #tpu.memory_space<vmem>>, vector<1x16xf32>,
      %parallel_loop3A_458 = arith.mulf %parallel_loop3A_261, %parallel_loop3A_373 : vector<16xf32>
      %parallel_loop3A_459 = arith.index_cast %parallel_loop3A_201 : i32 to index
      %parallel_loop3A_460 = arith.constant 224 : index
      %parallel_loop3A_461 = tpu.vector_load %arg4[%parallel_loop3A_459, %parallel_loop3A_460] {strides = array<i32>} : memref<128x256xf32, #tpu.memory_space<vmem>>, vector<1x16xf32>,
      %parallel_loop3A_462 = vector.shape_cast %parallel_loop3A_461 : vector<1x16xf32> to vector<16xf32>
      %parallel_loop3A_463 = vector.shape_cast %parallel_loop3A_458 : vector<16xf32> to vector<1x16xf32>
      tpu.vector_store %arg4[%parallel_loop3A_459, %parallel_loop3A_460], %parallel_loop3A_463 {strides = array<i32>} : memref<128x256xf32, #tpu.memory_space<vmem>>, vector<1x16xf32>,
      %parallel_loop3A_464 = arith.mulf %parallel_loop3A_265, %parallel_loop3A_373 : vector<16xf32>
      %parallel_loop3A_465 = arith.index_cast %parallel_loop3A_201 : i32 to index
      %parallel_loop3A_466 = arith.constant 240 : index
      %parallel_loop3A_467 = tpu.vector_load %arg4[%parallel_loop3A_465, %parallel_loop3A_466] {strides = array<i32>} : memref<128x256xf32, #tpu.memory_space<vmem>>, vector<1x16xf32>,
      %parallel_loop3A_468 = vector.shape_cast %parallel_loop3A_467 : vector<1x16xf32> to vector<16xf32>
      %parallel_loop3A_469 = vector.shape_cast %parallel_loop3A_464 : vector<16xf32> to vector<1x16xf32>
      tpu.vector_store %arg4[%parallel_loop3A_465, %parallel_loop3A_466], %parallel_loop3A_469 {strides = array<i32>} : memref<128x256xf32, #tpu.memory_space<vmem>>, vector<1x16xf32>,
    } {sc.loop_unroll_factor = 2 : i64, sc.parallel_access}
    %mul3A_25 = arith.constant 896 : i32
    %mul3A_26 = arith.muli %add3A, %mul3A_25 : i32
    %add3A_27 = arith.constant 0 : i32
    %add3A_28 = arith.addi %mul3A_26, %add3A_27 : i32
    %dma_start3A_29 = arith.constant 0 : i32
    %dma_start3A_30 = tpu.memref_slice %arg3[%add3A_28, %dma_start3A_29] : memref<28672x256xf32, #tpu.memory_space<hbm>> -> memref<128x256xf32, #tpu.memory_space<hbm>>
    %dma_start3A_31 = arith.constant 0 : i32
    %dma_start3A_32 = tpu.memref_slice %arg3[%add3A_28, %dma_start3A_31] : memref<28672x256xf32, #tpu.memory_space<hbm>> -> memref<128x256xf32, #tpu.memory_space<hbm>>
    tpu.enqueue_dma source(%arg4 : memref<128x256xf32, #tpu.memory_space<vmem>>) target(%dma_start3A_32 : memref<128x256xf32, #tpu.memory_space<hbm>>) target_semaphore(%arg8 : memref<!tpu.dma_semaphore, #tpu.memory_space<semaphore_mem>>)
    %dma_wait3A_33 = arith.constant 0 : i32
    %dma_wait3A_34 = tpu.memref_slice %arg2[%add3A_18, %dma_wait3A_33] : memref<81920x256xf32, #tpu.memory_space<hbm>> -> memref<128x256xf32, #tpu.memory_space<hbm>>
    %dma_wait3A_35 = arith.constant 0 : i32
    %dma_wait3A_36 = tpu.memref_slice %arg2[%add3A_18, %dma_wait3A_35] : memref<81920x256xf32, #tpu.memory_space<hbm>> -> memref<128x256xf32, #tpu.memory_space<hbm>>
    tpu.wait_dma2 semaphore(%arg7 : memref<!tpu.dma_semaphore, #tpu.memory_space<semaphore_mem>>) src(%dma_wait3A_36 : memref<128x256xf32, #tpu.memory_space<hbm>>) dst(%arg5 : memref<128x256xf32, #tpu.memory_space<vmem>>)
    %dma_wait3A_37 = arith.constant 0 : i32
    %dma_wait3A_38 = tpu.memref_slice %arg3[%add3A_28, %dma_wait3A_37] : memref<28672x256xf32, #tpu.memory_space<hbm>> -> memref<128x256xf32, #tpu.memory_space<hbm>>
    %dma_wait3A_39 = arith.constant 0 : i32
    %dma_wait3A_40 = tpu.memref_slice %arg3[%add3A_28, %dma_wait3A_39] : memref<28672x256xf32, #tpu.memory_space<hbm>> -> memref<128x256xf32, #tpu.memory_space<hbm>>
    tpu.wait_dma2 semaphore(%arg8 : memref<!tpu.dma_semaphore, #tpu.memory_space<semaphore_mem>>) src(%arg4 : memref<128x256xf32, #tpu.memory_space<vmem>>) dst(%dma_wait3A_40 : memref<128x256xf32, #tpu.memory_space<hbm>>)
    %mul3A_41 = arith.constant 896 : i32
    %mul3A_42 = arith.muli %add3A, %mul3A_41 : i32
    %add3A_43 = arith.constant 53248 : i32
    %add3A_44 = arith.addi %add3A_43, %mul3A_42 : i32
    %add3A_45 = arith.constant 256 : i32
    %add3A_46 = arith.addi %add3A_44, %add3A_45 : i32
    %dma_start3A_47 = arith.constant 0 : i32
    %dma_start3A_48 = tpu.memref_slice %arg2[%add3A_46, %dma_start3A_47] : memref<81920x256xf32, #tpu.memory_space<hbm>> -> memref<128x256xf32, #tpu.memory_space<hbm>>
    %dma_start3A_49 = arith.constant 0 : i32
    %dma_start3A_50 = tpu.memref_slice %arg2[%add3A_46, %dma_start3A_49] : memref<81920x256xf32, #tpu.memory_space<hbm>> -> memref<128x256xf32, #tpu.memory_space<hbm>>
    tpu.enqueue_dma source(%dma_start3A_50 : memref<128x256xf32, #tpu.memory_space<hbm>>) target(%arg4 : memref<128x256xf32, #tpu.memory_space<vmem>>) target_semaphore(%arg6 : memref<!tpu.dma_semaphore, #tpu.memory_space<semaphore_mem>>)
    %parallel_loop3A_51 = arith.constant 0 : i32
    %parallel_loop3A_52 = arith.constant 128 : i32
    %parallel_loop3A_53 = arith.constant 1 : i32
    scf.for %parallel_loop3A_201 = %parallel_loop3A_51 to %parallel_loop3A_52 step %parallel_loop3A_53  : i32 {
      %parallel_loop3A_202 = arith.index_cast %parallel_loop3A_201 : i32 to index
      %parallel_loop3A_203 = arith.constant 0 : index
      %parallel_loop3A_204 = tpu.vector_load %arg5[%parallel_loop3A_202, %parallel_loop3A_203] {strides = array<i32>} : memref<128x256xf32, #tpu.memory_space<vmem>>, vector<1x16xf32>,
      %parallel_loop3A_205 = vector.shape_cast %parallel_loop3A_204 : vector<1x16xf32> to vector<16xf32>
      %parallel_loop3A_206 = arith.index_cast %parallel_loop3A_201 : i32 to index
      %parallel_loop3A_207 = arith.constant 16 : index
      %parallel_loop3A_208 = tpu.vector_load %arg5[%parallel_loop3A_206, %parallel_loop3A_207] {strides = array<i32>} : memref<128x256xf32, #tpu.memory_space<vmem>>, vector<1x16xf32>,
      %parallel_loop3A_209 = vector.shape_cast %parallel_loop3A_208 : vector<1x16xf32> to vector<16xf32>
      %parallel_loop3A_210 = arith.index_cast %parallel_loop3A_201 : i32 to index
      %parallel_loop3A_211 = arith.constant 32 : index
      %parallel_loop3A_212 = tpu.vector_load %arg5[%parallel_loop3A_210, %parallel_loop3A_211] {strides = array<i32>} : memref<128x256xf32, #tpu.memory_space<vmem>>, vector<1x16xf32>,
      %parallel_loop3A_213 = vector.shape_cast %parallel_loop3A_212 : vector<1x16xf32> to vector<16xf32>
      %parallel_loop3A_214 = arith.index_cast %parallel_loop3A_201 : i32 to index
      %parallel_loop3A_215 = arith.constant 48 : index
      %parallel_loop3A_216 = tpu.vector_load %arg5[%parallel_loop3A_214, %parallel_loop3A_215] {strides = array<i32>} : memref<128x256xf32, #tpu.memory_space<vmem>>, vector<1x16xf32>,
      %parallel_loop3A_217 = vector.shape_cast %parallel_loop3A_216 : vector<1x16xf32> to vector<16xf32>
      %parallel_loop3A_218 = arith.index_cast %parallel_loop3A_201 : i32 to index
      %parallel_loop3A_219 = arith.constant 64 : index
      %parallel_loop3A_220 = tpu.vector_load %arg5[%parallel_loop3A_218, %parallel_loop3A_219] {strides = array<i32>} : memref<128x256xf32, #tpu.memory_space<vmem>>, vector<1x16xf32>,
      %parallel_loop3A_221 = vector.shape_cast %parallel_loop3A_220 : vector<1x16xf32> to vector<16xf32>
      %parallel_loop3A_222 = arith.index_cast %parallel_loop3A_201 : i32 to index
      %parallel_loop3A_223 = arith.constant 80 : index
      %parallel_loop3A_224 = tpu.vector_load %arg5[%parallel_loop3A_222, %parallel_loop3A_223] {strides = array<i32>} : memref<128x256xf32, #tpu.memory_space<vmem>>, vector<1x16xf32>,
      %parallel_loop3A_225 = vector.shape_cast %parallel_loop3A_224 : vector<1x16xf32> to vector<16xf32>
      %parallel_loop3A_226 = arith.index_cast %parallel_loop3A_201 : i32 to index
      %parallel_loop3A_227 = arith.constant 96 : index
      %parallel_loop3A_228 = tpu.vector_load %arg5[%parallel_loop3A_226, %parallel_loop3A_227] {strides = array<i32>} : memref<128x256xf32, #tpu.memory_space<vmem>>, vector<1x16xf32>,
      %parallel_loop3A_229 = vector.shape_cast %parallel_loop3A_228 : vector<1x16xf32> to vector<16xf32>
      %parallel_loop3A_230 = arith.index_cast %parallel_loop3A_201 : i32 to index
      %parallel_loop3A_231 = arith.constant 112 : index
      %parallel_loop3A_232 = tpu.vector_load %arg5[%parallel_loop3A_230, %parallel_loop3A_231] {strides = array<i32>} : memref<128x256xf32, #tpu.memory_space<vmem>>, vector<1x16xf32>,
      %parallel_loop3A_233 = vector.shape_cast %parallel_loop3A_232 : vector<1x16xf32> to vector<16xf32>
      %parallel_loop3A_234 = arith.index_cast %parallel_loop3A_201 : i32 to index
      %parallel_loop3A_235 = arith.constant 128 : index
      %parallel_loop3A_236 = tpu.vector_load %arg5[%parallel_loop3A_234, %parallel_loop3A_235] {strides = array<i32>} : memref<128x256xf32, #tpu.memory_space<vmem>>, vector<1x16xf32>,
      %parallel_loop3A_237 = vector.shape_cast %parallel_loop3A_236 : vector<1x16xf32> to vector<16xf32>
      %parallel_loop3A_238 = arith.index_cast %parallel_loop3A_201 : i32 to index
      %parallel_loop3A_239 = arith.constant 144 : index
      %parallel_loop3A_240 = tpu.vector_load %arg5[%parallel_loop3A_238, %parallel_loop3A_239] {strides = array<i32>} : memref<128x256xf32, #tpu.memory_space<vmem>>, vector<1x16xf32>,
      %parallel_loop3A_241 = vector.shape_cast %parallel_loop3A_240 : vector<1x16xf32> to vector<16xf32>
      %parallel_loop3A_242 = arith.index_cast %parallel_loop3A_201 : i32 to index
      %parallel_loop3A_243 = arith.constant 160 : index
      %parallel_loop3A_244 = tpu.vector_load %arg5[%parallel_loop3A_242, %parallel_loop3A_243] {strides = array<i32>} : memref<128x256xf32, #tpu.memory_space<vmem>>, vector<1x16xf32>,
      %parallel_loop3A_245 = vector.shape_cast %parallel_loop3A_244 : vector<1x16xf32> to vector<16xf32>
      %parallel_loop3A_246 = arith.index_cast %parallel_loop3A_201 : i32 to index
      %parallel_loop3A_247 = arith.constant 176 : index
      %parallel_loop3A_248 = tpu.vector_load %arg5[%parallel_loop3A_246, %parallel_loop3A_247] {strides = array<i32>} : memref<128x256xf32, #tpu.memory_space<vmem>>, vector<1x16xf32>,
      %parallel_loop3A_249 = vector.shape_cast %parallel_loop3A_248 : vector<1x16xf32> to vector<16xf32>
      %parallel_loop3A_250 = arith.index_cast %parallel_loop3A_201 : i32 to index
      %parallel_loop3A_251 = arith.constant 192 : index
      %parallel_loop3A_252 = tpu.vector_load %arg5[%parallel_loop3A_250, %parallel_loop3A_251] {strides = array<i32>} : memref<128x256xf32, #tpu.memory_space<vmem>>, vector<1x16xf32>,
      %parallel_loop3A_253 = vector.shape_cast %parallel_loop3A_252 : vector<1x16xf32> to vector<16xf32>
      %parallel_loop3A_254 = arith.index_cast %parallel_loop3A_201 : i32 to index
      %parallel_loop3A_255 = arith.constant 208 : index
      %parallel_loop3A_256 = tpu.vector_load %arg5[%parallel_loop3A_254, %parallel_loop3A_255] {strides = array<i32>} : memref<128x256xf32, #tpu.memory_space<vmem>>, vector<1x16xf32>,
      %parallel_loop3A_257 = vector.shape_cast %parallel_loop3A_256 : vector<1x16xf32> to vector<16xf32>
      %parallel_loop3A_258 = arith.index_cast %parallel_loop3A_201 : i32 to index
      %parallel_loop3A_259 = arith.constant 224 : index
      %parallel_loop3A_260 = tpu.vector_load %arg5[%parallel_loop3A_258, %parallel_loop3A_259] {strides = array<i32>} : memref<128x256xf32, #tpu.memory_space<vmem>>, vector<1x16xf32>,
      %parallel_loop3A_261 = vector.shape_cast %parallel_loop3A_260 : vector<1x16xf32> to vector<16xf32>
      %parallel_loop3A_262 = arith.index_cast %parallel_loop3A_201 : i32 to index
      %parallel_loop3A_263 = arith.constant 240 : index
      %parallel_loop3A_264 = tpu.vector_load %arg5[%parallel_loop3A_262, %parallel_loop3A_263] {strides = array<i32>} : memref<128x256xf32, #tpu.memory_space<vmem>>, vector<1x16xf32>,
      %parallel_loop3A_265 = vector.shape_cast %parallel_loop3A_264 : vector<1x16xf32> to vector<16xf32>
      %parallel_loop3A_266 = arith.mulf %parallel_loop3A_205, %parallel_loop3A_205 : vector<16xf32>
      %parallel_loop3A_267 = arith.mulf %parallel_loop3A_209, %parallel_loop3A_209 : vector<16xf32>
      %parallel_loop3A_268 = arith.mulf %parallel_loop3A_213, %parallel_loop3A_213 : vector<16xf32>
      %parallel_loop3A_269 = arith.mulf %parallel_loop3A_217, %parallel_loop3A_217 : vector<16xf32>
      %parallel_loop3A_270 = arith.mulf %parallel_loop3A_221, %parallel_loop3A_221 : vector<16xf32>
      %parallel_loop3A_271 = arith.mulf %parallel_loop3A_225, %parallel_loop3A_225 : vector<16xf32>
      %parallel_loop3A_272 = arith.mulf %parallel_loop3A_229, %parallel_loop3A_229 : vector<16xf32>
      %parallel_loop3A_273 = arith.mulf %parallel_loop3A_233, %parallel_loop3A_233 : vector<16xf32>
      %parallel_loop3A_274 = arith.mulf %parallel_loop3A_237, %parallel_loop3A_237 : vector<16xf32>
      %parallel_loop3A_275 = arith.mulf %parallel_loop3A_241, %parallel_loop3A_241 : vector<16xf32>
      %parallel_loop3A_276 = arith.mulf %parallel_loop3A_245, %parallel_loop3A_245 : vector<16xf32>
      %parallel_loop3A_277 = arith.mulf %parallel_loop3A_249, %parallel_loop3A_249 : vector<16xf32>
      %parallel_loop3A_278 = arith.mulf %parallel_loop3A_253, %parallel_loop3A_253 : vector<16xf32>
      %parallel_loop3A_279 = arith.mulf %parallel_loop3A_257, %parallel_loop3A_257 : vector<16xf32>
      %parallel_loop3A_280 = arith.mulf %parallel_loop3A_261, %parallel_loop3A_261 : vector<16xf32>
      %parallel_loop3A_281 = arith.mulf %parallel_loop3A_265, %parallel_loop3A_265 : vector<16xf32>
      %parallel_loop3A_282 = arith.addf %parallel_loop3A_266, %parallel_loop3A_267 : vector<16xf32>
      %parallel_loop3A_283 = arith.addf %parallel_loop3A_268, %parallel_loop3A_269 : vector<16xf32>
      %parallel_loop3A_284 = arith.addf %parallel_loop3A_270, %parallel_loop3A_271 : vector<16xf32>
      %parallel_loop3A_285 = arith.addf %parallel_loop3A_272, %parallel_loop3A_273 : vector<16xf32>
      %parallel_loop3A_286 = arith.addf %parallel_loop3A_274, %parallel_loop3A_275 : vector<16xf32>
      %parallel_loop3A_287 = arith.addf %parallel_loop3A_276, %parallel_loop3A_277 : vector<16xf32>
      %parallel_loop3A_288 = arith.addf %parallel_loop3A_278, %parallel_loop3A_279 : vector<16xf32>
      %parallel_loop3A_289 = arith.addf %parallel_loop3A_280, %parallel_loop3A_281 : vector<16xf32>
      %parallel_loop3A_290 = arith.addf %parallel_loop3A_282, %parallel_loop3A_283 : vector<16xf32>
      %parallel_loop3A_291 = arith.addf %parallel_loop3A_284, %parallel_loop3A_285 : vector<16xf32>
      %parallel_loop3A_292 = arith.addf %parallel_loop3A_286, %parallel_loop3A_287 : vector<16xf32>
      %parallel_loop3A_293 = arith.addf %parallel_loop3A_288, %parallel_loop3A_289 : vector<16xf32>
      %parallel_loop3A_294 = arith.addf %parallel_loop3A_290, %parallel_loop3A_291 : vector<16xf32>
      %parallel_loop3A_295 = arith.addf %parallel_loop3A_292, %parallel_loop3A_293 : vector<16xf32>
      %parallel_loop3A_296 = arith.addf %parallel_loop3A_294, %parallel_loop3A_295 : vector<16xf32>
      %parallel_loop3A_297 = tpu.iota {dimensions = array<i32: 0>} : vector<16xi32>
      %parallel_loop3A_298 = arith.constant 1 : i32
      %parallel_loop3A_299 = vector.broadcast %parallel_loop3A_298 : i32 to vector<16xi32>
      %parallel_loop3A_300 = arith.xori %parallel_loop3A_297, %parallel_loop3A_299 : vector<16xi32>
      %parallel_loop3A_301 = arith.constant 0 : i32
      %parallel_loop3A_302 = vector.broadcast %parallel_loop3A_301 : i32 to vector<16xi32>
      %parallel_loop3A_303 = arith.cmpi slt, %parallel_loop3A_300, %parallel_loop3A_302 : vector<16xi32>
      %parallel_loop3A_304 = arith.constant 16 : i32
      %parallel_loop3A_305 = vector.broadcast %parallel_loop3A_304 : i32 to vector<16xi32>
      %parallel_loop3A_306 = arith.addi %parallel_loop3A_300, %parallel_loop3A_305 : vector<16xi32>
      %parallel_loop3A_307 = arith.select %parallel_loop3A_303, %parallel_loop3A_306, %parallel_loop3A_300 : vector<16xi1>, vector<16xi32>
      %parallel_loop3A_308 = vector.shape_cast %parallel_loop3A_307 : vector<16xi32> to vector<16x1xi32>
      %parallel_loop3A_309 = vector.shape_cast %parallel_loop3A_308 : vector<16x1xi32> to vector<16xi32>
      %parallel_loop3A_310 = tpu.dynamic_gather %parallel_loop3A_296[%parallel_loop3A_309] in [0] : vector<16xf32>, vector<16xi32> -> vector<16xf32>
      %parallel_loop3A_311 = arith.addf %parallel_loop3A_296, %parallel_loop3A_310 : vector<16xf32>
      %parallel_loop3A_312 = arith.constant 2 : i32
      %parallel_loop3A_313 = vector.broadcast %parallel_loop3A_312 : i32 to vector<16xi32>
      %parallel_loop3A_314 = arith.xori %parallel_loop3A_297, %parallel_loop3A_313 : vector<16xi32>
      %parallel_loop3A_315 = arith.constant 0 : i32
      %parallel_loop3A_316 = vector.broadcast %parallel_loop3A_315 : i32 to vector<16xi32>
      %parallel_loop3A_317 = arith.cmpi slt, %parallel_loop3A_314, %parallel_loop3A_316 : vector<16xi32>
      %parallel_loop3A_318 = arith.constant 16 : i32
      %parallel_loop3A_319 = vector.broadcast %parallel_loop3A_318 : i32 to vector<16xi32>
      %parallel_loop3A_320 = arith.addi %parallel_loop3A_314, %parallel_loop3A_319 : vector<16xi32>
      %parallel_loop3A_321 = arith.select %parallel_loop3A_317, %parallel_loop3A_320, %parallel_loop3A_314 : vector<16xi1>, vector<16xi32>
      %parallel_loop3A_322 = vector.shape_cast %parallel_loop3A_321 : vector<16xi32> to vector<16x1xi32>
      %parallel_loop3A_323 = vector.shape_cast %parallel_loop3A_322 : vector<16x1xi32> to vector<16xi32>
      %parallel_loop3A_324 = tpu.dynamic_gather %parallel_loop3A_311[%parallel_loop3A_323] in [0] : vector<16xf32>, vector<16xi32> -> vector<16xf32>
      %parallel_loop3A_325 = arith.addf %parallel_loop3A_311, %parallel_loop3A_324 : vector<16xf32>
      %parallel_loop3A_326 = arith.constant 4 : i32
      %parallel_loop3A_327 = vector.broadcast %parallel_loop3A_326 : i32 to vector<16xi32>
      %parallel_loop3A_328 = arith.xori %parallel_loop3A_297, %parallel_loop3A_327 : vector<16xi32>
      %parallel_loop3A_329 = arith.constant 0 : i32
      %parallel_loop3A_330 = vector.broadcast %parallel_loop3A_329 : i32 to vector<16xi32>
      %parallel_loop3A_331 = arith.cmpi slt, %parallel_loop3A_328, %parallel_loop3A_330 : vector<16xi32>
      %parallel_loop3A_332 = arith.constant 16 : i32
      %parallel_loop3A_333 = vector.broadcast %parallel_loop3A_332 : i32 to vector<16xi32>
      %parallel_loop3A_334 = arith.addi %parallel_loop3A_328, %parallel_loop3A_333 : vector<16xi32>
      %parallel_loop3A_335 = arith.select %parallel_loop3A_331, %parallel_loop3A_334, %parallel_loop3A_328 : vector<16xi1>, vector<16xi32>
      %parallel_loop3A_336 = vector.shape_cast %parallel_loop3A_335 : vector<16xi32> to vector<16x1xi32>
      %parallel_loop3A_337 = vector.shape_cast %parallel_loop3A_336 : vector<16x1xi32> to vector<16xi32>
      %parallel_loop3A_338 = tpu.dynamic_gather %parallel_loop3A_325[%parallel_loop3A_337] in [0] : vector<16xf32>, vector<16xi32> -> vector<16xf32>
      %parallel_loop3A_339 = arith.addf %parallel_loop3A_325, %parallel_loop3A_338 : vector<16xf32>
      %parallel_loop3A_340 = arith.constant 8 : i32
      %parallel_loop3A_341 = vector.broadcast %parallel_loop3A_340 : i32 to vector<16xi32>
      %parallel_loop3A_342 = arith.xori %parallel_loop3A_297, %parallel_loop3A_341 : vector<16xi32>
      %parallel_loop3A_343 = arith.constant 0 : i32
      %parallel_loop3A_344 = vector.broadcast %parallel_loop3A_343 : i32 to vector<16xi32>
      %parallel_loop3A_345 = arith.cmpi slt, %parallel_loop3A_342, %parallel_loop3A_344 : vector<16xi32>
      %parallel_loop3A_346 = arith.constant 16 : i32
      %parallel_loop3A_347 = vector.broadcast %parallel_loop3A_346 : i32 to vector<16xi32>
      %parallel_loop3A_348 = arith.addi %parallel_loop3A_342, %parallel_loop3A_347 : vector<16xi32>
      %parallel_loop3A_349 = arith.select %parallel_loop3A_345, %parallel_loop3A_348, %parallel_loop3A_342 : vector<16xi1>, vector<16xi32>
      %parallel_loop3A_350 = vector.shape_cast %parallel_loop3A_349 : vector<16xi32> to vector<16x1xi32>
      %parallel_loop3A_351 = vector.shape_cast %parallel_loop3A_350 : vector<16x1xi32> to vector<16xi32>
      %parallel_loop3A_352 = tpu.dynamic_gather %parallel_loop3A_339[%parallel_loop3A_351] in [0] : vector<16xf32>, vector<16xi32> -> vector<16xf32>
      %parallel_loop3A_353 = arith.addf %parallel_loop3A_339, %parallel_loop3A_352 : vector<16xf32>
      %parallel_loop3A_354 = arith.constant 1.000000e-24 : f32
      %parallel_loop3A_355 = vector.broadcast %parallel_loop3A_354 : f32 to vector<16xf32>
      %parallel_loop3A_356 = arith.maximumf %parallel_loop3A_353, %parallel_loop3A_355 : vector<16xf32>
      %parallel_loop3A_357 = tpu.bitcast %parallel_loop3A_356 : vector<16xf32> -> vector<16xi32>
      %parallel_loop3A_358 = arith.constant 1 : i32
      %parallel_loop3A_359 = vector.broadcast %parallel_loop3A_358 : i32 to vector<16xi32>
      %parallel_loop3A_360 = arith.shrsi %parallel_loop3A_357, %parallel_loop3A_359 : vector<16xi32>
      %parallel_loop3A_361 = arith.constant 1597463007 : i32
      %parallel_loop3A_362 = vector.broadcast %parallel_loop3A_361 : i32 to vector<16xi32>
      %parallel_loop3A_363 = arith.subi %parallel_loop3A_362, %parallel_loop3A_360 : vector<16xi32>
      %parallel_loop3A_364 = tpu.bitcast %parallel_loop3A_363 : vector<16xi32> -> vector<16xf32>
      %parallel_loop3A_365 = arith.constant 5.000000e-01 : f32
      %parallel_loop3A_366 = vector.broadcast %parallel_loop3A_365 : f32 to vector<16xf32>
      %parallel_loop3A_367 = arith.mulf %parallel_loop3A_366, %parallel_loop3A_356 : vector<16xf32>
      %parallel_loop3A_368 = arith.mulf %parallel_loop3A_367, %parallel_loop3A_364 : vector<16xf32>
      %parallel_loop3A_369 = arith.mulf %parallel_loop3A_368, %parallel_loop3A_364 : vector<16xf32>
      %parallel_loop3A_370 = arith.constant 1.500000e+00 : f32
      %parallel_loop3A_371 = vector.broadcast %parallel_loop3A_370 : f32 to vector<16xf32>
      %parallel_loop3A_372 = arith.subf %parallel_loop3A_371, %parallel_loop3A_369 : vector<16xf32>
      %parallel_loop3A_373 = arith.mulf %parallel_loop3A_364, %parallel_loop3A_372 : vector<16xf32>
      %parallel_loop3A_374 = arith.mulf %parallel_loop3A_205, %parallel_loop3A_373 : vector<16xf32>
      %parallel_loop3A_375 = arith.index_cast %parallel_loop3A_201 : i32 to index
      %parallel_loop3A_376 = arith.constant 0 : index
      %parallel_loop3A_377 = tpu.vector_load %arg5[%parallel_loop3A_375, %parallel_loop3A_376] {strides = array<i32>} : memref<128x256xf32, #tpu.memory_space<vmem>>, vector<1x16xf32>,
      %parallel_loop3A_378 = vector.shape_cast %parallel_loop3A_377 : vector<1x16xf32> to vector<16xf32>
      %parallel_loop3A_379 = vector.shape_cast %parallel_loop3A_374 : vector<16xf32> to vector<1x16xf32>
      tpu.vector_store %arg5[%parallel_loop3A_375, %parallel_loop3A_376], %parallel_loop3A_379 {strides = array<i32>} : memref<128x256xf32, #tpu.memory_space<vmem>>, vector<1x16xf32>,
      %parallel_loop3A_380 = arith.mulf %parallel_loop3A_209, %parallel_loop3A_373 : vector<16xf32>
      %parallel_loop3A_381 = arith.index_cast %parallel_loop3A_201 : i32 to index
      %parallel_loop3A_382 = arith.constant 16 : index
      %parallel_loop3A_383 = tpu.vector_load %arg5[%parallel_loop3A_381, %parallel_loop3A_382] {strides = array<i32>} : memref<128x256xf32, #tpu.memory_space<vmem>>, vector<1x16xf32>,
      %parallel_loop3A_384 = vector.shape_cast %parallel_loop3A_383 : vector<1x16xf32> to vector<16xf32>
      %parallel_loop3A_385 = vector.shape_cast %parallel_loop3A_380 : vector<16xf32> to vector<1x16xf32>
      tpu.vector_store %arg5[%parallel_loop3A_381, %parallel_loop3A_382], %parallel_loop3A_385 {strides = array<i32>} : memref<128x256xf32, #tpu.memory_space<vmem>>, vector<1x16xf32>,
      %parallel_loop3A_386 = arith.mulf %parallel_loop3A_213, %parallel_loop3A_373 : vector<16xf32>
      %parallel_loop3A_387 = arith.index_cast %parallel_loop3A_201 : i32 to index
      %parallel_loop3A_388 = arith.constant 32 : index
      %parallel_loop3A_389 = tpu.vector_load %arg5[%parallel_loop3A_387, %parallel_loop3A_388] {strides = array<i32>} : memref<128x256xf32, #tpu.memory_space<vmem>>, vector<1x16xf32>,
      %parallel_loop3A_390 = vector.shape_cast %parallel_loop3A_389 : vector<1x16xf32> to vector<16xf32>
      %parallel_loop3A_391 = vector.shape_cast %parallel_loop3A_386 : vector<16xf32> to vector<1x16xf32>
      tpu.vector_store %arg5[%parallel_loop3A_387, %parallel_loop3A_388], %parallel_loop3A_391 {strides = array<i32>} : memref<128x256xf32, #tpu.memory_space<vmem>>, vector<1x16xf32>,
      %parallel_loop3A_392 = arith.mulf %parallel_loop3A_217, %parallel_loop3A_373 : vector<16xf32>
      %parallel_loop3A_393 = arith.index_cast %parallel_loop3A_201 : i32 to index
      %parallel_loop3A_394 = arith.constant 48 : index
      %parallel_loop3A_395 = tpu.vector_load %arg5[%parallel_loop3A_393, %parallel_loop3A_394] {strides = array<i32>} : memref<128x256xf32, #tpu.memory_space<vmem>>, vector<1x16xf32>,
      %parallel_loop3A_396 = vector.shape_cast %parallel_loop3A_395 : vector<1x16xf32> to vector<16xf32>
      %parallel_loop3A_397 = vector.shape_cast %parallel_loop3A_392 : vector<16xf32> to vector<1x16xf32>
      tpu.vector_store %arg5[%parallel_loop3A_393, %parallel_loop3A_394], %parallel_loop3A_397 {strides = array<i32>} : memref<128x256xf32, #tpu.memory_space<vmem>>, vector<1x16xf32>,
      %parallel_loop3A_398 = arith.mulf %parallel_loop3A_221, %parallel_loop3A_373 : vector<16xf32>
      %parallel_loop3A_399 = arith.index_cast %parallel_loop3A_201 : i32 to index
      %parallel_loop3A_400 = arith.constant 64 : index
      %parallel_loop3A_401 = tpu.vector_load %arg5[%parallel_loop3A_399, %parallel_loop3A_400] {strides = array<i32>} : memref<128x256xf32, #tpu.memory_space<vmem>>, vector<1x16xf32>,
      %parallel_loop3A_402 = vector.shape_cast %parallel_loop3A_401 : vector<1x16xf32> to vector<16xf32>
      %parallel_loop3A_403 = vector.shape_cast %parallel_loop3A_398 : vector<16xf32> to vector<1x16xf32>
      tpu.vector_store %arg5[%parallel_loop3A_399, %parallel_loop3A_400], %parallel_loop3A_403 {strides = array<i32>} : memref<128x256xf32, #tpu.memory_space<vmem>>, vector<1x16xf32>,
      %parallel_loop3A_404 = arith.mulf %parallel_loop3A_225, %parallel_loop3A_373 : vector<16xf32>
      %parallel_loop3A_405 = arith.index_cast %parallel_loop3A_201 : i32 to index
      %parallel_loop3A_406 = arith.constant 80 : index
      %parallel_loop3A_407 = tpu.vector_load %arg5[%parallel_loop3A_405, %parallel_loop3A_406] {strides = array<i32>} : memref<128x256xf32, #tpu.memory_space<vmem>>, vector<1x16xf32>,
      %parallel_loop3A_408 = vector.shape_cast %parallel_loop3A_407 : vector<1x16xf32> to vector<16xf32>
      %parallel_loop3A_409 = vector.shape_cast %parallel_loop3A_404 : vector<16xf32> to vector<1x16xf32>
      tpu.vector_store %arg5[%parallel_loop3A_405, %parallel_loop3A_406], %parallel_loop3A_409 {strides = array<i32>} : memref<128x256xf32, #tpu.memory_space<vmem>>, vector<1x16xf32>,
      %parallel_loop3A_410 = arith.mulf %parallel_loop3A_229, %parallel_loop3A_373 : vector<16xf32>
      %parallel_loop3A_411 = arith.index_cast %parallel_loop3A_201 : i32 to index
      %parallel_loop3A_412 = arith.constant 96 : index
      %parallel_loop3A_413 = tpu.vector_load %arg5[%parallel_loop3A_411, %parallel_loop3A_412] {strides = array<i32>} : memref<128x256xf32, #tpu.memory_space<vmem>>, vector<1x16xf32>,
      %parallel_loop3A_414 = vector.shape_cast %parallel_loop3A_413 : vector<1x16xf32> to vector<16xf32>
      %parallel_loop3A_415 = vector.shape_cast %parallel_loop3A_410 : vector<16xf32> to vector<1x16xf32>
      tpu.vector_store %arg5[%parallel_loop3A_411, %parallel_loop3A_412], %parallel_loop3A_415 {strides = array<i32>} : memref<128x256xf32, #tpu.memory_space<vmem>>, vector<1x16xf32>,
      %parallel_loop3A_416 = arith.mulf %parallel_loop3A_233, %parallel_loop3A_373 : vector<16xf32>
      %parallel_loop3A_417 = arith.index_cast %parallel_loop3A_201 : i32 to index
      %parallel_loop3A_418 = arith.constant 112 : index
      %parallel_loop3A_419 = tpu.vector_load %arg5[%parallel_loop3A_417, %parallel_loop3A_418] {strides = array<i32>} : memref<128x256xf32, #tpu.memory_space<vmem>>, vector<1x16xf32>,
      %parallel_loop3A_420 = vector.shape_cast %parallel_loop3A_419 : vector<1x16xf32> to vector<16xf32>
      %parallel_loop3A_421 = vector.shape_cast %parallel_loop3A_416 : vector<16xf32> to vector<1x16xf32>
      tpu.vector_store %arg5[%parallel_loop3A_417, %parallel_loop3A_418], %parallel_loop3A_421 {strides = array<i32>} : memref<128x256xf32, #tpu.memory_space<vmem>>, vector<1x16xf32>,
      %parallel_loop3A_422 = arith.mulf %parallel_loop3A_237, %parallel_loop3A_373 : vector<16xf32>
      %parallel_loop3A_423 = arith.index_cast %parallel_loop3A_201 : i32 to index
      %parallel_loop3A_424 = arith.constant 128 : index
      %parallel_loop3A_425 = tpu.vector_load %arg5[%parallel_loop3A_423, %parallel_loop3A_424] {strides = array<i32>} : memref<128x256xf32, #tpu.memory_space<vmem>>, vector<1x16xf32>,
      %parallel_loop3A_426 = vector.shape_cast %parallel_loop3A_425 : vector<1x16xf32> to vector<16xf32>
      %parallel_loop3A_427 = vector.shape_cast %parallel_loop3A_422 : vector<16xf32> to vector<1x16xf32>
      tpu.vector_store %arg5[%parallel_loop3A_423, %parallel_loop3A_424], %parallel_loop3A_427 {strides = array<i32>} : memref<128x256xf32, #tpu.memory_space<vmem>>, vector<1x16xf32>,
      %parallel_loop3A_428 = arith.mulf %parallel_loop3A_241, %parallel_loop3A_373 : vector<16xf32>
      %parallel_loop3A_429 = arith.index_cast %parallel_loop3A_201 : i32 to index
      %parallel_loop3A_430 = arith.constant 144 : index
      %parallel_loop3A_431 = tpu.vector_load %arg5[%parallel_loop3A_429, %parallel_loop3A_430] {strides = array<i32>} : memref<128x256xf32, #tpu.memory_space<vmem>>, vector<1x16xf32>,
      %parallel_loop3A_432 = vector.shape_cast %parallel_loop3A_431 : vector<1x16xf32> to vector<16xf32>
      %parallel_loop3A_433 = vector.shape_cast %parallel_loop3A_428 : vector<16xf32> to vector<1x16xf32>
      tpu.vector_store %arg5[%parallel_loop3A_429, %parallel_loop3A_430], %parallel_loop3A_433 {strides = array<i32>} : memref<128x256xf32, #tpu.memory_space<vmem>>, vector<1x16xf32>,
      %parallel_loop3A_434 = arith.mulf %parallel_loop3A_245, %parallel_loop3A_373 : vector<16xf32>
      %parallel_loop3A_435 = arith.index_cast %parallel_loop3A_201 : i32 to index
      %parallel_loop3A_436 = arith.constant 160 : index
      %parallel_loop3A_437 = tpu.vector_load %arg5[%parallel_loop3A_435, %parallel_loop3A_436] {strides = array<i32>} : memref<128x256xf32, #tpu.memory_space<vmem>>, vector<1x16xf32>,
      %parallel_loop3A_438 = vector.shape_cast %parallel_loop3A_437 : vector<1x16xf32> to vector<16xf32>
      %parallel_loop3A_439 = vector.shape_cast %parallel_loop3A_434 : vector<16xf32> to vector<1x16xf32>
      tpu.vector_store %arg5[%parallel_loop3A_435, %parallel_loop3A_436], %parallel_loop3A_439 {strides = array<i32>} : memref<128x256xf32, #tpu.memory_space<vmem>>, vector<1x16xf32>,
      %parallel_loop3A_440 = arith.mulf %parallel_loop3A_249, %parallel_loop3A_373 : vector<16xf32>
      %parallel_loop3A_441 = arith.index_cast %parallel_loop3A_201 : i32 to index
      %parallel_loop3A_442 = arith.constant 176 : index
      %parallel_loop3A_443 = tpu.vector_load %arg5[%parallel_loop3A_441, %parallel_loop3A_442] {strides = array<i32>} : memref<128x256xf32, #tpu.memory_space<vmem>>, vector<1x16xf32>,
      %parallel_loop3A_444 = vector.shape_cast %parallel_loop3A_443 : vector<1x16xf32> to vector<16xf32>
      %parallel_loop3A_445 = vector.shape_cast %parallel_loop3A_440 : vector<16xf32> to vector<1x16xf32>
      tpu.vector_store %arg5[%parallel_loop3A_441, %parallel_loop3A_442], %parallel_loop3A_445 {strides = array<i32>} : memref<128x256xf32, #tpu.memory_space<vmem>>, vector<1x16xf32>,
      %parallel_loop3A_446 = arith.mulf %parallel_loop3A_253, %parallel_loop3A_373 : vector<16xf32>
      %parallel_loop3A_447 = arith.index_cast %parallel_loop3A_201 : i32 to index
      %parallel_loop3A_448 = arith.constant 192 : index
      %parallel_loop3A_449 = tpu.vector_load %arg5[%parallel_loop3A_447, %parallel_loop3A_448] {strides = array<i32>} : memref<128x256xf32, #tpu.memory_space<vmem>>, vector<1x16xf32>,
      %parallel_loop3A_450 = vector.shape_cast %parallel_loop3A_449 : vector<1x16xf32> to vector<16xf32>
      %parallel_loop3A_451 = vector.shape_cast %parallel_loop3A_446 : vector<16xf32> to vector<1x16xf32>
      tpu.vector_store %arg5[%parallel_loop3A_447, %parallel_loop3A_448], %parallel_loop3A_451 {strides = array<i32>} : memref<128x256xf32, #tpu.memory_space<vmem>>, vector<1x16xf32>,
      %parallel_loop3A_452 = arith.mulf %parallel_loop3A_257, %parallel_loop3A_373 : vector<16xf32>
      %parallel_loop3A_453 = arith.index_cast %parallel_loop3A_201 : i32 to index
      %parallel_loop3A_454 = arith.constant 208 : index
      %parallel_loop3A_455 = tpu.vector_load %arg5[%parallel_loop3A_453, %parallel_loop3A_454] {strides = array<i32>} : memref<128x256xf32, #tpu.memory_space<vmem>>, vector<1x16xf32>,
      %parallel_loop3A_456 = vector.shape_cast %parallel_loop3A_455 : vector<1x16xf32> to vector<16xf32>
      %parallel_loop3A_457 = vector.shape_cast %parallel_loop3A_452 : vector<16xf32> to vector<1x16xf32>
      tpu.vector_store %arg5[%parallel_loop3A_453, %parallel_loop3A_454], %parallel_loop3A_457 {strides = array<i32>} : memref<128x256xf32, #tpu.memory_space<vmem>>, vector<1x16xf32>,
      %parallel_loop3A_458 = arith.mulf %parallel_loop3A_261, %parallel_loop3A_373 : vector<16xf32>
      %parallel_loop3A_459 = arith.index_cast %parallel_loop3A_201 : i32 to index
      %parallel_loop3A_460 = arith.constant 224 : index
      %parallel_loop3A_461 = tpu.vector_load %arg5[%parallel_loop3A_459, %parallel_loop3A_460] {strides = array<i32>} : memref<128x256xf32, #tpu.memory_space<vmem>>, vector<1x16xf32>,
      %parallel_loop3A_462 = vector.shape_cast %parallel_loop3A_461 : vector<1x16xf32> to vector<16xf32>
      %parallel_loop3A_463 = vector.shape_cast %parallel_loop3A_458 : vector<16xf32> to vector<1x16xf32>
      tpu.vector_store %arg5[%parallel_loop3A_459, %parallel_loop3A_460], %parallel_loop3A_463 {strides = array<i32>} : memref<128x256xf32, #tpu.memory_space<vmem>>, vector<1x16xf32>,
      %parallel_loop3A_464 = arith.mulf %parallel_loop3A_265, %parallel_loop3A_373 : vector<16xf32>
      %parallel_loop3A_465 = arith.index_cast %parallel_loop3A_201 : i32 to index
      %parallel_loop3A_466 = arith.constant 240 : index
      %parallel_loop3A_467 = tpu.vector_load %arg5[%parallel_loop3A_465, %parallel_loop3A_466] {strides = array<i32>} : memref<128x256xf32, #tpu.memory_space<vmem>>, vector<1x16xf32>,
      %parallel_loop3A_468 = vector.shape_cast %parallel_loop3A_467 : vector<1x16xf32> to vector<16xf32>
      %parallel_loop3A_469 = vector.shape_cast %parallel_loop3A_464 : vector<16xf32> to vector<1x16xf32>
      tpu.vector_store %arg5[%parallel_loop3A_465, %parallel_loop3A_466], %parallel_loop3A_469 {strides = array<i32>} : memref<128x256xf32, #tpu.memory_space<vmem>>, vector<1x16xf32>,
    } {sc.loop_unroll_factor = 2 : i64, sc.parallel_access}
    %mul3A_54 = arith.constant 896 : i32
    %mul3A_55 = arith.muli %add3A, %mul3A_54 : i32
    %add3A_56 = arith.constant 128 : i32
    %add3A_57 = arith.addi %mul3A_55, %add3A_56 : i32
    %dma_start3A_58 = arith.constant 0 : i32
    %dma_start3A_59 = tpu.memref_slice %arg3[%add3A_57, %dma_start3A_58] : memref<28672x256xf32, #tpu.memory_space<hbm>> -> memref<128x256xf32, #tpu.memory_space<hbm>>
    %dma_start3A_60 = arith.constant 0 : i32
    %dma_start3A_61 = tpu.memref_slice %arg3[%add3A_57, %dma_start3A_60] : memref<28672x256xf32, #tpu.memory_space<hbm>> -> memref<128x256xf32, #tpu.memory_space<hbm>>
    tpu.enqueue_dma source(%arg5 : memref<128x256xf32, #tpu.memory_space<vmem>>) target(%dma_start3A_61 : memref<128x256xf32, #tpu.memory_space<hbm>>) target_semaphore(%arg9 : memref<!tpu.dma_semaphore, #tpu.memory_space<semaphore_mem>>)
    %dma_wait3A_62 = arith.constant 0 : i32
    %dma_wait3A_63 = tpu.memref_slice %arg2[%add3A_46, %dma_wait3A_62] : memref<81920x256xf32, #tpu.memory_space<hbm>> -> memref<128x256xf32, #tpu.memory_space<hbm>>
    %dma_wait3A_64 = arith.constant 0 : i32
    %dma_wait3A_65 = tpu.memref_slice %arg2[%add3A_46, %dma_wait3A_64] : memref<81920x256xf32, #tpu.memory_space<hbm>> -> memref<128x256xf32, #tpu.memory_space<hbm>>
    tpu.wait_dma2 semaphore(%arg6 : memref<!tpu.dma_semaphore, #tpu.memory_space<semaphore_mem>>) src(%dma_wait3A_65 : memref<128x256xf32, #tpu.memory_space<hbm>>) dst(%arg4 : memref<128x256xf32, #tpu.memory_space<vmem>>)
    %dma_wait3A_66 = arith.constant 0 : i32
    %dma_wait3A_67 = tpu.memref_slice %arg3[%add3A_57, %dma_wait3A_66] : memref<28672x256xf32, #tpu.memory_space<hbm>> -> memref<128x256xf32, #tpu.memory_space<hbm>>
    %dma_wait3A_68 = arith.constant 0 : i32
    %dma_wait3A_69 = tpu.memref_slice %arg3[%add3A_57, %dma_wait3A_68] : memref<28672x256xf32, #tpu.memory_space<hbm>> -> memref<128x256xf32, #tpu.memory_space<hbm>>
    tpu.wait_dma2 semaphore(%arg9 : memref<!tpu.dma_semaphore, #tpu.memory_space<semaphore_mem>>) src(%arg5 : memref<128x256xf32, #tpu.memory_space<vmem>>) dst(%dma_wait3A_69 : memref<128x256xf32, #tpu.memory_space<hbm>>)
    %mul3A_70 = arith.constant 896 : i32
    %mul3A_71 = arith.muli %add3A, %mul3A_70 : i32
    %add3A_72 = arith.constant 53248 : i32
    %add3A_73 = arith.addi %add3A_72, %mul3A_71 : i32
    %add3A_74 = arith.constant 384 : i32
    %add3A_75 = arith.addi %add3A_73, %add3A_74 : i32
    %dma_start3A_76 = arith.constant 0 : i32
    %dma_start3A_77 = tpu.memref_slice %arg2[%add3A_75, %dma_start3A_76] : memref<81920x256xf32, #tpu.memory_space<hbm>> -> memref<128x256xf32, #tpu.memory_space<hbm>>
    %dma_start3A_78 = arith.constant 0 : i32
    %dma_start3A_79 = tpu.memref_slice %arg2[%add3A_75, %dma_start3A_78] : memref<81920x256xf32, #tpu.memory_space<hbm>> -> memref<128x256xf32, #tpu.memory_space<hbm>>
    tpu.enqueue_dma source(%dma_start3A_79 : memref<128x256xf32, #tpu.memory_space<hbm>>) target(%arg5 : memref<128x256xf32, #tpu.memory_space<vmem>>) target_semaphore(%arg7 : memref<!tpu.dma_semaphore, #tpu.memory_space<semaphore_mem>>)
    %parallel_loop3A_80 = arith.constant 0 : i32
    %parallel_loop3A_81 = arith.constant 128 : i32
    %parallel_loop3A_82 = arith.constant 1 : i32
    scf.for %parallel_loop3A_201 = %parallel_loop3A_80 to %parallel_loop3A_81 step %parallel_loop3A_82  : i32 {
      %parallel_loop3A_202 = arith.index_cast %parallel_loop3A_201 : i32 to index
      %parallel_loop3A_203 = arith.constant 0 : index
      %parallel_loop3A_204 = tpu.vector_load %arg4[%parallel_loop3A_202, %parallel_loop3A_203] {strides = array<i32>} : memref<128x256xf32, #tpu.memory_space<vmem>>, vector<1x16xf32>,
      %parallel_loop3A_205 = vector.shape_cast %parallel_loop3A_204 : vector<1x16xf32> to vector<16xf32>
      %parallel_loop3A_206 = arith.index_cast %parallel_loop3A_201 : i32 to index
      %parallel_loop3A_207 = arith.constant 16 : index
      %parallel_loop3A_208 = tpu.vector_load %arg4[%parallel_loop3A_206, %parallel_loop3A_207] {strides = array<i32>} : memref<128x256xf32, #tpu.memory_space<vmem>>, vector<1x16xf32>,
      %parallel_loop3A_209 = vector.shape_cast %parallel_loop3A_208 : vector<1x16xf32> to vector<16xf32>
      %parallel_loop3A_210 = arith.index_cast %parallel_loop3A_201 : i32 to index
      %parallel_loop3A_211 = arith.constant 32 : index
      %parallel_loop3A_212 = tpu.vector_load %arg4[%parallel_loop3A_210, %parallel_loop3A_211] {strides = array<i32>} : memref<128x256xf32, #tpu.memory_space<vmem>>, vector<1x16xf32>,
      %parallel_loop3A_213 = vector.shape_cast %parallel_loop3A_212 : vector<1x16xf32> to vector<16xf32>
      %parallel_loop3A_214 = arith.index_cast %parallel_loop3A_201 : i32 to index
      %parallel_loop3A_215 = arith.constant 48 : index
      %parallel_loop3A_216 = tpu.vector_load %arg4[%parallel_loop3A_214, %parallel_loop3A_215] {strides = array<i32>} : memref<128x256xf32, #tpu.memory_space<vmem>>, vector<1x16xf32>,
      %parallel_loop3A_217 = vector.shape_cast %parallel_loop3A_216 : vector<1x16xf32> to vector<16xf32>
      %parallel_loop3A_218 = arith.index_cast %parallel_loop3A_201 : i32 to index
      %parallel_loop3A_219 = arith.constant 64 : index
      %parallel_loop3A_220 = tpu.vector_load %arg4[%parallel_loop3A_218, %parallel_loop3A_219] {strides = array<i32>} : memref<128x256xf32, #tpu.memory_space<vmem>>, vector<1x16xf32>,
      %parallel_loop3A_221 = vector.shape_cast %parallel_loop3A_220 : vector<1x16xf32> to vector<16xf32>
      %parallel_loop3A_222 = arith.index_cast %parallel_loop3A_201 : i32 to index
      %parallel_loop3A_223 = arith.constant 80 : index
      %parallel_loop3A_224 = tpu.vector_load %arg4[%parallel_loop3A_222, %parallel_loop3A_223] {strides = array<i32>} : memref<128x256xf32, #tpu.memory_space<vmem>>, vector<1x16xf32>,
      %parallel_loop3A_225 = vector.shape_cast %parallel_loop3A_224 : vector<1x16xf32> to vector<16xf32>
      %parallel_loop3A_226 = arith.index_cast %parallel_loop3A_201 : i32 to index
      %parallel_loop3A_227 = arith.constant 96 : index
      %parallel_loop3A_228 = tpu.vector_load %arg4[%parallel_loop3A_226, %parallel_loop3A_227] {strides = array<i32>} : memref<128x256xf32, #tpu.memory_space<vmem>>, vector<1x16xf32>,
      %parallel_loop3A_229 = vector.shape_cast %parallel_loop3A_228 : vector<1x16xf32> to vector<16xf32>
      %parallel_loop3A_230 = arith.index_cast %parallel_loop3A_201 : i32 to index
      %parallel_loop3A_231 = arith.constant 112 : index
      %parallel_loop3A_232 = tpu.vector_load %arg4[%parallel_loop3A_230, %parallel_loop3A_231] {strides = array<i32>} : memref<128x256xf32, #tpu.memory_space<vmem>>, vector<1x16xf32>,
      %parallel_loop3A_233 = vector.shape_cast %parallel_loop3A_232 : vector<1x16xf32> to vector<16xf32>
      %parallel_loop3A_234 = arith.index_cast %parallel_loop3A_201 : i32 to index
      %parallel_loop3A_235 = arith.constant 128 : index
      %parallel_loop3A_236 = tpu.vector_load %arg4[%parallel_loop3A_234, %parallel_loop3A_235] {strides = array<i32>} : memref<128x256xf32, #tpu.memory_space<vmem>>, vector<1x16xf32>,
      %parallel_loop3A_237 = vector.shape_cast %parallel_loop3A_236 : vector<1x16xf32> to vector<16xf32>
      %parallel_loop3A_238 = arith.index_cast %parallel_loop3A_201 : i32 to index
      %parallel_loop3A_239 = arith.constant 144 : index
      %parallel_loop3A_240 = tpu.vector_load %arg4[%parallel_loop3A_238, %parallel_loop3A_239] {strides = array<i32>} : memref<128x256xf32, #tpu.memory_space<vmem>>, vector<1x16xf32>,
      %parallel_loop3A_241 = vector.shape_cast %parallel_loop3A_240 : vector<1x16xf32> to vector<16xf32>
      %parallel_loop3A_242 = arith.index_cast %parallel_loop3A_201 : i32 to index
      %parallel_loop3A_243 = arith.constant 160 : index
      %parallel_loop3A_244 = tpu.vector_load %arg4[%parallel_loop3A_242, %parallel_loop3A_243] {strides = array<i32>} : memref<128x256xf32, #tpu.memory_space<vmem>>, vector<1x16xf32>,
      %parallel_loop3A_245 = vector.shape_cast %parallel_loop3A_244 : vector<1x16xf32> to vector<16xf32>
      %parallel_loop3A_246 = arith.index_cast %parallel_loop3A_201 : i32 to index
      %parallel_loop3A_247 = arith.constant 176 : index
      %parallel_loop3A_248 = tpu.vector_load %arg4[%parallel_loop3A_246, %parallel_loop3A_247] {strides = array<i32>} : memref<128x256xf32, #tpu.memory_space<vmem>>, vector<1x16xf32>,
      %parallel_loop3A_249 = vector.shape_cast %parallel_loop3A_248 : vector<1x16xf32> to vector<16xf32>
      %parallel_loop3A_250 = arith.index_cast %parallel_loop3A_201 : i32 to index
      %parallel_loop3A_251 = arith.constant 192 : index
      %parallel_loop3A_252 = tpu.vector_load %arg4[%parallel_loop3A_250, %parallel_loop3A_251] {strides = array<i32>} : memref<128x256xf32, #tpu.memory_space<vmem>>, vector<1x16xf32>,
      %parallel_loop3A_253 = vector.shape_cast %parallel_loop3A_252 : vector<1x16xf32> to vector<16xf32>
      %parallel_loop3A_254 = arith.index_cast %parallel_loop3A_201 : i32 to index
      %parallel_loop3A_255 = arith.constant 208 : index
      %parallel_loop3A_256 = tpu.vector_load %arg4[%parallel_loop3A_254, %parallel_loop3A_255] {strides = array<i32>} : memref<128x256xf32, #tpu.memory_space<vmem>>, vector<1x16xf32>,
      %parallel_loop3A_257 = vector.shape_cast %parallel_loop3A_256 : vector<1x16xf32> to vector<16xf32>
      %parallel_loop3A_258 = arith.index_cast %parallel_loop3A_201 : i32 to index
      %parallel_loop3A_259 = arith.constant 224 : index
      %parallel_loop3A_260 = tpu.vector_load %arg4[%parallel_loop3A_258, %parallel_loop3A_259] {strides = array<i32>} : memref<128x256xf32, #tpu.memory_space<vmem>>, vector<1x16xf32>,
      %parallel_loop3A_261 = vector.shape_cast %parallel_loop3A_260 : vector<1x16xf32> to vector<16xf32>
      %parallel_loop3A_262 = arith.index_cast %parallel_loop3A_201 : i32 to index
      %parallel_loop3A_263 = arith.constant 240 : index
      %parallel_loop3A_264 = tpu.vector_load %arg4[%parallel_loop3A_262, %parallel_loop3A_263] {strides = array<i32>} : memref<128x256xf32, #tpu.memory_space<vmem>>, vector<1x16xf32>,
      %parallel_loop3A_265 = vector.shape_cast %parallel_loop3A_264 : vector<1x16xf32> to vector<16xf32>
      %parallel_loop3A_266 = arith.mulf %parallel_loop3A_205, %parallel_loop3A_205 : vector<16xf32>
      %parallel_loop3A_267 = arith.mulf %parallel_loop3A_209, %parallel_loop3A_209 : vector<16xf32>
      %parallel_loop3A_268 = arith.mulf %parallel_loop3A_213, %parallel_loop3A_213 : vector<16xf32>
      %parallel_loop3A_269 = arith.mulf %parallel_loop3A_217, %parallel_loop3A_217 : vector<16xf32>
      %parallel_loop3A_270 = arith.mulf %parallel_loop3A_221, %parallel_loop3A_221 : vector<16xf32>
      %parallel_loop3A_271 = arith.mulf %parallel_loop3A_225, %parallel_loop3A_225 : vector<16xf32>
      %parallel_loop3A_272 = arith.mulf %parallel_loop3A_229, %parallel_loop3A_229 : vector<16xf32>
      %parallel_loop3A_273 = arith.mulf %parallel_loop3A_233, %parallel_loop3A_233 : vector<16xf32>
      %parallel_loop3A_274 = arith.mulf %parallel_loop3A_237, %parallel_loop3A_237 : vector<16xf32>
      %parallel_loop3A_275 = arith.mulf %parallel_loop3A_241, %parallel_loop3A_241 : vector<16xf32>
      %parallel_loop3A_276 = arith.mulf %parallel_loop3A_245, %parallel_loop3A_245 : vector<16xf32>
      %parallel_loop3A_277 = arith.mulf %parallel_loop3A_249, %parallel_loop3A_249 : vector<16xf32>
      %parallel_loop3A_278 = arith.mulf %parallel_loop3A_253, %parallel_loop3A_253 : vector<16xf32>
      %parallel_loop3A_279 = arith.mulf %parallel_loop3A_257, %parallel_loop3A_257 : vector<16xf32>
      %parallel_loop3A_280 = arith.mulf %parallel_loop3A_261, %parallel_loop3A_261 : vector<16xf32>
      %parallel_loop3A_281 = arith.mulf %parallel_loop3A_265, %parallel_loop3A_265 : vector<16xf32>
      %parallel_loop3A_282 = arith.addf %parallel_loop3A_266, %parallel_loop3A_267 : vector<16xf32>
      %parallel_loop3A_283 = arith.addf %parallel_loop3A_268, %parallel_loop3A_269 : vector<16xf32>
      %parallel_loop3A_284 = arith.addf %parallel_loop3A_270, %parallel_loop3A_271 : vector<16xf32>
      %parallel_loop3A_285 = arith.addf %parallel_loop3A_272, %parallel_loop3A_273 : vector<16xf32>
      %parallel_loop3A_286 = arith.addf %parallel_loop3A_274, %parallel_loop3A_275 : vector<16xf32>
      %parallel_loop3A_287 = arith.addf %parallel_loop3A_276, %parallel_loop3A_277 : vector<16xf32>
      %parallel_loop3A_288 = arith.addf %parallel_loop3A_278, %parallel_loop3A_279 : vector<16xf32>
      %parallel_loop3A_289 = arith.addf %parallel_loop3A_280, %parallel_loop3A_281 : vector<16xf32>
      %parallel_loop3A_290 = arith.addf %parallel_loop3A_282, %parallel_loop3A_283 : vector<16xf32>
      %parallel_loop3A_291 = arith.addf %parallel_loop3A_284, %parallel_loop3A_285 : vector<16xf32>
      %parallel_loop3A_292 = arith.addf %parallel_loop3A_286, %parallel_loop3A_287 : vector<16xf32>
      %parallel_loop3A_293 = arith.addf %parallel_loop3A_288, %parallel_loop3A_289 : vector<16xf32>
      %parallel_loop3A_294 = arith.addf %parallel_loop3A_290, %parallel_loop3A_291 : vector<16xf32>
      %parallel_loop3A_295 = arith.addf %parallel_loop3A_292, %parallel_loop3A_293 : vector<16xf32>
      %parallel_loop3A_296 = arith.addf %parallel_loop3A_294, %parallel_loop3A_295 : vector<16xf32>
      %parallel_loop3A_297 = tpu.iota {dimensions = array<i32: 0>} : vector<16xi32>
      %parallel_loop3A_298 = arith.constant 1 : i32
      %parallel_loop3A_299 = vector.broadcast %parallel_loop3A_298 : i32 to vector<16xi32>
      %parallel_loop3A_300 = arith.xori %parallel_loop3A_297, %parallel_loop3A_299 : vector<16xi32>
      %parallel_loop3A_301 = arith.constant 0 : i32
      %parallel_loop3A_302 = vector.broadcast %parallel_loop3A_301 : i32 to vector<16xi32>
      %parallel_loop3A_303 = arith.cmpi slt, %parallel_loop3A_300, %parallel_loop3A_302 : vector<16xi32>
      %parallel_loop3A_304 = arith.constant 16 : i32
      %parallel_loop3A_305 = vector.broadcast %parallel_loop3A_304 : i32 to vector<16xi32>
      %parallel_loop3A_306 = arith.addi %parallel_loop3A_300, %parallel_loop3A_305 : vector<16xi32>
      %parallel_loop3A_307 = arith.select %parallel_loop3A_303, %parallel_loop3A_306, %parallel_loop3A_300 : vector<16xi1>, vector<16xi32>
      %parallel_loop3A_308 = vector.shape_cast %parallel_loop3A_307 : vector<16xi32> to vector<16x1xi32>
      %parallel_loop3A_309 = vector.shape_cast %parallel_loop3A_308 : vector<16x1xi32> to vector<16xi32>
      %parallel_loop3A_310 = tpu.dynamic_gather %parallel_loop3A_296[%parallel_loop3A_309] in [0] : vector<16xf32>, vector<16xi32> -> vector<16xf32>
      %parallel_loop3A_311 = arith.addf %parallel_loop3A_296, %parallel_loop3A_310 : vector<16xf32>
      %parallel_loop3A_312 = arith.constant 2 : i32
      %parallel_loop3A_313 = vector.broadcast %parallel_loop3A_312 : i32 to vector<16xi32>
      %parallel_loop3A_314 = arith.xori %parallel_loop3A_297, %parallel_loop3A_313 : vector<16xi32>
      %parallel_loop3A_315 = arith.constant 0 : i32
      %parallel_loop3A_316 = vector.broadcast %parallel_loop3A_315 : i32 to vector<16xi32>
      %parallel_loop3A_317 = arith.cmpi slt, %parallel_loop3A_314, %parallel_loop3A_316 : vector<16xi32>
      %parallel_loop3A_318 = arith.constant 16 : i32
      %parallel_loop3A_319 = vector.broadcast %parallel_loop3A_318 : i32 to vector<16xi32>
      %parallel_loop3A_320 = arith.addi %parallel_loop3A_314, %parallel_loop3A_319 : vector<16xi32>
      %parallel_loop3A_321 = arith.select %parallel_loop3A_317, %parallel_loop3A_320, %parallel_loop3A_314 : vector<16xi1>, vector<16xi32>
      %parallel_loop3A_322 = vector.shape_cast %parallel_loop3A_321 : vector<16xi32> to vector<16x1xi32>
      %parallel_loop3A_323 = vector.shape_cast %parallel_loop3A_322 : vector<16x1xi32> to vector<16xi32>
      %parallel_loop3A_324 = tpu.dynamic_gather %parallel_loop3A_311[%parallel_loop3A_323] in [0] : vector<16xf32>, vector<16xi32> -> vector<16xf32>
      %parallel_loop3A_325 = arith.addf %parallel_loop3A_311, %parallel_loop3A_324 : vector<16xf32>
      %parallel_loop3A_326 = arith.constant 4 : i32
      %parallel_loop3A_327 = vector.broadcast %parallel_loop3A_326 : i32 to vector<16xi32>
      %parallel_loop3A_328 = arith.xori %parallel_loop3A_297, %parallel_loop3A_327 : vector<16xi32>
      %parallel_loop3A_329 = arith.constant 0 : i32
      %parallel_loop3A_330 = vector.broadcast %parallel_loop3A_329 : i32 to vector<16xi32>
      %parallel_loop3A_331 = arith.cmpi slt, %parallel_loop3A_328, %parallel_loop3A_330 : vector<16xi32>
      %parallel_loop3A_332 = arith.constant 16 : i32
      %parallel_loop3A_333 = vector.broadcast %parallel_loop3A_332 : i32 to vector<16xi32>
      %parallel_loop3A_334 = arith.addi %parallel_loop3A_328, %parallel_loop3A_333 : vector<16xi32>
      %parallel_loop3A_335 = arith.select %parallel_loop3A_331, %parallel_loop3A_334, %parallel_loop3A_328 : vector<16xi1>, vector<16xi32>
      %parallel_loop3A_336 = vector.shape_cast %parallel_loop3A_335 : vector<16xi32> to vector<16x1xi32>
      %parallel_loop3A_337 = vector.shape_cast %parallel_loop3A_336 : vector<16x1xi32> to vector<16xi32>
      %parallel_loop3A_338 = tpu.dynamic_gather %parallel_loop3A_325[%parallel_loop3A_337] in [0] : vector<16xf32>, vector<16xi32> -> vector<16xf32>
      %parallel_loop3A_339 = arith.addf %parallel_loop3A_325, %parallel_loop3A_338 : vector<16xf32>
      %parallel_loop3A_340 = arith.constant 8 : i32
      %parallel_loop3A_341 = vector.broadcast %parallel_loop3A_340 : i32 to vector<16xi32>
      %parallel_loop3A_342 = arith.xori %parallel_loop3A_297, %parallel_loop3A_341 : vector<16xi32>
      %parallel_loop3A_343 = arith.constant 0 : i32
      %parallel_loop3A_344 = vector.broadcast %parallel_loop3A_343 : i32 to vector<16xi32>
      %parallel_loop3A_345 = arith.cmpi slt, %parallel_loop3A_342, %parallel_loop3A_344 : vector<16xi32>
      %parallel_loop3A_346 = arith.constant 16 : i32
      %parallel_loop3A_347 = vector.broadcast %parallel_loop3A_346 : i32 to vector<16xi32>
      %parallel_loop3A_348 = arith.addi %parallel_loop3A_342, %parallel_loop3A_347 : vector<16xi32>
      %parallel_loop3A_349 = arith.select %parallel_loop3A_345, %parallel_loop3A_348, %parallel_loop3A_342 : vector<16xi1>, vector<16xi32>
      %parallel_loop3A_350 = vector.shape_cast %parallel_loop3A_349 : vector<16xi32> to vector<16x1xi32>
      %parallel_loop3A_351 = vector.shape_cast %parallel_loop3A_350 : vector<16x1xi32> to vector<16xi32>
      %parallel_loop3A_352 = tpu.dynamic_gather %parallel_loop3A_339[%parallel_loop3A_351] in [0] : vector<16xf32>, vector<16xi32> -> vector<16xf32>
      %parallel_loop3A_353 = arith.addf %parallel_loop3A_339, %parallel_loop3A_352 : vector<16xf32>
      %parallel_loop3A_354 = arith.constant 1.000000e-24 : f32
      %parallel_loop3A_355 = vector.broadcast %parallel_loop3A_354 : f32 to vector<16xf32>
      %parallel_loop3A_356 = arith.maximumf %parallel_loop3A_353, %parallel_loop3A_355 : vector<16xf32>
      %parallel_loop3A_357 = tpu.bitcast %parallel_loop3A_356 : vector<16xf32> -> vector<16xi32>
      %parallel_loop3A_358 = arith.constant 1 : i32
      %parallel_loop3A_359 = vector.broadcast %parallel_loop3A_358 : i32 to vector<16xi32>
      %parallel_loop3A_360 = arith.shrsi %parallel_loop3A_357, %parallel_loop3A_359 : vector<16xi32>
      %parallel_loop3A_361 = arith.constant 1597463007 : i32
      %parallel_loop3A_362 = vector.broadcast %parallel_loop3A_361 : i32 to vector<16xi32>
      %parallel_loop3A_363 = arith.subi %parallel_loop3A_362, %parallel_loop3A_360 : vector<16xi32>
      %parallel_loop3A_364 = tpu.bitcast %parallel_loop3A_363 : vector<16xi32> -> vector<16xf32>
      %parallel_loop3A_365 = arith.constant 5.000000e-01 : f32
      %parallel_loop3A_366 = vector.broadcast %parallel_loop3A_365 : f32 to vector<16xf32>
      %parallel_loop3A_367 = arith.mulf %parallel_loop3A_366, %parallel_loop3A_356 : vector<16xf32>
      %parallel_loop3A_368 = arith.mulf %parallel_loop3A_367, %parallel_loop3A_364 : vector<16xf32>
      %parallel_loop3A_369 = arith.mulf %parallel_loop3A_368, %parallel_loop3A_364 : vector<16xf32>
      %parallel_loop3A_370 = arith.constant 1.500000e+00 : f32
      %parallel_loop3A_371 = vector.broadcast %parallel_loop3A_370 : f32 to vector<16xf32>
      %parallel_loop3A_372 = arith.subf %parallel_loop3A_371, %parallel_loop3A_369 : vector<16xf32>
      %parallel_loop3A_373 = arith.mulf %parallel_loop3A_364, %parallel_loop3A_372 : vector<16xf32>
      %parallel_loop3A_374 = arith.mulf %parallel_loop3A_205, %parallel_loop3A_373 : vector<16xf32>
      %parallel_loop3A_375 = arith.index_cast %parallel_loop3A_201 : i32 to index
      %parallel_loop3A_376 = arith.constant 0 : index
      %parallel_loop3A_377 = tpu.vector_load %arg4[%parallel_loop3A_375, %parallel_loop3A_376] {strides = array<i32>} : memref<128x256xf32, #tpu.memory_space<vmem>>, vector<1x16xf32>,
      %parallel_loop3A_378 = vector.shape_cast %parallel_loop3A_377 : vector<1x16xf32> to vector<16xf32>
      %parallel_loop3A_379 = vector.shape_cast %parallel_loop3A_374 : vector<16xf32> to vector<1x16xf32>
      tpu.vector_store %arg4[%parallel_loop3A_375, %parallel_loop3A_376], %parallel_loop3A_379 {strides = array<i32>} : memref<128x256xf32, #tpu.memory_space<vmem>>, vector<1x16xf32>,
      %parallel_loop3A_380 = arith.mulf %parallel_loop3A_209, %parallel_loop3A_373 : vector<16xf32>
      %parallel_loop3A_381 = arith.index_cast %parallel_loop3A_201 : i32 to index
      %parallel_loop3A_382 = arith.constant 16 : index
      %parallel_loop3A_383 = tpu.vector_load %arg4[%parallel_loop3A_381, %parallel_loop3A_382] {strides = array<i32>} : memref<128x256xf32, #tpu.memory_space<vmem>>, vector<1x16xf32>,
      %parallel_loop3A_384 = vector.shape_cast %parallel_loop3A_383 : vector<1x16xf32> to vector<16xf32>
      %parallel_loop3A_385 = vector.shape_cast %parallel_loop3A_380 : vector<16xf32> to vector<1x16xf32>
      tpu.vector_store %arg4[%parallel_loop3A_381, %parallel_loop3A_382], %parallel_loop3A_385 {strides = array<i32>} : memref<128x256xf32, #tpu.memory_space<vmem>>, vector<1x16xf32>,
      %parallel_loop3A_386 = arith.mulf %parallel_loop3A_213, %parallel_loop3A_373 : vector<16xf32>
      %parallel_loop3A_387 = arith.index_cast %parallel_loop3A_201 : i32 to index
      %parallel_loop3A_388 = arith.constant 32 : index
      %parallel_loop3A_389 = tpu.vector_load %arg4[%parallel_loop3A_387, %parallel_loop3A_388] {strides = array<i32>} : memref<128x256xf32, #tpu.memory_space<vmem>>, vector<1x16xf32>,
      %parallel_loop3A_390 = vector.shape_cast %parallel_loop3A_389 : vector<1x16xf32> to vector<16xf32>
      %parallel_loop3A_391 = vector.shape_cast %parallel_loop3A_386 : vector<16xf32> to vector<1x16xf32>
      tpu.vector_store %arg4[%parallel_loop3A_387, %parallel_loop3A_388], %parallel_loop3A_391 {strides = array<i32>} : memref<128x256xf32, #tpu.memory_space<vmem>>, vector<1x16xf32>,
      %parallel_loop3A_392 = arith.mulf %parallel_loop3A_217, %parallel_loop3A_373 : vector<16xf32>
      %parallel_loop3A_393 = arith.index_cast %parallel_loop3A_201 : i32 to index
      %parallel_loop3A_394 = arith.constant 48 : index
      %parallel_loop3A_395 = tpu.vector_load %arg4[%parallel_loop3A_393, %parallel_loop3A_394] {strides = array<i32>} : memref<128x256xf32, #tpu.memory_space<vmem>>, vector<1x16xf32>,
      %parallel_loop3A_396 = vector.shape_cast %parallel_loop3A_395 : vector<1x16xf32> to vector<16xf32>
      %parallel_loop3A_397 = vector.shape_cast %parallel_loop3A_392 : vector<16xf32> to vector<1x16xf32>
      tpu.vector_store %arg4[%parallel_loop3A_393, %parallel_loop3A_394], %parallel_loop3A_397 {strides = array<i32>} : memref<128x256xf32, #tpu.memory_space<vmem>>, vector<1x16xf32>,
      %parallel_loop3A_398 = arith.mulf %parallel_loop3A_221, %parallel_loop3A_373 : vector<16xf32>
      %parallel_loop3A_399 = arith.index_cast %parallel_loop3A_201 : i32 to index
      %parallel_loop3A_400 = arith.constant 64 : index
      %parallel_loop3A_401 = tpu.vector_load %arg4[%parallel_loop3A_399, %parallel_loop3A_400] {strides = array<i32>} : memref<128x256xf32, #tpu.memory_space<vmem>>, vector<1x16xf32>,
      %parallel_loop3A_402 = vector.shape_cast %parallel_loop3A_401 : vector<1x16xf32> to vector<16xf32>
      %parallel_loop3A_403 = vector.shape_cast %parallel_loop3A_398 : vector<16xf32> to vector<1x16xf32>
      tpu.vector_store %arg4[%parallel_loop3A_399, %parallel_loop3A_400], %parallel_loop3A_403 {strides = array<i32>} : memref<128x256xf32, #tpu.memory_space<vmem>>, vector<1x16xf32>,
      %parallel_loop3A_404 = arith.mulf %parallel_loop3A_225, %parallel_loop3A_373 : vector<16xf32>
      %parallel_loop3A_405 = arith.index_cast %parallel_loop3A_201 : i32 to index
      %parallel_loop3A_406 = arith.constant 80 : index
      %parallel_loop3A_407 = tpu.vector_load %arg4[%parallel_loop3A_405, %parallel_loop3A_406] {strides = array<i32>} : memref<128x256xf32, #tpu.memory_space<vmem>>, vector<1x16xf32>,
      %parallel_loop3A_408 = vector.shape_cast %parallel_loop3A_407 : vector<1x16xf32> to vector<16xf32>
      %parallel_loop3A_409 = vector.shape_cast %parallel_loop3A_404 : vector<16xf32> to vector<1x16xf32>
      tpu.vector_store %arg4[%parallel_loop3A_405, %parallel_loop3A_406], %parallel_loop3A_409 {strides = array<i32>} : memref<128x256xf32, #tpu.memory_space<vmem>>, vector<1x16xf32>,
      %parallel_loop3A_410 = arith.mulf %parallel_loop3A_229, %parallel_loop3A_373 : vector<16xf32>
      %parallel_loop3A_411 = arith.index_cast %parallel_loop3A_201 : i32 to index
      %parallel_loop3A_412 = arith.constant 96 : index
      %parallel_loop3A_413 = tpu.vector_load %arg4[%parallel_loop3A_411, %parallel_loop3A_412] {strides = array<i32>} : memref<128x256xf32, #tpu.memory_space<vmem>>, vector<1x16xf32>,
      %parallel_loop3A_414 = vector.shape_cast %parallel_loop3A_413 : vector<1x16xf32> to vector<16xf32>
      %parallel_loop3A_415 = vector.shape_cast %parallel_loop3A_410 : vector<16xf32> to vector<1x16xf32>
      tpu.vector_store %arg4[%parallel_loop3A_411, %parallel_loop3A_412], %parallel_loop3A_415 {strides = array<i32>} : memref<128x256xf32, #tpu.memory_space<vmem>>, vector<1x16xf32>,
      %parallel_loop3A_416 = arith.mulf %parallel_loop3A_233, %parallel_loop3A_373 : vector<16xf32>
      %parallel_loop3A_417 = arith.index_cast %parallel_loop3A_201 : i32 to index
      %parallel_loop3A_418 = arith.constant 112 : index
      %parallel_loop3A_419 = tpu.vector_load %arg4[%parallel_loop3A_417, %parallel_loop3A_418] {strides = array<i32>} : memref<128x256xf32, #tpu.memory_space<vmem>>, vector<1x16xf32>,
      %parallel_loop3A_420 = vector.shape_cast %parallel_loop3A_419 : vector<1x16xf32> to vector<16xf32>
      %parallel_loop3A_421 = vector.shape_cast %parallel_loop3A_416 : vector<16xf32> to vector<1x16xf32>
      tpu.vector_store %arg4[%parallel_loop3A_417, %parallel_loop3A_418], %parallel_loop3A_421 {strides = array<i32>} : memref<128x256xf32, #tpu.memory_space<vmem>>, vector<1x16xf32>,
      %parallel_loop3A_422 = arith.mulf %parallel_loop3A_237, %parallel_loop3A_373 : vector<16xf32>
      %parallel_loop3A_423 = arith.index_cast %parallel_loop3A_201 : i32 to index
      %parallel_loop3A_424 = arith.constant 128 : index
      %parallel_loop3A_425 = tpu.vector_load %arg4[%parallel_loop3A_423, %parallel_loop3A_424] {strides = array<i32>} : memref<128x256xf32, #tpu.memory_space<vmem>>, vector<1x16xf32>,
      %parallel_loop3A_426 = vector.shape_cast %parallel_loop3A_425 : vector<1x16xf32> to vector<16xf32>
      %parallel_loop3A_427 = vector.shape_cast %parallel_loop3A_422 : vector<16xf32> to vector<1x16xf32>
      tpu.vector_store %arg4[%parallel_loop3A_423, %parallel_loop3A_424], %parallel_loop3A_427 {strides = array<i32>} : memref<128x256xf32, #tpu.memory_space<vmem>>, vector<1x16xf32>,
      %parallel_loop3A_428 = arith.mulf %parallel_loop3A_241, %parallel_loop3A_373 : vector<16xf32>
      %parallel_loop3A_429 = arith.index_cast %parallel_loop3A_201 : i32 to index
      %parallel_loop3A_430 = arith.constant 144 : index
      %parallel_loop3A_431 = tpu.vector_load %arg4[%parallel_loop3A_429, %parallel_loop3A_430] {strides = array<i32>} : memref<128x256xf32, #tpu.memory_space<vmem>>, vector<1x16xf32>,
      %parallel_loop3A_432 = vector.shape_cast %parallel_loop3A_431 : vector<1x16xf32> to vector<16xf32>
      %parallel_loop3A_433 = vector.shape_cast %parallel_loop3A_428 : vector<16xf32> to vector<1x16xf32>
      tpu.vector_store %arg4[%parallel_loop3A_429, %parallel_loop3A_430], %parallel_loop3A_433 {strides = array<i32>} : memref<128x256xf32, #tpu.memory_space<vmem>>, vector<1x16xf32>,
      %parallel_loop3A_434 = arith.mulf %parallel_loop3A_245, %parallel_loop3A_373 : vector<16xf32>
      %parallel_loop3A_435 = arith.index_cast %parallel_loop3A_201 : i32 to index
      %parallel_loop3A_436 = arith.constant 160 : index
      %parallel_loop3A_437 = tpu.vector_load %arg4[%parallel_loop3A_435, %parallel_loop3A_436] {strides = array<i32>} : memref<128x256xf32, #tpu.memory_space<vmem>>, vector<1x16xf32>,
      %parallel_loop3A_438 = vector.shape_cast %parallel_loop3A_437 : vector<1x16xf32> to vector<16xf32>
      %parallel_loop3A_439 = vector.shape_cast %parallel_loop3A_434 : vector<16xf32> to vector<1x16xf32>
      tpu.vector_store %arg4[%parallel_loop3A_435, %parallel_loop3A_436], %parallel_loop3A_439 {strides = array<i32>} : memref<128x256xf32, #tpu.memory_space<vmem>>, vector<1x16xf32>,
      %parallel_loop3A_440 = arith.mulf %parallel_loop3A_249, %parallel_loop3A_373 : vector<16xf32>
      %parallel_loop3A_441 = arith.index_cast %parallel_loop3A_201 : i32 to index
      %parallel_loop3A_442 = arith.constant 176 : index
      %parallel_loop3A_443 = tpu.vector_load %arg4[%parallel_loop3A_441, %parallel_loop3A_442] {strides = array<i32>} : memref<128x256xf32, #tpu.memory_space<vmem>>, vector<1x16xf32>,
      %parallel_loop3A_444 = vector.shape_cast %parallel_loop3A_443 : vector<1x16xf32> to vector<16xf32>
      %parallel_loop3A_445 = vector.shape_cast %parallel_loop3A_440 : vector<16xf32> to vector<1x16xf32>
      tpu.vector_store %arg4[%parallel_loop3A_441, %parallel_loop3A_442], %parallel_loop3A_445 {strides = array<i32>} : memref<128x256xf32, #tpu.memory_space<vmem>>, vector<1x16xf32>,
      %parallel_loop3A_446 = arith.mulf %parallel_loop3A_253, %parallel_loop3A_373 : vector<16xf32>
      %parallel_loop3A_447 = arith.index_cast %parallel_loop3A_201 : i32 to index
      %parallel_loop3A_448 = arith.constant 192 : index
      %parallel_loop3A_449 = tpu.vector_load %arg4[%parallel_loop3A_447, %parallel_loop3A_448] {strides = array<i32>} : memref<128x256xf32, #tpu.memory_space<vmem>>, vector<1x16xf32>,
      %parallel_loop3A_450 = vector.shape_cast %parallel_loop3A_449 : vector<1x16xf32> to vector<16xf32>
      %parallel_loop3A_451 = vector.shape_cast %parallel_loop3A_446 : vector<16xf32> to vector<1x16xf32>
      tpu.vector_store %arg4[%parallel_loop3A_447, %parallel_loop3A_448], %parallel_loop3A_451 {strides = array<i32>} : memref<128x256xf32, #tpu.memory_space<vmem>>, vector<1x16xf32>,
      %parallel_loop3A_452 = arith.mulf %parallel_loop3A_257, %parallel_loop3A_373 : vector<16xf32>
      %parallel_loop3A_453 = arith.index_cast %parallel_loop3A_201 : i32 to index
      %parallel_loop3A_454 = arith.constant 208 : index
      %parallel_loop3A_455 = tpu.vector_load %arg4[%parallel_loop3A_453, %parallel_loop3A_454] {strides = array<i32>} : memref<128x256xf32, #tpu.memory_space<vmem>>, vector<1x16xf32>,
      %parallel_loop3A_456 = vector.shape_cast %parallel_loop3A_455 : vector<1x16xf32> to vector<16xf32>
      %parallel_loop3A_457 = vector.shape_cast %parallel_loop3A_452 : vector<16xf32> to vector<1x16xf32>
      tpu.vector_store %arg4[%parallel_loop3A_453, %parallel_loop3A_454], %parallel_loop3A_457 {strides = array<i32>} : memref<128x256xf32, #tpu.memory_space<vmem>>, vector<1x16xf32>,
      %parallel_loop3A_458 = arith.mulf %parallel_loop3A_261, %parallel_loop3A_373 : vector<16xf32>
      %parallel_loop3A_459 = arith.index_cast %parallel_loop3A_201 : i32 to index
      %parallel_loop3A_460 = arith.constant 224 : index
      %parallel_loop3A_461 = tpu.vector_load %arg4[%parallel_loop3A_459, %parallel_loop3A_460] {strides = array<i32>} : memref<128x256xf32, #tpu.memory_space<vmem>>, vector<1x16xf32>,
      %parallel_loop3A_462 = vector.shape_cast %parallel_loop3A_461 : vector<1x16xf32> to vector<16xf32>
      %parallel_loop3A_463 = vector.shape_cast %parallel_loop3A_458 : vector<16xf32> to vector<1x16xf32>
      tpu.vector_store %arg4[%parallel_loop3A_459, %parallel_loop3A_460], %parallel_loop3A_463 {strides = array<i32>} : memref<128x256xf32, #tpu.memory_space<vmem>>, vector<1x16xf32>,
      %parallel_loop3A_464 = arith.mulf %parallel_loop3A_265, %parallel_loop3A_373 : vector<16xf32>
      %parallel_loop3A_465 = arith.index_cast %parallel_loop3A_201 : i32 to index
      %parallel_loop3A_466 = arith.constant 240 : index
      %parallel_loop3A_467 = tpu.vector_load %arg4[%parallel_loop3A_465, %parallel_loop3A_466] {strides = array<i32>} : memref<128x256xf32, #tpu.memory_space<vmem>>, vector<1x16xf32>,
      %parallel_loop3A_468 = vector.shape_cast %parallel_loop3A_467 : vector<1x16xf32> to vector<16xf32>
      %parallel_loop3A_469 = vector.shape_cast %parallel_loop3A_464 : vector<16xf32> to vector<1x16xf32>
      tpu.vector_store %arg4[%parallel_loop3A_465, %parallel_loop3A_466], %parallel_loop3A_469 {strides = array<i32>} : memref<128x256xf32, #tpu.memory_space<vmem>>, vector<1x16xf32>,
    } {sc.loop_unroll_factor = 2 : i64, sc.parallel_access}
    %mul3A_83 = arith.constant 896 : i32
    %mul3A_84 = arith.muli %add3A, %mul3A_83 : i32
    %add3A_85 = arith.constant 256 : i32
    %add3A_86 = arith.addi %mul3A_84, %add3A_85 : i32
    %dma_start3A_87 = arith.constant 0 : i32
    %dma_start3A_88 = tpu.memref_slice %arg3[%add3A_86, %dma_start3A_87] : memref<28672x256xf32, #tpu.memory_space<hbm>> -> memref<128x256xf32, #tpu.memory_space<hbm>>
    %dma_start3A_89 = arith.constant 0 : i32
    %dma_start3A_90 = tpu.memref_slice %arg3[%add3A_86, %dma_start3A_89] : memref<28672x256xf32, #tpu.memory_space<hbm>> -> memref<128x256xf32, #tpu.memory_space<hbm>>
    tpu.enqueue_dma source(%arg4 : memref<128x256xf32, #tpu.memory_space<vmem>>) target(%dma_start3A_90 : memref<128x256xf32, #tpu.memory_space<hbm>>) target_semaphore(%arg8 : memref<!tpu.dma_semaphore, #tpu.memory_space<semaphore_mem>>)
    %dma_wait3A_91 = arith.constant 0 : i32
    %dma_wait3A_92 = tpu.memref_slice %arg2[%add3A_75, %dma_wait3A_91] : memref<81920x256xf32, #tpu.memory_space<hbm>> -> memref<128x256xf32, #tpu.memory_space<hbm>>
    %dma_wait3A_93 = arith.constant 0 : i32
    %dma_wait3A_94 = tpu.memref_slice %arg2[%add3A_75, %dma_wait3A_93] : memref<81920x256xf32, #tpu.memory_space<hbm>> -> memref<128x256xf32, #tpu.memory_space<hbm>>
    tpu.wait_dma2 semaphore(%arg7 : memref<!tpu.dma_semaphore, #tpu.memory_space<semaphore_mem>>) src(%dma_wait3A_94 : memref<128x256xf32, #tpu.memory_space<hbm>>) dst(%arg5 : memref<128x256xf32, #tpu.memory_space<vmem>>)
    %dma_wait3A_95 = arith.constant 0 : i32
    %dma_wait3A_96 = tpu.memref_slice %arg3[%add3A_86, %dma_wait3A_95] : memref<28672x256xf32, #tpu.memory_space<hbm>> -> memref<128x256xf32, #tpu.memory_space<hbm>>
    %dma_wait3A_97 = arith.constant 0 : i32
    %dma_wait3A_98 = tpu.memref_slice %arg3[%add3A_86, %dma_wait3A_97] : memref<28672x256xf32, #tpu.memory_space<hbm>> -> memref<128x256xf32, #tpu.memory_space<hbm>>
    tpu.wait_dma2 semaphore(%arg8 : memref<!tpu.dma_semaphore, #tpu.memory_space<semaphore_mem>>) src(%arg4 : memref<128x256xf32, #tpu.memory_space<vmem>>) dst(%dma_wait3A_98 : memref<128x256xf32, #tpu.memory_space<hbm>>)
    %mul3A_99 = arith.constant 896 : i32
    %mul3A_100 = arith.muli %add3A, %mul3A_99 : i32
    %add3A_101 = arith.constant 53248 : i32
    %add3A_102 = arith.addi %add3A_101, %mul3A_100 : i32
    %add3A_103 = arith.constant 512 : i32
    %add3A_104 = arith.addi %add3A_102, %add3A_103 : i32
    %dma_start3A_105 = arith.constant 0 : i32
    %dma_start3A_106 = tpu.memref_slice %arg2[%add3A_104, %dma_start3A_105] : memref<81920x256xf32, #tpu.memory_space<hbm>> -> memref<128x256xf32, #tpu.memory_space<hbm>>
    %dma_start3A_107 = arith.constant 0 : i32
    %dma_start3A_108 = tpu.memref_slice %arg2[%add3A_104, %dma_start3A_107] : memref<81920x256xf32, #tpu.memory_space<hbm>> -> memref<128x256xf32, #tpu.memory_space<hbm>>
    tpu.enqueue_dma source(%dma_start3A_108 : memref<128x256xf32, #tpu.memory_space<hbm>>) target(%arg4 : memref<128x256xf32, #tpu.memory_space<vmem>>) target_semaphore(%arg6 : memref<!tpu.dma_semaphore, #tpu.memory_space<semaphore_mem>>)
    %parallel_loop3A_109 = arith.constant 0 : i32
    %parallel_loop3A_110 = arith.constant 128 : i32
    %parallel_loop3A_111 = arith.constant 1 : i32
    scf.for %parallel_loop3A_201 = %parallel_loop3A_109 to %parallel_loop3A_110 step %parallel_loop3A_111  : i32 {
      %parallel_loop3A_202 = arith.index_cast %parallel_loop3A_201 : i32 to index
      %parallel_loop3A_203 = arith.constant 0 : index
      %parallel_loop3A_204 = tpu.vector_load %arg5[%parallel_loop3A_202, %parallel_loop3A_203] {strides = array<i32>} : memref<128x256xf32, #tpu.memory_space<vmem>>, vector<1x16xf32>,
      %parallel_loop3A_205 = vector.shape_cast %parallel_loop3A_204 : vector<1x16xf32> to vector<16xf32>
      %parallel_loop3A_206 = arith.index_cast %parallel_loop3A_201 : i32 to index
      %parallel_loop3A_207 = arith.constant 16 : index
      %parallel_loop3A_208 = tpu.vector_load %arg5[%parallel_loop3A_206, %parallel_loop3A_207] {strides = array<i32>} : memref<128x256xf32, #tpu.memory_space<vmem>>, vector<1x16xf32>,
      %parallel_loop3A_209 = vector.shape_cast %parallel_loop3A_208 : vector<1x16xf32> to vector<16xf32>
      %parallel_loop3A_210 = arith.index_cast %parallel_loop3A_201 : i32 to index
      %parallel_loop3A_211 = arith.constant 32 : index
      %parallel_loop3A_212 = tpu.vector_load %arg5[%parallel_loop3A_210, %parallel_loop3A_211] {strides = array<i32>} : memref<128x256xf32, #tpu.memory_space<vmem>>, vector<1x16xf32>,
      %parallel_loop3A_213 = vector.shape_cast %parallel_loop3A_212 : vector<1x16xf32> to vector<16xf32>
      %parallel_loop3A_214 = arith.index_cast %parallel_loop3A_201 : i32 to index
      %parallel_loop3A_215 = arith.constant 48 : index
      %parallel_loop3A_216 = tpu.vector_load %arg5[%parallel_loop3A_214, %parallel_loop3A_215] {strides = array<i32>} : memref<128x256xf32, #tpu.memory_space<vmem>>, vector<1x16xf32>,
      %parallel_loop3A_217 = vector.shape_cast %parallel_loop3A_216 : vector<1x16xf32> to vector<16xf32>
      %parallel_loop3A_218 = arith.index_cast %parallel_loop3A_201 : i32 to index
      %parallel_loop3A_219 = arith.constant 64 : index
      %parallel_loop3A_220 = tpu.vector_load %arg5[%parallel_loop3A_218, %parallel_loop3A_219] {strides = array<i32>} : memref<128x256xf32, #tpu.memory_space<vmem>>, vector<1x16xf32>,
      %parallel_loop3A_221 = vector.shape_cast %parallel_loop3A_220 : vector<1x16xf32> to vector<16xf32>
      %parallel_loop3A_222 = arith.index_cast %parallel_loop3A_201 : i32 to index
      %parallel_loop3A_223 = arith.constant 80 : index
      %parallel_loop3A_224 = tpu.vector_load %arg5[%parallel_loop3A_222, %parallel_loop3A_223] {strides = array<i32>} : memref<128x256xf32, #tpu.memory_space<vmem>>, vector<1x16xf32>,
      %parallel_loop3A_225 = vector.shape_cast %parallel_loop3A_224 : vector<1x16xf32> to vector<16xf32>
      %parallel_loop3A_226 = arith.index_cast %parallel_loop3A_201 : i32 to index
      %parallel_loop3A_227 = arith.constant 96 : index
      %parallel_loop3A_228 = tpu.vector_load %arg5[%parallel_loop3A_226, %parallel_loop3A_227] {strides = array<i32>} : memref<128x256xf32, #tpu.memory_space<vmem>>, vector<1x16xf32>,
      %parallel_loop3A_229 = vector.shape_cast %parallel_loop3A_228 : vector<1x16xf32> to vector<16xf32>
      %parallel_loop3A_230 = arith.index_cast %parallel_loop3A_201 : i32 to index
      %parallel_loop3A_231 = arith.constant 112 : index
      %parallel_loop3A_232 = tpu.vector_load %arg5[%parallel_loop3A_230, %parallel_loop3A_231] {strides = array<i32>} : memref<128x256xf32, #tpu.memory_space<vmem>>, vector<1x16xf32>,
      %parallel_loop3A_233 = vector.shape_cast %parallel_loop3A_232 : vector<1x16xf32> to vector<16xf32>
      %parallel_loop3A_234 = arith.index_cast %parallel_loop3A_201 : i32 to index
      %parallel_loop3A_235 = arith.constant 128 : index
      %parallel_loop3A_236 = tpu.vector_load %arg5[%parallel_loop3A_234, %parallel_loop3A_235] {strides = array<i32>} : memref<128x256xf32, #tpu.memory_space<vmem>>, vector<1x16xf32>,
      %parallel_loop3A_237 = vector.shape_cast %parallel_loop3A_236 : vector<1x16xf32> to vector<16xf32>
      %parallel_loop3A_238 = arith.index_cast %parallel_loop3A_201 : i32 to index
      %parallel_loop3A_239 = arith.constant 144 : index
      %parallel_loop3A_240 = tpu.vector_load %arg5[%parallel_loop3A_238, %parallel_loop3A_239] {strides = array<i32>} : memref<128x256xf32, #tpu.memory_space<vmem>>, vector<1x16xf32>,
      %parallel_loop3A_241 = vector.shape_cast %parallel_loop3A_240 : vector<1x16xf32> to vector<16xf32>
      %parallel_loop3A_242 = arith.index_cast %parallel_loop3A_201 : i32 to index
      %parallel_loop3A_243 = arith.constant 160 : index
      %parallel_loop3A_244 = tpu.vector_load %arg5[%parallel_loop3A_242, %parallel_loop3A_243] {strides = array<i32>} : memref<128x256xf32, #tpu.memory_space<vmem>>, vector<1x16xf32>,
      %parallel_loop3A_245 = vector.shape_cast %parallel_loop3A_244 : vector<1x16xf32> to vector<16xf32>
      %parallel_loop3A_246 = arith.index_cast %parallel_loop3A_201 : i32 to index
      %parallel_loop3A_247 = arith.constant 176 : index
      %parallel_loop3A_248 = tpu.vector_load %arg5[%parallel_loop3A_246, %parallel_loop3A_247] {strides = array<i32>} : memref<128x256xf32, #tpu.memory_space<vmem>>, vector<1x16xf32>,
      %parallel_loop3A_249 = vector.shape_cast %parallel_loop3A_248 : vector<1x16xf32> to vector<16xf32>
      %parallel_loop3A_250 = arith.index_cast %parallel_loop3A_201 : i32 to index
      %parallel_loop3A_251 = arith.constant 192 : index
      %parallel_loop3A_252 = tpu.vector_load %arg5[%parallel_loop3A_250, %parallel_loop3A_251] {strides = array<i32>} : memref<128x256xf32, #tpu.memory_space<vmem>>, vector<1x16xf32>,
      %parallel_loop3A_253 = vector.shape_cast %parallel_loop3A_252 : vector<1x16xf32> to vector<16xf32>
      %parallel_loop3A_254 = arith.index_cast %parallel_loop3A_201 : i32 to index
      %parallel_loop3A_255 = arith.constant 208 : index
      %parallel_loop3A_256 = tpu.vector_load %arg5[%parallel_loop3A_254, %parallel_loop3A_255] {strides = array<i32>} : memref<128x256xf32, #tpu.memory_space<vmem>>, vector<1x16xf32>,
      %parallel_loop3A_257 = vector.shape_cast %parallel_loop3A_256 : vector<1x16xf32> to vector<16xf32>
      %parallel_loop3A_258 = arith.index_cast %parallel_loop3A_201 : i32 to index
      %parallel_loop3A_259 = arith.constant 224 : index
      %parallel_loop3A_260 = tpu.vector_load %arg5[%parallel_loop3A_258, %parallel_loop3A_259] {strides = array<i32>} : memref<128x256xf32, #tpu.memory_space<vmem>>, vector<1x16xf32>,
      %parallel_loop3A_261 = vector.shape_cast %parallel_loop3A_260 : vector<1x16xf32> to vector<16xf32>
      %parallel_loop3A_262 = arith.index_cast %parallel_loop3A_201 : i32 to index
      %parallel_loop3A_263 = arith.constant 240 : index
      %parallel_loop3A_264 = tpu.vector_load %arg5[%parallel_loop3A_262, %parallel_loop3A_263] {strides = array<i32>} : memref<128x256xf32, #tpu.memory_space<vmem>>, vector<1x16xf32>,
      %parallel_loop3A_265 = vector.shape_cast %parallel_loop3A_264 : vector<1x16xf32> to vector<16xf32>
      %parallel_loop3A_266 = arith.mulf %parallel_loop3A_205, %parallel_loop3A_205 : vector<16xf32>
      %parallel_loop3A_267 = arith.mulf %parallel_loop3A_209, %parallel_loop3A_209 : vector<16xf32>
      %parallel_loop3A_268 = arith.mulf %parallel_loop3A_213, %parallel_loop3A_213 : vector<16xf32>
      %parallel_loop3A_269 = arith.mulf %parallel_loop3A_217, %parallel_loop3A_217 : vector<16xf32>
      %parallel_loop3A_270 = arith.mulf %parallel_loop3A_221, %parallel_loop3A_221 : vector<16xf32>
      %parallel_loop3A_271 = arith.mulf %parallel_loop3A_225, %parallel_loop3A_225 : vector<16xf32>
      %parallel_loop3A_272 = arith.mulf %parallel_loop3A_229, %parallel_loop3A_229 : vector<16xf32>
      %parallel_loop3A_273 = arith.mulf %parallel_loop3A_233, %parallel_loop3A_233 : vector<16xf32>
      %parallel_loop3A_274 = arith.mulf %parallel_loop3A_237, %parallel_loop3A_237 : vector<16xf32>
      %parallel_loop3A_275 = arith.mulf %parallel_loop3A_241, %parallel_loop3A_241 : vector<16xf32>
      %parallel_loop3A_276 = arith.mulf %parallel_loop3A_245, %parallel_loop3A_245 : vector<16xf32>
      %parallel_loop3A_277 = arith.mulf %parallel_loop3A_249, %parallel_loop3A_249 : vector<16xf32>
      %parallel_loop3A_278 = arith.mulf %parallel_loop3A_253, %parallel_loop3A_253 : vector<16xf32>
      %parallel_loop3A_279 = arith.mulf %parallel_loop3A_257, %parallel_loop3A_257 : vector<16xf32>
      %parallel_loop3A_280 = arith.mulf %parallel_loop3A_261, %parallel_loop3A_261 : vector<16xf32>
      %parallel_loop3A_281 = arith.mulf %parallel_loop3A_265, %parallel_loop3A_265 : vector<16xf32>
      %parallel_loop3A_282 = arith.addf %parallel_loop3A_266, %parallel_loop3A_267 : vector<16xf32>
      %parallel_loop3A_283 = arith.addf %parallel_loop3A_268, %parallel_loop3A_269 : vector<16xf32>
      %parallel_loop3A_284 = arith.addf %parallel_loop3A_270, %parallel_loop3A_271 : vector<16xf32>
      %parallel_loop3A_285 = arith.addf %parallel_loop3A_272, %parallel_loop3A_273 : vector<16xf32>
      %parallel_loop3A_286 = arith.addf %parallel_loop3A_274, %parallel_loop3A_275 : vector<16xf32>
      %parallel_loop3A_287 = arith.addf %parallel_loop3A_276, %parallel_loop3A_277 : vector<16xf32>
      %parallel_loop3A_288 = arith.addf %parallel_loop3A_278, %parallel_loop3A_279 : vector<16xf32>
      %parallel_loop3A_289 = arith.addf %parallel_loop3A_280, %parallel_loop3A_281 : vector<16xf32>
      %parallel_loop3A_290 = arith.addf %parallel_loop3A_282, %parallel_loop3A_283 : vector<16xf32>
      %parallel_loop3A_291 = arith.addf %parallel_loop3A_284, %parallel_loop3A_285 : vector<16xf32>
      %parallel_loop3A_292 = arith.addf %parallel_loop3A_286, %parallel_loop3A_287 : vector<16xf32>
      %parallel_loop3A_293 = arith.addf %parallel_loop3A_288, %parallel_loop3A_289 : vector<16xf32>
      %parallel_loop3A_294 = arith.addf %parallel_loop3A_290, %parallel_loop3A_291 : vector<16xf32>
      %parallel_loop3A_295 = arith.addf %parallel_loop3A_292, %parallel_loop3A_293 : vector<16xf32>
      %parallel_loop3A_296 = arith.addf %parallel_loop3A_294, %parallel_loop3A_295 : vector<16xf32>
      %parallel_loop3A_297 = tpu.iota {dimensions = array<i32: 0>} : vector<16xi32>
      %parallel_loop3A_298 = arith.constant 1 : i32
      %parallel_loop3A_299 = vector.broadcast %parallel_loop3A_298 : i32 to vector<16xi32>
      %parallel_loop3A_300 = arith.xori %parallel_loop3A_297, %parallel_loop3A_299 : vector<16xi32>
      %parallel_loop3A_301 = arith.constant 0 : i32
      %parallel_loop3A_302 = vector.broadcast %parallel_loop3A_301 : i32 to vector<16xi32>
      %parallel_loop3A_303 = arith.cmpi slt, %parallel_loop3A_300, %parallel_loop3A_302 : vector<16xi32>
      %parallel_loop3A_304 = arith.constant 16 : i32
      %parallel_loop3A_305 = vector.broadcast %parallel_loop3A_304 : i32 to vector<16xi32>
      %parallel_loop3A_306 = arith.addi %parallel_loop3A_300, %parallel_loop3A_305 : vector<16xi32>
      %parallel_loop3A_307 = arith.select %parallel_loop3A_303, %parallel_loop3A_306, %parallel_loop3A_300 : vector<16xi1>, vector<16xi32>
      %parallel_loop3A_308 = vector.shape_cast %parallel_loop3A_307 : vector<16xi32> to vector<16x1xi32>
      %parallel_loop3A_309 = vector.shape_cast %parallel_loop3A_308 : vector<16x1xi32> to vector<16xi32>
      %parallel_loop3A_310 = tpu.dynamic_gather %parallel_loop3A_296[%parallel_loop3A_309] in [0] : vector<16xf32>, vector<16xi32> -> vector<16xf32>
      %parallel_loop3A_311 = arith.addf %parallel_loop3A_296, %parallel_loop3A_310 : vector<16xf32>
      %parallel_loop3A_312 = arith.constant 2 : i32
      %parallel_loop3A_313 = vector.broadcast %parallel_loop3A_312 : i32 to vector<16xi32>
      %parallel_loop3A_314 = arith.xori %parallel_loop3A_297, %parallel_loop3A_313 : vector<16xi32>
      %parallel_loop3A_315 = arith.constant 0 : i32
      %parallel_loop3A_316 = vector.broadcast %parallel_loop3A_315 : i32 to vector<16xi32>
      %parallel_loop3A_317 = arith.cmpi slt, %parallel_loop3A_314, %parallel_loop3A_316 : vector<16xi32>
      %parallel_loop3A_318 = arith.constant 16 : i32
      %parallel_loop3A_319 = vector.broadcast %parallel_loop3A_318 : i32 to vector<16xi32>
      %parallel_loop3A_320 = arith.addi %parallel_loop3A_314, %parallel_loop3A_319 : vector<16xi32>
      %parallel_loop3A_321 = arith.select %parallel_loop3A_317, %parallel_loop3A_320, %parallel_loop3A_314 : vector<16xi1>, vector<16xi32>
      %parallel_loop3A_322 = vector.shape_cast %parallel_loop3A_321 : vector<16xi32> to vector<16x1xi32>
      %parallel_loop3A_323 = vector.shape_cast %parallel_loop3A_322 : vector<16x1xi32> to vector<16xi32>
      %parallel_loop3A_324 = tpu.dynamic_gather %parallel_loop3A_311[%parallel_loop3A_323] in [0] : vector<16xf32>, vector<16xi32> -> vector<16xf32>
      %parallel_loop3A_325 = arith.addf %parallel_loop3A_311, %parallel_loop3A_324 : vector<16xf32>
      %parallel_loop3A_326 = arith.constant 4 : i32
      %parallel_loop3A_327 = vector.broadcast %parallel_loop3A_326 : i32 to vector<16xi32>
      %parallel_loop3A_328 = arith.xori %parallel_loop3A_297, %parallel_loop3A_327 : vector<16xi32>
      %parallel_loop3A_329 = arith.constant 0 : i32
      %parallel_loop3A_330 = vector.broadcast %parallel_loop3A_329 : i32 to vector<16xi32>
      %parallel_loop3A_331 = arith.cmpi slt, %parallel_loop3A_328, %parallel_loop3A_330 : vector<16xi32>
      %parallel_loop3A_332 = arith.constant 16 : i32
      %parallel_loop3A_333 = vector.broadcast %parallel_loop3A_332 : i32 to vector<16xi32>
      %parallel_loop3A_334 = arith.addi %parallel_loop3A_328, %parallel_loop3A_333 : vector<16xi32>
      %parallel_loop3A_335 = arith.select %parallel_loop3A_331, %parallel_loop3A_334, %parallel_loop3A_328 : vector<16xi1>, vector<16xi32>
      %parallel_loop3A_336 = vector.shape_cast %parallel_loop3A_335 : vector<16xi32> to vector<16x1xi32>
      %parallel_loop3A_337 = vector.shape_cast %parallel_loop3A_336 : vector<16x1xi32> to vector<16xi32>
      %parallel_loop3A_338 = tpu.dynamic_gather %parallel_loop3A_325[%parallel_loop3A_337] in [0] : vector<16xf32>, vector<16xi32> -> vector<16xf32>
      %parallel_loop3A_339 = arith.addf %parallel_loop3A_325, %parallel_loop3A_338 : vector<16xf32>
      %parallel_loop3A_340 = arith.constant 8 : i32
      %parallel_loop3A_341 = vector.broadcast %parallel_loop3A_340 : i32 to vector<16xi32>
      %parallel_loop3A_342 = arith.xori %parallel_loop3A_297, %parallel_loop3A_341 : vector<16xi32>
      %parallel_loop3A_343 = arith.constant 0 : i32
      %parallel_loop3A_344 = vector.broadcast %parallel_loop3A_343 : i32 to vector<16xi32>
      %parallel_loop3A_345 = arith.cmpi slt, %parallel_loop3A_342, %parallel_loop3A_344 : vector<16xi32>
      %parallel_loop3A_346 = arith.constant 16 : i32
      %parallel_loop3A_347 = vector.broadcast %parallel_loop3A_346 : i32 to vector<16xi32>
      %parallel_loop3A_348 = arith.addi %parallel_loop3A_342, %parallel_loop3A_347 : vector<16xi32>
      %parallel_loop3A_349 = arith.select %parallel_loop3A_345, %parallel_loop3A_348, %parallel_loop3A_342 : vector<16xi1>, vector<16xi32>
      %parallel_loop3A_350 = vector.shape_cast %parallel_loop3A_349 : vector<16xi32> to vector<16x1xi32>
      %parallel_loop3A_351 = vector.shape_cast %parallel_loop3A_350 : vector<16x1xi32> to vector<16xi32>
      %parallel_loop3A_352 = tpu.dynamic_gather %parallel_loop3A_339[%parallel_loop3A_351] in [0] : vector<16xf32>, vector<16xi32> -> vector<16xf32>
      %parallel_loop3A_353 = arith.addf %parallel_loop3A_339, %parallel_loop3A_352 : vector<16xf32>
      %parallel_loop3A_354 = arith.constant 1.000000e-24 : f32
      %parallel_loop3A_355 = vector.broadcast %parallel_loop3A_354 : f32 to vector<16xf32>
      %parallel_loop3A_356 = arith.maximumf %parallel_loop3A_353, %parallel_loop3A_355 : vector<16xf32>
      %parallel_loop3A_357 = tpu.bitcast %parallel_loop3A_356 : vector<16xf32> -> vector<16xi32>
      %parallel_loop3A_358 = arith.constant 1 : i32
      %parallel_loop3A_359 = vector.broadcast %parallel_loop3A_358 : i32 to vector<16xi32>
      %parallel_loop3A_360 = arith.shrsi %parallel_loop3A_357, %parallel_loop3A_359 : vector<16xi32>
      %parallel_loop3A_361 = arith.constant 1597463007 : i32
      %parallel_loop3A_362 = vector.broadcast %parallel_loop3A_361 : i32 to vector<16xi32>
      %parallel_loop3A_363 = arith.subi %parallel_loop3A_362, %parallel_loop3A_360 : vector<16xi32>
      %parallel_loop3A_364 = tpu.bitcast %parallel_loop3A_363 : vector<16xi32> -> vector<16xf32>
      %parallel_loop3A_365 = arith.constant 5.000000e-01 : f32
      %parallel_loop3A_366 = vector.broadcast %parallel_loop3A_365 : f32 to vector<16xf32>
      %parallel_loop3A_367 = arith.mulf %parallel_loop3A_366, %parallel_loop3A_356 : vector<16xf32>
      %parallel_loop3A_368 = arith.mulf %parallel_loop3A_367, %parallel_loop3A_364 : vector<16xf32>
      %parallel_loop3A_369 = arith.mulf %parallel_loop3A_368, %parallel_loop3A_364 : vector<16xf32>
      %parallel_loop3A_370 = arith.constant 1.500000e+00 : f32
      %parallel_loop3A_371 = vector.broadcast %parallel_loop3A_370 : f32 to vector<16xf32>
      %parallel_loop3A_372 = arith.subf %parallel_loop3A_371, %parallel_loop3A_369 : vector<16xf32>
      %parallel_loop3A_373 = arith.mulf %parallel_loop3A_364, %parallel_loop3A_372 : vector<16xf32>
      %parallel_loop3A_374 = arith.mulf %parallel_loop3A_205, %parallel_loop3A_373 : vector<16xf32>
      %parallel_loop3A_375 = arith.index_cast %parallel_loop3A_201 : i32 to index
      %parallel_loop3A_376 = arith.constant 0 : index
      %parallel_loop3A_377 = tpu.vector_load %arg5[%parallel_loop3A_375, %parallel_loop3A_376] {strides = array<i32>} : memref<128x256xf32, #tpu.memory_space<vmem>>, vector<1x16xf32>,
      %parallel_loop3A_378 = vector.shape_cast %parallel_loop3A_377 : vector<1x16xf32> to vector<16xf32>
      %parallel_loop3A_379 = vector.shape_cast %parallel_loop3A_374 : vector<16xf32> to vector<1x16xf32>
      tpu.vector_store %arg5[%parallel_loop3A_375, %parallel_loop3A_376], %parallel_loop3A_379 {strides = array<i32>} : memref<128x256xf32, #tpu.memory_space<vmem>>, vector<1x16xf32>,
      %parallel_loop3A_380 = arith.mulf %parallel_loop3A_209, %parallel_loop3A_373 : vector<16xf32>
      %parallel_loop3A_381 = arith.index_cast %parallel_loop3A_201 : i32 to index
      %parallel_loop3A_382 = arith.constant 16 : index
      %parallel_loop3A_383 = tpu.vector_load %arg5[%parallel_loop3A_381, %parallel_loop3A_382] {strides = array<i32>} : memref<128x256xf32, #tpu.memory_space<vmem>>, vector<1x16xf32>,
      %parallel_loop3A_384 = vector.shape_cast %parallel_loop3A_383 : vector<1x16xf32> to vector<16xf32>
      %parallel_loop3A_385 = vector.shape_cast %parallel_loop3A_380 : vector<16xf32> to vector<1x16xf32>
      tpu.vector_store %arg5[%parallel_loop3A_381, %parallel_loop3A_382], %parallel_loop3A_385 {strides = array<i32>} : memref<128x256xf32, #tpu.memory_space<vmem>>, vector<1x16xf32>,
      %parallel_loop3A_386 = arith.mulf %parallel_loop3A_213, %parallel_loop3A_373 : vector<16xf32>
      %parallel_loop3A_387 = arith.index_cast %parallel_loop3A_201 : i32 to index
      %parallel_loop3A_388 = arith.constant 32 : index
      %parallel_loop3A_389 = tpu.vector_load %arg5[%parallel_loop3A_387, %parallel_loop3A_388] {strides = array<i32>} : memref<128x256xf32, #tpu.memory_space<vmem>>, vector<1x16xf32>,
      %parallel_loop3A_390 = vector.shape_cast %parallel_loop3A_389 : vector<1x16xf32> to vector<16xf32>
      %parallel_loop3A_391 = vector.shape_cast %parallel_loop3A_386 : vector<16xf32> to vector<1x16xf32>
      tpu.vector_store %arg5[%parallel_loop3A_387, %parallel_loop3A_388], %parallel_loop3A_391 {strides = array<i32>} : memref<128x256xf32, #tpu.memory_space<vmem>>, vector<1x16xf32>,
      %parallel_loop3A_392 = arith.mulf %parallel_loop3A_217, %parallel_loop3A_373 : vector<16xf32>
      %parallel_loop3A_393 = arith.index_cast %parallel_loop3A_201 : i32 to index
      %parallel_loop3A_394 = arith.constant 48 : index
      %parallel_loop3A_395 = tpu.vector_load %arg5[%parallel_loop3A_393, %parallel_loop3A_394] {strides = array<i32>} : memref<128x256xf32, #tpu.memory_space<vmem>>, vector<1x16xf32>,
      %parallel_loop3A_396 = vector.shape_cast %parallel_loop3A_395 : vector<1x16xf32> to vector<16xf32>
      %parallel_loop3A_397 = vector.shape_cast %parallel_loop3A_392 : vector<16xf32> to vector<1x16xf32>
      tpu.vector_store %arg5[%parallel_loop3A_393, %parallel_loop3A_394], %parallel_loop3A_397 {strides = array<i32>} : memref<128x256xf32, #tpu.memory_space<vmem>>, vector<1x16xf32>,
      %parallel_loop3A_398 = arith.mulf %parallel_loop3A_221, %parallel_loop3A_373 : vector<16xf32>
      %parallel_loop3A_399 = arith.index_cast %parallel_loop3A_201 : i32 to index
      %parallel_loop3A_400 = arith.constant 64 : index
      %parallel_loop3A_401 = tpu.vector_load %arg5[%parallel_loop3A_399, %parallel_loop3A_400] {strides = array<i32>} : memref<128x256xf32, #tpu.memory_space<vmem>>, vector<1x16xf32>,
      %parallel_loop3A_402 = vector.shape_cast %parallel_loop3A_401 : vector<1x16xf32> to vector<16xf32>
      %parallel_loop3A_403 = vector.shape_cast %parallel_loop3A_398 : vector<16xf32> to vector<1x16xf32>
      tpu.vector_store %arg5[%parallel_loop3A_399, %parallel_loop3A_400], %parallel_loop3A_403 {strides = array<i32>} : memref<128x256xf32, #tpu.memory_space<vmem>>, vector<1x16xf32>,
      %parallel_loop3A_404 = arith.mulf %parallel_loop3A_225, %parallel_loop3A_373 : vector<16xf32>
      %parallel_loop3A_405 = arith.index_cast %parallel_loop3A_201 : i32 to index
      %parallel_loop3A_406 = arith.constant 80 : index
      %parallel_loop3A_407 = tpu.vector_load %arg5[%parallel_loop3A_405, %parallel_loop3A_406] {strides = array<i32>} : memref<128x256xf32, #tpu.memory_space<vmem>>, vector<1x16xf32>,
      %parallel_loop3A_408 = vector.shape_cast %parallel_loop3A_407 : vector<1x16xf32> to vector<16xf32>
      %parallel_loop3A_409 = vector.shape_cast %parallel_loop3A_404 : vector<16xf32> to vector<1x16xf32>
      tpu.vector_store %arg5[%parallel_loop3A_405, %parallel_loop3A_406], %parallel_loop3A_409 {strides = array<i32>} : memref<128x256xf32, #tpu.memory_space<vmem>>, vector<1x16xf32>,
      %parallel_loop3A_410 = arith.mulf %parallel_loop3A_229, %parallel_loop3A_373 : vector<16xf32>
      %parallel_loop3A_411 = arith.index_cast %parallel_loop3A_201 : i32 to index
      %parallel_loop3A_412 = arith.constant 96 : index
      %parallel_loop3A_413 = tpu.vector_load %arg5[%parallel_loop3A_411, %parallel_loop3A_412] {strides = array<i32>} : memref<128x256xf32, #tpu.memory_space<vmem>>, vector<1x16xf32>,
      %parallel_loop3A_414 = vector.shape_cast %parallel_loop3A_413 : vector<1x16xf32> to vector<16xf32>
      %parallel_loop3A_415 = vector.shape_cast %parallel_loop3A_410 : vector<16xf32> to vector<1x16xf32>
      tpu.vector_store %arg5[%parallel_loop3A_411, %parallel_loop3A_412], %parallel_loop3A_415 {strides = array<i32>} : memref<128x256xf32, #tpu.memory_space<vmem>>, vector<1x16xf32>,
      %parallel_loop3A_416 = arith.mulf %parallel_loop3A_233, %parallel_loop3A_373 : vector<16xf32>
      %parallel_loop3A_417 = arith.index_cast %parallel_loop3A_201 : i32 to index
      %parallel_loop3A_418 = arith.constant 112 : index
      %parallel_loop3A_419 = tpu.vector_load %arg5[%parallel_loop3A_417, %parallel_loop3A_418] {strides = array<i32>} : memref<128x256xf32, #tpu.memory_space<vmem>>, vector<1x16xf32>,
      %parallel_loop3A_420 = vector.shape_cast %parallel_loop3A_419 : vector<1x16xf32> to vector<16xf32>
      %parallel_loop3A_421 = vector.shape_cast %parallel_loop3A_416 : vector<16xf32> to vector<1x16xf32>
      tpu.vector_store %arg5[%parallel_loop3A_417, %parallel_loop3A_418], %parallel_loop3A_421 {strides = array<i32>} : memref<128x256xf32, #tpu.memory_space<vmem>>, vector<1x16xf32>,
      %parallel_loop3A_422 = arith.mulf %parallel_loop3A_237, %parallel_loop3A_373 : vector<16xf32>
      %parallel_loop3A_423 = arith.index_cast %parallel_loop3A_201 : i32 to index
      %parallel_loop3A_424 = arith.constant 128 : index
      %parallel_loop3A_425 = tpu.vector_load %arg5[%parallel_loop3A_423, %parallel_loop3A_424] {strides = array<i32>} : memref<128x256xf32, #tpu.memory_space<vmem>>, vector<1x16xf32>,
      %parallel_loop3A_426 = vector.shape_cast %parallel_loop3A_425 : vector<1x16xf32> to vector<16xf32>
      %parallel_loop3A_427 = vector.shape_cast %parallel_loop3A_422 : vector<16xf32> to vector<1x16xf32>
      tpu.vector_store %arg5[%parallel_loop3A_423, %parallel_loop3A_424], %parallel_loop3A_427 {strides = array<i32>} : memref<128x256xf32, #tpu.memory_space<vmem>>, vector<1x16xf32>,
      %parallel_loop3A_428 = arith.mulf %parallel_loop3A_241, %parallel_loop3A_373 : vector<16xf32>
      %parallel_loop3A_429 = arith.index_cast %parallel_loop3A_201 : i32 to index
      %parallel_loop3A_430 = arith.constant 144 : index
      %parallel_loop3A_431 = tpu.vector_load %arg5[%parallel_loop3A_429, %parallel_loop3A_430] {strides = array<i32>} : memref<128x256xf32, #tpu.memory_space<vmem>>, vector<1x16xf32>,
      %parallel_loop3A_432 = vector.shape_cast %parallel_loop3A_431 : vector<1x16xf32> to vector<16xf32>
      %parallel_loop3A_433 = vector.shape_cast %parallel_loop3A_428 : vector<16xf32> to vector<1x16xf32>
      tpu.vector_store %arg5[%parallel_loop3A_429, %parallel_loop3A_430], %parallel_loop3A_433 {strides = array<i32>} : memref<128x256xf32, #tpu.memory_space<vmem>>, vector<1x16xf32>,
      %parallel_loop3A_434 = arith.mulf %parallel_loop3A_245, %parallel_loop3A_373 : vector<16xf32>
      %parallel_loop3A_435 = arith.index_cast %parallel_loop3A_201 : i32 to index
      %parallel_loop3A_436 = arith.constant 160 : index
      %parallel_loop3A_437 = tpu.vector_load %arg5[%parallel_loop3A_435, %parallel_loop3A_436] {strides = array<i32>} : memref<128x256xf32, #tpu.memory_space<vmem>>, vector<1x16xf32>,
      %parallel_loop3A_438 = vector.shape_cast %parallel_loop3A_437 : vector<1x16xf32> to vector<16xf32>
      %parallel_loop3A_439 = vector.shape_cast %parallel_loop3A_434 : vector<16xf32> to vector<1x16xf32>
      tpu.vector_store %arg5[%parallel_loop3A_435, %parallel_loop3A_436], %parallel_loop3A_439 {strides = array<i32>} : memref<128x256xf32, #tpu.memory_space<vmem>>, vector<1x16xf32>,
      %parallel_loop3A_440 = arith.mulf %parallel_loop3A_249, %parallel_loop3A_373 : vector<16xf32>
      %parallel_loop3A_441 = arith.index_cast %parallel_loop3A_201 : i32 to index
      %parallel_loop3A_442 = arith.constant 176 : index
      %parallel_loop3A_443 = tpu.vector_load %arg5[%parallel_loop3A_441, %parallel_loop3A_442] {strides = array<i32>} : memref<128x256xf32, #tpu.memory_space<vmem>>, vector<1x16xf32>,
      %parallel_loop3A_444 = vector.shape_cast %parallel_loop3A_443 : vector<1x16xf32> to vector<16xf32>
      %parallel_loop3A_445 = vector.shape_cast %parallel_loop3A_440 : vector<16xf32> to vector<1x16xf32>
      tpu.vector_store %arg5[%parallel_loop3A_441, %parallel_loop3A_442], %parallel_loop3A_445 {strides = array<i32>} : memref<128x256xf32, #tpu.memory_space<vmem>>, vector<1x16xf32>,
      %parallel_loop3A_446 = arith.mulf %parallel_loop3A_253, %parallel_loop3A_373 : vector<16xf32>
      %parallel_loop3A_447 = arith.index_cast %parallel_loop3A_201 : i32 to index
      %parallel_loop3A_448 = arith.constant 192 : index
      %parallel_loop3A_449 = tpu.vector_load %arg5[%parallel_loop3A_447, %parallel_loop3A_448] {strides = array<i32>} : memref<128x256xf32, #tpu.memory_space<vmem>>, vector<1x16xf32>,
      %parallel_loop3A_450 = vector.shape_cast %parallel_loop3A_449 : vector<1x16xf32> to vector<16xf32>
      %parallel_loop3A_451 = vector.shape_cast %parallel_loop3A_446 : vector<16xf32> to vector<1x16xf32>
      tpu.vector_store %arg5[%parallel_loop3A_447, %parallel_loop3A_448], %parallel_loop3A_451 {strides = array<i32>} : memref<128x256xf32, #tpu.memory_space<vmem>>, vector<1x16xf32>,
      %parallel_loop3A_452 = arith.mulf %parallel_loop3A_257, %parallel_loop3A_373 : vector<16xf32>
      %parallel_loop3A_453 = arith.index_cast %parallel_loop3A_201 : i32 to index
      %parallel_loop3A_454 = arith.constant 208 : index
      %parallel_loop3A_455 = tpu.vector_load %arg5[%parallel_loop3A_453, %parallel_loop3A_454] {strides = array<i32>} : memref<128x256xf32, #tpu.memory_space<vmem>>, vector<1x16xf32>,
      %parallel_loop3A_456 = vector.shape_cast %parallel_loop3A_455 : vector<1x16xf32> to vector<16xf32>
      %parallel_loop3A_457 = vector.shape_cast %parallel_loop3A_452 : vector<16xf32> to vector<1x16xf32>
      tpu.vector_store %arg5[%parallel_loop3A_453, %parallel_loop3A_454], %parallel_loop3A_457 {strides = array<i32>} : memref<128x256xf32, #tpu.memory_space<vmem>>, vector<1x16xf32>,
      %parallel_loop3A_458 = arith.mulf %parallel_loop3A_261, %parallel_loop3A_373 : vector<16xf32>
      %parallel_loop3A_459 = arith.index_cast %parallel_loop3A_201 : i32 to index
      %parallel_loop3A_460 = arith.constant 224 : index
      %parallel_loop3A_461 = tpu.vector_load %arg5[%parallel_loop3A_459, %parallel_loop3A_460] {strides = array<i32>} : memref<128x256xf32, #tpu.memory_space<vmem>>, vector<1x16xf32>,
      %parallel_loop3A_462 = vector.shape_cast %parallel_loop3A_461 : vector<1x16xf32> to vector<16xf32>
      %parallel_loop3A_463 = vector.shape_cast %parallel_loop3A_458 : vector<16xf32> to vector<1x16xf32>
      tpu.vector_store %arg5[%parallel_loop3A_459, %parallel_loop3A_460], %parallel_loop3A_463 {strides = array<i32>} : memref<128x256xf32, #tpu.memory_space<vmem>>, vector<1x16xf32>,
      %parallel_loop3A_464 = arith.mulf %parallel_loop3A_265, %parallel_loop3A_373 : vector<16xf32>
      %parallel_loop3A_465 = arith.index_cast %parallel_loop3A_201 : i32 to index
      %parallel_loop3A_466 = arith.constant 240 : index
      %parallel_loop3A_467 = tpu.vector_load %arg5[%parallel_loop3A_465, %parallel_loop3A_466] {strides = array<i32>} : memref<128x256xf32, #tpu.memory_space<vmem>>, vector<1x16xf32>,
      %parallel_loop3A_468 = vector.shape_cast %parallel_loop3A_467 : vector<1x16xf32> to vector<16xf32>
      %parallel_loop3A_469 = vector.shape_cast %parallel_loop3A_464 : vector<16xf32> to vector<1x16xf32>
      tpu.vector_store %arg5[%parallel_loop3A_465, %parallel_loop3A_466], %parallel_loop3A_469 {strides = array<i32>} : memref<128x256xf32, #tpu.memory_space<vmem>>, vector<1x16xf32>,
    } {sc.loop_unroll_factor = 2 : i64, sc.parallel_access}
    %mul3A_112 = arith.constant 896 : i32
    %mul3A_113 = arith.muli %add3A, %mul3A_112 : i32
    %add3A_114 = arith.constant 384 : i32
    %add3A_115 = arith.addi %mul3A_113, %add3A_114 : i32
    %dma_start3A_116 = arith.constant 0 : i32
    %dma_start3A_117 = tpu.memref_slice %arg3[%add3A_115, %dma_start3A_116] : memref<28672x256xf32, #tpu.memory_space<hbm>> -> memref<128x256xf32, #tpu.memory_space<hbm>>
    %dma_start3A_118 = arith.constant 0 : i32
    %dma_start3A_119 = tpu.memref_slice %arg3[%add3A_115, %dma_start3A_118] : memref<28672x256xf32, #tpu.memory_space<hbm>> -> memref<128x256xf32, #tpu.memory_space<hbm>>
    tpu.enqueue_dma source(%arg5 : memref<128x256xf32, #tpu.memory_space<vmem>>) target(%dma_start3A_119 : memref<128x256xf32, #tpu.memory_space<hbm>>) target_semaphore(%arg9 : memref<!tpu.dma_semaphore, #tpu.memory_space<semaphore_mem>>)
    %dma_wait3A_120 = arith.constant 0 : i32
    %dma_wait3A_121 = tpu.memref_slice %arg2[%add3A_104, %dma_wait3A_120] : memref<81920x256xf32, #tpu.memory_space<hbm>> -> memref<128x256xf32, #tpu.memory_space<hbm>>
    %dma_wait3A_122 = arith.constant 0 : i32
    %dma_wait3A_123 = tpu.memref_slice %arg2[%add3A_104, %dma_wait3A_122] : memref<81920x256xf32, #tpu.memory_space<hbm>> -> memref<128x256xf32, #tpu.memory_space<hbm>>
    tpu.wait_dma2 semaphore(%arg6 : memref<!tpu.dma_semaphore, #tpu.memory_space<semaphore_mem>>) src(%dma_wait3A_123 : memref<128x256xf32, #tpu.memory_space<hbm>>) dst(%arg4 : memref<128x256xf32, #tpu.memory_space<vmem>>)
    %dma_wait3A_124 = arith.constant 0 : i32
    %dma_wait3A_125 = tpu.memref_slice %arg3[%add3A_115, %dma_wait3A_124] : memref<28672x256xf32, #tpu.memory_space<hbm>> -> memref<128x256xf32, #tpu.memory_space<hbm>>
    %dma_wait3A_126 = arith.constant 0 : i32
    %dma_wait3A_127 = tpu.memref_slice %arg3[%add3A_115, %dma_wait3A_126] : memref<28672x256xf32, #tpu.memory_space<hbm>> -> memref<128x256xf32, #tpu.memory_space<hbm>>
    tpu.wait_dma2 semaphore(%arg9 : memref<!tpu.dma_semaphore, #tpu.memory_space<semaphore_mem>>) src(%arg5 : memref<128x256xf32, #tpu.memory_space<vmem>>) dst(%dma_wait3A_127 : memref<128x256xf32, #tpu.memory_space<hbm>>)
    %mul3A_128 = arith.constant 896 : i32
    %mul3A_129 = arith.muli %add3A, %mul3A_128 : i32
    %add3A_130 = arith.constant 53248 : i32
    %add3A_131 = arith.addi %add3A_130, %mul3A_129 : i32
    %add3A_132 = arith.constant 640 : i32
    %add3A_133 = arith.addi %add3A_131, %add3A_132 : i32
    %dma_start3A_134 = arith.constant 0 : i32
    %dma_start3A_135 = tpu.memref_slice %arg2[%add3A_133, %dma_start3A_134] : memref<81920x256xf32, #tpu.memory_space<hbm>> -> memref<128x256xf32, #tpu.memory_space<hbm>>
    %dma_start3A_136 = arith.constant 0 : i32
    %dma_start3A_137 = tpu.memref_slice %arg2[%add3A_133, %dma_start3A_136] : memref<81920x256xf32, #tpu.memory_space<hbm>> -> memref<128x256xf32, #tpu.memory_space<hbm>>
    tpu.enqueue_dma source(%dma_start3A_137 : memref<128x256xf32, #tpu.memory_space<hbm>>) target(%arg5 : memref<128x256xf32, #tpu.memory_space<vmem>>) target_semaphore(%arg7 : memref<!tpu.dma_semaphore, #tpu.memory_space<semaphore_mem>>)
    %parallel_loop3A_138 = arith.constant 0 : i32
    %parallel_loop3A_139 = arith.constant 128 : i32
    %parallel_loop3A_140 = arith.constant 1 : i32
    scf.for %parallel_loop3A_201 = %parallel_loop3A_138 to %parallel_loop3A_139 step %parallel_loop3A_140  : i32 {
      %parallel_loop3A_202 = arith.index_cast %parallel_loop3A_201 : i32 to index
      %parallel_loop3A_203 = arith.constant 0 : index
      %parallel_loop3A_204 = tpu.vector_load %arg4[%parallel_loop3A_202, %parallel_loop3A_203] {strides = array<i32>} : memref<128x256xf32, #tpu.memory_space<vmem>>, vector<1x16xf32>,
      %parallel_loop3A_205 = vector.shape_cast %parallel_loop3A_204 : vector<1x16xf32> to vector<16xf32>
      %parallel_loop3A_206 = arith.index_cast %parallel_loop3A_201 : i32 to index
      %parallel_loop3A_207 = arith.constant 16 : index
      %parallel_loop3A_208 = tpu.vector_load %arg4[%parallel_loop3A_206, %parallel_loop3A_207] {strides = array<i32>} : memref<128x256xf32, #tpu.memory_space<vmem>>, vector<1x16xf32>,
      %parallel_loop3A_209 = vector.shape_cast %parallel_loop3A_208 : vector<1x16xf32> to vector<16xf32>
      %parallel_loop3A_210 = arith.index_cast %parallel_loop3A_201 : i32 to index
      %parallel_loop3A_211 = arith.constant 32 : index
      %parallel_loop3A_212 = tpu.vector_load %arg4[%parallel_loop3A_210, %parallel_loop3A_211] {strides = array<i32>} : memref<128x256xf32, #tpu.memory_space<vmem>>, vector<1x16xf32>,
      %parallel_loop3A_213 = vector.shape_cast %parallel_loop3A_212 : vector<1x16xf32> to vector<16xf32>
      %parallel_loop3A_214 = arith.index_cast %parallel_loop3A_201 : i32 to index
      %parallel_loop3A_215 = arith.constant 48 : index
      %parallel_loop3A_216 = tpu.vector_load %arg4[%parallel_loop3A_214, %parallel_loop3A_215] {strides = array<i32>} : memref<128x256xf32, #tpu.memory_space<vmem>>, vector<1x16xf32>,
      %parallel_loop3A_217 = vector.shape_cast %parallel_loop3A_216 : vector<1x16xf32> to vector<16xf32>
      %parallel_loop3A_218 = arith.index_cast %parallel_loop3A_201 : i32 to index
      %parallel_loop3A_219 = arith.constant 64 : index
      %parallel_loop3A_220 = tpu.vector_load %arg4[%parallel_loop3A_218, %parallel_loop3A_219] {strides = array<i32>} : memref<128x256xf32, #tpu.memory_space<vmem>>, vector<1x16xf32>,
      %parallel_loop3A_221 = vector.shape_cast %parallel_loop3A_220 : vector<1x16xf32> to vector<16xf32>
      %parallel_loop3A_222 = arith.index_cast %parallel_loop3A_201 : i32 to index
      %parallel_loop3A_223 = arith.constant 80 : index
      %parallel_loop3A_224 = tpu.vector_load %arg4[%parallel_loop3A_222, %parallel_loop3A_223] {strides = array<i32>} : memref<128x256xf32, #tpu.memory_space<vmem>>, vector<1x16xf32>,
      %parallel_loop3A_225 = vector.shape_cast %parallel_loop3A_224 : vector<1x16xf32> to vector<16xf32>
      %parallel_loop3A_226 = arith.index_cast %parallel_loop3A_201 : i32 to index
      %parallel_loop3A_227 = arith.constant 96 : index
      %parallel_loop3A_228 = tpu.vector_load %arg4[%parallel_loop3A_226, %parallel_loop3A_227] {strides = array<i32>} : memref<128x256xf32, #tpu.memory_space<vmem>>, vector<1x16xf32>,
      %parallel_loop3A_229 = vector.shape_cast %parallel_loop3A_228 : vector<1x16xf32> to vector<16xf32>
      %parallel_loop3A_230 = arith.index_cast %parallel_loop3A_201 : i32 to index
      %parallel_loop3A_231 = arith.constant 112 : index
      %parallel_loop3A_232 = tpu.vector_load %arg4[%parallel_loop3A_230, %parallel_loop3A_231] {strides = array<i32>} : memref<128x256xf32, #tpu.memory_space<vmem>>, vector<1x16xf32>,
      %parallel_loop3A_233 = vector.shape_cast %parallel_loop3A_232 : vector<1x16xf32> to vector<16xf32>
      %parallel_loop3A_234 = arith.index_cast %parallel_loop3A_201 : i32 to index
      %parallel_loop3A_235 = arith.constant 128 : index
      %parallel_loop3A_236 = tpu.vector_load %arg4[%parallel_loop3A_234, %parallel_loop3A_235] {strides = array<i32>} : memref<128x256xf32, #tpu.memory_space<vmem>>, vector<1x16xf32>,
      %parallel_loop3A_237 = vector.shape_cast %parallel_loop3A_236 : vector<1x16xf32> to vector<16xf32>
      %parallel_loop3A_238 = arith.index_cast %parallel_loop3A_201 : i32 to index
      %parallel_loop3A_239 = arith.constant 144 : index
      %parallel_loop3A_240 = tpu.vector_load %arg4[%parallel_loop3A_238, %parallel_loop3A_239] {strides = array<i32>} : memref<128x256xf32, #tpu.memory_space<vmem>>, vector<1x16xf32>,
      %parallel_loop3A_241 = vector.shape_cast %parallel_loop3A_240 : vector<1x16xf32> to vector<16xf32>
      %parallel_loop3A_242 = arith.index_cast %parallel_loop3A_201 : i32 to index
      %parallel_loop3A_243 = arith.constant 160 : index
      %parallel_loop3A_244 = tpu.vector_load %arg4[%parallel_loop3A_242, %parallel_loop3A_243] {strides = array<i32>} : memref<128x256xf32, #tpu.memory_space<vmem>>, vector<1x16xf32>,
      %parallel_loop3A_245 = vector.shape_cast %parallel_loop3A_244 : vector<1x16xf32> to vector<16xf32>
      %parallel_loop3A_246 = arith.index_cast %parallel_loop3A_201 : i32 to index
      %parallel_loop3A_247 = arith.constant 176 : index
      %parallel_loop3A_248 = tpu.vector_load %arg4[%parallel_loop3A_246, %parallel_loop3A_247] {strides = array<i32>} : memref<128x256xf32, #tpu.memory_space<vmem>>, vector<1x16xf32>,
      %parallel_loop3A_249 = vector.shape_cast %parallel_loop3A_248 : vector<1x16xf32> to vector<16xf32>
      %parallel_loop3A_250 = arith.index_cast %parallel_loop3A_201 : i32 to index
      %parallel_loop3A_251 = arith.constant 192 : index
      %parallel_loop3A_252 = tpu.vector_load %arg4[%parallel_loop3A_250, %parallel_loop3A_251] {strides = array<i32>} : memref<128x256xf32, #tpu.memory_space<vmem>>, vector<1x16xf32>,
      %parallel_loop3A_253 = vector.shape_cast %parallel_loop3A_252 : vector<1x16xf32> to vector<16xf32>
      %parallel_loop3A_254 = arith.index_cast %parallel_loop3A_201 : i32 to index
      %parallel_loop3A_255 = arith.constant 208 : index
      %parallel_loop3A_256 = tpu.vector_load %arg4[%parallel_loop3A_254, %parallel_loop3A_255] {strides = array<i32>} : memref<128x256xf32, #tpu.memory_space<vmem>>, vector<1x16xf32>,
      %parallel_loop3A_257 = vector.shape_cast %parallel_loop3A_256 : vector<1x16xf32> to vector<16xf32>
      %parallel_loop3A_258 = arith.index_cast %parallel_loop3A_201 : i32 to index
      %parallel_loop3A_259 = arith.constant 224 : index
      %parallel_loop3A_260 = tpu.vector_load %arg4[%parallel_loop3A_258, %parallel_loop3A_259] {strides = array<i32>} : memref<128x256xf32, #tpu.memory_space<vmem>>, vector<1x16xf32>,
      %parallel_loop3A_261 = vector.shape_cast %parallel_loop3A_260 : vector<1x16xf32> to vector<16xf32>
      %parallel_loop3A_262 = arith.index_cast %parallel_loop3A_201 : i32 to index
      %parallel_loop3A_263 = arith.constant 240 : index
      %parallel_loop3A_264 = tpu.vector_load %arg4[%parallel_loop3A_262, %parallel_loop3A_263] {strides = array<i32>} : memref<128x256xf32, #tpu.memory_space<vmem>>, vector<1x16xf32>,
      %parallel_loop3A_265 = vector.shape_cast %parallel_loop3A_264 : vector<1x16xf32> to vector<16xf32>
      %parallel_loop3A_266 = arith.mulf %parallel_loop3A_205, %parallel_loop3A_205 : vector<16xf32>
      %parallel_loop3A_267 = arith.mulf %parallel_loop3A_209, %parallel_loop3A_209 : vector<16xf32>
      %parallel_loop3A_268 = arith.mulf %parallel_loop3A_213, %parallel_loop3A_213 : vector<16xf32>
      %parallel_loop3A_269 = arith.mulf %parallel_loop3A_217, %parallel_loop3A_217 : vector<16xf32>
      %parallel_loop3A_270 = arith.mulf %parallel_loop3A_221, %parallel_loop3A_221 : vector<16xf32>
      %parallel_loop3A_271 = arith.mulf %parallel_loop3A_225, %parallel_loop3A_225 : vector<16xf32>
      %parallel_loop3A_272 = arith.mulf %parallel_loop3A_229, %parallel_loop3A_229 : vector<16xf32>
      %parallel_loop3A_273 = arith.mulf %parallel_loop3A_233, %parallel_loop3A_233 : vector<16xf32>
      %parallel_loop3A_274 = arith.mulf %parallel_loop3A_237, %parallel_loop3A_237 : vector<16xf32>
      %parallel_loop3A_275 = arith.mulf %parallel_loop3A_241, %parallel_loop3A_241 : vector<16xf32>
      %parallel_loop3A_276 = arith.mulf %parallel_loop3A_245, %parallel_loop3A_245 : vector<16xf32>
      %parallel_loop3A_277 = arith.mulf %parallel_loop3A_249, %parallel_loop3A_249 : vector<16xf32>
      %parallel_loop3A_278 = arith.mulf %parallel_loop3A_253, %parallel_loop3A_253 : vector<16xf32>
      %parallel_loop3A_279 = arith.mulf %parallel_loop3A_257, %parallel_loop3A_257 : vector<16xf32>
      %parallel_loop3A_280 = arith.mulf %parallel_loop3A_261, %parallel_loop3A_261 : vector<16xf32>
      %parallel_loop3A_281 = arith.mulf %parallel_loop3A_265, %parallel_loop3A_265 : vector<16xf32>
      %parallel_loop3A_282 = arith.addf %parallel_loop3A_266, %parallel_loop3A_267 : vector<16xf32>
      %parallel_loop3A_283 = arith.addf %parallel_loop3A_268, %parallel_loop3A_269 : vector<16xf32>
      %parallel_loop3A_284 = arith.addf %parallel_loop3A_270, %parallel_loop3A_271 : vector<16xf32>
      %parallel_loop3A_285 = arith.addf %parallel_loop3A_272, %parallel_loop3A_273 : vector<16xf32>
      %parallel_loop3A_286 = arith.addf %parallel_loop3A_274, %parallel_loop3A_275 : vector<16xf32>
      %parallel_loop3A_287 = arith.addf %parallel_loop3A_276, %parallel_loop3A_277 : vector<16xf32>
      %parallel_loop3A_288 = arith.addf %parallel_loop3A_278, %parallel_loop3A_279 : vector<16xf32>
      %parallel_loop3A_289 = arith.addf %parallel_loop3A_280, %parallel_loop3A_281 : vector<16xf32>
      %parallel_loop3A_290 = arith.addf %parallel_loop3A_282, %parallel_loop3A_283 : vector<16xf32>
      %parallel_loop3A_291 = arith.addf %parallel_loop3A_284, %parallel_loop3A_285 : vector<16xf32>
      %parallel_loop3A_292 = arith.addf %parallel_loop3A_286, %parallel_loop3A_287 : vector<16xf32>
      %parallel_loop3A_293 = arith.addf %parallel_loop3A_288, %parallel_loop3A_289 : vector<16xf32>
      %parallel_loop3A_294 = arith.addf %parallel_loop3A_290, %parallel_loop3A_291 : vector<16xf32>
      %parallel_loop3A_295 = arith.addf %parallel_loop3A_292, %parallel_loop3A_293 : vector<16xf32>
      %parallel_loop3A_296 = arith.addf %parallel_loop3A_294, %parallel_loop3A_295 : vector<16xf32>
      %parallel_loop3A_297 = tpu.iota {dimensions = array<i32: 0>} : vector<16xi32>
      %parallel_loop3A_298 = arith.constant 1 : i32
      %parallel_loop3A_299 = vector.broadcast %parallel_loop3A_298 : i32 to vector<16xi32>
      %parallel_loop3A_300 = arith.xori %parallel_loop3A_297, %parallel_loop3A_299 : vector<16xi32>
      %parallel_loop3A_301 = arith.constant 0 : i32
      %parallel_loop3A_302 = vector.broadcast %parallel_loop3A_301 : i32 to vector<16xi32>
      %parallel_loop3A_303 = arith.cmpi slt, %parallel_loop3A_300, %parallel_loop3A_302 : vector<16xi32>
      %parallel_loop3A_304 = arith.constant 16 : i32
      %parallel_loop3A_305 = vector.broadcast %parallel_loop3A_304 : i32 to vector<16xi32>
      %parallel_loop3A_306 = arith.addi %parallel_loop3A_300, %parallel_loop3A_305 : vector<16xi32>
      %parallel_loop3A_307 = arith.select %parallel_loop3A_303, %parallel_loop3A_306, %parallel_loop3A_300 : vector<16xi1>, vector<16xi32>
      %parallel_loop3A_308 = vector.shape_cast %parallel_loop3A_307 : vector<16xi32> to vector<16x1xi32>
      %parallel_loop3A_309 = vector.shape_cast %parallel_loop3A_308 : vector<16x1xi32> to vector<16xi32>
      %parallel_loop3A_310 = tpu.dynamic_gather %parallel_loop3A_296[%parallel_loop3A_309] in [0] : vector<16xf32>, vector<16xi32> -> vector<16xf32>
      %parallel_loop3A_311 = arith.addf %parallel_loop3A_296, %parallel_loop3A_310 : vector<16xf32>
      %parallel_loop3A_312 = arith.constant 2 : i32
      %parallel_loop3A_313 = vector.broadcast %parallel_loop3A_312 : i32 to vector<16xi32>
      %parallel_loop3A_314 = arith.xori %parallel_loop3A_297, %parallel_loop3A_313 : vector<16xi32>
      %parallel_loop3A_315 = arith.constant 0 : i32
      %parallel_loop3A_316 = vector.broadcast %parallel_loop3A_315 : i32 to vector<16xi32>
      %parallel_loop3A_317 = arith.cmpi slt, %parallel_loop3A_314, %parallel_loop3A_316 : vector<16xi32>
      %parallel_loop3A_318 = arith.constant 16 : i32
      %parallel_loop3A_319 = vector.broadcast %parallel_loop3A_318 : i32 to vector<16xi32>
      %parallel_loop3A_320 = arith.addi %parallel_loop3A_314, %parallel_loop3A_319 : vector<16xi32>
      %parallel_loop3A_321 = arith.select %parallel_loop3A_317, %parallel_loop3A_320, %parallel_loop3A_314 : vector<16xi1>, vector<16xi32>
      %parallel_loop3A_322 = vector.shape_cast %parallel_loop3A_321 : vector<16xi32> to vector<16x1xi32>
      %parallel_loop3A_323 = vector.shape_cast %parallel_loop3A_322 : vector<16x1xi32> to vector<16xi32>
      %parallel_loop3A_324 = tpu.dynamic_gather %parallel_loop3A_311[%parallel_loop3A_323] in [0] : vector<16xf32>, vector<16xi32> -> vector<16xf32>
      %parallel_loop3A_325 = arith.addf %parallel_loop3A_311, %parallel_loop3A_324 : vector<16xf32>
      %parallel_loop3A_326 = arith.constant 4 : i32
      %parallel_loop3A_327 = vector.broadcast %parallel_loop3A_326 : i32 to vector<16xi32>
      %parallel_loop3A_328 = arith.xori %parallel_loop3A_297, %parallel_loop3A_327 : vector<16xi32>
      %parallel_loop3A_329 = arith.constant 0 : i32
      %parallel_loop3A_330 = vector.broadcast %parallel_loop3A_329 : i32 to vector<16xi32>
      %parallel_loop3A_331 = arith.cmpi slt, %parallel_loop3A_328, %parallel_loop3A_330 : vector<16xi32>
      %parallel_loop3A_332 = arith.constant 16 : i32
      %parallel_loop3A_333 = vector.broadcast %parallel_loop3A_332 : i32 to vector<16xi32>
      %parallel_loop3A_334 = arith.addi %parallel_loop3A_328, %parallel_loop3A_333 : vector<16xi32>
      %parallel_loop3A_335 = arith.select %parallel_loop3A_331, %parallel_loop3A_334, %parallel_loop3A_328 : vector<16xi1>, vector<16xi32>
      %parallel_loop3A_336 = vector.shape_cast %parallel_loop3A_335 : vector<16xi32> to vector<16x1xi32>
      %parallel_loop3A_337 = vector.shape_cast %parallel_loop3A_336 : vector<16x1xi32> to vector<16xi32>
      %parallel_loop3A_338 = tpu.dynamic_gather %parallel_loop3A_325[%parallel_loop3A_337] in [0] : vector<16xf32>, vector<16xi32> -> vector<16xf32>
      %parallel_loop3A_339 = arith.addf %parallel_loop3A_325, %parallel_loop3A_338 : vector<16xf32>
      %parallel_loop3A_340 = arith.constant 8 : i32
      %parallel_loop3A_341 = vector.broadcast %parallel_loop3A_340 : i32 to vector<16xi32>
      %parallel_loop3A_342 = arith.xori %parallel_loop3A_297, %parallel_loop3A_341 : vector<16xi32>
      %parallel_loop3A_343 = arith.constant 0 : i32
      %parallel_loop3A_344 = vector.broadcast %parallel_loop3A_343 : i32 to vector<16xi32>
      %parallel_loop3A_345 = arith.cmpi slt, %parallel_loop3A_342, %parallel_loop3A_344 : vector<16xi32>
      %parallel_loop3A_346 = arith.constant 16 : i32
      %parallel_loop3A_347 = vector.broadcast %parallel_loop3A_346 : i32 to vector<16xi32>
      %parallel_loop3A_348 = arith.addi %parallel_loop3A_342, %parallel_loop3A_347 : vector<16xi32>
      %parallel_loop3A_349 = arith.select %parallel_loop3A_345, %parallel_loop3A_348, %parallel_loop3A_342 : vector<16xi1>, vector<16xi32>
      %parallel_loop3A_350 = vector.shape_cast %parallel_loop3A_349 : vector<16xi32> to vector<16x1xi32>
      %parallel_loop3A_351 = vector.shape_cast %parallel_loop3A_350 : vector<16x1xi32> to vector<16xi32>
      %parallel_loop3A_352 = tpu.dynamic_gather %parallel_loop3A_339[%parallel_loop3A_351] in [0] : vector<16xf32>, vector<16xi32> -> vector<16xf32>
      %parallel_loop3A_353 = arith.addf %parallel_loop3A_339, %parallel_loop3A_352 : vector<16xf32>
      %parallel_loop3A_354 = arith.constant 1.000000e-24 : f32
      %parallel_loop3A_355 = vector.broadcast %parallel_loop3A_354 : f32 to vector<16xf32>
      %parallel_loop3A_356 = arith.maximumf %parallel_loop3A_353, %parallel_loop3A_355 : vector<16xf32>
      %parallel_loop3A_357 = tpu.bitcast %parallel_loop3A_356 : vector<16xf32> -> vector<16xi32>
      %parallel_loop3A_358 = arith.constant 1 : i32
      %parallel_loop3A_359 = vector.broadcast %parallel_loop3A_358 : i32 to vector<16xi32>
      %parallel_loop3A_360 = arith.shrsi %parallel_loop3A_357, %parallel_loop3A_359 : vector<16xi32>
      %parallel_loop3A_361 = arith.constant 1597463007 : i32
      %parallel_loop3A_362 = vector.broadcast %parallel_loop3A_361 : i32 to vector<16xi32>
      %parallel_loop3A_363 = arith.subi %parallel_loop3A_362, %parallel_loop3A_360 : vector<16xi32>
      %parallel_loop3A_364 = tpu.bitcast %parallel_loop3A_363 : vector<16xi32> -> vector<16xf32>
      %parallel_loop3A_365 = arith.constant 5.000000e-01 : f32
      %parallel_loop3A_366 = vector.broadcast %parallel_loop3A_365 : f32 to vector<16xf32>
      %parallel_loop3A_367 = arith.mulf %parallel_loop3A_366, %parallel_loop3A_356 : vector<16xf32>
      %parallel_loop3A_368 = arith.mulf %parallel_loop3A_367, %parallel_loop3A_364 : vector<16xf32>
      %parallel_loop3A_369 = arith.mulf %parallel_loop3A_368, %parallel_loop3A_364 : vector<16xf32>
      %parallel_loop3A_370 = arith.constant 1.500000e+00 : f32
      %parallel_loop3A_371 = vector.broadcast %parallel_loop3A_370 : f32 to vector<16xf32>
      %parallel_loop3A_372 = arith.subf %parallel_loop3A_371, %parallel_loop3A_369 : vector<16xf32>
      %parallel_loop3A_373 = arith.mulf %parallel_loop3A_364, %parallel_loop3A_372 : vector<16xf32>
      %parallel_loop3A_374 = arith.mulf %parallel_loop3A_205, %parallel_loop3A_373 : vector<16xf32>
      %parallel_loop3A_375 = arith.index_cast %parallel_loop3A_201 : i32 to index
      %parallel_loop3A_376 = arith.constant 0 : index
      %parallel_loop3A_377 = tpu.vector_load %arg4[%parallel_loop3A_375, %parallel_loop3A_376] {strides = array<i32>} : memref<128x256xf32, #tpu.memory_space<vmem>>, vector<1x16xf32>,
      %parallel_loop3A_378 = vector.shape_cast %parallel_loop3A_377 : vector<1x16xf32> to vector<16xf32>
      %parallel_loop3A_379 = vector.shape_cast %parallel_loop3A_374 : vector<16xf32> to vector<1x16xf32>
      tpu.vector_store %arg4[%parallel_loop3A_375, %parallel_loop3A_376], %parallel_loop3A_379 {strides = array<i32>} : memref<128x256xf32, #tpu.memory_space<vmem>>, vector<1x16xf32>,
      %parallel_loop3A_380 = arith.mulf %parallel_loop3A_209, %parallel_loop3A_373 : vector<16xf32>
      %parallel_loop3A_381 = arith.index_cast %parallel_loop3A_201 : i32 to index
      %parallel_loop3A_382 = arith.constant 16 : index
      %parallel_loop3A_383 = tpu.vector_load %arg4[%parallel_loop3A_381, %parallel_loop3A_382] {strides = array<i32>} : memref<128x256xf32, #tpu.memory_space<vmem>>, vector<1x16xf32>,
      %parallel_loop3A_384 = vector.shape_cast %parallel_loop3A_383 : vector<1x16xf32> to vector<16xf32>
      %parallel_loop3A_385 = vector.shape_cast %parallel_loop3A_380 : vector<16xf32> to vector<1x16xf32>
      tpu.vector_store %arg4[%parallel_loop3A_381, %parallel_loop3A_382], %parallel_loop3A_385 {strides = array<i32>} : memref<128x256xf32, #tpu.memory_space<vmem>>, vector<1x16xf32>,
      %parallel_loop3A_386 = arith.mulf %parallel_loop3A_213, %parallel_loop3A_373 : vector<16xf32>
      %parallel_loop3A_387 = arith.index_cast %parallel_loop3A_201 : i32 to index
      %parallel_loop3A_388 = arith.constant 32 : index
      %parallel_loop3A_389 = tpu.vector_load %arg4[%parallel_loop3A_387, %parallel_loop3A_388] {strides = array<i32>} : memref<128x256xf32, #tpu.memory_space<vmem>>, vector<1x16xf32>,
      %parallel_loop3A_390 = vector.shape_cast %parallel_loop3A_389 : vector<1x16xf32> to vector<16xf32>
      %parallel_loop3A_391 = vector.shape_cast %parallel_loop3A_386 : vector<16xf32> to vector<1x16xf32>
      tpu.vector_store %arg4[%parallel_loop3A_387, %parallel_loop3A_388], %parallel_loop3A_391 {strides = array<i32>} : memref<128x256xf32, #tpu.memory_space<vmem>>, vector<1x16xf32>,
      %parallel_loop3A_392 = arith.mulf %parallel_loop3A_217, %parallel_loop3A_373 : vector<16xf32>
      %parallel_loop3A_393 = arith.index_cast %parallel_loop3A_201 : i32 to index
      %parallel_loop3A_394 = arith.constant 48 : index
      %parallel_loop3A_395 = tpu.vector_load %arg4[%parallel_loop3A_393, %parallel_loop3A_394] {strides = array<i32>} : memref<128x256xf32, #tpu.memory_space<vmem>>, vector<1x16xf32>,
      %parallel_loop3A_396 = vector.shape_cast %parallel_loop3A_395 : vector<1x16xf32> to vector<16xf32>
      %parallel_loop3A_397 = vector.shape_cast %parallel_loop3A_392 : vector<16xf32> to vector<1x16xf32>
      tpu.vector_store %arg4[%parallel_loop3A_393, %parallel_loop3A_394], %parallel_loop3A_397 {strides = array<i32>} : memref<128x256xf32, #tpu.memory_space<vmem>>, vector<1x16xf32>,
      %parallel_loop3A_398 = arith.mulf %parallel_loop3A_221, %parallel_loop3A_373 : vector<16xf32>
      %parallel_loop3A_399 = arith.index_cast %parallel_loop3A_201 : i32 to index
      %parallel_loop3A_400 = arith.constant 64 : index
      %parallel_loop3A_401 = tpu.vector_load %arg4[%parallel_loop3A_399, %parallel_loop3A_400] {strides = array<i32>} : memref<128x256xf32, #tpu.memory_space<vmem>>, vector<1x16xf32>,
      %parallel_loop3A_402 = vector.shape_cast %parallel_loop3A_401 : vector<1x16xf32> to vector<16xf32>
      %parallel_loop3A_403 = vector.shape_cast %parallel_loop3A_398 : vector<16xf32> to vector<1x16xf32>
      tpu.vector_store %arg4[%parallel_loop3A_399, %parallel_loop3A_400], %parallel_loop3A_403 {strides = array<i32>} : memref<128x256xf32, #tpu.memory_space<vmem>>, vector<1x16xf32>,
      %parallel_loop3A_404 = arith.mulf %parallel_loop3A_225, %parallel_loop3A_373 : vector<16xf32>
      %parallel_loop3A_405 = arith.index_cast %parallel_loop3A_201 : i32 to index
      %parallel_loop3A_406 = arith.constant 80 : index
      %parallel_loop3A_407 = tpu.vector_load %arg4[%parallel_loop3A_405, %parallel_loop3A_406] {strides = array<i32>} : memref<128x256xf32, #tpu.memory_space<vmem>>, vector<1x16xf32>,
      %parallel_loop3A_408 = vector.shape_cast %parallel_loop3A_407 : vector<1x16xf32> to vector<16xf32>
      %parallel_loop3A_409 = vector.shape_cast %parallel_loop3A_404 : vector<16xf32> to vector<1x16xf32>
      tpu.vector_store %arg4[%parallel_loop3A_405, %parallel_loop3A_406], %parallel_loop3A_409 {strides = array<i32>} : memref<128x256xf32, #tpu.memory_space<vmem>>, vector<1x16xf32>,
      %parallel_loop3A_410 = arith.mulf %parallel_loop3A_229, %parallel_loop3A_373 : vector<16xf32>
      %parallel_loop3A_411 = arith.index_cast %parallel_loop3A_201 : i32 to index
      %parallel_loop3A_412 = arith.constant 96 : index
      %parallel_loop3A_413 = tpu.vector_load %arg4[%parallel_loop3A_411, %parallel_loop3A_412] {strides = array<i32>} : memref<128x256xf32, #tpu.memory_space<vmem>>, vector<1x16xf32>,
      %parallel_loop3A_414 = vector.shape_cast %parallel_loop3A_413 : vector<1x16xf32> to vector<16xf32>
      %parallel_loop3A_415 = vector.shape_cast %parallel_loop3A_410 : vector<16xf32> to vector<1x16xf32>
      tpu.vector_store %arg4[%parallel_loop3A_411, %parallel_loop3A_412], %parallel_loop3A_415 {strides = array<i32>} : memref<128x256xf32, #tpu.memory_space<vmem>>, vector<1x16xf32>,
      %parallel_loop3A_416 = arith.mulf %parallel_loop3A_233, %parallel_loop3A_373 : vector<16xf32>
      %parallel_loop3A_417 = arith.index_cast %parallel_loop3A_201 : i32 to index
      %parallel_loop3A_418 = arith.constant 112 : index
      %parallel_loop3A_419 = tpu.vector_load %arg4[%parallel_loop3A_417, %parallel_loop3A_418] {strides = array<i32>} : memref<128x256xf32, #tpu.memory_space<vmem>>, vector<1x16xf32>,
      %parallel_loop3A_420 = vector.shape_cast %parallel_loop3A_419 : vector<1x16xf32> to vector<16xf32>
      %parallel_loop3A_421 = vector.shape_cast %parallel_loop3A_416 : vector<16xf32> to vector<1x16xf32>
      tpu.vector_store %arg4[%parallel_loop3A_417, %parallel_loop3A_418], %parallel_loop3A_421 {strides = array<i32>} : memref<128x256xf32, #tpu.memory_space<vmem>>, vector<1x16xf32>,
      %parallel_loop3A_422 = arith.mulf %parallel_loop3A_237, %parallel_loop3A_373 : vector<16xf32>
      %parallel_loop3A_423 = arith.index_cast %parallel_loop3A_201 : i32 to index
      %parallel_loop3A_424 = arith.constant 128 : index
      %parallel_loop3A_425 = tpu.vector_load %arg4[%parallel_loop3A_423, %parallel_loop3A_424] {strides = array<i32>} : memref<128x256xf32, #tpu.memory_space<vmem>>, vector<1x16xf32>,
      %parallel_loop3A_426 = vector.shape_cast %parallel_loop3A_425 : vector<1x16xf32> to vector<16xf32>
      %parallel_loop3A_427 = vector.shape_cast %parallel_loop3A_422 : vector<16xf32> to vector<1x16xf32>
      tpu.vector_store %arg4[%parallel_loop3A_423, %parallel_loop3A_424], %parallel_loop3A_427 {strides = array<i32>} : memref<128x256xf32, #tpu.memory_space<vmem>>, vector<1x16xf32>,
      %parallel_loop3A_428 = arith.mulf %parallel_loop3A_241, %parallel_loop3A_373 : vector<16xf32>
      %parallel_loop3A_429 = arith.index_cast %parallel_loop3A_201 : i32 to index
      %parallel_loop3A_430 = arith.constant 144 : index
      %parallel_loop3A_431 = tpu.vector_load %arg4[%parallel_loop3A_429, %parallel_loop3A_430] {strides = array<i32>} : memref<128x256xf32, #tpu.memory_space<vmem>>, vector<1x16xf32>,
      %parallel_loop3A_432 = vector.shape_cast %parallel_loop3A_431 : vector<1x16xf32> to vector<16xf32>
      %parallel_loop3A_433 = vector.shape_cast %parallel_loop3A_428 : vector<16xf32> to vector<1x16xf32>
      tpu.vector_store %arg4[%parallel_loop3A_429, %parallel_loop3A_430], %parallel_loop3A_433 {strides = array<i32>} : memref<128x256xf32, #tpu.memory_space<vmem>>, vector<1x16xf32>,
      %parallel_loop3A_434 = arith.mulf %parallel_loop3A_245, %parallel_loop3A_373 : vector<16xf32>
      %parallel_loop3A_435 = arith.index_cast %parallel_loop3A_201 : i32 to index
      %parallel_loop3A_436 = arith.constant 160 : index
      %parallel_loop3A_437 = tpu.vector_load %arg4[%parallel_loop3A_435, %parallel_loop3A_436] {strides = array<i32>} : memref<128x256xf32, #tpu.memory_space<vmem>>, vector<1x16xf32>,
      %parallel_loop3A_438 = vector.shape_cast %parallel_loop3A_437 : vector<1x16xf32> to vector<16xf32>
      %parallel_loop3A_439 = vector.shape_cast %parallel_loop3A_434 : vector<16xf32> to vector<1x16xf32>
      tpu.vector_store %arg4[%parallel_loop3A_435, %parallel_loop3A_436], %parallel_loop3A_439 {strides = array<i32>} : memref<128x256xf32, #tpu.memory_space<vmem>>, vector<1x16xf32>,
      %parallel_loop3A_440 = arith.mulf %parallel_loop3A_249, %parallel_loop3A_373 : vector<16xf32>
      %parallel_loop3A_441 = arith.index_cast %parallel_loop3A_201 : i32 to index
      %parallel_loop3A_442 = arith.constant 176 : index
      %parallel_loop3A_443 = tpu.vector_load %arg4[%parallel_loop3A_441, %parallel_loop3A_442] {strides = array<i32>} : memref<128x256xf32, #tpu.memory_space<vmem>>, vector<1x16xf32>,
      %parallel_loop3A_444 = vector.shape_cast %parallel_loop3A_443 : vector<1x16xf32> to vector<16xf32>
      %parallel_loop3A_445 = vector.shape_cast %parallel_loop3A_440 : vector<16xf32> to vector<1x16xf32>
      tpu.vector_store %arg4[%parallel_loop3A_441, %parallel_loop3A_442], %parallel_loop3A_445 {strides = array<i32>} : memref<128x256xf32, #tpu.memory_space<vmem>>, vector<1x16xf32>,
      %parallel_loop3A_446 = arith.mulf %parallel_loop3A_253, %parallel_loop3A_373 : vector<16xf32>
      %parallel_loop3A_447 = arith.index_cast %parallel_loop3A_201 : i32 to index
      %parallel_loop3A_448 = arith.constant 192 : index
      %parallel_loop3A_449 = tpu.vector_load %arg4[%parallel_loop3A_447, %parallel_loop3A_448] {strides = array<i32>} : memref<128x256xf32, #tpu.memory_space<vmem>>, vector<1x16xf32>,
      %parallel_loop3A_450 = vector.shape_cast %parallel_loop3A_449 : vector<1x16xf32> to vector<16xf32>
      %parallel_loop3A_451 = vector.shape_cast %parallel_loop3A_446 : vector<16xf32> to vector<1x16xf32>
      tpu.vector_store %arg4[%parallel_loop3A_447, %parallel_loop3A_448], %parallel_loop3A_451 {strides = array<i32>} : memref<128x256xf32, #tpu.memory_space<vmem>>, vector<1x16xf32>,
      %parallel_loop3A_452 = arith.mulf %parallel_loop3A_257, %parallel_loop3A_373 : vector<16xf32>
      %parallel_loop3A_453 = arith.index_cast %parallel_loop3A_201 : i32 to index
      %parallel_loop3A_454 = arith.constant 208 : index
      %parallel_loop3A_455 = tpu.vector_load %arg4[%parallel_loop3A_453, %parallel_loop3A_454] {strides = array<i32>} : memref<128x256xf32, #tpu.memory_space<vmem>>, vector<1x16xf32>,
      %parallel_loop3A_456 = vector.shape_cast %parallel_loop3A_455 : vector<1x16xf32> to vector<16xf32>
      %parallel_loop3A_457 = vector.shape_cast %parallel_loop3A_452 : vector<16xf32> to vector<1x16xf32>
      tpu.vector_store %arg4[%parallel_loop3A_453, %parallel_loop3A_454], %parallel_loop3A_457 {strides = array<i32>} : memref<128x256xf32, #tpu.memory_space<vmem>>, vector<1x16xf32>,
      %parallel_loop3A_458 = arith.mulf %parallel_loop3A_261, %parallel_loop3A_373 : vector<16xf32>
      %parallel_loop3A_459 = arith.index_cast %parallel_loop3A_201 : i32 to index
      %parallel_loop3A_460 = arith.constant 224 : index
      %parallel_loop3A_461 = tpu.vector_load %arg4[%parallel_loop3A_459, %parallel_loop3A_460] {strides = array<i32>} : memref<128x256xf32, #tpu.memory_space<vmem>>, vector<1x16xf32>,
      %parallel_loop3A_462 = vector.shape_cast %parallel_loop3A_461 : vector<1x16xf32> to vector<16xf32>
      %parallel_loop3A_463 = vector.shape_cast %parallel_loop3A_458 : vector<16xf32> to vector<1x16xf32>
      tpu.vector_store %arg4[%parallel_loop3A_459, %parallel_loop3A_460], %parallel_loop3A_463 {strides = array<i32>} : memref<128x256xf32, #tpu.memory_space<vmem>>, vector<1x16xf32>,
      %parallel_loop3A_464 = arith.mulf %parallel_loop3A_265, %parallel_loop3A_373 : vector<16xf32>
      %parallel_loop3A_465 = arith.index_cast %parallel_loop3A_201 : i32 to index
      %parallel_loop3A_466 = arith.constant 240 : index
      %parallel_loop3A_467 = tpu.vector_load %arg4[%parallel_loop3A_465, %parallel_loop3A_466] {strides = array<i32>} : memref<128x256xf32, #tpu.memory_space<vmem>>, vector<1x16xf32>,
      %parallel_loop3A_468 = vector.shape_cast %parallel_loop3A_467 : vector<1x16xf32> to vector<16xf32>
      %parallel_loop3A_469 = vector.shape_cast %parallel_loop3A_464 : vector<16xf32> to vector<1x16xf32>
      tpu.vector_store %arg4[%parallel_loop3A_465, %parallel_loop3A_466], %parallel_loop3A_469 {strides = array<i32>} : memref<128x256xf32, #tpu.memory_space<vmem>>, vector<1x16xf32>,
    } {sc.loop_unroll_factor = 2 : i64, sc.parallel_access}
    %mul3A_141 = arith.constant 896 : i32
    %mul3A_142 = arith.muli %add3A, %mul3A_141 : i32
    %add3A_143 = arith.constant 512 : i32
    %add3A_144 = arith.addi %mul3A_142, %add3A_143 : i32
    %dma_start3A_145 = arith.constant 0 : i32
    %dma_start3A_146 = tpu.memref_slice %arg3[%add3A_144, %dma_start3A_145] : memref<28672x256xf32, #tpu.memory_space<hbm>> -> memref<128x256xf32, #tpu.memory_space<hbm>>
    %dma_start3A_147 = arith.constant 0 : i32
    %dma_start3A_148 = tpu.memref_slice %arg3[%add3A_144, %dma_start3A_147] : memref<28672x256xf32, #tpu.memory_space<hbm>> -> memref<128x256xf32, #tpu.memory_space<hbm>>
    tpu.enqueue_dma source(%arg4 : memref<128x256xf32, #tpu.memory_space<vmem>>) target(%dma_start3A_148 : memref<128x256xf32, #tpu.memory_space<hbm>>) target_semaphore(%arg8 : memref<!tpu.dma_semaphore, #tpu.memory_space<semaphore_mem>>)
    %dma_wait3A_149 = arith.constant 0 : i32
    %dma_wait3A_150 = tpu.memref_slice %arg2[%add3A_133, %dma_wait3A_149] : memref<81920x256xf32, #tpu.memory_space<hbm>> -> memref<128x256xf32, #tpu.memory_space<hbm>>
    %dma_wait3A_151 = arith.constant 0 : i32
    %dma_wait3A_152 = tpu.memref_slice %arg2[%add3A_133, %dma_wait3A_151] : memref<81920x256xf32, #tpu.memory_space<hbm>> -> memref<128x256xf32, #tpu.memory_space<hbm>>
    tpu.wait_dma2 semaphore(%arg7 : memref<!tpu.dma_semaphore, #tpu.memory_space<semaphore_mem>>) src(%dma_wait3A_152 : memref<128x256xf32, #tpu.memory_space<hbm>>) dst(%arg5 : memref<128x256xf32, #tpu.memory_space<vmem>>)
    %dma_wait3A_153 = arith.constant 0 : i32
    %dma_wait3A_154 = tpu.memref_slice %arg3[%add3A_144, %dma_wait3A_153] : memref<28672x256xf32, #tpu.memory_space<hbm>> -> memref<128x256xf32, #tpu.memory_space<hbm>>
    %dma_wait3A_155 = arith.constant 0 : i32
    %dma_wait3A_156 = tpu.memref_slice %arg3[%add3A_144, %dma_wait3A_155] : memref<28672x256xf32, #tpu.memory_space<hbm>> -> memref<128x256xf32, #tpu.memory_space<hbm>>
    tpu.wait_dma2 semaphore(%arg8 : memref<!tpu.dma_semaphore, #tpu.memory_space<semaphore_mem>>) src(%arg4 : memref<128x256xf32, #tpu.memory_space<vmem>>) dst(%dma_wait3A_156 : memref<128x256xf32, #tpu.memory_space<hbm>>)
    %mul3A_157 = arith.constant 896 : i32
    %mul3A_158 = arith.muli %add3A, %mul3A_157 : i32
    %add3A_159 = arith.constant 53248 : i32
    %add3A_160 = arith.addi %add3A_159, %mul3A_158 : i32
    %add3A_161 = arith.constant 768 : i32
    %add3A_162 = arith.addi %add3A_160, %add3A_161 : i32
    %dma_start3A_163 = arith.constant 0 : i32
    %dma_start3A_164 = tpu.memref_slice %arg2[%add3A_162, %dma_start3A_163] : memref<81920x256xf32, #tpu.memory_space<hbm>> -> memref<128x256xf32, #tpu.memory_space<hbm>>
    %dma_start3A_165 = arith.constant 0 : i32
    %dma_start3A_166 = tpu.memref_slice %arg2[%add3A_162, %dma_start3A_165] : memref<81920x256xf32, #tpu.memory_space<hbm>> -> memref<128x256xf32, #tpu.memory_space<hbm>>
    tpu.enqueue_dma source(%dma_start3A_166 : memref<128x256xf32, #tpu.memory_space<hbm>>) target(%arg4 : memref<128x256xf32, #tpu.memory_space<vmem>>) target_semaphore(%arg6 : memref<!tpu.dma_semaphore, #tpu.memory_space<semaphore_mem>>)
    %parallel_loop3A_167 = arith.constant 0 : i32
    %parallel_loop3A_168 = arith.constant 128 : i32
    %parallel_loop3A_169 = arith.constant 1 : i32
    scf.for %parallel_loop3A_201 = %parallel_loop3A_167 to %parallel_loop3A_168 step %parallel_loop3A_169  : i32 {
      %parallel_loop3A_202 = arith.index_cast %parallel_loop3A_201 : i32 to index
      %parallel_loop3A_203 = arith.constant 0 : index
      %parallel_loop3A_204 = tpu.vector_load %arg5[%parallel_loop3A_202, %parallel_loop3A_203] {strides = array<i32>} : memref<128x256xf32, #tpu.memory_space<vmem>>, vector<1x16xf32>,
      %parallel_loop3A_205 = vector.shape_cast %parallel_loop3A_204 : vector<1x16xf32> to vector<16xf32>
      %parallel_loop3A_206 = arith.index_cast %parallel_loop3A_201 : i32 to index
      %parallel_loop3A_207 = arith.constant 16 : index
      %parallel_loop3A_208 = tpu.vector_load %arg5[%parallel_loop3A_206, %parallel_loop3A_207] {strides = array<i32>} : memref<128x256xf32, #tpu.memory_space<vmem>>, vector<1x16xf32>,
      %parallel_loop3A_209 = vector.shape_cast %parallel_loop3A_208 : vector<1x16xf32> to vector<16xf32>
      %parallel_loop3A_210 = arith.index_cast %parallel_loop3A_201 : i32 to index
      %parallel_loop3A_211 = arith.constant 32 : index
      %parallel_loop3A_212 = tpu.vector_load %arg5[%parallel_loop3A_210, %parallel_loop3A_211] {strides = array<i32>} : memref<128x256xf32, #tpu.memory_space<vmem>>, vector<1x16xf32>,
      %parallel_loop3A_213 = vector.shape_cast %parallel_loop3A_212 : vector<1x16xf32> to vector<16xf32>
      %parallel_loop3A_214 = arith.index_cast %parallel_loop3A_201 : i32 to index
      %parallel_loop3A_215 = arith.constant 48 : index
      %parallel_loop3A_216 = tpu.vector_load %arg5[%parallel_loop3A_214, %parallel_loop3A_215] {strides = array<i32>} : memref<128x256xf32, #tpu.memory_space<vmem>>, vector<1x16xf32>,
      %parallel_loop3A_217 = vector.shape_cast %parallel_loop3A_216 : vector<1x16xf32> to vector<16xf32>
      %parallel_loop3A_218 = arith.index_cast %parallel_loop3A_201 : i32 to index
      %parallel_loop3A_219 = arith.constant 64 : index
      %parallel_loop3A_220 = tpu.vector_load %arg5[%parallel_loop3A_218, %parallel_loop3A_219] {strides = array<i32>} : memref<128x256xf32, #tpu.memory_space<vmem>>, vector<1x16xf32>,
      %parallel_loop3A_221 = vector.shape_cast %parallel_loop3A_220 : vector<1x16xf32> to vector<16xf32>
      %parallel_loop3A_222 = arith.index_cast %parallel_loop3A_201 : i32 to index
      %parallel_loop3A_223 = arith.constant 80 : index
      %parallel_loop3A_224 = tpu.vector_load %arg5[%parallel_loop3A_222, %parallel_loop3A_223] {strides = array<i32>} : memref<128x256xf32, #tpu.memory_space<vmem>>, vector<1x16xf32>,
      %parallel_loop3A_225 = vector.shape_cast %parallel_loop3A_224 : vector<1x16xf32> to vector<16xf32>
      %parallel_loop3A_226 = arith.index_cast %parallel_loop3A_201 : i32 to index
      %parallel_loop3A_227 = arith.constant 96 : index
      %parallel_loop3A_228 = tpu.vector_load %arg5[%parallel_loop3A_226, %parallel_loop3A_227] {strides = array<i32>} : memref<128x256xf32, #tpu.memory_space<vmem>>, vector<1x16xf32>,
      %parallel_loop3A_229 = vector.shape_cast %parallel_loop3A_228 : vector<1x16xf32> to vector<16xf32>
      %parallel_loop3A_230 = arith.index_cast %parallel_loop3A_201 : i32 to index
      %parallel_loop3A_231 = arith.constant 112 : index
      %parallel_loop3A_232 = tpu.vector_load %arg5[%parallel_loop3A_230, %parallel_loop3A_231] {strides = array<i32>} : memref<128x256xf32, #tpu.memory_space<vmem>>, vector<1x16xf32>,
      %parallel_loop3A_233 = vector.shape_cast %parallel_loop3A_232 : vector<1x16xf32> to vector<16xf32>
      %parallel_loop3A_234 = arith.index_cast %parallel_loop3A_201 : i32 to index
      %parallel_loop3A_235 = arith.constant 128 : index
      %parallel_loop3A_236 = tpu.vector_load %arg5[%parallel_loop3A_234, %parallel_loop3A_235] {strides = array<i32>} : memref<128x256xf32, #tpu.memory_space<vmem>>, vector<1x16xf32>,
      %parallel_loop3A_237 = vector.shape_cast %parallel_loop3A_236 : vector<1x16xf32> to vector<16xf32>
      %parallel_loop3A_238 = arith.index_cast %parallel_loop3A_201 : i32 to index
      %parallel_loop3A_239 = arith.constant 144 : index
      %parallel_loop3A_240 = tpu.vector_load %arg5[%parallel_loop3A_238, %parallel_loop3A_239] {strides = array<i32>} : memref<128x256xf32, #tpu.memory_space<vmem>>, vector<1x16xf32>,
      %parallel_loop3A_241 = vector.shape_cast %parallel_loop3A_240 : vector<1x16xf32> to vector<16xf32>
      %parallel_loop3A_242 = arith.index_cast %parallel_loop3A_201 : i32 to index
      %parallel_loop3A_243 = arith.constant 160 : index
      %parallel_loop3A_244 = tpu.vector_load %arg5[%parallel_loop3A_242, %parallel_loop3A_243] {strides = array<i32>} : memref<128x256xf32, #tpu.memory_space<vmem>>, vector<1x16xf32>,
      %parallel_loop3A_245 = vector.shape_cast %parallel_loop3A_244 : vector<1x16xf32> to vector<16xf32>
      %parallel_loop3A_246 = arith.index_cast %parallel_loop3A_201 : i32 to index
      %parallel_loop3A_247 = arith.constant 176 : index
      %parallel_loop3A_248 = tpu.vector_load %arg5[%parallel_loop3A_246, %parallel_loop3A_247] {strides = array<i32>} : memref<128x256xf32, #tpu.memory_space<vmem>>, vector<1x16xf32>,
      %parallel_loop3A_249 = vector.shape_cast %parallel_loop3A_248 : vector<1x16xf32> to vector<16xf32>
      %parallel_loop3A_250 = arith.index_cast %parallel_loop3A_201 : i32 to index
      %parallel_loop3A_251 = arith.constant 192 : index
      %parallel_loop3A_252 = tpu.vector_load %arg5[%parallel_loop3A_250, %parallel_loop3A_251] {strides = array<i32>} : memref<128x256xf32, #tpu.memory_space<vmem>>, vector<1x16xf32>,
      %parallel_loop3A_253 = vector.shape_cast %parallel_loop3A_252 : vector<1x16xf32> to vector<16xf32>
      %parallel_loop3A_254 = arith.index_cast %parallel_loop3A_201 : i32 to index
      %parallel_loop3A_255 = arith.constant 208 : index
      %parallel_loop3A_256 = tpu.vector_load %arg5[%parallel_loop3A_254, %parallel_loop3A_255] {strides = array<i32>} : memref<128x256xf32, #tpu.memory_space<vmem>>, vector<1x16xf32>,
      %parallel_loop3A_257 = vector.shape_cast %parallel_loop3A_256 : vector<1x16xf32> to vector<16xf32>
      %parallel_loop3A_258 = arith.index_cast %parallel_loop3A_201 : i32 to index
      %parallel_loop3A_259 = arith.constant 224 : index
      %parallel_loop3A_260 = tpu.vector_load %arg5[%parallel_loop3A_258, %parallel_loop3A_259] {strides = array<i32>} : memref<128x256xf32, #tpu.memory_space<vmem>>, vector<1x16xf32>,
      %parallel_loop3A_261 = vector.shape_cast %parallel_loop3A_260 : vector<1x16xf32> to vector<16xf32>
      %parallel_loop3A_262 = arith.index_cast %parallel_loop3A_201 : i32 to index
      %parallel_loop3A_263 = arith.constant 240 : index
      %parallel_loop3A_264 = tpu.vector_load %arg5[%parallel_loop3A_262, %parallel_loop3A_263] {strides = array<i32>} : memref<128x256xf32, #tpu.memory_space<vmem>>, vector<1x16xf32>,
      %parallel_loop3A_265 = vector.shape_cast %parallel_loop3A_264 : vector<1x16xf32> to vector<16xf32>
      %parallel_loop3A_266 = arith.mulf %parallel_loop3A_205, %parallel_loop3A_205 : vector<16xf32>
      %parallel_loop3A_267 = arith.mulf %parallel_loop3A_209, %parallel_loop3A_209 : vector<16xf32>
      %parallel_loop3A_268 = arith.mulf %parallel_loop3A_213, %parallel_loop3A_213 : vector<16xf32>
      %parallel_loop3A_269 = arith.mulf %parallel_loop3A_217, %parallel_loop3A_217 : vector<16xf32>
      %parallel_loop3A_270 = arith.mulf %parallel_loop3A_221, %parallel_loop3A_221 : vector<16xf32>
      %parallel_loop3A_271 = arith.mulf %parallel_loop3A_225, %parallel_loop3A_225 : vector<16xf32>
      %parallel_loop3A_272 = arith.mulf %parallel_loop3A_229, %parallel_loop3A_229 : vector<16xf32>
      %parallel_loop3A_273 = arith.mulf %parallel_loop3A_233, %parallel_loop3A_233 : vector<16xf32>
      %parallel_loop3A_274 = arith.mulf %parallel_loop3A_237, %parallel_loop3A_237 : vector<16xf32>
      %parallel_loop3A_275 = arith.mulf %parallel_loop3A_241, %parallel_loop3A_241 : vector<16xf32>
      %parallel_loop3A_276 = arith.mulf %parallel_loop3A_245, %parallel_loop3A_245 : vector<16xf32>
      %parallel_loop3A_277 = arith.mulf %parallel_loop3A_249, %parallel_loop3A_249 : vector<16xf32>
      %parallel_loop3A_278 = arith.mulf %parallel_loop3A_253, %parallel_loop3A_253 : vector<16xf32>
      %parallel_loop3A_279 = arith.mulf %parallel_loop3A_257, %parallel_loop3A_257 : vector<16xf32>
      %parallel_loop3A_280 = arith.mulf %parallel_loop3A_261, %parallel_loop3A_261 : vector<16xf32>
      %parallel_loop3A_281 = arith.mulf %parallel_loop3A_265, %parallel_loop3A_265 : vector<16xf32>
      %parallel_loop3A_282 = arith.addf %parallel_loop3A_266, %parallel_loop3A_267 : vector<16xf32>
      %parallel_loop3A_283 = arith.addf %parallel_loop3A_268, %parallel_loop3A_269 : vector<16xf32>
      %parallel_loop3A_284 = arith.addf %parallel_loop3A_270, %parallel_loop3A_271 : vector<16xf32>
      %parallel_loop3A_285 = arith.addf %parallel_loop3A_272, %parallel_loop3A_273 : vector<16xf32>
      %parallel_loop3A_286 = arith.addf %parallel_loop3A_274, %parallel_loop3A_275 : vector<16xf32>
      %parallel_loop3A_287 = arith.addf %parallel_loop3A_276, %parallel_loop3A_277 : vector<16xf32>
      %parallel_loop3A_288 = arith.addf %parallel_loop3A_278, %parallel_loop3A_279 : vector<16xf32>
      %parallel_loop3A_289 = arith.addf %parallel_loop3A_280, %parallel_loop3A_281 : vector<16xf32>
      %parallel_loop3A_290 = arith.addf %parallel_loop3A_282, %parallel_loop3A_283 : vector<16xf32>
      %parallel_loop3A_291 = arith.addf %parallel_loop3A_284, %parallel_loop3A_285 : vector<16xf32>
      %parallel_loop3A_292 = arith.addf %parallel_loop3A_286, %parallel_loop3A_287 : vector<16xf32>
      %parallel_loop3A_293 = arith.addf %parallel_loop3A_288, %parallel_loop3A_289 : vector<16xf32>
      %parallel_loop3A_294 = arith.addf %parallel_loop3A_290, %parallel_loop3A_291 : vector<16xf32>
      %parallel_loop3A_295 = arith.addf %parallel_loop3A_292, %parallel_loop3A_293 : vector<16xf32>
      %parallel_loop3A_296 = arith.addf %parallel_loop3A_294, %parallel_loop3A_295 : vector<16xf32>
      %parallel_loop3A_297 = tpu.iota {dimensions = array<i32: 0>} : vector<16xi32>
      %parallel_loop3A_298 = arith.constant 1 : i32
      %parallel_loop3A_299 = vector.broadcast %parallel_loop3A_298 : i32 to vector<16xi32>
      %parallel_loop3A_300 = arith.xori %parallel_loop3A_297, %parallel_loop3A_299 : vector<16xi32>
      %parallel_loop3A_301 = arith.constant 0 : i32
      %parallel_loop3A_302 = vector.broadcast %parallel_loop3A_301 : i32 to vector<16xi32>
      %parallel_loop3A_303 = arith.cmpi slt, %parallel_loop3A_300, %parallel_loop3A_302 : vector<16xi32>
      %parallel_loop3A_304 = arith.constant 16 : i32
      %parallel_loop3A_305 = vector.broadcast %parallel_loop3A_304 : i32 to vector<16xi32>
      %parallel_loop3A_306 = arith.addi %parallel_loop3A_300, %parallel_loop3A_305 : vector<16xi32>
      %parallel_loop3A_307 = arith.select %parallel_loop3A_303, %parallel_loop3A_306, %parallel_loop3A_300 : vector<16xi1>, vector<16xi32>
      %parallel_loop3A_308 = vector.shape_cast %parallel_loop3A_307 : vector<16xi32> to vector<16x1xi32>
      %parallel_loop3A_309 = vector.shape_cast %parallel_loop3A_308 : vector<16x1xi32> to vector<16xi32>
      %parallel_loop3A_310 = tpu.dynamic_gather %parallel_loop3A_296[%parallel_loop3A_309] in [0] : vector<16xf32>, vector<16xi32> -> vector<16xf32>
      %parallel_loop3A_311 = arith.addf %parallel_loop3A_296, %parallel_loop3A_310 : vector<16xf32>
      %parallel_loop3A_312 = arith.constant 2 : i32
      %parallel_loop3A_313 = vector.broadcast %parallel_loop3A_312 : i32 to vector<16xi32>
      %parallel_loop3A_314 = arith.xori %parallel_loop3A_297, %parallel_loop3A_313 : vector<16xi32>
      %parallel_loop3A_315 = arith.constant 0 : i32
      %parallel_loop3A_316 = vector.broadcast %parallel_loop3A_315 : i32 to vector<16xi32>
      %parallel_loop3A_317 = arith.cmpi slt, %parallel_loop3A_314, %parallel_loop3A_316 : vector<16xi32>
      %parallel_loop3A_318 = arith.constant 16 : i32
      %parallel_loop3A_319 = vector.broadcast %parallel_loop3A_318 : i32 to vector<16xi32>
      %parallel_loop3A_320 = arith.addi %parallel_loop3A_314, %parallel_loop3A_319 : vector<16xi32>
      %parallel_loop3A_321 = arith.select %parallel_loop3A_317, %parallel_loop3A_320, %parallel_loop3A_314 : vector<16xi1>, vector<16xi32>
      %parallel_loop3A_322 = vector.shape_cast %parallel_loop3A_321 : vector<16xi32> to vector<16x1xi32>
      %parallel_loop3A_323 = vector.shape_cast %parallel_loop3A_322 : vector<16x1xi32> to vector<16xi32>
      %parallel_loop3A_324 = tpu.dynamic_gather %parallel_loop3A_311[%parallel_loop3A_323] in [0] : vector<16xf32>, vector<16xi32> -> vector<16xf32>
      %parallel_loop3A_325 = arith.addf %parallel_loop3A_311, %parallel_loop3A_324 : vector<16xf32>
      %parallel_loop3A_326 = arith.constant 4 : i32
      %parallel_loop3A_327 = vector.broadcast %parallel_loop3A_326 : i32 to vector<16xi32>
      %parallel_loop3A_328 = arith.xori %parallel_loop3A_297, %parallel_loop3A_327 : vector<16xi32>
      %parallel_loop3A_329 = arith.constant 0 : i32
      %parallel_loop3A_330 = vector.broadcast %parallel_loop3A_329 : i32 to vector<16xi32>
      %parallel_loop3A_331 = arith.cmpi slt, %parallel_loop3A_328, %parallel_loop3A_330 : vector<16xi32>
      %parallel_loop3A_332 = arith.constant 16 : i32
      %parallel_loop3A_333 = vector.broadcast %parallel_loop3A_332 : i32 to vector<16xi32>
      %parallel_loop3A_334 = arith.addi %parallel_loop3A_328, %parallel_loop3A_333 : vector<16xi32>
      %parallel_loop3A_335 = arith.select %parallel_loop3A_331, %parallel_loop3A_334, %parallel_loop3A_328 : vector<16xi1>, vector<16xi32>
      %parallel_loop3A_336 = vector.shape_cast %parallel_loop3A_335 : vector<16xi32> to vector<16x1xi32>
      %parallel_loop3A_337 = vector.shape_cast %parallel_loop3A_336 : vector<16x1xi32> to vector<16xi32>
      %parallel_loop3A_338 = tpu.dynamic_gather %parallel_loop3A_325[%parallel_loop3A_337] in [0] : vector<16xf32>, vector<16xi32> -> vector<16xf32>
      %parallel_loop3A_339 = arith.addf %parallel_loop3A_325, %parallel_loop3A_338 : vector<16xf32>
      %parallel_loop3A_340 = arith.constant 8 : i32
      %parallel_loop3A_341 = vector.broadcast %parallel_loop3A_340 : i32 to vector<16xi32>
      %parallel_loop3A_342 = arith.xori %parallel_loop3A_297, %parallel_loop3A_341 : vector<16xi32>
      %parallel_loop3A_343 = arith.constant 0 : i32
      %parallel_loop3A_344 = vector.broadcast %parallel_loop3A_343 : i32 to vector<16xi32>
      %parallel_loop3A_345 = arith.cmpi slt, %parallel_loop3A_342, %parallel_loop3A_344 : vector<16xi32>
      %parallel_loop3A_346 = arith.constant 16 : i32
      %parallel_loop3A_347 = vector.broadcast %parallel_loop3A_346 : i32 to vector<16xi32>
      %parallel_loop3A_348 = arith.addi %parallel_loop3A_342, %parallel_loop3A_347 : vector<16xi32>
      %parallel_loop3A_349 = arith.select %parallel_loop3A_345, %parallel_loop3A_348, %parallel_loop3A_342 : vector<16xi1>, vector<16xi32>
      %parallel_loop3A_350 = vector.shape_cast %parallel_loop3A_349 : vector<16xi32> to vector<16x1xi32>
      %parallel_loop3A_351 = vector.shape_cast %parallel_loop3A_350 : vector<16x1xi32> to vector<16xi32>
      %parallel_loop3A_352 = tpu.dynamic_gather %parallel_loop3A_339[%parallel_loop3A_351] in [0] : vector<16xf32>, vector<16xi32> -> vector<16xf32>
      %parallel_loop3A_353 = arith.addf %parallel_loop3A_339, %parallel_loop3A_352 : vector<16xf32>
      %parallel_loop3A_354 = arith.constant 1.000000e-24 : f32
      %parallel_loop3A_355 = vector.broadcast %parallel_loop3A_354 : f32 to vector<16xf32>
      %parallel_loop3A_356 = arith.maximumf %parallel_loop3A_353, %parallel_loop3A_355 : vector<16xf32>
      %parallel_loop3A_357 = tpu.bitcast %parallel_loop3A_356 : vector<16xf32> -> vector<16xi32>
      %parallel_loop3A_358 = arith.constant 1 : i32
      %parallel_loop3A_359 = vector.broadcast %parallel_loop3A_358 : i32 to vector<16xi32>
      %parallel_loop3A_360 = arith.shrsi %parallel_loop3A_357, %parallel_loop3A_359 : vector<16xi32>
      %parallel_loop3A_361 = arith.constant 1597463007 : i32
      %parallel_loop3A_362 = vector.broadcast %parallel_loop3A_361 : i32 to vector<16xi32>
      %parallel_loop3A_363 = arith.subi %parallel_loop3A_362, %parallel_loop3A_360 : vector<16xi32>
      %parallel_loop3A_364 = tpu.bitcast %parallel_loop3A_363 : vector<16xi32> -> vector<16xf32>
      %parallel_loop3A_365 = arith.constant 5.000000e-01 : f32
      %parallel_loop3A_366 = vector.broadcast %parallel_loop3A_365 : f32 to vector<16xf32>
      %parallel_loop3A_367 = arith.mulf %parallel_loop3A_366, %parallel_loop3A_356 : vector<16xf32>
      %parallel_loop3A_368 = arith.mulf %parallel_loop3A_367, %parallel_loop3A_364 : vector<16xf32>
      %parallel_loop3A_369 = arith.mulf %parallel_loop3A_368, %parallel_loop3A_364 : vector<16xf32>
      %parallel_loop3A_370 = arith.constant 1.500000e+00 : f32
      %parallel_loop3A_371 = vector.broadcast %parallel_loop3A_370 : f32 to vector<16xf32>
      %parallel_loop3A_372 = arith.subf %parallel_loop3A_371, %parallel_loop3A_369 : vector<16xf32>
      %parallel_loop3A_373 = arith.mulf %parallel_loop3A_364, %parallel_loop3A_372 : vector<16xf32>
      %parallel_loop3A_374 = arith.mulf %parallel_loop3A_205, %parallel_loop3A_373 : vector<16xf32>
      %parallel_loop3A_375 = arith.index_cast %parallel_loop3A_201 : i32 to index
      %parallel_loop3A_376 = arith.constant 0 : index
      %parallel_loop3A_377 = tpu.vector_load %arg5[%parallel_loop3A_375, %parallel_loop3A_376] {strides = array<i32>} : memref<128x256xf32, #tpu.memory_space<vmem>>, vector<1x16xf32>,
      %parallel_loop3A_378 = vector.shape_cast %parallel_loop3A_377 : vector<1x16xf32> to vector<16xf32>
      %parallel_loop3A_379 = vector.shape_cast %parallel_loop3A_374 : vector<16xf32> to vector<1x16xf32>
      tpu.vector_store %arg5[%parallel_loop3A_375, %parallel_loop3A_376], %parallel_loop3A_379 {strides = array<i32>} : memref<128x256xf32, #tpu.memory_space<vmem>>, vector<1x16xf32>,
      %parallel_loop3A_380 = arith.mulf %parallel_loop3A_209, %parallel_loop3A_373 : vector<16xf32>
      %parallel_loop3A_381 = arith.index_cast %parallel_loop3A_201 : i32 to index
      %parallel_loop3A_382 = arith.constant 16 : index
      %parallel_loop3A_383 = tpu.vector_load %arg5[%parallel_loop3A_381, %parallel_loop3A_382] {strides = array<i32>} : memref<128x256xf32, #tpu.memory_space<vmem>>, vector<1x16xf32>,
      %parallel_loop3A_384 = vector.shape_cast %parallel_loop3A_383 : vector<1x16xf32> to vector<16xf32>
      %parallel_loop3A_385 = vector.shape_cast %parallel_loop3A_380 : vector<16xf32> to vector<1x16xf32>
      tpu.vector_store %arg5[%parallel_loop3A_381, %parallel_loop3A_382], %parallel_loop3A_385 {strides = array<i32>} : memref<128x256xf32, #tpu.memory_space<vmem>>, vector<1x16xf32>,
      %parallel_loop3A_386 = arith.mulf %parallel_loop3A_213, %parallel_loop3A_373 : vector<16xf32>
      %parallel_loop3A_387 = arith.index_cast %parallel_loop3A_201 : i32 to index
      %parallel_loop3A_388 = arith.constant 32 : index
      %parallel_loop3A_389 = tpu.vector_load %arg5[%parallel_loop3A_387, %parallel_loop3A_388] {strides = array<i32>} : memref<128x256xf32, #tpu.memory_space<vmem>>, vector<1x16xf32>,
      %parallel_loop3A_390 = vector.shape_cast %parallel_loop3A_389 : vector<1x16xf32> to vector<16xf32>
      %parallel_loop3A_391 = vector.shape_cast %parallel_loop3A_386 : vector<16xf32> to vector<1x16xf32>
      tpu.vector_store %arg5[%parallel_loop3A_387, %parallel_loop3A_388], %parallel_loop3A_391 {strides = array<i32>} : memref<128x256xf32, #tpu.memory_space<vmem>>, vector<1x16xf32>,
      %parallel_loop3A_392 = arith.mulf %parallel_loop3A_217, %parallel_loop3A_373 : vector<16xf32>
      %parallel_loop3A_393 = arith.index_cast %parallel_loop3A_201 : i32 to index
      %parallel_loop3A_394 = arith.constant 48 : index
      %parallel_loop3A_395 = tpu.vector_load %arg5[%parallel_loop3A_393, %parallel_loop3A_394] {strides = array<i32>} : memref<128x256xf32, #tpu.memory_space<vmem>>, vector<1x16xf32>,
      %parallel_loop3A_396 = vector.shape_cast %parallel_loop3A_395 : vector<1x16xf32> to vector<16xf32>
      %parallel_loop3A_397 = vector.shape_cast %parallel_loop3A_392 : vector<16xf32> to vector<1x16xf32>
      tpu.vector_store %arg5[%parallel_loop3A_393, %parallel_loop3A_394], %parallel_loop3A_397 {strides = array<i32>} : memref<128x256xf32, #tpu.memory_space<vmem>>, vector<1x16xf32>,
      %parallel_loop3A_398 = arith.mulf %parallel_loop3A_221, %parallel_loop3A_373 : vector<16xf32>
      %parallel_loop3A_399 = arith.index_cast %parallel_loop3A_201 : i32 to index
      %parallel_loop3A_400 = arith.constant 64 : index
      %parallel_loop3A_401 = tpu.vector_load %arg5[%parallel_loop3A_399, %parallel_loop3A_400] {strides = array<i32>} : memref<128x256xf32, #tpu.memory_space<vmem>>, vector<1x16xf32>,
      %parallel_loop3A_402 = vector.shape_cast %parallel_loop3A_401 : vector<1x16xf32> to vector<16xf32>
      %parallel_loop3A_403 = vector.shape_cast %parallel_loop3A_398 : vector<16xf32> to vector<1x16xf32>
      tpu.vector_store %arg5[%parallel_loop3A_399, %parallel_loop3A_400], %parallel_loop3A_403 {strides = array<i32>} : memref<128x256xf32, #tpu.memory_space<vmem>>, vector<1x16xf32>,
      %parallel_loop3A_404 = arith.mulf %parallel_loop3A_225, %parallel_loop3A_373 : vector<16xf32>
      %parallel_loop3A_405 = arith.index_cast %parallel_loop3A_201 : i32 to index
      %parallel_loop3A_406 = arith.constant 80 : index
      %parallel_loop3A_407 = tpu.vector_load %arg5[%parallel_loop3A_405, %parallel_loop3A_406] {strides = array<i32>} : memref<128x256xf32, #tpu.memory_space<vmem>>, vector<1x16xf32>,
      %parallel_loop3A_408 = vector.shape_cast %parallel_loop3A_407 : vector<1x16xf32> to vector<16xf32>
      %parallel_loop3A_409 = vector.shape_cast %parallel_loop3A_404 : vector<16xf32> to vector<1x16xf32>
      tpu.vector_store %arg5[%parallel_loop3A_405, %parallel_loop3A_406], %parallel_loop3A_409 {strides = array<i32>} : memref<128x256xf32, #tpu.memory_space<vmem>>, vector<1x16xf32>,
      %parallel_loop3A_410 = arith.mulf %parallel_loop3A_229, %parallel_loop3A_373 : vector<16xf32>
      %parallel_loop3A_411 = arith.index_cast %parallel_loop3A_201 : i32 to index
      %parallel_loop3A_412 = arith.constant 96 : index
      %parallel_loop3A_413 = tpu.vector_load %arg5[%parallel_loop3A_411, %parallel_loop3A_412] {strides = array<i32>} : memref<128x256xf32, #tpu.memory_space<vmem>>, vector<1x16xf32>,
      %parallel_loop3A_414 = vector.shape_cast %parallel_loop3A_413 : vector<1x16xf32> to vector<16xf32>
      %parallel_loop3A_415 = vector.shape_cast %parallel_loop3A_410 : vector<16xf32> to vector<1x16xf32>
      tpu.vector_store %arg5[%parallel_loop3A_411, %parallel_loop3A_412], %parallel_loop3A_415 {strides = array<i32>} : memref<128x256xf32, #tpu.memory_space<vmem>>, vector<1x16xf32>,
      %parallel_loop3A_416 = arith.mulf %parallel_loop3A_233, %parallel_loop3A_373 : vector<16xf32>
      %parallel_loop3A_417 = arith.index_cast %parallel_loop3A_201 : i32 to index
      %parallel_loop3A_418 = arith.constant 112 : index
      %parallel_loop3A_419 = tpu.vector_load %arg5[%parallel_loop3A_417, %parallel_loop3A_418] {strides = array<i32>} : memref<128x256xf32, #tpu.memory_space<vmem>>, vector<1x16xf32>,
      %parallel_loop3A_420 = vector.shape_cast %parallel_loop3A_419 : vector<1x16xf32> to vector<16xf32>
      %parallel_loop3A_421 = vector.shape_cast %parallel_loop3A_416 : vector<16xf32> to vector<1x16xf32>
      tpu.vector_store %arg5[%parallel_loop3A_417, %parallel_loop3A_418], %parallel_loop3A_421 {strides = array<i32>} : memref<128x256xf32, #tpu.memory_space<vmem>>, vector<1x16xf32>,
      %parallel_loop3A_422 = arith.mulf %parallel_loop3A_237, %parallel_loop3A_373 : vector<16xf32>
      %parallel_loop3A_423 = arith.index_cast %parallel_loop3A_201 : i32 to index
      %parallel_loop3A_424 = arith.constant 128 : index
      %parallel_loop3A_425 = tpu.vector_load %arg5[%parallel_loop3A_423, %parallel_loop3A_424] {strides = array<i32>} : memref<128x256xf32, #tpu.memory_space<vmem>>, vector<1x16xf32>,
      %parallel_loop3A_426 = vector.shape_cast %parallel_loop3A_425 : vector<1x16xf32> to vector<16xf32>
      %parallel_loop3A_427 = vector.shape_cast %parallel_loop3A_422 : vector<16xf32> to vector<1x16xf32>
      tpu.vector_store %arg5[%parallel_loop3A_423, %parallel_loop3A_424], %parallel_loop3A_427 {strides = array<i32>} : memref<128x256xf32, #tpu.memory_space<vmem>>, vector<1x16xf32>,
      %parallel_loop3A_428 = arith.mulf %parallel_loop3A_241, %parallel_loop3A_373 : vector<16xf32>
      %parallel_loop3A_429 = arith.index_cast %parallel_loop3A_201 : i32 to index
      %parallel_loop3A_430 = arith.constant 144 : index
      %parallel_loop3A_431 = tpu.vector_load %arg5[%parallel_loop3A_429, %parallel_loop3A_430] {strides = array<i32>} : memref<128x256xf32, #tpu.memory_space<vmem>>, vector<1x16xf32>,
      %parallel_loop3A_432 = vector.shape_cast %parallel_loop3A_431 : vector<1x16xf32> to vector<16xf32>
      %parallel_loop3A_433 = vector.shape_cast %parallel_loop3A_428 : vector<16xf32> to vector<1x16xf32>
      tpu.vector_store %arg5[%parallel_loop3A_429, %parallel_loop3A_430], %parallel_loop3A_433 {strides = array<i32>} : memref<128x256xf32, #tpu.memory_space<vmem>>, vector<1x16xf32>,
      %parallel_loop3A_434 = arith.mulf %parallel_loop3A_245, %parallel_loop3A_373 : vector<16xf32>
      %parallel_loop3A_435 = arith.index_cast %parallel_loop3A_201 : i32 to index
      %parallel_loop3A_436 = arith.constant 160 : index
      %parallel_loop3A_437 = tpu.vector_load %arg5[%parallel_loop3A_435, %parallel_loop3A_436] {strides = array<i32>} : memref<128x256xf32, #tpu.memory_space<vmem>>, vector<1x16xf32>,
      %parallel_loop3A_438 = vector.shape_cast %parallel_loop3A_437 : vector<1x16xf32> to vector<16xf32>
      %parallel_loop3A_439 = vector.shape_cast %parallel_loop3A_434 : vector<16xf32> to vector<1x16xf32>
      tpu.vector_store %arg5[%parallel_loop3A_435, %parallel_loop3A_436], %parallel_loop3A_439 {strides = array<i32>} : memref<128x256xf32, #tpu.memory_space<vmem>>, vector<1x16xf32>,
      %parallel_loop3A_440 = arith.mulf %parallel_loop3A_249, %parallel_loop3A_373 : vector<16xf32>
      %parallel_loop3A_441 = arith.index_cast %parallel_loop3A_201 : i32 to index
      %parallel_loop3A_442 = arith.constant 176 : index
      %parallel_loop3A_443 = tpu.vector_load %arg5[%parallel_loop3A_441, %parallel_loop3A_442] {strides = array<i32>} : memref<128x256xf32, #tpu.memory_space<vmem>>, vector<1x16xf32>,
      %parallel_loop3A_444 = vector.shape_cast %parallel_loop3A_443 : vector<1x16xf32> to vector<16xf32>
      %parallel_loop3A_445 = vector.shape_cast %parallel_loop3A_440 : vector<16xf32> to vector<1x16xf32>
      tpu.vector_store %arg5[%parallel_loop3A_441, %parallel_loop3A_442], %parallel_loop3A_445 {strides = array<i32>} : memref<128x256xf32, #tpu.memory_space<vmem>>, vector<1x16xf32>,
      %parallel_loop3A_446 = arith.mulf %parallel_loop3A_253, %parallel_loop3A_373 : vector<16xf32>
      %parallel_loop3A_447 = arith.index_cast %parallel_loop3A_201 : i32 to index
      %parallel_loop3A_448 = arith.constant 192 : index
      %parallel_loop3A_449 = tpu.vector_load %arg5[%parallel_loop3A_447, %parallel_loop3A_448] {strides = array<i32>} : memref<128x256xf32, #tpu.memory_space<vmem>>, vector<1x16xf32>,
      %parallel_loop3A_450 = vector.shape_cast %parallel_loop3A_449 : vector<1x16xf32> to vector<16xf32>
      %parallel_loop3A_451 = vector.shape_cast %parallel_loop3A_446 : vector<16xf32> to vector<1x16xf32>
      tpu.vector_store %arg5[%parallel_loop3A_447, %parallel_loop3A_448], %parallel_loop3A_451 {strides = array<i32>} : memref<128x256xf32, #tpu.memory_space<vmem>>, vector<1x16xf32>,
      %parallel_loop3A_452 = arith.mulf %parallel_loop3A_257, %parallel_loop3A_373 : vector<16xf32>
      %parallel_loop3A_453 = arith.index_cast %parallel_loop3A_201 : i32 to index
      %parallel_loop3A_454 = arith.constant 208 : index
      %parallel_loop3A_455 = tpu.vector_load %arg5[%parallel_loop3A_453, %parallel_loop3A_454] {strides = array<i32>} : memref<128x256xf32, #tpu.memory_space<vmem>>, vector<1x16xf32>,
      %parallel_loop3A_456 = vector.shape_cast %parallel_loop3A_455 : vector<1x16xf32> to vector<16xf32>
      %parallel_loop3A_457 = vector.shape_cast %parallel_loop3A_452 : vector<16xf32> to vector<1x16xf32>
      tpu.vector_store %arg5[%parallel_loop3A_453, %parallel_loop3A_454], %parallel_loop3A_457 {strides = array<i32>} : memref<128x256xf32, #tpu.memory_space<vmem>>, vector<1x16xf32>,
      %parallel_loop3A_458 = arith.mulf %parallel_loop3A_261, %parallel_loop3A_373 : vector<16xf32>
      %parallel_loop3A_459 = arith.index_cast %parallel_loop3A_201 : i32 to index
      %parallel_loop3A_460 = arith.constant 224 : index
      %parallel_loop3A_461 = tpu.vector_load %arg5[%parallel_loop3A_459, %parallel_loop3A_460] {strides = array<i32>} : memref<128x256xf32, #tpu.memory_space<vmem>>, vector<1x16xf32>,
      %parallel_loop3A_462 = vector.shape_cast %parallel_loop3A_461 : vector<1x16xf32> to vector<16xf32>
      %parallel_loop3A_463 = vector.shape_cast %parallel_loop3A_458 : vector<16xf32> to vector<1x16xf32>
      tpu.vector_store %arg5[%parallel_loop3A_459, %parallel_loop3A_460], %parallel_loop3A_463 {strides = array<i32>} : memref<128x256xf32, #tpu.memory_space<vmem>>, vector<1x16xf32>,
      %parallel_loop3A_464 = arith.mulf %parallel_loop3A_265, %parallel_loop3A_373 : vector<16xf32>
      %parallel_loop3A_465 = arith.index_cast %parallel_loop3A_201 : i32 to index
      %parallel_loop3A_466 = arith.constant 240 : index
      %parallel_loop3A_467 = tpu.vector_load %arg5[%parallel_loop3A_465, %parallel_loop3A_466] {strides = array<i32>} : memref<128x256xf32, #tpu.memory_space<vmem>>, vector<1x16xf32>,
      %parallel_loop3A_468 = vector.shape_cast %parallel_loop3A_467 : vector<1x16xf32> to vector<16xf32>
      %parallel_loop3A_469 = vector.shape_cast %parallel_loop3A_464 : vector<16xf32> to vector<1x16xf32>
      tpu.vector_store %arg5[%parallel_loop3A_465, %parallel_loop3A_466], %parallel_loop3A_469 {strides = array<i32>} : memref<128x256xf32, #tpu.memory_space<vmem>>, vector<1x16xf32>,
    } {sc.loop_unroll_factor = 2 : i64, sc.parallel_access}
    %mul3A_170 = arith.constant 896 : i32
    %mul3A_171 = arith.muli %add3A, %mul3A_170 : i32
    %add3A_172 = arith.constant 640 : i32
    %add3A_173 = arith.addi %mul3A_171, %add3A_172 : i32
    %dma_start3A_174 = arith.constant 0 : i32
    %dma_start3A_175 = tpu.memref_slice %arg3[%add3A_173, %dma_start3A_174] : memref<28672x256xf32, #tpu.memory_space<hbm>> -> memref<128x256xf32, #tpu.memory_space<hbm>>
    %dma_start3A_176 = arith.constant 0 : i32
    %dma_start3A_177 = tpu.memref_slice %arg3[%add3A_173, %dma_start3A_176] : memref<28672x256xf32, #tpu.memory_space<hbm>> -> memref<128x256xf32, #tpu.memory_space<hbm>>
    tpu.enqueue_dma source(%arg5 : memref<128x256xf32, #tpu.memory_space<vmem>>) target(%dma_start3A_177 : memref<128x256xf32, #tpu.memory_space<hbm>>) target_semaphore(%arg9 : memref<!tpu.dma_semaphore, #tpu.memory_space<semaphore_mem>>)
    %dma_wait3A_178 = arith.constant 0 : i32
    %dma_wait3A_179 = tpu.memref_slice %arg2[%add3A_162, %dma_wait3A_178] : memref<81920x256xf32, #tpu.memory_space<hbm>> -> memref<128x256xf32, #tpu.memory_space<hbm>>
    %dma_wait3A_180 = arith.constant 0 : i32
    %dma_wait3A_181 = tpu.memref_slice %arg2[%add3A_162, %dma_wait3A_180] : memref<81920x256xf32, #tpu.memory_space<hbm>> -> memref<128x256xf32, #tpu.memory_space<hbm>>
    tpu.wait_dma2 semaphore(%arg6 : memref<!tpu.dma_semaphore, #tpu.memory_space<semaphore_mem>>) src(%dma_wait3A_181 : memref<128x256xf32, #tpu.memory_space<hbm>>) dst(%arg4 : memref<128x256xf32, #tpu.memory_space<vmem>>)
    %parallel_loop3A_182 = arith.constant 0 : i32
    %parallel_loop3A_183 = arith.constant 128 : i32
    %parallel_loop3A_184 = arith.constant 1 : i32
    scf.for %parallel_loop3A_201 = %parallel_loop3A_182 to %parallel_loop3A_183 step %parallel_loop3A_184  : i32 {
      %parallel_loop3A_202 = arith.index_cast %parallel_loop3A_201 : i32 to index
      %parallel_loop3A_203 = arith.constant 0 : index
      %parallel_loop3A_204 = tpu.vector_load %arg4[%parallel_loop3A_202, %parallel_loop3A_203] {strides = array<i32>} : memref<128x256xf32, #tpu.memory_space<vmem>>, vector<1x16xf32>,
      %parallel_loop3A_205 = vector.shape_cast %parallel_loop3A_204 : vector<1x16xf32> to vector<16xf32>
      %parallel_loop3A_206 = arith.index_cast %parallel_loop3A_201 : i32 to index
      %parallel_loop3A_207 = arith.constant 16 : index
      %parallel_loop3A_208 = tpu.vector_load %arg4[%parallel_loop3A_206, %parallel_loop3A_207] {strides = array<i32>} : memref<128x256xf32, #tpu.memory_space<vmem>>, vector<1x16xf32>,
      %parallel_loop3A_209 = vector.shape_cast %parallel_loop3A_208 : vector<1x16xf32> to vector<16xf32>
      %parallel_loop3A_210 = arith.index_cast %parallel_loop3A_201 : i32 to index
      %parallel_loop3A_211 = arith.constant 32 : index
      %parallel_loop3A_212 = tpu.vector_load %arg4[%parallel_loop3A_210, %parallel_loop3A_211] {strides = array<i32>} : memref<128x256xf32, #tpu.memory_space<vmem>>, vector<1x16xf32>,
      %parallel_loop3A_213 = vector.shape_cast %parallel_loop3A_212 : vector<1x16xf32> to vector<16xf32>
      %parallel_loop3A_214 = arith.index_cast %parallel_loop3A_201 : i32 to index
      %parallel_loop3A_215 = arith.constant 48 : index
      %parallel_loop3A_216 = tpu.vector_load %arg4[%parallel_loop3A_214, %parallel_loop3A_215] {strides = array<i32>} : memref<128x256xf32, #tpu.memory_space<vmem>>, vector<1x16xf32>,
      %parallel_loop3A_217 = vector.shape_cast %parallel_loop3A_216 : vector<1x16xf32> to vector<16xf32>
      %parallel_loop3A_218 = arith.index_cast %parallel_loop3A_201 : i32 to index
      %parallel_loop3A_219 = arith.constant 64 : index
      %parallel_loop3A_220 = tpu.vector_load %arg4[%parallel_loop3A_218, %parallel_loop3A_219] {strides = array<i32>} : memref<128x256xf32, #tpu.memory_space<vmem>>, vector<1x16xf32>,
      %parallel_loop3A_221 = vector.shape_cast %parallel_loop3A_220 : vector<1x16xf32> to vector<16xf32>
      %parallel_loop3A_222 = arith.index_cast %parallel_loop3A_201 : i32 to index
      %parallel_loop3A_223 = arith.constant 80 : index
      %parallel_loop3A_224 = tpu.vector_load %arg4[%parallel_loop3A_222, %parallel_loop3A_223] {strides = array<i32>} : memref<128x256xf32, #tpu.memory_space<vmem>>, vector<1x16xf32>,
      %parallel_loop3A_225 = vector.shape_cast %parallel_loop3A_224 : vector<1x16xf32> to vector<16xf32>
      %parallel_loop3A_226 = arith.index_cast %parallel_loop3A_201 : i32 to index
      %parallel_loop3A_227 = arith.constant 96 : index
      %parallel_loop3A_228 = tpu.vector_load %arg4[%parallel_loop3A_226, %parallel_loop3A_227] {strides = array<i32>} : memref<128x256xf32, #tpu.memory_space<vmem>>, vector<1x16xf32>,
      %parallel_loop3A_229 = vector.shape_cast %parallel_loop3A_228 : vector<1x16xf32> to vector<16xf32>
      %parallel_loop3A_230 = arith.index_cast %parallel_loop3A_201 : i32 to index
      %parallel_loop3A_231 = arith.constant 112 : index
      %parallel_loop3A_232 = tpu.vector_load %arg4[%parallel_loop3A_230, %parallel_loop3A_231] {strides = array<i32>} : memref<128x256xf32, #tpu.memory_space<vmem>>, vector<1x16xf32>,
      %parallel_loop3A_233 = vector.shape_cast %parallel_loop3A_232 : vector<1x16xf32> to vector<16xf32>
      %parallel_loop3A_234 = arith.index_cast %parallel_loop3A_201 : i32 to index
      %parallel_loop3A_235 = arith.constant 128 : index
      %parallel_loop3A_236 = tpu.vector_load %arg4[%parallel_loop3A_234, %parallel_loop3A_235] {strides = array<i32>} : memref<128x256xf32, #tpu.memory_space<vmem>>, vector<1x16xf32>,
      %parallel_loop3A_237 = vector.shape_cast %parallel_loop3A_236 : vector<1x16xf32> to vector<16xf32>
      %parallel_loop3A_238 = arith.index_cast %parallel_loop3A_201 : i32 to index
      %parallel_loop3A_239 = arith.constant 144 : index
      %parallel_loop3A_240 = tpu.vector_load %arg4[%parallel_loop3A_238, %parallel_loop3A_239] {strides = array<i32>} : memref<128x256xf32, #tpu.memory_space<vmem>>, vector<1x16xf32>,
      %parallel_loop3A_241 = vector.shape_cast %parallel_loop3A_240 : vector<1x16xf32> to vector<16xf32>
      %parallel_loop3A_242 = arith.index_cast %parallel_loop3A_201 : i32 to index
      %parallel_loop3A_243 = arith.constant 160 : index
      %parallel_loop3A_244 = tpu.vector_load %arg4[%parallel_loop3A_242, %parallel_loop3A_243] {strides = array<i32>} : memref<128x256xf32, #tpu.memory_space<vmem>>, vector<1x16xf32>,
      %parallel_loop3A_245 = vector.shape_cast %parallel_loop3A_244 : vector<1x16xf32> to vector<16xf32>
      %parallel_loop3A_246 = arith.index_cast %parallel_loop3A_201 : i32 to index
      %parallel_loop3A_247 = arith.constant 176 : index
      %parallel_loop3A_248 = tpu.vector_load %arg4[%parallel_loop3A_246, %parallel_loop3A_247] {strides = array<i32>} : memref<128x256xf32, #tpu.memory_space<vmem>>, vector<1x16xf32>,
      %parallel_loop3A_249 = vector.shape_cast %parallel_loop3A_248 : vector<1x16xf32> to vector<16xf32>
      %parallel_loop3A_250 = arith.index_cast %parallel_loop3A_201 : i32 to index
      %parallel_loop3A_251 = arith.constant 192 : index
      %parallel_loop3A_252 = tpu.vector_load %arg4[%parallel_loop3A_250, %parallel_loop3A_251] {strides = array<i32>} : memref<128x256xf32, #tpu.memory_space<vmem>>, vector<1x16xf32>,
      %parallel_loop3A_253 = vector.shape_cast %parallel_loop3A_252 : vector<1x16xf32> to vector<16xf32>
      %parallel_loop3A_254 = arith.index_cast %parallel_loop3A_201 : i32 to index
      %parallel_loop3A_255 = arith.constant 208 : index
      %parallel_loop3A_256 = tpu.vector_load %arg4[%parallel_loop3A_254, %parallel_loop3A_255] {strides = array<i32>} : memref<128x256xf32, #tpu.memory_space<vmem>>, vector<1x16xf32>,
      %parallel_loop3A_257 = vector.shape_cast %parallel_loop3A_256 : vector<1x16xf32> to vector<16xf32>
      %parallel_loop3A_258 = arith.index_cast %parallel_loop3A_201 : i32 to index
      %parallel_loop3A_259 = arith.constant 224 : index
      %parallel_loop3A_260 = tpu.vector_load %arg4[%parallel_loop3A_258, %parallel_loop3A_259] {strides = array<i32>} : memref<128x256xf32, #tpu.memory_space<vmem>>, vector<1x16xf32>,
      %parallel_loop3A_261 = vector.shape_cast %parallel_loop3A_260 : vector<1x16xf32> to vector<16xf32>
      %parallel_loop3A_262 = arith.index_cast %parallel_loop3A_201 : i32 to index
      %parallel_loop3A_263 = arith.constant 240 : index
      %parallel_loop3A_264 = tpu.vector_load %arg4[%parallel_loop3A_262, %parallel_loop3A_263] {strides = array<i32>} : memref<128x256xf32, #tpu.memory_space<vmem>>, vector<1x16xf32>,
      %parallel_loop3A_265 = vector.shape_cast %parallel_loop3A_264 : vector<1x16xf32> to vector<16xf32>
      %parallel_loop3A_266 = arith.mulf %parallel_loop3A_205, %parallel_loop3A_205 : vector<16xf32>
      %parallel_loop3A_267 = arith.mulf %parallel_loop3A_209, %parallel_loop3A_209 : vector<16xf32>
      %parallel_loop3A_268 = arith.mulf %parallel_loop3A_213, %parallel_loop3A_213 : vector<16xf32>
      %parallel_loop3A_269 = arith.mulf %parallel_loop3A_217, %parallel_loop3A_217 : vector<16xf32>
      %parallel_loop3A_270 = arith.mulf %parallel_loop3A_221, %parallel_loop3A_221 : vector<16xf32>
      %parallel_loop3A_271 = arith.mulf %parallel_loop3A_225, %parallel_loop3A_225 : vector<16xf32>
      %parallel_loop3A_272 = arith.mulf %parallel_loop3A_229, %parallel_loop3A_229 : vector<16xf32>
      %parallel_loop3A_273 = arith.mulf %parallel_loop3A_233, %parallel_loop3A_233 : vector<16xf32>
      %parallel_loop3A_274 = arith.mulf %parallel_loop3A_237, %parallel_loop3A_237 : vector<16xf32>
      %parallel_loop3A_275 = arith.mulf %parallel_loop3A_241, %parallel_loop3A_241 : vector<16xf32>
      %parallel_loop3A_276 = arith.mulf %parallel_loop3A_245, %parallel_loop3A_245 : vector<16xf32>
      %parallel_loop3A_277 = arith.mulf %parallel_loop3A_249, %parallel_loop3A_249 : vector<16xf32>
      %parallel_loop3A_278 = arith.mulf %parallel_loop3A_253, %parallel_loop3A_253 : vector<16xf32>
      %parallel_loop3A_279 = arith.mulf %parallel_loop3A_257, %parallel_loop3A_257 : vector<16xf32>
      %parallel_loop3A_280 = arith.mulf %parallel_loop3A_261, %parallel_loop3A_261 : vector<16xf32>
      %parallel_loop3A_281 = arith.mulf %parallel_loop3A_265, %parallel_loop3A_265 : vector<16xf32>
      %parallel_loop3A_282 = arith.addf %parallel_loop3A_266, %parallel_loop3A_267 : vector<16xf32>
      %parallel_loop3A_283 = arith.addf %parallel_loop3A_268, %parallel_loop3A_269 : vector<16xf32>
      %parallel_loop3A_284 = arith.addf %parallel_loop3A_270, %parallel_loop3A_271 : vector<16xf32>
      %parallel_loop3A_285 = arith.addf %parallel_loop3A_272, %parallel_loop3A_273 : vector<16xf32>
      %parallel_loop3A_286 = arith.addf %parallel_loop3A_274, %parallel_loop3A_275 : vector<16xf32>
      %parallel_loop3A_287 = arith.addf %parallel_loop3A_276, %parallel_loop3A_277 : vector<16xf32>
      %parallel_loop3A_288 = arith.addf %parallel_loop3A_278, %parallel_loop3A_279 : vector<16xf32>
      %parallel_loop3A_289 = arith.addf %parallel_loop3A_280, %parallel_loop3A_281 : vector<16xf32>
      %parallel_loop3A_290 = arith.addf %parallel_loop3A_282, %parallel_loop3A_283 : vector<16xf32>
      %parallel_loop3A_291 = arith.addf %parallel_loop3A_284, %parallel_loop3A_285 : vector<16xf32>
      %parallel_loop3A_292 = arith.addf %parallel_loop3A_286, %parallel_loop3A_287 : vector<16xf32>
      %parallel_loop3A_293 = arith.addf %parallel_loop3A_288, %parallel_loop3A_289 : vector<16xf32>
      %parallel_loop3A_294 = arith.addf %parallel_loop3A_290, %parallel_loop3A_291 : vector<16xf32>
      %parallel_loop3A_295 = arith.addf %parallel_loop3A_292, %parallel_loop3A_293 : vector<16xf32>
      %parallel_loop3A_296 = arith.addf %parallel_loop3A_294, %parallel_loop3A_295 : vector<16xf32>
      %parallel_loop3A_297 = tpu.iota {dimensions = array<i32: 0>} : vector<16xi32>
      %parallel_loop3A_298 = arith.constant 1 : i32
      %parallel_loop3A_299 = vector.broadcast %parallel_loop3A_298 : i32 to vector<16xi32>
      %parallel_loop3A_300 = arith.xori %parallel_loop3A_297, %parallel_loop3A_299 : vector<16xi32>
      %parallel_loop3A_301 = arith.constant 0 : i32
      %parallel_loop3A_302 = vector.broadcast %parallel_loop3A_301 : i32 to vector<16xi32>
      %parallel_loop3A_303 = arith.cmpi slt, %parallel_loop3A_300, %parallel_loop3A_302 : vector<16xi32>
      %parallel_loop3A_304 = arith.constant 16 : i32
      %parallel_loop3A_305 = vector.broadcast %parallel_loop3A_304 : i32 to vector<16xi32>
      %parallel_loop3A_306 = arith.addi %parallel_loop3A_300, %parallel_loop3A_305 : vector<16xi32>
      %parallel_loop3A_307 = arith.select %parallel_loop3A_303, %parallel_loop3A_306, %parallel_loop3A_300 : vector<16xi1>, vector<16xi32>
      %parallel_loop3A_308 = vector.shape_cast %parallel_loop3A_307 : vector<16xi32> to vector<16x1xi32>
      %parallel_loop3A_309 = vector.shape_cast %parallel_loop3A_308 : vector<16x1xi32> to vector<16xi32>
      %parallel_loop3A_310 = tpu.dynamic_gather %parallel_loop3A_296[%parallel_loop3A_309] in [0] : vector<16xf32>, vector<16xi32> -> vector<16xf32>
      %parallel_loop3A_311 = arith.addf %parallel_loop3A_296, %parallel_loop3A_310 : vector<16xf32>
      %parallel_loop3A_312 = arith.constant 2 : i32
      %parallel_loop3A_313 = vector.broadcast %parallel_loop3A_312 : i32 to vector<16xi32>
      %parallel_loop3A_314 = arith.xori %parallel_loop3A_297, %parallel_loop3A_313 : vector<16xi32>
      %parallel_loop3A_315 = arith.constant 0 : i32
      %parallel_loop3A_316 = vector.broadcast %parallel_loop3A_315 : i32 to vector<16xi32>
      %parallel_loop3A_317 = arith.cmpi slt, %parallel_loop3A_314, %parallel_loop3A_316 : vector<16xi32>
      %parallel_loop3A_318 = arith.constant 16 : i32
      %parallel_loop3A_319 = vector.broadcast %parallel_loop3A_318 : i32 to vector<16xi32>
      %parallel_loop3A_320 = arith.addi %parallel_loop3A_314, %parallel_loop3A_319 : vector<16xi32>
      %parallel_loop3A_321 = arith.select %parallel_loop3A_317, %parallel_loop3A_320, %parallel_loop3A_314 : vector<16xi1>, vector<16xi32>
      %parallel_loop3A_322 = vector.shape_cast %parallel_loop3A_321 : vector<16xi32> to vector<16x1xi32>
      %parallel_loop3A_323 = vector.shape_cast %parallel_loop3A_322 : vector<16x1xi32> to vector<16xi32>
      %parallel_loop3A_324 = tpu.dynamic_gather %parallel_loop3A_311[%parallel_loop3A_323] in [0] : vector<16xf32>, vector<16xi32> -> vector<16xf32>
      %parallel_loop3A_325 = arith.addf %parallel_loop3A_311, %parallel_loop3A_324 : vector<16xf32>
      %parallel_loop3A_326 = arith.constant 4 : i32
      %parallel_loop3A_327 = vector.broadcast %parallel_loop3A_326 : i32 to vector<16xi32>
      %parallel_loop3A_328 = arith.xori %parallel_loop3A_297, %parallel_loop3A_327 : vector<16xi32>
      %parallel_loop3A_329 = arith.constant 0 : i32
      %parallel_loop3A_330 = vector.broadcast %parallel_loop3A_329 : i32 to vector<16xi32>
      %parallel_loop3A_331 = arith.cmpi slt, %parallel_loop3A_328, %parallel_loop3A_330 : vector<16xi32>
      %parallel_loop3A_332 = arith.constant 16 : i32
      %parallel_loop3A_333 = vector.broadcast %parallel_loop3A_332 : i32 to vector<16xi32>
      %parallel_loop3A_334 = arith.addi %parallel_loop3A_328, %parallel_loop3A_333 : vector<16xi32>
      %parallel_loop3A_335 = arith.select %parallel_loop3A_331, %parallel_loop3A_334, %parallel_loop3A_328 : vector<16xi1>, vector<16xi32>
      %parallel_loop3A_336 = vector.shape_cast %parallel_loop3A_335 : vector<16xi32> to vector<16x1xi32>
      %parallel_loop3A_337 = vector.shape_cast %parallel_loop3A_336 : vector<16x1xi32> to vector<16xi32>
      %parallel_loop3A_338 = tpu.dynamic_gather %parallel_loop3A_325[%parallel_loop3A_337] in [0] : vector<16xf32>, vector<16xi32> -> vector<16xf32>
      %parallel_loop3A_339 = arith.addf %parallel_loop3A_325, %parallel_loop3A_338 : vector<16xf32>
      %parallel_loop3A_340 = arith.constant 8 : i32
      %parallel_loop3A_341 = vector.broadcast %parallel_loop3A_340 : i32 to vector<16xi32>
      %parallel_loop3A_342 = arith.xori %parallel_loop3A_297, %parallel_loop3A_341 : vector<16xi32>
      %parallel_loop3A_343 = arith.constant 0 : i32
      %parallel_loop3A_344 = vector.broadcast %parallel_loop3A_343 : i32 to vector<16xi32>
      %parallel_loop3A_345 = arith.cmpi slt, %parallel_loop3A_342, %parallel_loop3A_344 : vector<16xi32>
      %parallel_loop3A_346 = arith.constant 16 : i32
      %parallel_loop3A_347 = vector.broadcast %parallel_loop3A_346 : i32 to vector<16xi32>
      %parallel_loop3A_348 = arith.addi %parallel_loop3A_342, %parallel_loop3A_347 : vector<16xi32>
      %parallel_loop3A_349 = arith.select %parallel_loop3A_345, %parallel_loop3A_348, %parallel_loop3A_342 : vector<16xi1>, vector<16xi32>
      %parallel_loop3A_350 = vector.shape_cast %parallel_loop3A_349 : vector<16xi32> to vector<16x1xi32>
      %parallel_loop3A_351 = vector.shape_cast %parallel_loop3A_350 : vector<16x1xi32> to vector<16xi32>
      %parallel_loop3A_352 = tpu.dynamic_gather %parallel_loop3A_339[%parallel_loop3A_351] in [0] : vector<16xf32>, vector<16xi32> -> vector<16xf32>
      %parallel_loop3A_353 = arith.addf %parallel_loop3A_339, %parallel_loop3A_352 : vector<16xf32>
      %parallel_loop3A_354 = arith.constant 1.000000e-24 : f32
      %parallel_loop3A_355 = vector.broadcast %parallel_loop3A_354 : f32 to vector<16xf32>
      %parallel_loop3A_356 = arith.maximumf %parallel_loop3A_353, %parallel_loop3A_355 : vector<16xf32>
      %parallel_loop3A_357 = tpu.bitcast %parallel_loop3A_356 : vector<16xf32> -> vector<16xi32>
      %parallel_loop3A_358 = arith.constant 1 : i32
      %parallel_loop3A_359 = vector.broadcast %parallel_loop3A_358 : i32 to vector<16xi32>
      %parallel_loop3A_360 = arith.shrsi %parallel_loop3A_357, %parallel_loop3A_359 : vector<16xi32>
      %parallel_loop3A_361 = arith.constant 1597463007 : i32
      %parallel_loop3A_362 = vector.broadcast %parallel_loop3A_361 : i32 to vector<16xi32>
      %parallel_loop3A_363 = arith.subi %parallel_loop3A_362, %parallel_loop3A_360 : vector<16xi32>
      %parallel_loop3A_364 = tpu.bitcast %parallel_loop3A_363 : vector<16xi32> -> vector<16xf32>
      %parallel_loop3A_365 = arith.constant 5.000000e-01 : f32
      %parallel_loop3A_366 = vector.broadcast %parallel_loop3A_365 : f32 to vector<16xf32>
      %parallel_loop3A_367 = arith.mulf %parallel_loop3A_366, %parallel_loop3A_356 : vector<16xf32>
      %parallel_loop3A_368 = arith.mulf %parallel_loop3A_367, %parallel_loop3A_364 : vector<16xf32>
      %parallel_loop3A_369 = arith.mulf %parallel_loop3A_368, %parallel_loop3A_364 : vector<16xf32>
      %parallel_loop3A_370 = arith.constant 1.500000e+00 : f32
      %parallel_loop3A_371 = vector.broadcast %parallel_loop3A_370 : f32 to vector<16xf32>
      %parallel_loop3A_372 = arith.subf %parallel_loop3A_371, %parallel_loop3A_369 : vector<16xf32>
      %parallel_loop3A_373 = arith.mulf %parallel_loop3A_364, %parallel_loop3A_372 : vector<16xf32>
      %parallel_loop3A_374 = arith.mulf %parallel_loop3A_205, %parallel_loop3A_373 : vector<16xf32>
      %parallel_loop3A_375 = arith.index_cast %parallel_loop3A_201 : i32 to index
      %parallel_loop3A_376 = arith.constant 0 : index
      %parallel_loop3A_377 = tpu.vector_load %arg4[%parallel_loop3A_375, %parallel_loop3A_376] {strides = array<i32>} : memref<128x256xf32, #tpu.memory_space<vmem>>, vector<1x16xf32>,
      %parallel_loop3A_378 = vector.shape_cast %parallel_loop3A_377 : vector<1x16xf32> to vector<16xf32>
      %parallel_loop3A_379 = vector.shape_cast %parallel_loop3A_374 : vector<16xf32> to vector<1x16xf32>
      tpu.vector_store %arg4[%parallel_loop3A_375, %parallel_loop3A_376], %parallel_loop3A_379 {strides = array<i32>} : memref<128x256xf32, #tpu.memory_space<vmem>>, vector<1x16xf32>,
      %parallel_loop3A_380 = arith.mulf %parallel_loop3A_209, %parallel_loop3A_373 : vector<16xf32>
      %parallel_loop3A_381 = arith.index_cast %parallel_loop3A_201 : i32 to index
      %parallel_loop3A_382 = arith.constant 16 : index
      %parallel_loop3A_383 = tpu.vector_load %arg4[%parallel_loop3A_381, %parallel_loop3A_382] {strides = array<i32>} : memref<128x256xf32, #tpu.memory_space<vmem>>, vector<1x16xf32>,
      %parallel_loop3A_384 = vector.shape_cast %parallel_loop3A_383 : vector<1x16xf32> to vector<16xf32>
      %parallel_loop3A_385 = vector.shape_cast %parallel_loop3A_380 : vector<16xf32> to vector<1x16xf32>
      tpu.vector_store %arg4[%parallel_loop3A_381, %parallel_loop3A_382], %parallel_loop3A_385 {strides = array<i32>} : memref<128x256xf32, #tpu.memory_space<vmem>>, vector<1x16xf32>,
      %parallel_loop3A_386 = arith.mulf %parallel_loop3A_213, %parallel_loop3A_373 : vector<16xf32>
      %parallel_loop3A_387 = arith.index_cast %parallel_loop3A_201 : i32 to index
      %parallel_loop3A_388 = arith.constant 32 : index
      %parallel_loop3A_389 = tpu.vector_load %arg4[%parallel_loop3A_387, %parallel_loop3A_388] {strides = array<i32>} : memref<128x256xf32, #tpu.memory_space<vmem>>, vector<1x16xf32>,
      %parallel_loop3A_390 = vector.shape_cast %parallel_loop3A_389 : vector<1x16xf32> to vector<16xf32>
      %parallel_loop3A_391 = vector.shape_cast %parallel_loop3A_386 : vector<16xf32> to vector<1x16xf32>
      tpu.vector_store %arg4[%parallel_loop3A_387, %parallel_loop3A_388], %parallel_loop3A_391 {strides = array<i32>} : memref<128x256xf32, #tpu.memory_space<vmem>>, vector<1x16xf32>,
      %parallel_loop3A_392 = arith.mulf %parallel_loop3A_217, %parallel_loop3A_373 : vector<16xf32>
      %parallel_loop3A_393 = arith.index_cast %parallel_loop3A_201 : i32 to index
      %parallel_loop3A_394 = arith.constant 48 : index
      %parallel_loop3A_395 = tpu.vector_load %arg4[%parallel_loop3A_393, %parallel_loop3A_394] {strides = array<i32>} : memref<128x256xf32, #tpu.memory_space<vmem>>, vector<1x16xf32>,
      %parallel_loop3A_396 = vector.shape_cast %parallel_loop3A_395 : vector<1x16xf32> to vector<16xf32>
      %parallel_loop3A_397 = vector.shape_cast %parallel_loop3A_392 : vector<16xf32> to vector<1x16xf32>
      tpu.vector_store %arg4[%parallel_loop3A_393, %parallel_loop3A_394], %parallel_loop3A_397 {strides = array<i32>} : memref<128x256xf32, #tpu.memory_space<vmem>>, vector<1x16xf32>,
      %parallel_loop3A_398 = arith.mulf %parallel_loop3A_221, %parallel_loop3A_373 : vector<16xf32>
      %parallel_loop3A_399 = arith.index_cast %parallel_loop3A_201 : i32 to index
      %parallel_loop3A_400 = arith.constant 64 : index
      %parallel_loop3A_401 = tpu.vector_load %arg4[%parallel_loop3A_399, %parallel_loop3A_400] {strides = array<i32>} : memref<128x256xf32, #tpu.memory_space<vmem>>, vector<1x16xf32>,
      %parallel_loop3A_402 = vector.shape_cast %parallel_loop3A_401 : vector<1x16xf32> to vector<16xf32>
      %parallel_loop3A_403 = vector.shape_cast %parallel_loop3A_398 : vector<16xf32> to vector<1x16xf32>
      tpu.vector_store %arg4[%parallel_loop3A_399, %parallel_loop3A_400], %parallel_loop3A_403 {strides = array<i32>} : memref<128x256xf32, #tpu.memory_space<vmem>>, vector<1x16xf32>,
      %parallel_loop3A_404 = arith.mulf %parallel_loop3A_225, %parallel_loop3A_373 : vector<16xf32>
      %parallel_loop3A_405 = arith.index_cast %parallel_loop3A_201 : i32 to index
      %parallel_loop3A_406 = arith.constant 80 : index
      %parallel_loop3A_407 = tpu.vector_load %arg4[%parallel_loop3A_405, %parallel_loop3A_406] {strides = array<i32>} : memref<128x256xf32, #tpu.memory_space<vmem>>, vector<1x16xf32>,
      %parallel_loop3A_408 = vector.shape_cast %parallel_loop3A_407 : vector<1x16xf32> to vector<16xf32>
      %parallel_loop3A_409 = vector.shape_cast %parallel_loop3A_404 : vector<16xf32> to vector<1x16xf32>
      tpu.vector_store %arg4[%parallel_loop3A_405, %parallel_loop3A_406], %parallel_loop3A_409 {strides = array<i32>} : memref<128x256xf32, #tpu.memory_space<vmem>>, vector<1x16xf32>,
      %parallel_loop3A_410 = arith.mulf %parallel_loop3A_229, %parallel_loop3A_373 : vector<16xf32>
      %parallel_loop3A_411 = arith.index_cast %parallel_loop3A_201 : i32 to index
      %parallel_loop3A_412 = arith.constant 96 : index
      %parallel_loop3A_413 = tpu.vector_load %arg4[%parallel_loop3A_411, %parallel_loop3A_412] {strides = array<i32>} : memref<128x256xf32, #tpu.memory_space<vmem>>, vector<1x16xf32>,
      %parallel_loop3A_414 = vector.shape_cast %parallel_loop3A_413 : vector<1x16xf32> to vector<16xf32>
      %parallel_loop3A_415 = vector.shape_cast %parallel_loop3A_410 : vector<16xf32> to vector<1x16xf32>
      tpu.vector_store %arg4[%parallel_loop3A_411, %parallel_loop3A_412], %parallel_loop3A_415 {strides = array<i32>} : memref<128x256xf32, #tpu.memory_space<vmem>>, vector<1x16xf32>,
      %parallel_loop3A_416 = arith.mulf %parallel_loop3A_233, %parallel_loop3A_373 : vector<16xf32>
      %parallel_loop3A_417 = arith.index_cast %parallel_loop3A_201 : i32 to index
      %parallel_loop3A_418 = arith.constant 112 : index
      %parallel_loop3A_419 = tpu.vector_load %arg4[%parallel_loop3A_417, %parallel_loop3A_418] {strides = array<i32>} : memref<128x256xf32, #tpu.memory_space<vmem>>, vector<1x16xf32>,
      %parallel_loop3A_420 = vector.shape_cast %parallel_loop3A_419 : vector<1x16xf32> to vector<16xf32>
      %parallel_loop3A_421 = vector.shape_cast %parallel_loop3A_416 : vector<16xf32> to vector<1x16xf32>
      tpu.vector_store %arg4[%parallel_loop3A_417, %parallel_loop3A_418], %parallel_loop3A_421 {strides = array<i32>} : memref<128x256xf32, #tpu.memory_space<vmem>>, vector<1x16xf32>,
      %parallel_loop3A_422 = arith.mulf %parallel_loop3A_237, %parallel_loop3A_373 : vector<16xf32>
      %parallel_loop3A_423 = arith.index_cast %parallel_loop3A_201 : i32 to index
      %parallel_loop3A_424 = arith.constant 128 : index
      %parallel_loop3A_425 = tpu.vector_load %arg4[%parallel_loop3A_423, %parallel_loop3A_424] {strides = array<i32>} : memref<128x256xf32, #tpu.memory_space<vmem>>, vector<1x16xf32>,
      %parallel_loop3A_426 = vector.shape_cast %parallel_loop3A_425 : vector<1x16xf32> to vector<16xf32>
      %parallel_loop3A_427 = vector.shape_cast %parallel_loop3A_422 : vector<16xf32> to vector<1x16xf32>
      tpu.vector_store %arg4[%parallel_loop3A_423, %parallel_loop3A_424], %parallel_loop3A_427 {strides = array<i32>} : memref<128x256xf32, #tpu.memory_space<vmem>>, vector<1x16xf32>,
      %parallel_loop3A_428 = arith.mulf %parallel_loop3A_241, %parallel_loop3A_373 : vector<16xf32>
      %parallel_loop3A_429 = arith.index_cast %parallel_loop3A_201 : i32 to index
      %parallel_loop3A_430 = arith.constant 144 : index
      %parallel_loop3A_431 = tpu.vector_load %arg4[%parallel_loop3A_429, %parallel_loop3A_430] {strides = array<i32>} : memref<128x256xf32, #tpu.memory_space<vmem>>, vector<1x16xf32>,
      %parallel_loop3A_432 = vector.shape_cast %parallel_loop3A_431 : vector<1x16xf32> to vector<16xf32>
      %parallel_loop3A_433 = vector.shape_cast %parallel_loop3A_428 : vector<16xf32> to vector<1x16xf32>
      tpu.vector_store %arg4[%parallel_loop3A_429, %parallel_loop3A_430], %parallel_loop3A_433 {strides = array<i32>} : memref<128x256xf32, #tpu.memory_space<vmem>>, vector<1x16xf32>,
      %parallel_loop3A_434 = arith.mulf %parallel_loop3A_245, %parallel_loop3A_373 : vector<16xf32>
      %parallel_loop3A_435 = arith.index_cast %parallel_loop3A_201 : i32 to index
      %parallel_loop3A_436 = arith.constant 160 : index
      %parallel_loop3A_437 = tpu.vector_load %arg4[%parallel_loop3A_435, %parallel_loop3A_436] {strides = array<i32>} : memref<128x256xf32, #tpu.memory_space<vmem>>, vector<1x16xf32>,
      %parallel_loop3A_438 = vector.shape_cast %parallel_loop3A_437 : vector<1x16xf32> to vector<16xf32>
      %parallel_loop3A_439 = vector.shape_cast %parallel_loop3A_434 : vector<16xf32> to vector<1x16xf32>
      tpu.vector_store %arg4[%parallel_loop3A_435, %parallel_loop3A_436], %parallel_loop3A_439 {strides = array<i32>} : memref<128x256xf32, #tpu.memory_space<vmem>>, vector<1x16xf32>,
      %parallel_loop3A_440 = arith.mulf %parallel_loop3A_249, %parallel_loop3A_373 : vector<16xf32>
      %parallel_loop3A_441 = arith.index_cast %parallel_loop3A_201 : i32 to index
      %parallel_loop3A_442 = arith.constant 176 : index
      %parallel_loop3A_443 = tpu.vector_load %arg4[%parallel_loop3A_441, %parallel_loop3A_442] {strides = array<i32>} : memref<128x256xf32, #tpu.memory_space<vmem>>, vector<1x16xf32>,
      %parallel_loop3A_444 = vector.shape_cast %parallel_loop3A_443 : vector<1x16xf32> to vector<16xf32>
      %parallel_loop3A_445 = vector.shape_cast %parallel_loop3A_440 : vector<16xf32> to vector<1x16xf32>
      tpu.vector_store %arg4[%parallel_loop3A_441, %parallel_loop3A_442], %parallel_loop3A_445 {strides = array<i32>} : memref<128x256xf32, #tpu.memory_space<vmem>>, vector<1x16xf32>,
      %parallel_loop3A_446 = arith.mulf %parallel_loop3A_253, %parallel_loop3A_373 : vector<16xf32>
      %parallel_loop3A_447 = arith.index_cast %parallel_loop3A_201 : i32 to index
      %parallel_loop3A_448 = arith.constant 192 : index
      %parallel_loop3A_449 = tpu.vector_load %arg4[%parallel_loop3A_447, %parallel_loop3A_448] {strides = array<i32>} : memref<128x256xf32, #tpu.memory_space<vmem>>, vector<1x16xf32>,
      %parallel_loop3A_450 = vector.shape_cast %parallel_loop3A_449 : vector<1x16xf32> to vector<16xf32>
      %parallel_loop3A_451 = vector.shape_cast %parallel_loop3A_446 : vector<16xf32> to vector<1x16xf32>
      tpu.vector_store %arg4[%parallel_loop3A_447, %parallel_loop3A_448], %parallel_loop3A_451 {strides = array<i32>} : memref<128x256xf32, #tpu.memory_space<vmem>>, vector<1x16xf32>,
      %parallel_loop3A_452 = arith.mulf %parallel_loop3A_257, %parallel_loop3A_373 : vector<16xf32>
      %parallel_loop3A_453 = arith.index_cast %parallel_loop3A_201 : i32 to index
      %parallel_loop3A_454 = arith.constant 208 : index
      %parallel_loop3A_455 = tpu.vector_load %arg4[%parallel_loop3A_453, %parallel_loop3A_454] {strides = array<i32>} : memref<128x256xf32, #tpu.memory_space<vmem>>, vector<1x16xf32>,
      %parallel_loop3A_456 = vector.shape_cast %parallel_loop3A_455 : vector<1x16xf32> to vector<16xf32>
      %parallel_loop3A_457 = vector.shape_cast %parallel_loop3A_452 : vector<16xf32> to vector<1x16xf32>
      tpu.vector_store %arg4[%parallel_loop3A_453, %parallel_loop3A_454], %parallel_loop3A_457 {strides = array<i32>} : memref<128x256xf32, #tpu.memory_space<vmem>>, vector<1x16xf32>,
      %parallel_loop3A_458 = arith.mulf %parallel_loop3A_261, %parallel_loop3A_373 : vector<16xf32>
      %parallel_loop3A_459 = arith.index_cast %parallel_loop3A_201 : i32 to index
      %parallel_loop3A_460 = arith.constant 224 : index
      %parallel_loop3A_461 = tpu.vector_load %arg4[%parallel_loop3A_459, %parallel_loop3A_460] {strides = array<i32>} : memref<128x256xf32, #tpu.memory_space<vmem>>, vector<1x16xf32>,
      %parallel_loop3A_462 = vector.shape_cast %parallel_loop3A_461 : vector<1x16xf32> to vector<16xf32>
      %parallel_loop3A_463 = vector.shape_cast %parallel_loop3A_458 : vector<16xf32> to vector<1x16xf32>
      tpu.vector_store %arg4[%parallel_loop3A_459, %parallel_loop3A_460], %parallel_loop3A_463 {strides = array<i32>} : memref<128x256xf32, #tpu.memory_space<vmem>>, vector<1x16xf32>,
      %parallel_loop3A_464 = arith.mulf %parallel_loop3A_265, %parallel_loop3A_373 : vector<16xf32>
      %parallel_loop3A_465 = arith.index_cast %parallel_loop3A_201 : i32 to index
      %parallel_loop3A_466 = arith.constant 240 : index
      %parallel_loop3A_467 = tpu.vector_load %arg4[%parallel_loop3A_465, %parallel_loop3A_466] {strides = array<i32>} : memref<128x256xf32, #tpu.memory_space<vmem>>, vector<1x16xf32>,
      %parallel_loop3A_468 = vector.shape_cast %parallel_loop3A_467 : vector<1x16xf32> to vector<16xf32>
      %parallel_loop3A_469 = vector.shape_cast %parallel_loop3A_464 : vector<16xf32> to vector<1x16xf32>
      tpu.vector_store %arg4[%parallel_loop3A_465, %parallel_loop3A_466], %parallel_loop3A_469 {strides = array<i32>} : memref<128x256xf32, #tpu.memory_space<vmem>>, vector<1x16xf32>,
    } {sc.loop_unroll_factor = 2 : i64, sc.parallel_access}
    %mul3A_185 = arith.constant 896 : i32
    %mul3A_186 = arith.muli %add3A, %mul3A_185 : i32
    %add3A_187 = arith.constant 768 : i32
    %add3A_188 = arith.addi %mul3A_186, %add3A_187 : i32
    %dma_start3A_189 = arith.constant 0 : i32
    %dma_start3A_190 = tpu.memref_slice %arg3[%add3A_188, %dma_start3A_189] : memref<28672x256xf32, #tpu.memory_space<hbm>> -> memref<128x256xf32, #tpu.memory_space<hbm>>
    %dma_start3A_191 = arith.constant 0 : i32
    %dma_start3A_192 = tpu.memref_slice %arg3[%add3A_188, %dma_start3A_191] : memref<28672x256xf32, #tpu.memory_space<hbm>> -> memref<128x256xf32, #tpu.memory_space<hbm>>
    tpu.enqueue_dma source(%arg4 : memref<128x256xf32, #tpu.memory_space<vmem>>) target(%dma_start3A_192 : memref<128x256xf32, #tpu.memory_space<hbm>>) target_semaphore(%arg8 : memref<!tpu.dma_semaphore, #tpu.memory_space<semaphore_mem>>)
    %dma_wait3A_193 = arith.constant 0 : i32
    %dma_wait3A_194 = tpu.memref_slice %arg3[%add3A_173, %dma_wait3A_193] : memref<28672x256xf32, #tpu.memory_space<hbm>> -> memref<128x256xf32, #tpu.memory_space<hbm>>
    %dma_wait3A_195 = arith.constant 0 : i32
    %dma_wait3A_196 = tpu.memref_slice %arg3[%add3A_173, %dma_wait3A_195] : memref<28672x256xf32, #tpu.memory_space<hbm>> -> memref<128x256xf32, #tpu.memory_space<hbm>>
    tpu.wait_dma2 semaphore(%arg9 : memref<!tpu.dma_semaphore, #tpu.memory_space<semaphore_mem>>) src(%arg5 : memref<128x256xf32, #tpu.memory_space<vmem>>) dst(%dma_wait3A_196 : memref<128x256xf32, #tpu.memory_space<hbm>>)
    %dma_wait3A_197 = arith.constant 0 : i32
    %dma_wait3A_198 = tpu.memref_slice %arg3[%add3A_188, %dma_wait3A_197] : memref<28672x256xf32, #tpu.memory_space<hbm>> -> memref<128x256xf32, #tpu.memory_space<hbm>>
    %dma_wait3A_199 = arith.constant 0 : i32
    %dma_wait3A_200 = tpu.memref_slice %arg3[%add3A_188, %dma_wait3A_199] : memref<28672x256xf32, #tpu.memory_space<hbm>> -> memref<128x256xf32, #tpu.memory_space<hbm>>
    tpu.wait_dma2 semaphore(%arg8 : memref<!tpu.dma_semaphore, #tpu.memory_space<semaphore_mem>>) src(%arg4 : memref<128x256xf32, #tpu.memory_space<vmem>>) dst(%dma_wait3A_200 : memref<128x256xf32, #tpu.memory_space<hbm>>)
    return
  }
}

module attributes {stable_mosaic.version = 14 : i64} {
  func.func @_tc_norm_body(%arg0: i32, %arg1: memref<4096x256xf32, #tpu.memory_space<vmem>>, %arg2: memref<4096x256xf32, #tpu.memory_space<vmem>>) attributes {dimension_semantics = [#tpu.dimension_semantics<arbitrary>], iteration_bounds = array<i64: 13>, scalar_prefetch = 0 : i64, scratch_operands = 0 : i64, tpu.core_type = #tpu.core_type<tc>, window_params = [{transform_indices = @transform_0, window_bounds = array<i64: 4096, 256>}, {transform_indices = @transform_1, window_bounds = array<i64: 4096, 256>}]} {
    %get3A = arith.constant 0 : index
    %get3A_0 = arith.constant 0 : index
    %get3A_1 = vector.load %arg1[%get3A, %get3A_0] : memref<4096x256xf32, #tpu.memory_space<vmem>>, vector<4096x256xf32>
    %mul3A = arith.mulf %get3A_1, %get3A_1 : vector<4096x256xf32>
    %reduce_sum3A = arith.constant dense<0.000000e+00> : vector<4096xf32>
    %reduce_sum3A_2 = vector.multi_reduction <add>, %mul3A, %reduce_sum3A [1] : vector<4096x256xf32> to vector<4096xf32>
    %broadcast_in_dim3A = vector.shape_cast %reduce_sum3A_2 : vector<4096xf32> to vector<4096x1xf32>
    %max3A = arith.constant 1.000000e-24 : f32
    %max3A_3 = vector.broadcast %max3A : f32 to vector<4096x1xf32>
    %max3A_4 = arith.maximumf %broadcast_in_dim3A, %max3A_3 : vector<4096x1xf32>
    %rsqrt3A = math.rsqrt %max3A_4 : vector<4096x1xf32>
    %mul3A_5 = vector.broadcast %rsqrt3A : vector<4096x1xf32> to vector<4096x256xf32>
    %mul3A_6 = arith.mulf %get3A_1, %mul3A_5 : vector<4096x256xf32>
    %swap3A = arith.constant 0 : index
    %swap3A_7 = arith.constant 0 : index
    %swap3A_8 = vector.load %arg2[%swap3A, %swap3A_7] : memref<4096x256xf32, #tpu.memory_space<vmem>>, vector<4096x256xf32>
    tpu.vector_store %arg2[%swap3A, %swap3A_7], %mul3A_6 {strides = array<i32>} : memref<4096x256xf32, #tpu.memory_space<vmem>>, vector<4096x256xf32>,
    return
  }
  func.func @transform_0(%arg0: i32) -> (i32, i32) {
    %c0_i32 = arith.constant 0 : i32
    %c0_i32_0 = arith.constant 0 : i32
    return %arg0, %c0_i32 : i32, i32
  }
  func.func @transform_1(%arg0: i32) -> (i32, i32) {
    %c0_i32 = arith.constant 0 : i32
    %c0_i32_0 = arith.constant 0 : i32
    return %arg0, %c0_i32 : i32, i32
  }
}

module attributes {stable_mosaic.version = 14 : i64} {
  func.func @_tc_copy_body(%arg0: i32, %arg1: memref<4096x256xf32, #tpu.memory_space<vmem>>, %arg2: memref<4096x256xf32, #tpu.memory_space<vmem>>, %arg3: memref<4096x256xf32, #tpu.memory_space<vmem>>) attributes {dimension_semantics = [#tpu.dimension_semantics<arbitrary>], iteration_bounds = array<i64: 7>, scalar_prefetch = 0 : i64, scratch_operands = 0 : i64, tpu.core_type = #tpu.core_type<tc>, window_params = [{transform_indices = @transform_0, window_bounds = array<i64: 4096, 256>}, {transform_indices = @transform_1, window_bounds = array<i64: 4096, 256>}, {transform_indices = @transform_2, window_bounds = array<i64: 4096, 256>}]} {
    %get3A = arith.constant 0 : index
    %get3A_0 = arith.constant 0 : index
    %get3A_1 = vector.load %arg1[%get3A, %get3A_0] : memref<4096x256xf32, #tpu.memory_space<vmem>>, vector<4096x256xf32>
    %swap3A = arith.constant 0 : index
    %swap3A_2 = arith.constant 0 : index
    %swap3A_3 = vector.load %arg3[%swap3A, %swap3A_2] : memref<4096x256xf32, #tpu.memory_space<vmem>>, vector<4096x256xf32>
    tpu.vector_store %arg3[%swap3A, %swap3A_2], %get3A_1 {strides = array<i32>} : memref<4096x256xf32, #tpu.memory_space<vmem>>, vector<4096x256xf32>,
    return
  }
  func.func @transform_0(%arg0: i32) -> (i32, i32) {
    %c0_i32 = arith.constant 0 : i32
    %c0_i32_0 = arith.constant 0 : i32
    return %arg0, %c0_i32 : i32, i32
  }
  func.func @transform_1(%arg0: i32) -> (i32, i32) {
    %add3A = arith.constant 13 : i32
    %add3A_0 = arith.addi %arg0, %add3A : i32
    %c0_i32 = arith.constant 0 : i32
    %c0_i32_1 = arith.constant 0 : i32
    return %add3A_0, %c0_i32 : i32, i32
  }
  func.func @transform_2(%arg0: i32) -> (i32, i32) {
    %add3A = arith.constant 13 : i32
    %add3A_0 = arith.addi %arg0, %add3A : i32
    %c0_i32 = arith.constant 0 : i32
    %c0_i32_1 = arith.constant 0 : i32
    return %add3A_0, %c0_i32 : i32, i32
  }
}

</mosaic_0001>

<sc_bundles>
// kernel: kernel.5.cloned.1.call-start
scs
__scs_entry_jumppad:
0x0: {  	(pc) =	sbr.rel $0x88, $3  }
0x1: {  	(tag) =	ssettag $0x0;
	lr =	simm.s32 $0x1  }
0x2: {  	[smem:$0x3FA0] =	sst lr;
	_ =	strace $0xD0000000  }
0x3: {  	_ = 	snop  }
0x4: {  	_ = 	snop  }
0x5: {  	_ = 	snop  }
0x6: {  	_ = 	snop  }
0x7: {  	_ = 	snop  }
__scs_overlays_trampoline_lowered:
0x8: {  	[smem:$0x3FAF] =	sst s0  }
0x9: {  	[smem:$0x3FB0] =	sst s1  }
0xa: {  	[smem:$0x3FB1] =	sst s2  }
0xb: {  	[smem:$0x3FB2] =	sst s3  }
0xc: {  	[smem:$0x3FB3] =	sst s4  }
0xd: {  	[smem:$0x3FB4] =	sst s5  }
0xe: {  	[smem:$0x3FB5] =	sst s6  }
0xf: {  	[smem:$0x3FB6] =	sst s7  }
0x10: {  	[smem:$0x3FB7] =	sst s8  }
0x11: {  	[smem:$0x3FB8] =	sst s9;
	s0 =	simm.s32 @!p0 $0x0  }
0x12: {  	s1 =	sld [smem:$0x3F9E];
	s0 =	simm.s32 @p0 $0x1  }
0x13: {  	[smem:$0x3FB9] =	sst s0;
	s0 =	simm.s32 @!p1 $0x0  }
0x14: {  	s2 =	sld [smem:$0x3F9D];
	s0 =	simm.s32 @p1 $0x1  }
0x15: {  	[smem:$0x3FBA] =	sst s0;
	s0 =	simm.s32 @!p2 $0x0  }
0x16: {  	s3 =	sld [smem:$0x3FDB];
	s0 =	simm.s32 @p2 $0x1  }
0x17: {  	s4 =	simm.s32 $0x1BF5;
	[smem:$0x3FBC] =	sst s0  }
0x18: {  	s0 =	sld [smem:$0x3F9F];
	_ =	swait.ge [sflag:s4], $0x0  }
0x19: {  	s7 =	sld [smem:$0x3FA0]  }
0x1a: {  	s8 =	sadd.s32 $0xFFFFE003, lr  }
0x1b: {  	s9 =	sadd.s32 $0xFFFFFEF7, lr;
	s5 =	simm.s32 $0xFFFFFFFF;
	p2 =	slt.u32 s8, $0xFFFFF086  }
0x1c: {  	p1 =	slt.u32 s9, $0xF7A;
	s5 =	simm.s32 @!p2 $0x0  }
0x1d: {  	s5 =	simm.s32 @p1 $0x1;
	p0 =	seq.s32 s7, s2  }
0x1e: {  	s7 =	smul.u32 @!p0 $0xF7A, s2;
	p2 =	seq.s32 @!p0 s5, $0x0  }
0x1f: {  	s9 =	smul.u32 $0xF7A, s1;
	s8 =	simm.s32 @!p0 $0x1BF5;
	p2 =	por !p2, p0  }
0x20: {  	[sflag:s8] =	ssyncset.s32 @!p0 $0xFFFFF086;
	s6 =	sadd.s32 @!p0 s3, s7;
	s7 =	simm.s32 @!p0 $0x108  }
0x21: {  	s3 =	sadd.s32 s3, s9;
	s6 =	sadd.s32 @!p0 $0x88, s6;
	s7 =	simm.s32 @p2 $0x1082  }
0x22: {  	[simem:s7], [sflag:s8] =	dma.local @!p0 [hbm:s6], $0xF7A  }
0x23: {  	s9 =	sor.u32 $0xD0000000, s2;
	s6 =	simm.s32 $0x108;
	_ =	swait.ge @!p0 [sflag:s8], $0x0  }
0x24: {  	s3 =	sadd.s32 $0x88, s3;
	s6 =	simm.s32 @!p1 $0x1082;
	[sflag:s4] =	ssyncset.s32 $0xFFFFF086  }
0x25: {  	[simem:s6], [sflag:s4] =	dma.local [hbm:s3], $0xF7A  }
0x26: {  	[smem:$0x3FA0] =	sst s1;
	(tag) =	ssettag s2;
	_ =	strace s9  }
0x27: {  	s1 =	sld [smem:$0x3FB0]  }
0x28: {  	s2 =	sld [smem:$0x3FB1]  }
0x29: {  	s4 =	sld [smem:$0x3FB3]  }
0x2a: {  	p0 =	seq.s32 s5, $0x0;
	s5 =	sld [smem:$0x3FB4]  }
0x2b: {  	s6 =	sld [smem:$0x3FB5]  }
0x2c: {  	s7 =	sld [smem:$0x3FB6]  }
0x2d: {  	s3 =	simm.s32 $0x108;
	s8 =	sld [smem:$0x3FB7]  }
0x2e: {  	s3 =	simm.s32 @!p0 $0x1082;
	s9 =	sld [smem:$0x3FB8]  }
0x2f: {  	lr =	sadd.s32 s0, s3;
	s0 =	sld [smem:$0x3FAF]  }
0x30: {  	s3 =	sld [smem:$0x3FB2]  }
0x31: {  	[smem:$0x3FBB] =	sst s10  }
0x32: {  	s10 =	sld [smem:$0x3FB9];
	_ =	sdelay $0x3  }
0x33: {  	p0 =	seq.s32 s10, $0x1;
	s10 =	sld [smem:$0x3FBB];
	_ =	sdelay $0x3  }
0x34: {  	[smem:$0x3FBB] =	sst s10  }
0x35: {  	s10 =	sld [smem:$0x3FBA];
	_ =	sdelay $0x3  }
0x36: {  	p1 =	seq.s32 s10, $0x1;
	s10 =	sld [smem:$0x3FBB];
	_ =	sdelay $0x3  }
0x37: {  	[smem:$0x3FBB] =	sst s10  }
0x38: {  	s10 =	sld [smem:$0x3FBC]  }
0x39: {  	_ = 	snop;
	(pc) =	sbr.ind lr, $3  }
0x3a: {  	_ = 	snop  }
0x3b: {  	_ = 	snop  }
0x3c: {  	p2 =	seq.s32 s10, $0x1;
	s10 =	sld [smem:$0x3FBB]  }
0x3d: {  	_ =	shalt  }
0x3e: {  	_ =	shalt  }
0x3f: {  	_ =	shalt  }
0x40: {  	_ =	shalt  }
0x41: {  	_ =	shalt  }
0x42: {  	_ =	shalt  }
0x43: {  	_ =	shalt  }
0x44: {  	_ =	shalt  }
0x45: {  	_ =	shalt  }
0x46: {  	_ =	shalt  }
0x47: {  	_ =	shalt  }
0x48: {  	_ =	shalt  }
0x49: {  	_ =	shalt  }
0x4a: {  	_ =	shalt  }
0x4b: {  	_ =	shalt  }
0x4c: {  	_ =	shalt  }
0x4d: {  	_ =	shalt  }
0x4e: {  	_ =	shalt  }
0x4f: {  	_ =	shalt  }
0x50: {  	_ =	shalt  }
0x51: {  	_ =	shalt  }
0x52: {  	_ =	shalt  }
0x53: {  	_ =	shalt  }
0x54: {  	_ =	shalt  }
0x55: {  	_ =	shalt  }
0x56: {  	_ =	shalt  }
0x57: {  	_ =	shalt  }
0x58: {  	_ =	shalt  }
0x59: {  	_ =	shalt  }
0x5a: {  	_ =	shalt  }
0x5b: {  	_ =	shalt  }
0x5c: {  	_ =	shalt  }
0x5d: {  	_ =	shalt  }
0x5e: {  	_ =	shalt  }
0x5f: {  	_ =	shalt  }
0x60: {  	_ =	shalt  }
0x61: {  	_ =	shalt  }
0x62: {  	_ =	shalt  }
0x63: {  	_ =	shalt  }
0x64: {  	_ =	shalt  }
0x65: {  	_ =	shalt  }
0x66: {  	_ =	shalt  }
0x67: {  	_ =	shalt  }
0x68: {  	_ =	shalt  }
0x69: {  	_ =	shalt  }
0x6a: {  	_ =	shalt  }
0x6b: {  	_ =	shalt  }
0x6c: {  	_ =	shalt  }
0x6d: {  	_ =	shalt  }
0x6e: {  	_ =	shalt  }
0x6f: {  	_ =	shalt  }
0x70: {  	_ =	shalt  }
0x71: {  	_ =	shalt  }
0x72: {  	_ =	shalt  }
0x73: {  	_ =	shalt  }
0x74: {  	_ =	shalt  }
0x75: {  	_ =	shalt  }
0x76: {  	_ =	shalt  }
0x77: {  	_ =	shalt  }
0x78: {  	_ =	shalt  }
0x79: {  	_ =	shalt  }
0x7a: {  	_ =	shalt  }
0x7b: {  	_ =	shalt  }
0x7c: {  	_ =	shalt  }
0x7d: {  	_ =	shalt  }
0x7e: {  	_ =	shalt  }
0x7f: {  	_ =	shalt  }
0x80: {  	_ =	shalt  }
0x81: {  	_ =	shalt  }
0x82: {  	_ =	shalt  }
0x83: {  	_ =	shalt  }
0x84: {  	_ =	shalt  }
0x85: {  	_ =	shalt  }
0x86: {  	_ =	shalt  }
0x87: {  	_ =	shalt  }
.Lfunc_end0:
.L_simem_size_0:
called_computation_lowered:
.L_overlay_start_0:
0x88: {  	s2 =	sld [smem:$0x3FD9]  }
0x89: {  	s3 =	sld [smem:$0x3FFE];
	_ =	sdelay $0x1  }
0x8a: {  	s1 =	srdreg.scid  }
0x8b: {  	s0 =	sand.u32 $0x1, s1  }
0x8c: {  	s17 =	sshll.u32 s0, $0xA;
	s2 =	sadd.s32 s3, s2  }
0x8d: {  	s2 =	sadd.s32 s2, s17  }
0x8e: {  	[smem:$0x3FC7] =	sst s2  }
0x8f: {  	_ = 	snop  }
0x90: {  	s2 =	sld [smem:$0x3FC9];
	(tm) =	ssettm $0x1  }
0x91: {  	s18 =	sld [smem:$0x3FFB];
	_ =	sdelay $0x3  }
0x92: {  	_ =	strace s18  }
0x93: {  	s3 =	sld [smem:$0x3FFC];
	_ =	sdelay $0x3  }
0x94: {  	_ =	strace s3  }
0x95: {  	s3 =	sld [smem:$0x3FFD];
	_ =	sdelay $0x3  }
0x96: {  	_ =	strace s3  }
0x97: {  	_ =	strace $0x8FFFFFFF  }
0x98: {  	s19 =	sld [smem:$0x3FDB];
	_ =	sdelay $0x1  }
0x99: {  	s4 =	simm.s32 $_scs_section_size  }
0x9a: {  	s5 =	simm.s32 $_size__tile_overlayer_lowered;
	s6 =	simm.s32 $_tile_overlayer_lowered  }
0x9b: {  	s22 =	simm.s32 $0x1BFF;
	s21 =	sshll.u32 s6, $0x1;
	s3 =	sadd.s32 s4, s19  }
0x9c: {  	s7 =	simm.s32 $0x0;
	s20 =	sshll.u32 s5, $0x1;
	s5 =	sadd.s32 s21, s3  }
0x9d: {  	[timem:s7], [sflag:s22] =	dma.local [hbm:s5], s20  }
0x9e: {  	_ =	swait.ge [sflag:s22], s20  }
0x9f: {  	s4 =	ssub.s32 $0x0, s20;
	[sflag:s22] =	ssyncset.done $0x0  }
0xa0: {  	[sflag:s22] =	ssyncadd.s32 s4;
	_ =	sdelay $0x1  }
0xa1: {  	s23 =	simm.s32 $0x1B8B  }
0xa2: {  	_ =	swait.ge [sflag:s23], $0x1  }
0xa3: {  	[sflag:s23] =	ssyncset.done $0x0  }
0xa4: {  	s25 =	simm.s32 $0x1B8E;
	s24 =	sld [smem:$0x3FFE];
	[sflag:s23] =	ssyncadd.s32 $0xFFFFFFFF  }
0xa5: {  	s26 =	simm.s32 $execute0_lowered;
	[smem:$0x3FD2] =	sst s25  }
0xa6: {  	s5 =	sshll.u32 s26, $0x1;
	_ =	strace $0x80000046;
	[dreg:$0x1] =	wrdreg $0xFFFFFFFF  }
0xa7: {  	s28 =	simm.s32 $_size_execute0_lowered;
	s3 =	sadd.s32 s3, s5;
	[dreg:$0x0] =	wrdreg $0x0  }
0xa8: {  	s5 =	sshll.u32 s28, $0x1;
	[dreg:$0x2] =	wrdreg s3  }
0xa9: {  	[dreg:$0x3] =	wrdreg s5  }
0xaa: {  	[dreg:$0x4] =	wrdreg $0xC0  }
0xab: {  	_ =	task [dreg:s7], $0x5FFFF  }
0xac: {  	[dreg:$0x1] =	wrdreg $0xFFFFFFFF  }
0xad: {  	[dreg:$0x0] =	wrdreg $0x60  }
0xae: {  	[dreg:$0x2] =	wrdreg s2  }
0xaf: {  	[dreg:$0x3] =	wrdreg s24  }
0xb0: {  	[dreg:$0x4] =	wrdreg $0x9  }
0xb1: {  	_ =	task.clear_ibuf [dreg:s7], $0x5FFFF;
	_ =	strace $0x90000046  }
0xb2: {  	s29 =	simm.s32 $0x9;
	_ =	strace $0x80000048  }
0xb3: {  	_ =	swait.ge [sflag:s29], $0x1  }
0xb4: {  	[sflag:s29] =	ssyncadd.s32 $0xFFFFFFFF  }
0xb5: {  	_ =	strace $0x90000048  }
0xb6: {  	_ =	sfence  }
0xb7: {  	s30 =	sld [smem:$0x0];
	_ =	sdelay $0x2  }
0xb8: {  	s31 =	sshll.u32 s1, $0xD;
	s1 =	sshrl.u32 s1, $0x2  }
0xb9: {  	s3 =	sand.u32 $0x4000, s31;
	s1 =	sadd.s32 s1, s30  }
0xba: {  	s0 =	sor.u32 s3, s0;
	s1 =	sshll.u32 s1, $0x11  }
0xbb: {  	s0 =	sor.u32 s1, s0  }
0xbc: {  	s0 =	sadd.s32 $0x8F2B, s0  }
0xbd: {  	[sflag:s0] =	ssyncadd.remote.s32 $0x1  }
0xbe: {  	_ =	sfence.sel $0xFFFF  }
0xbf: {  	[dreg:$0x0] =	wrdreg $0xFFFFFFFF;
	(pc) =	sbr.abs _section_cstart, $3  }
0xc0: {  	[dreg:$0x1] =	wrdreg $0xFFFFFFFF  }
0xc1: {  	_ =	task.clear_ibuf [dreg:s7], $0x2FFFF;
	_ =	strace $0x9FFFFFFF  }
0xc2: {  	(tm) =	ssettm $0x7FFFFFFF  }
0xc3: {  	_ =	shalt  }
tec
execute0_lowered:
.L_overlay_start_1:
0x0: {  	(tag) =	ssettag $0x1  }
0x1: {  	s1 =	srdreg.scid;
	s3 =	rddreg [dreg:$0x0];
	v0 =	vimm.s32 $0xEFCDAB89;
	v1 =	vimm.s32 $0x67452301;
	v2 =	vimm.s32 $0xDCFE98BA  }
0x2: {  	s0 =	stileid.u32;
	s5 =	rddreg [dreg:$0x1];
	s2 =	simm.s32 $0x0;
	v3 =	vimm.s32 $0x54761032;
	v4 =	vimm.s32 $0xBA98FEDC;
	v5 =	vimm.s32 $0x32107654  }
0x3: {  	v6 =	vimm.s32 $0xFEDCBA98;
	v7 =	vimm.s32 $0x76543210;
	s18 =	simm.s32 $0x1;
	s19 =	simm.s32 $0x8000;
	s20 =	simm.s32 $0x2  }
0x4: {  	s21 =	simm.s32 $0x3;
	s4 =	sand.u32 $0x1, s1;
	s31 =	sshll.u32 s0, $0x1;
	v0 =	vunpack.c.l.s4.s8 v0;
	v1 =	vunpack.c.l.s4.s8 v1;
	v2 =	vunpack.c.l.s4.s8 v2  }
0x5: {  	s22 =	simm.s32 $0x4;
	s1 =	rddreg [dreg:$0x2];
	v3 =	vunpack.c.l.s4.s8 v3;
	v4 =	vunpack.c.l.s4.s8 v4;
	v5 =	vunpack.c.l.s4.s8 v5;
	s6 =	sor.u32 s4, s31  }
0x6: {  	s23 =	simm.s32 $0x0;
	[smem:$0x7FF] =	sst s2;
	v6 =	vunpack.c.l.s4.s8 v6;
	s7 =	smul.u32 $0x38000, s6;
	v0 =	vunpack.c.0.s8.s32 v0;
	v1 =	vunpack.c.0.s8.s32 v1  }
0x7: {  	s9 =	sadd.s32 $0x400, s5;
	v7 =	vunpack.c.l.s4.s8 v7;
	s4 =	ssub.s32 $0x2, s4;
	s6 =	smul.u32 $0x7000, s6;
	v2 =	vunpack.c.0.s8.s32 v2;
	v3 =	vunpack.c.0.s8.s32 v3  }
0x8: {  	_ =	strace $0x80000047;
	s8 =	sshrl.u32 s4, $0x1;
	v4 =	vunpack.c.0.s8.s32 v4;
	v5 =	vunpack.c.0.s8.s32 v5;
	s7 =	sshrl.u32 s7, $0x3;
	v0 =	vcombine.low v1, v0  }
0x9: {  	v58 =	vunpack.c.0.s8.s32 v6;
	s17 =	ssub.s32 s4, s8;
	s5 =	sadd.s32 s9, s6;
	v2 =	vcombine.low v3, v2;
	s14 =	sadd.s32 s3, s7  }
0xa: {  	v60 =	vunpack.c.0.s8.s32 v7;
	v59 =	vcombine.low v5, v4;
	s17 =	smax.u32 s17, $0x1;
	s16 =	sadd.s32 s9, s7;
	s3 =	sadd.s32 $0x1A0000, s14;
	v0 =	vand.u32 $0xF, v0  }
0xb: {  	v61 =	vand.u32 $0xF, v58;
	s4 =	sadd.s32 $0x1A1000, s14;
	s6 =	sadd.s32 $0x1A2000, s14;
	s7 =	sadd.s32 $0x1000, s16;
	v62 =	vand.u32 $0xF, v2;
	[tilespmem:$0x1FFC0] =	vst v0  }
0xc: {  	s8 =	sadd.s32 $0x1A3000, s14;
	s9 =	sadd.s32 $0x2000, s16;
	s10 =	sadd.s32 $0x1A4000, s14;
	v63 =	vand.u32 $0xF, v59;
	[tilespmem:$0x1FFD0] =	vst v62;
	v0 =	vcombine.low v61, v60  }
0xd: {  	s11 =	sadd.s32 $0x3000, s16;
	s12 =	sadd.s32 $0x1A5000, s14;
	s13 =	sadd.s32 $0x4000, s16;
	[tilespmem:$0x1FFE0] =	vst v63  }
0xe: {  	s14 =	sadd.s32 $0x1A6000, s14;
	s15 =	sadd.s32 $0x5000, s16;
	s16 =	sadd.s32 $0x6000, s16;
	[tilespmem:$0x1FFF0] =	vst v0  }
.LBB2_1:
0xf: {  	[tilespmem:s2], [sflag:$0x1] =	stream.linear.gather [hbm4b:s3+s2], $0x8000, $0x38;
	[tilespmem:$0x10000] =	vst v63  }
0x10: {  	_ =	swait.ge [sflag:s18], $0x8000  }
0x11: {  	s24 =	sand.u32 $0x7800, s2;
	s25 =	sand.u32 $0x300, s2;
	[sflag:s18] =	ssyncset.done $0x0  }
0x12: {  	s24 =	sor.u32 s25, s24;
	[sflag:s18] =	ssyncadd.s32 $0xFFFF8000  }
0x13: {  	[tilespmem:s19], [sflag:$0x2] =	stream.linear.gather [hbm4b:s4+s2], $0x8000, $0x38;
	[tilespmem:$0x10000] =	vst v63  }
0x14: {  	v6 =	vld [tilespmem:s24+$0x80]  }
0x15: {  	v59 =	vld [tilespmem:s24+$0x90]  }
0x16: {  	v58 =	vld [tilespmem:s24+$0xA0]  }
0x17: {  	v5 =	vld [tilespmem:s24+$0xB0]  }
0x18: {  	v10 =	vld [tilespmem:s24+$0xC0]  }
0x19: {  	v14 =	vld [tilespmem:s24+$0xD0]  }
0x1a: {  	v3 =	vld [tilespmem:s24+$0xE0]  }
0x1b: {  	v2 =	vld [tilespmem:s24+$0xF0]  }
0x1c: {  	v55 =	vld [tilespmem:s24+$0x480]  }
0x1d: {  	v1 =	vld [tilespmem:s24+$0x490]  }
0x1e: {  	v15 =	vld [tilespmem:s24+$0x4A0]  }
0x1f: {  	v56 =	vld [tilespmem:s24+$0x4B0]  }
0x20: {  	v54 =	vld [tilespmem:s24+$0x4C0]  }
0x21: {  	v13 =	vld [tilespmem:s24+$0x4D0]  }
0x22: {  	v12 =	vld [tilespmem:s24+$0x4E0]  }
0x23: {  	v4 =	vld [tilespmem:s24+$0x4F0];
	[tilespmem:$0x1FEB0] =	vst v5  }
0x24: {  	v7 =	vld [tilespmem:s24+$0x0];
	_ =	sdelay $0x4  }
0x25: {  	[tilespmem:$0x1FF00] =	vst v7  }
0x26: {  	v60 =	vld [tilespmem:s24+$0x10];
	_ =	sdelay $0x2  }
0x27: {  	[tilespmem:$0x1FEC0] =	vst v3  }
0x28: {  	[tilespmem:$0x1FED0] =	vst v2  }
0x29: {  	[tilespmem:$0x1FF10] =	vst v60  }
0x2a: {  	v22 =	vmul.f32 v2, v2;
	v2 =	vld [tilespmem:s24+$0x20];
	_ =	sdelay $0x3  }
0x2b: {  	[tilespmem:$0x1FEE0] =	vst v1  }
0x2c: {  	[tilespmem:$0x1FF20] =	vst v2  }
0x2d: {  	v24 =	vmul.f32 v1, v1;
	v1 =	vld [tilespmem:s24+$0x40];
	_ =	sdelay $0x4  }
0x2e: {  	v8 =	vld [tilespmem:s24+$0x30];
	[tilespmem:$0x1FF30] =	vst v1  }
0x2f: {  	v21 =	vmul.f32 v3, v3;
	v3 =	vld [tilespmem:s24+$0x50];
	_ =	sdelay $0x4  }
0x30: {  	[tilespmem:$0x1FF40] =	vst v3  }
0x31: {  	v30 =	vld [tilespmem:s24+$0x60];
	_ =	sdelay $0x4  }
0x32: {  	[tilespmem:$0x1FF50] =	vst v30  }
0x33: {  	v31 =	vld [tilespmem:s24+$0x70]  }
0x34: {  	v0 =	vmul.f32 v6, v6;
	v16 =	vmul.f32 v59, v59  }
0x35: {  	v17 =	vmul.f32 v58, v58;
	v18 =	vmul.f32 v5, v5  }
0x36: {  	v19 =	vmul.f32 v10, v10;
	v20 =	vmul.f32 v14, v14  }
0x37: {  	v25 =	vmul.f32 v15, v15;
	v26 =	vmul.f32 v56, v56;
	v0 =	vadd.f32 v16, v0  }
0x38: {  	v16 =	vadd.f32 v18, v17;
	v18 =	vadd.f32 v20, v19;
	[tilespmem:$0x1FF60] =	vst v31  }
0x39: {  	v19 =	vadd.f32 v22, v21;
	v21 =	vadd.f32 v26, v25;
	v25 =	vld [tilespmem:s24+$0x400];
	_ =	sdelay $0x3  }
0x3a: {  	v23 =	vmul.f32 v55, v55  }
0x3b: {  	[tilespmem:$0x1FF70] =	vst v25  }
0x3c: {  	v20 =	vadd.f32 v24, v23;
	v24 =	vld [tilespmem:s24+$0x410];
	_ =	sdelay $0x3  }
0x3d: {  	v27 =	vmul.f32 v54, v54;
	v28 =	vmul.f32 v13, v13  }
0x3e: {  	[tilespmem:$0x1FF80] =	vst v24  }
0x3f: {  	v22 =	vadd.f32 v28, v27;
	v27 =	vld [tilespmem:s24+$0x420];
	_ =	sdelay $0x4  }
0x40: {  	[tilespmem:$0x1FF90] =	vst v27  }
0x41: {  	v26 =	vld [tilespmem:s24+$0x430];
	_ =	sdelay $0x4  }
0x42: {  	v29 =	vmul.f32 v12, v12;
	v17 =	vmul.f32 v4, v4;
	[tilespmem:$0x1FFA0] =	vst v26  }
0x43: {  	v61 =	vld [tilespmem:s24+$0x440]  }
0x44: {  	v17 =	vadd.f32 v17, v29  }
0x45: {  	v0 =	vadd.f32 v16, v0;
	v16 =	vadd.f32 v19, v18  }
0x46: {  	v18 =	vadd.f32 v21, v20;
	v17 =	vadd.f32 v17, v22;
	_ =	sdelay $0x1  }
0x47: {  	v0 =	vadd.f32 v16, v0;
	v16 =	vadd.f32 v17, v18;
	v18 =	vmul.f32 v1, v1;
	v1 =	vld [tilespmem:$0x1FFC0];
	[tilespmem:$0x1FFB0] =	vst v61  }
0x48: {  	v19 =	vmul.f32 v7, v7;
	v20 =	vmul.f32 v60, v60;
	v9 =	vld [tilespmem:s24+$0x450]  }
0x49: {  	v21 =	vmul.f32 v2, v2;
	v17 =	vmul.f32 v8, v8;
	v11 =	vld [tilespmem:s24+$0x460]  }
0x4a: {  	v0 =	vadd.f32 v16, v0;
	v22 =	vmul.f32 v3, v3;
	v23 =	vmul.f32 v30, v30;
	v42 =	vld [tilespmem:s24+$0x470]  }
0x4b: {  	v16 =	vadd.f32 v20, v19;
	v19 =	vmul.f32 v31, v31;
	v20 =	vmul.f32 v25, v25  }
0x4c: {  	v17 =	vadd.f32 v17, v21;
	v21 =	vmul.f32 v24, v24;
	v24 =	vperm.xlane v0, v1  }
0x4d: {  	v2 =	vld [tilespmem:$0x1FFD0];
	v18 =	vadd.f32 v22, v18;
	v22 =	vmul.f32 v27, v27;
	v25 =	vmul.f32 v26, v26  }
0x4e: {  	v19 =	vadd.f32 v19, v23;
	v23 =	vmul.f32 v61, v61;
	v26 =	vmul.f32 v9, v9  }
0x4f: {  	v20 =	vadd.f32 v21, v20;
	v21 =	vmul.f32 v11, v11;
	v27 =	vmul.f32 v42, v42  }
0x50: {  	v0 =	vadd.f32 v0, v24;
	v22 =	vadd.f32 v25, v22  }
0x51: {  	v3 =	vld [tilespmem:$0x1FFE0];
	v23 =	vadd.f32 v26, v23;
	v21 =	vadd.f32 v27, v21  }
0x52: {  	v16 =	vadd.f32 v17, v16;
	v17 =	vadd.f32 v19, v18;
	v18 =	vperm.xlane v0, v2  }
0x53: {  	v19 =	vadd.f32 v22, v20;
	v20 =	vadd.f32 v21, v23  }
0x54: {  	v0 =	vadd.f32 v0, v18  }
0x55: {  	v5 =	vld [tilespmem:$0x1FFF0];
	v16 =	vadd.f32 v17, v16;
	v17 =	vadd.f32 v20, v19  }
0x56: {  	s31 =	simm.s32 $0x100;
	s26 =	simm.s32 $0x200;
	v18 =	vperm.xlane v0, v3  }
0x57: {  	s26 =	sand.u32 $0x7800, s26;
	s25 =	sand.u32 $0x300, s31;
	v16 =	vadd.f32 v17, v16  }
0x58: {  	s25 =	sor.u32 s25, s26;
	v0 =	vadd.f32 v0, v18  }
0x59: {  	v30 =	vld [tilespmem:s25+$0x80];
	v17 =	vperm.xlane v16, v1  }
0x5a: {  	v18 =	vperm.xlane v0, v5;
	v29 =	vld [tilespmem:s25+$0x90]  }
0x5b: {  	v62 =	vld [tilespmem:s25+$0xA0];
	v16 =	vadd.f32 v16, v17  }
0x5c: {  	v0 =	vadd.f32 v0, v18;
	v18 =	vld [tilespmem:s25+$0xC0]  }
0x5d: {  	v22 =	vld [tilespmem:s25+$0xF0];
	v17 =	vperm.xlane v16, v2  }
0x5e: {  	v25 =	vld [tilespmem:s25+$0x4C0]  }
0x5f: {  	v21 =	vld [tilespmem:s25+$0xE0];
	v23 =	vadd.f32 v16, v17  }
0x60: {  	v19 =	vld [tilespmem:s25+$0xB0]  }
0x61: {  	v0 =	vmax.f32 v0, $1.000000020e-24;
	v20 =	vld [tilespmem:s25+$0xD0];
	v24 =	vperm.xlane v23, v3  }
0x62: {  	v38 =	vmul.f32 v30, v30;
	v16 =	vshra.s32 v0, $0x1;
	v17 =	vld [tilespmem:s25+$0x490]  }
0x63: {  	v36 =	vmul.f32 v29, v29;
	v45 =	vsub.s32 $0x5F3759DF, v16;
	v16 =	vld [tilespmem:s25+$0x480];
	v28 =	vadd.f32 v23, v24  }
0x64: {  	v37 =	vmul.f32 v62, v62;
	v39 =	vmul.f32 v18, v18;
	v23 =	vld [tilespmem:s25+$0x4A0]  }
0x65: {  	v0 =	vmul.f32 $5.000000000e-01, v0;
	v24 =	vld [tilespmem:s25+$0x4B0];
	[tilespmem:$0x1FEF0] =	vst v62;
	v31 =	vperm.xlane v28, v5  }
0x66: {  	v49 =	vmul.f32 v22, v22;
	v61 =	vmul.f32 v25, v25;
	v26 =	vld [tilespmem:s25+$0x4D0]  }
0x67: {  	v48 =	vmul.f32 v21, v21;
	v0 =	vmul.f32 v45, v0;
	v63 =	vld [tilespmem:s25+$0x0];
	v31 =	vadd.f32 v28, v31  }
0x68: {  	v53 =	vadd.f32 v36, v38;
	v35 =	vmul.f32 v19, v19;
	v40 =	vmul.f32 v20, v20;
	v28 =	vld [tilespmem:s25+$0x4E0]  }
0x69: {  	v48 =	vadd.f32 v49, v48;
	v52 =	vmul.f32 v45, v0;
	v43 =	vld [tilespmem:s25+$0x4F0];
	v32 =	vmax.f32 v31, $1.000000020e-24  }
0x6a: {  	v51 =	vmul.f32 v17, v17;
	v57 =	vshra.s32 v32, $0x1;
	v0 =	vmul.f32 $5.000000000e-01, v32  }
0x6b: {  	v7 =	vmul.f32 v23, v23;
	v60 =	vmul.f32 v24, v24;
	v57 =	vsub.s32 $0x5F3759DF, v57  }
0x6c: {  	v46 =	vadd.f32 v40, v39;
	v50 =	vmul.f32 v16, v16;
	v0 =	vmul.f32 v57, v0  }
0x6d: {  	v62 =	vmul.f32 v26, v26;
	v32 =	vmovc v63;
	v63 =	vadd.f32 v60, v7;
	v60 =	vmul.f32 v28, v28  }
0x6e: {  	v47 =	vadd.f32 v35, v37;
	v41 =	vmul.f32 v57, v0;
	v0 =	vmul.f32 v43, v43  }
0x6f: {  	v46 =	vadd.f32 v48, v46;
	v49 =	vadd.f32 v51, v50  }
0x70: {  	v34 =	vld [tilespmem:s25+$0x20];
	v50 =	vadd.f32 v62, v61;
	v0 =	vadd.f32 v0, v60  }
0x71: {  	v35 =	vld [tilespmem:s25+$0x30];
	v62 =	vadd.f32 v47, v53;
	v63 =	vadd.f32 v63, v49  }
0x72: {  	v44 =	vsub.f32 $1.500000000e+00, v41;
	v0 =	vadd.f32 v0, v50  }
0x73: {  	v61 =	vsub.f32 $1.500000000e+00, v52  }
0x74: {  	v57 =	vmul.f32 v57, v44;
	v44 =	vadd.f32 v46, v62;
	v0 =	vadd.f32 v0, v63  }
0x75: {  	v38 =	vmul.f32 v34, v34  }
0x76: {  	v39 =	vmul.f32 v35, v35;
	v41 =	vmul.f32 v45, v61;
	v0 =	vadd.f32 v0, v44;
	_ =	sdelay $0x1  }
0x77: {  	v31 =	vld [tilespmem:s25+$0x10];
	v27 =	vmul.f32 v41, v6;
	v6 =	vadd.f32 v39, v38;
	v38 =	vperm.xlane v0, v1  }
0x78: {  	v62 =	vmul.f32 v41, v4  }
0x79: {  	v33 =	vld [tilespmem:s25+$0x40];
	v0 =	vadd.f32 v0, v38  }
0x7a: {  	v51 =	vld [tilespmem:s25+$0x420];
	v61 =	vmul.f32 v41, v59;
	[tilespmem:s24+$0x4F0] =	vst v62  }
0x7b: {  	v49 =	vld [tilespmem:s25+$0x430];
	[tilespmem:s24+$0x80] =	vst v27;
	v38 =	vperm.xlane v0, v2  }
0x7c: {  	v36 =	vld [tilespmem:s25+$0x50];
	v7 =	vmul.f32 v32, v32;
	v37 =	vmul.f32 v31, v31;
	[tilespmem:s24+$0x90] =	vst v61  }
0x7d: {  	v0 =	vadd.f32 v0, v38;
	v38 =	vld [tilespmem:$0x1FF00]  }
0x7e: {  	v40 =	vld [tilespmem:s25+$0x60];
	v53 =	vadd.f32 v37, v7  }
0x7f: {  	v48 =	vld [tilespmem:s25+$0x400]  }
0x80: {  	v52 =	vld [tilespmem:s25+$0x70];
	v4 =	vmul.f32 v49, v49;
	v63 =	vadd.f32 v6, v53;
	v6 =	vmul.f32 v51, v51  }
0x81: {  	v47 =	vld [tilespmem:s25+$0x460];
	v37 =	vmul.f32 v41, v58  }
0x82: {  	v50 =	vld [tilespmem:s25+$0x410];
	v2 =	vadd.f32 v4, v6;
	v4 =	vmul.f32 v57, v38  }
0x83: {  	v46 =	vld [tilespmem:s25+$0x450];
	[tilespmem:s24+$0xA0] =	vst v37  }
0x84: {  	v7 =	vmul.f32 v33, v33;
	v58 =	vmul.f32 v40, v40;
	v61 =	vld [tilespmem:$0x1FF10];
	[tilespmem:s24+$0x0] =	vst v4  }
0x85: {  	v44 =	vmul.f32 v36, v36;
	v1 =	vmul.f32 v52, v52;
	v4 =	vld [tilespmem:$0x1FF20]  }
0x86: {  	v45 =	vld [tilespmem:s25+$0x440]  }
0x87: {  	v59 =	vadd.f32 v44, v7;
	v44 =	vld [tilespmem:s25+$0x470];
	v1 =	vadd.f32 v1, v58  }
0x88: {  	v39 =	vmul.f32 v48, v48  }
0x89: {  	v60 =	vmul.f32 v50, v50;
	v1 =	vadd.f32 v1, v59;
	v62 =	vmul.f32 v57, v61  }
0x8a: {  	v53 =	vmul.f32 v46, v46;
	v4 =	vmul.f32 v57, v4  }
0x8b: {  	v58 =	vmul.f32 v45, v45;
	v1 =	vadd.f32 v1, v63;
	v63 =	vperm.xlane v0, v3;
	[tilespmem:s24+$0x10] =	vst v62  }
0x8c: {  	v60 =	vadd.f32 v60, v39;
	v59 =	vmul.f32 v47, v47;
	v39 =	vmul.f32 v44, v44;
	[tilespmem:s24+$0x20] =	vst v4  }
0x8d: {  	v37 =	vadd.f32 v0, v63;
	v0 =	vld [tilespmem:$0x1FF30]  }
0x8e: {  	v53 =	vadd.f32 v53, v58;
	v39 =	vadd.f32 v39, v59;
	v3 =	vld [tilespmem:$0x1FF40]  }
0x8f: {  	v7 =	vmul.f32 v57, v8  }
0x90: {  	v2 =	vadd.f32 v2, v60;
	v6 =	vadd.f32 v39, v53  }
0x91: {  	[tilespmem:s24+$0x30] =	vst v7  }
0x92: {  	v38 =	vadd.f32 v6, v2;
	v2 =	vld [tilespmem:$0x1FF50];
	v0 =	vmul.f32 v57, v0  }
0x93: {  	v39 =	vld [tilespmem:$0x1FF60];
	v3 =	vmul.f32 v57, v3  }
0x94: {  	v53 =	vld [tilespmem:$0x1FF70];
	[tilespmem:s24+$0x40] =	vst v0  }
0x95: {  	[tilespmem:s24+$0x50] =	vst v3  }
0x96: {  	v0 =	vadd.f32 v38, v1;
	v1 =	vld [tilespmem:$0x1FF80];
	_ =	sdelay $0x4  }
0x97: {  	v61 =	vmul.f32 v57, v1;
	v1 =	vld [tilespmem:$0x1FF90];
	_ =	sdelay $0x1  }
0x98: {  	v2 =	vmul.f32 v57, v2;
	_ =	sdelay $0x1  }
0x99: {  	[tilespmem:s24+$0x60] =	vst v2  }
0x9a: {  	v60 =	vmul.f32 v57, v1;
	v1 =	vld [tilespmem:$0x1FFA0];
	_ =	sdelay $0x4  }
0x9b: {  	v58 =	vmul.f32 v57, v1;
	v1 =	vld [tilespmem:$0x1FFB0];
	_ =	sdelay $0x2  }
0x9c: {  	v59 =	vperm.xlane v37, v5  }
0x9d: {  	v62 =	vmul.f32 v57, v39  }
0x9e: {  	s28 =	simm.s32 $0x200;
	s29 =	simm.s32 $0x400;
	s26 =	simm.s32 $0x2;
	v63 =	vmul.f32 v57, v53;
	v53 =	vadd.f32 v37, v59;
	v59 =	vmul.f32 v57, v1  }
.LBB2_2:
0x9f: {  	[tilespmem:$0x1FE30] =	vst v34  }
0xa0: {  	[tilespmem:$0x1FE40] =	vst v33  }
0xa1: {  	[tilespmem:s24+$0x410] =	vst v61  }
0xa2: {  	v1 =	vmul.f32 v57, v11;
	v6 =	vmov v48;
	v11 =	vld [tilespmem:$0x1FFC0];
	[tilespmem:s24+$0x70] =	vst v62  }
0xa3: {  	v2 =	vmov v51;
	v37 =	vmov v47;
	v47 =	vmul.f32 v41, v15;
	v15 =	vld [tilespmem:$0x1FFE0];
	[tilespmem:$0x1FE50] =	vst v6  }
0xa4: {  	[tilespmem:$0x1FE70] =	vst v2;
	v2 =	vld [tilespmem:$0x1FEB0]  }
0xa5: {  	s30 =	sand.u32 $0x7800, s29;
	s31 =	sand.u32 $0x300, s28;
	v53 =	vmax.f32 v53, $1.000000020e-24;
	v27 =	vld [tilespmem:$0x1FFF0];
	[tilespmem:s24+$0x400] =	vst v63  }
0xa6: {  	v3 =	vmovc v50;
	s30 =	sor.u32 s31, s30;
	v63 =	vshra.s32 v53, $0x1;
	v34 =	vmul.f32 $5.000000000e-01, v53;
	[tilespmem:s24+$0x430] =	vst v58;
	v58 =	vmul.f32 v41, v14;
	v14 =	vld [tilespmem:$0x1FFD0]  }
0xa7: {  	v5 =	vmov v19;
	[tilespmem:$0x1FE60] =	vst v3;
	v48 =	vld [tilespmem:s30+$0x80];
	v50 =	vsub.s32 $0x5F3759DF, v63  }
0xa8: {  	v42 =	vmul.f32 v57, v42;
	v4 =	vmov v49;
	[tilespmem:$0x1FEB0] =	vst v5;
	v49 =	vld [tilespmem:s30+$0x90];
	v34 =	vmul.f32 v50, v34  }
0xa9: {  	v62 =	vmul.f32 v57, v9;
	[tilespmem:$0x1FE80] =	vst v4;
	v57 =	vld [tilespmem:s30+$0xA0];
	v51 =	vmul.f32 v41, v2;
	v2 =	vmov v45  }
0xaa: {  	v39 =	vperm.xlane v0, v11;
	v5 =	vmul.f32 v50, v34;
	[tilespmem:$0x1FEA0] =	vst v2;
	v2 =	vld [tilespmem:$0x1FEC0]  }
0xab: {  	[tilespmem:s24+$0x420] =	vst v60;
	v19 =	vld [tilespmem:s30+$0xB0]  }
0xac: {  	v38 =	vmovc v35;
	v35 =	vmovc v20;
	[tilespmem:s24+$0x440] =	vst v59;
	v20 =	vld [tilespmem:s30+$0xD0];
	v53 =	vmov v46;
	v0 =	vadd.f32 v0, v39;
	v46 =	vsub.f32 $1.500000000e+00, v5  }
0xad: {  	v3 =	vmov v18;
	v18 =	vld [tilespmem:s30+$0xC0];
	[tilespmem:s24+$0x450] =	vst v62;
	v62 =	vmul.f32 v41, v56  }
0xae: {  	[tilespmem:s24+$0x460] =	vst v1;
	v56 =	vmov v25;
	v25 =	vld [tilespmem:s30+$0x4C0];
	v33 =	vperm.xlane v0, v14;
	v46 =	vmul.f32 v50, v46  }
0xaf: {  	[tilespmem:s24+$0x470] =	vst v42;
	v39 =	vmovc v36;
	v36 =	vmov v23;
	v23 =	vld [tilespmem:s30+$0x4A0];
	v4 =	vmul.f32 v41, v2;
	v2 =	vmov v21  }
0xb0: {  	v1 =	vmul.f32 v41, v55;
	v55 =	vmov v26;
	v26 =	vmul.f32 v46, v43;
	[tilespmem:$0x1FEC0] =	vst v2;
	v2 =	vld [tilespmem:$0x1FED0]  }
0xb1: {  	v0 =	vadd.f32 v0, v33;
	v21 =	vld [tilespmem:s30+$0xE0];
	[tilespmem:s24+$0xB0] =	vst v51  }
0xb2: {  	v51 =	vmul.f32 v41, v54;
	v54 =	vmovc v28;
	v28 =	vmul.f32 v46, v30;
	v33 =	vmov v24;
	v24 =	vld [tilespmem:s30+$0x4B0];
	[tilespmem:s25+$0x4F0] =	vst v26  }
0xb3: {  	[tilespmem:$0x1FE90] =	vst v3;
	v50 =	vmul.f32 v41, v13;
	v26 =	vld [tilespmem:s30+$0x4D0]  }
0xb4: {  	v7 =	vperm.xlane v0, v15;
	[tilespmem:s25+$0x80] =	vst v28;
	v28 =	vld [tilespmem:s30+$0x4E0]  }
0xb5: {  	v60 =	vmul.f32 v41, v10;
	v43 =	vld [tilespmem:s30+$0x4F0];
	[tilespmem:s24+$0x4D0] =	vst v50;
	v6 =	vmul.f32 v41, v2;
	v2 =	vmov v22  }
0xb6: {  	v0 =	vadd.f32 v0, v7;
	[tilespmem:$0x1FED0] =	vst v2;
	v2 =	vld [tilespmem:$0x1FEE0]  }
0xb7: {  	v59 =	vmul.f32 v19, v19;
	v22 =	vld [tilespmem:s30+$0xF0];
	[tilespmem:s24+$0xC0] =	vst v60  }
0xb8: {  	v42 =	vmovc v44;
	v61 =	vmul.f32 v20, v20;
	v30 =	vmov v48;
	[tilespmem:s24+$0xD0] =	vst v58;
	v60 =	vperm.xlane v0, v27  }
0xb9: {  	v34 =	vmovc v32;
	v32 =	vmov v16;
	v16 =	vld [tilespmem:s30+$0x480];
	v44 =	vmul.f32 v48, v30;
	v58 =	vmul.f32 v41, v12;
	[tilespmem:s24+$0xE0] =	vst v4  }
0xba: {  	v8 =	vmul.f32 v26, v26;
	v9 =	vmul.f32 v28, v28;
	[tilespmem:s24+$0xF0] =	vst v6;
	v0 =	vadd.f32 v0, v60  }
0xbb: {  	v60 =	vmul.f32 v18, v18;
	v45 =	vmul.f32 v41, v2;
	v2 =	vmov v17;
	v17 =	vld [tilespmem:s30+$0x490];
	[tilespmem:s24+$0x480] =	vst v1  }
0xbc: {  	v7 =	vld [tilespmem:s30+$0x20];
	v6 =	vmul.f32 v24, v24;
	v0 =	vmax.f32 v0, $1.000000020e-24;
	v63 =	vmul.f32 v22, v22;
	[tilespmem:s24+$0x4A0] =	vst v47  }
0xbd: {  	v4 =	vshra.s32 v0, $0x1;
	v0 =	vmul.f32 $5.000000000e-01, v0;
	v41 =	vmovc v46;
	v47 =	vmul.f32 v25, v25;
	[tilespmem:s24+$0x4B0] =	vst v62  }
0xbe: {  	v5 =	vld [tilespmem:s30+$0x10];
	v4 =	vsub.s32 $0x5F3759DF, v4;
	[tilespmem:$0x1FEE0] =	vst v2;
	v46 =	vmul.f32 v41, v29;
	v29 =	vmovc v49;
	v2 =	vmul.f32 v16, v16  }
0xbf: {  	v62 =	vld [tilespmem:s30+$0x30];
	[tilespmem:s24+$0x4C0] =	vst v51;
	v0 =	vmul.f32 v4, v0;
	v48 =	vmul.f32 v49, v29  }
0xc0: {  	v1 =	vld [tilespmem:s30+$0x0];
	v51 =	vadd.f32 v61, v60;
	v49 =	vmul.f32 v57, v57;
	[tilespmem:s24+$0x490] =	vst v45;
	v45 =	vmul.f32 v23, v23  }
0xc1: {  	v60 =	vld [tilespmem:s30+$0x50];
	v8 =	vadd.f32 v8, v47;
	v47 =	vmul.f32 v7, v7;
	[tilespmem:s25+$0x90] =	vst v46;
	v46 =	vmul.f32 v21, v21  }
0xc2: {  	[tilespmem:s24+$0x4E0] =	vst v58;
	s24 =	smov.u32 s25;
	s25 =	smov.u32 s30;
	v44 =	vadd.f32 v48, v44;
	v48 =	vadd.f32 v59, v49;
	v59 =	vld [tilespmem:s30+$0x40];
	v3 =	vmul.f32 v17, v17  }
0xc3: {  	v0 =	vmul.f32 v4, v0;
	v49 =	vmul.f32 v43, v43;
	v10 =	vld [tilespmem:s25+$0x70];
	v46 =	vadd.f32 v63, v46  }
0xc4: {  	v58 =	vmul.f32 v62, v62;
	v2 =	vadd.f32 v3, v2;
	v3 =	vadd.f32 v6, v45;
	v6 =	vld [tilespmem:s25+$0x60]  }
0xc5: {  	v61 =	vmul.f32 v1, v1;
	v9 =	vadd.f32 v49, v9;
	v44 =	vadd.f32 v48, v44  }
0xc6: {  	v12 =	vld [tilespmem:$0x1FEF0];
	v63 =	vmul.f32 v5, v5;
	v46 =	vadd.f32 v46, v51;
	v47 =	vadd.f32 v58, v47  }
0xc7: {  	v50 =	vld [tilespmem:s25+$0x410];
	v2 =	vadd.f32 v3, v2;
	v3 =	vadd.f32 v9, v8;
	v8 =	vmul.f32 v59, v59  }
0xc8: {  	v48 =	vld [tilespmem:s25+$0x400];
	v9 =	vadd.f32 v63, v61;
	v61 =	vmul.f32 v60, v60;
	v44 =	vadd.f32 v46, v44  }
0xc9: {  	v49 =	vld [tilespmem:s25+$0x430];
	v58 =	vmul.f32 v10, v10;
	v2 =	vadd.f32 v3, v2;
	v3 =	vmul.f32 v6, v6  }
0xca: {  	v0 =	vsub.f32 $1.500000000e+00, v0;
	v51 =	vld [tilespmem:s25+$0x420];
	v8 =	vadd.f32 v61, v8  }
0xcb: {  	v45 =	vld [tilespmem:s25+$0x440];
	v2 =	vadd.f32 v2, v44;
	v3 =	vadd.f32 v58, v3  }
0xcc: {  	v13 =	vmov v57;
	v57 =	vmul.f32 v4, v0;
	v46 =	vld [tilespmem:s25+$0x450];
	v63 =	vmul.f32 v50, v50  }
0xcd: {  	v9 =	vadd.f32 v47, v9;
	v47 =	vld [tilespmem:s25+$0x460];
	v58 =	vperm.xlane v2, v11;
	v3 =	vadd.f32 v3, v8  }
0xce: {  	[tilespmem:$0x1FEF0] =	vst v13;
	v61 =	vmul.f32 v48, v48;
	v13 =	vmul.f32 v49, v49;
	v44 =	vld [tilespmem:s25+$0x470]  }
0xcf: {  	v2 =	vadd.f32 v2, v58;
	v3 =	vadd.f32 v3, v9;
	v9 =	vmul.f32 v57, v34  }
0xd0: {  	v12 =	vmul.f32 v41, v12;
	v11 =	vmul.f32 v51, v51  }
0xd1: {  	v61 =	vadd.f32 v63, v61;
	v0 =	vmul.f32 v46, v46;
	v8 =	vperm.xlane v2, v14;
	[tilespmem:s24+$0x0] =	vst v9;
	v9 =	vld [tilespmem:$0x1FE30]  }
0xd2: {  	v58 =	vmul.f32 v45, v45;
	v63 =	vadd.f32 v13, v11;
	v13 =	vmovc v55;
	v55 =	vmov v32  }
0xd3: {  	v11 =	vmul.f32 v47, v47;
	v32 =	vmovc v1;
	v1 =	vmul.f32 v44, v44;
	v2 =	vadd.f32 v2, v8  }
0xd4: {  	v0 =	vadd.f32 v0, v58  }
0xd5: {  	v4 =	vadd.f32 v63, v61;
	v1 =	vadd.f32 v1, v11;
	v63 =	vperm.xlane v2, v15  }
0xd6: {  	[tilespmem:s24+$0xA0] =	vst v12;
	v12 =	vmovc v54;
	v54 =	vmovc v56;
	v56 =	vmov v33;
	v61 =	vmul.f32 v57, v9;
	v9 =	vmov v53;
	v53 =	vld [tilespmem:$0x1FE60]  }
0xd7: {  	v38 =	vmul.f32 v57, v38;
	v33 =	vmovc v59;
	v59 =	vld [tilespmem:$0x1FE80];
	v0 =	vadd.f32 v1, v0;
	v1 =	vadd.f32 v2, v63  }
0xd8: {  	v58 =	vld [tilespmem:$0x1FE70]  }
0xd9: {  	[tilespmem:s24+$0x30] =	vst v38;
	v15 =	vmov v36;
	v36 =	vld [tilespmem:$0x1FE40];
	v38 =	vperm.xlane v1, v27  }
0xda: {  	s26 =	sadd.s32 $0x2, s26;
	v8 =	vmul.f32 v57, v31;
	v11 =	vmov v37;
	v37 =	vld [tilespmem:$0x1FE50]  }
0xdb: {  	p0 =	slt.u32 s26, $0x7E;
	[tilespmem:s24+$0x20] =	vst v61;
	v61 =	vmul.f32 v57, v53;
	v53 =	vadd.f32 v1, v38;
	v1 =	vld [tilespmem:$0x1FEA0]  }
.Ltmp0:
0xdc: {  	[tilespmem:s24+$0x10] =	vst v8;
	v8 =	vmul.f32 v57, v39;
	(pc) =	sbr.rel @p0 .LBB2_2-.Ltmp0, $4  }
0xdd: {  	v34 =	vmovc v7;
	v14 =	vmovc v35;
	v35 =	vmov v62;
	v62 =	vmul.f32 v57, v52;
	v2 =	vmul.f32 v57, v40  }
0xde: {  	v52 =	vmovc v10;
	v31 =	vmov v5;
	v0 =	vadd.f32 v0, v4;
	[tilespmem:s24+$0x50] =	vst v8;
	v5 =	vmul.f32 v57, v36  }
0xdf: {  	v40 =	vmovc v6;
	v63 =	vmul.f32 v57, v37;
	[tilespmem:s24+$0x60] =	vst v2;
	v36 =	vmov v60;
	v60 =	vmul.f32 v57, v58  }
0xe0: {  	s28 =	sadd.s32 $0x100, s28;
	s29 =	sadd.s32 $0x200, s29;
	v10 =	vld [tilespmem:$0x1FE90];
	v0 =	vadd.f32 v0, v3;
	v58 =	vmul.f32 v57, v59;
	[tilespmem:s24+$0x40] =	vst v5;
	v59 =	vmul.f32 v57, v1  }
0xe1: {  	v7 =	vld [tilespmem:$0x1FFC0];
	_ =	sdelay $0x2  }
0xe2: {  	[tilespmem:s24+$0x70] =	vst v62  }
0xe3: {  	v8 =	vld [tilespmem:$0x1FFD0]  }
0xe4: {  	v1 =	vperm.xlane v0, v7;
	_ =	sdelay $0x1  }
0xe5: {  	v0 =	vadd.f32 v0, v1  }
0xe6: {  	[tilespmem:s24+$0x400] =	vst v63  }
0xe7: {  	[tilespmem:s24+$0x410] =	vst v61;
	v1 =	vperm.xlane v0, v8  }
0xe8: {  	[tilespmem:s24+$0x420] =	vst v60  }
0xe9: {  	[tilespmem:s24+$0x430] =	vst v58;
	v0 =	vadd.f32 v0, v1;
	v1 =	vmul.f32 v57, v9  }
0xea: {  	v9 =	vld [tilespmem:$0x1FFE0];
	[tilespmem:s24+$0x440] =	vst v59  }
0xeb: {  	[tilespmem:s24+$0x450] =	vst v1  }
0xec: {  	v2 =	vmax.f32 v53, $1.000000020e-24;
	v1 =	vld [tilespmem:$0x1FEB0]  }
0xed: {  	v3 =	vshra.s32 v2, $0x1;
	v2 =	vmul.f32 $5.000000000e-01, v2  }
0xee: {  	v3 =	vsub.s32 $0x5F3759DF, v3  }
0xef: {  	v5 =	vmul.f32 v57, v11;
	v2 =	vmul.f32 v3, v2  }
0xf0: {  	v6 =	vmul.f32 v57, v42  }
0xf1: {  	v2 =	vmul.f32 v3, v2;
	[tilespmem:s24+$0x460] =	vst v5;
	v1 =	vmul.f32 v41, v1  }
0xf2: {  	v57 =	vmul.f32 v41, v10;
	[tilespmem:s24+$0x470] =	vst v6  }
0xf3: {  	v2 =	vsub.f32 $1.500000000e+00, v2;
	v10 =	vld [tilespmem:$0x1FFF0];
	[tilespmem:s24+$0xB0] =	vst v1  }
0xf4: {  	v4 =	vperm.xlane v0, v9;
	v1 =	vld [tilespmem:$0x1FEC0];
	[tilespmem:s24+$0xC0] =	vst v57  }
0xf5: {  	v2 =	vmul.f32 v3, v2;
	v3 =	vld [tilespmem:$0x1FED0]  }
0xf6: {  	v0 =	vadd.f32 v0, v4  }
0xf7: {  	v59 =	vmul.f32 v41, v14  }
0xf8: {  	v60 =	vmul.f32 v2, v43;
	v58 =	vperm.xlane v0, v10  }
0xf9: {  	[tilespmem:s24+$0xD0] =	vst v59;
	v1 =	vmul.f32 v41, v1  }
0xfa: {  	v0 =	vadd.f32 v0, v58;
	[tilespmem:s25+$0x4F0] =	vst v60;
	v3 =	vmul.f32 v41, v3  }
0xfb: {  	[tilespmem:s24+$0xE0] =	vst v1;
	v1 =	vmul.f32 v2, v30  }
0xfc: {  	v0 =	vmax.f32 v0, $1.000000020e-24;
	[tilespmem:s24+$0xF0] =	vst v3  }
0xfd: {  	v3 =	vshra.s32 v0, $0x1;
	v0 =	vmul.f32 $5.000000000e-01, v0;
	[tilespmem:s25+$0x80] =	vst v1  }
0xfe: {  	v3 =	vsub.s32 $0x5F3759DF, v3;
	v1 =	vld [tilespmem:$0x1FEE0]  }
0xff: {  	v61 =	vmul.f32 v2, v29;
	v0 =	vmul.f32 v3, v0  }
0x100: {  	v62 =	vmul.f32 v41, v55  }
0x101: {  	v63 =	vmul.f32 v41, v15;
	[tilespmem:s25+$0x90] =	vst v61;
	v0 =	vmul.f32 v3, v0  }
0x102: {  	v37 =	vmul.f32 v41, v56;
	[tilespmem:s24+$0x480] =	vst v62  }
0x103: {  	[tilespmem:s24+$0x4A0] =	vst v63;
	v0 =	vsub.f32 $1.500000000e+00, v0;
	v1 =	vmul.f32 v41, v1  }
0x104: {  	v38 =	vmul.f32 v41, v13;
	[tilespmem:s24+$0x4B0] =	vst v37  }
0x105: {  	v0 =	vmul.f32 v3, v0;
	[tilespmem:s24+$0x490] =	vst v1;
	v1 =	vmul.f32 v41, v54  }
0x106: {  	v39 =	vmul.f32 v41, v12;
	[tilespmem:s24+$0x4D0] =	vst v38  }
0x107: {  	v3 =	vmul.f32 v0, v32;
	[tilespmem:s24+$0x4C0] =	vst v1  }
0x108: {  	v41 =	vmul.f32 v0, v35;
	v1 =	vld [tilespmem:$0x1FEF0];
	[tilespmem:s24+$0x4E0] =	vst v39  }
0x109: {  	[tilespmem:s25+$0x0] =	vst v3;
	v3 =	vmul.f32 v0, v34  }
0x10a: {  	v42 =	vmul.f32 v0, v40;
	[tilespmem:s25+$0x30] =	vst v41  }
0x10b: {  	[tilespmem:s25+$0x20] =	vst v3;
	v3 =	vmul.f32 v0, v36  }
0x10c: {  	v43 =	vmul.f32 v0, v50;
	[tilespmem:s25+$0x60] =	vst v42  }
0x10d: {  	[tilespmem:s25+$0x50] =	vst v3;
	v3 =	vmul.f32 v0, v48  }
0x10e: {  	[tilespmem:s25+$0x410] =	vst v43;
	v48 =	vmul.f32 v0, v45  }
0x10f: {  	v1 =	vmul.f32 v2, v1;
	[tilespmem:s25+$0x400] =	vst v3  }
0x110: {  	v3 =	vmul.f32 v0, v49;
	[tilespmem:s25+$0x440] =	vst v48  }
0x111: {  	[tilespmem:s25+$0xA0] =	vst v1;
	v1 =	vmul.f32 v0, v31  }
0x112: {  	[tilespmem:s25+$0x430] =	vst v3;
	v3 =	vmul.f32 v0, v47  }
0x113: {  	[tilespmem:s25+$0x10] =	vst v1;
	v1 =	vmul.f32 v0, v33  }
0x114: {  	[tilespmem:s25+$0x460] =	vst v3;
	v3 =	vmul.f32 v2, v18  }
0x115: {  	[tilespmem:s25+$0x40] =	vst v1;
	v1 =	vmul.f32 v0, v52  }
0x116: {  	[tilespmem:s25+$0xC0] =	vst v3;
	v3 =	vmul.f32 v2, v22  }
0x117: {  	[tilespmem:s25+$0x70] =	vst v1;
	v1 =	vmul.f32 v0, v51  }
0x118: {  	[tilespmem:s25+$0xF0] =	vst v3;
	v3 =	vmul.f32 v2, v23  }
0x119: {  	[tilespmem:s25+$0x420] =	vst v1;
	v1 =	vmul.f32 v0, v46  }
0x11a: {  	v0 =	vmul.f32 v0, v44;
	[tilespmem:s25+$0x4A0] =	vst v3  }
0x11b: {  	v3 =	vmul.f32 v2, v26;
	[tilespmem:s25+$0x450] =	vst v1  }
0x11c: {  	v1 =	vmul.f32 v2, v19;
	[tilespmem:s25+$0x470] =	vst v0  }
0x11d: {  	v0 =	vmul.f32 v2, v20;
	[tilespmem:s25+$0x4D0] =	vst v3  }
0x11e: {  	[tilespmem:s25+$0xB0] =	vst v1;
	v1 =	vmul.f32 v2, v21  }
0x11f: {  	[tilespmem:s25+$0xD0] =	vst v0;
	v0 =	vmul.f32 v2, v16  }
0x120: {  	[tilespmem:s25+$0xE0] =	vst v1;
	v1 =	vmul.f32 v2, v17  }
0x121: {  	[tilespmem:s25+$0x480] =	vst v0;
	v0 =	vmul.f32 v2, v24  }
0x122: {  	[tilespmem:s25+$0x490] =	vst v1;
	v1 =	vmul.f32 v2, v25  }
0x123: {  	[tilespmem:s25+$0x4B0] =	vst v0;
	v0 =	vmul.f32 v2, v28  }
0x124: {  	[tilespmem:s25+$0x4C0] =	vst v1  }
0x125: {  	s26 =	simm.s32 $0x0;
	[tilespmem:s25+$0x4E0] =	vst v0  }
0x126: {  	[hbm4b:s5+s26] =	stream.linear.scatter [tilespmem:s26], [sflag:$0x3], $0x8000, $0x38;
	[tilespmem:$0x10000] =	vst v63  }
0x127: {  	_ =	swait.ge [sflag:s20], $0x8000  }
0x128: {  	[sflag:s20] =	ssyncset.done $0x0  }
0x129: {  	[sflag:s20] =	ssyncadd.s32 $0xFFFF8000  }
0x12a: {  	_ =	swait.ge [sflag:s21], $0x8000  }
0x12b: {  	s30 =	sand.u32 $0x7800, s26;
	s24 =	sand.u32 $0x300, s26;
	[sflag:s21] =	ssyncset.done $0x0  }
0x12c: {  	s24 =	sor.u32 s24, s30;
	[sflag:s21] =	ssyncadd.s32 $0xFFFF8000  }
0x12d: {  	[tilespmem:s26], [sflag:$0x1] =	stream.linear.gather [hbm4b:s6+s26], $0x8000, $0x38;
	[tilespmem:$0x10000] =	vst v63  }
0x12e: {  	v47 =	vld [tilespmem:s24+$0x8080]  }
0x12f: {  	v12 =	vld [tilespmem:s24+$0x8090]  }
0x130: {  	v53 =	vld [tilespmem:s24+$0x80A0]  }
0x131: {  	v0 =	vld [tilespmem:s24+$0x80B0]  }
0x132: {  	v34 =	vld [tilespmem:s24+$0x80C0]  }
0x133: {  	v14 =	vld [tilespmem:s24+$0x80D0]  }
0x134: {  	v56 =	vld [tilespmem:s24+$0x80E0]  }
0x135: {  	v55 =	vld [tilespmem:s24+$0x80F0]  }
0x136: {  	v54 =	vld [tilespmem:s24+$0x8480]  }
0x137: {  	v32 =	vld [tilespmem:s24+$0x8490]  }
0x138: {  	v15 =	vld [tilespmem:s24+$0x84A0]  }
0x139: {  	v31 =	vld [tilespmem:s24+$0x84B0]  }
0x13a: {  	v52 =	vld [tilespmem:s24+$0x84C0]  }
0x13b: {  	v13 =	vld [tilespmem:s24+$0x84D0]  }
0x13c: {  	v11 =	vld [tilespmem:s24+$0x84E0]  }
0x13d: {  	v46 =	vld [tilespmem:s24+$0x84F0];
	[tilespmem:$0x1FD40] =	vst v0  }
0x13e: {  	v29 =	vld [tilespmem:s24+$0x8000];
	_ =	sdelay $0x4  }
0x13f: {  	[tilespmem:$0x1FD80] =	vst v29  }
0x140: {  	v49 =	vld [tilespmem:s24+$0x8010];
	_ =	sdelay $0x4  }
0x141: {  	[tilespmem:$0x1FD90] =	vst v49  }
0x142: {  	v50 =	vld [tilespmem:s24+$0x8020];
	_ =	sdelay $0x4  }
0x143: {  	[tilespmem:$0x1FDA0] =	vst v50  }
0x144: {  	v16 =	vmul.f32 v0, v0;
	v0 =	vld [tilespmem:s24+$0x8030];
	_ =	sdelay $0x4  }
0x145: {  	[tilespmem:$0x1FDB0] =	vst v0  }
0x146: {  	v51 =	vld [tilespmem:s24+$0x8040];
	_ =	sdelay $0x4  }
0x147: {  	[tilespmem:$0x1FDC0] =	vst v51  }
0x148: {  	v28 =	vld [tilespmem:s24+$0x8050];
	_ =	sdelay $0x4  }
0x149: {  	[tilespmem:$0x1FDD0] =	vst v28  }
0x14a: {  	v30 =	vld [tilespmem:s24+$0x8060]  }
0x14b: {  	v1 =	vmul.f32 v47, v47  }
0x14c: {  	v2 =	vmul.f32 v12, v12;
	v3 =	vmul.f32 v53, v53  }
0x14d: {  	v17 =	vmul.f32 v34, v34;
	v18 =	vmul.f32 v14, v14  }
0x14e: {  	v21 =	vmul.f32 v54, v54;
	v22 =	vmul.f32 v32, v32  }
0x14f: {  	v1 =	vadd.f32 v2, v1;
	v2 =	vadd.f32 v16, v3;
	[tilespmem:$0x1FDE0] =	vst v30  }
0x150: {  	v16 =	vadd.f32 v18, v17;
	v18 =	vadd.f32 v22, v21;
	v22 =	vld [tilespmem:s24+$0x8410];
	_ =	sdelay $0x2  }
0x151: {  	v19 =	vmul.f32 v56, v56;
	v20 =	vmul.f32 v55, v55  }
0x152: {  	v23 =	vmul.f32 v15, v15;
	v24 =	vmul.f32 v31, v31;
	v61 =	vld [tilespmem:s24+$0x8070]  }
0x153: {  	v63 =	vld [tilespmem:s24+$0x8400];
	[tilespmem:$0x1FDF0] =	vst v22  }
0x154: {  	v17 =	vadd.f32 v20, v19;
	v19 =	vadd.f32 v24, v23;
	v23 =	vld [tilespmem:s24+$0x8420];
	_ =	sdelay $0x4  }
0x155: {  	[tilespmem:$0x1FE00] =	vst v23  }
0x156: {  	v24 =	vld [tilespmem:s24+$0x8430];
	_ =	sdelay $0x4  }
0x157: {  	v25 =	vmul.f32 v52, v52;
	v26 =	vmul.f32 v13, v13;
	[tilespmem:$0x1FE10] =	vst v24  }
0x158: {  	v27 =	vmul.f32 v11, v11;
	v3 =	vmul.f32 v46, v46;
	v57 =	vld [tilespmem:s24+$0x8440];
	_ =	sdelay $0x1  }
0x159: {  	v20 =	vadd.f32 v26, v25;
	v3 =	vadd.f32 v3, v27  }
0x15a: {  	v1 =	vadd.f32 v2, v1;
	v2 =	vadd.f32 v17, v16  }
0x15b: {  	v16 =	vadd.f32 v19, v18;
	v3 =	vadd.f32 v3, v20  }
0x15c: {  	v17 =	vmul.f32 v29, v29;
	[tilespmem:$0x1FE20] =	vst v57  }
0x15d: {  	v1 =	vadd.f32 v2, v1;
	v2 =	vadd.f32 v3, v16;
	v18 =	vmul.f32 v49, v49;
	v27 =	vld [tilespmem:s24+$0x8450]  }
0x15e: {  	v19 =	vmul.f32 v50, v50;
	v3 =	vmul.f32 v0, v0;
	v33 =	vld [tilespmem:s24+$0x8460]  }
0x15f: {  	v1 =	vadd.f32 v2, v1;
	v16 =	vmul.f32 v51, v51;
	v20 =	vmul.f32 v28, v28;
	v42 =	vld [tilespmem:s24+$0x8470]  }
0x160: {  	v2 =	vadd.f32 v18, v17;
	v21 =	vmul.f32 v30, v30;
	v17 =	vmul.f32 v61, v61  }
0x161: {  	v3 =	vadd.f32 v3, v19;
	v18 =	vmul.f32 v63, v63;
	v19 =	vmul.f32 v22, v22  }
0x162: {  	v16 =	vadd.f32 v20, v16;
	v20 =	vmul.f32 v23, v23;
	v23 =	vmul.f32 v24, v24  }
0x163: {  	v17 =	vadd.f32 v17, v21;
	v21 =	vmul.f32 v57, v57;
	v24 =	vmul.f32 v27, v27  }
0x164: {  	v18 =	vadd.f32 v19, v18;
	v19 =	vmul.f32 v33, v33;
	v25 =	vmul.f32 v42, v42  }
0x165: {  	v20 =	vadd.f32 v23, v20  }
0x166: {  	v21 =	vadd.f32 v24, v21;
	v19 =	vadd.f32 v25, v19  }
0x167: {  	v2 =	vadd.f32 v3, v2;
	v3 =	vadd.f32 v17, v16  }
0x168: {  	v17 =	vadd.f32 v20, v18;
	v18 =	vadd.f32 v19, v21;
	_ =	sdelay $0x1  }
0x169: {  	s31 =	simm.s32 $0x100;
	s26 =	simm.s32 $0x200;
	v22 =	vperm.xlane v1, v7;
	v2 =	vadd.f32 v3, v2;
	v3 =	vadd.f32 v18, v17  }
0x16a: {  	s25 =	sand.u32 $0x300, s31;
	s26 =	sand.u32 $0x7800, s26  }
0x16b: {  	s25 =	sor.u32 s25, s26;
	v1 =	vadd.f32 v1, v22;
	v2 =	vadd.f32 v3, v2  }
0x16c: {  	v30 =	vld [tilespmem:s25+$0x8080]  }
0x16d: {  	v16 =	vperm.xlane v1, v8;
	v29 =	vld [tilespmem:s25+$0x8090];
	v3 =	vperm.xlane v2, v7  }
0x16e: {  	v0 =	vld [tilespmem:s25+$0x80A0]  }
0x16f: {  	v1 =	vadd.f32 v1, v16;
	v20 =	vld [tilespmem:s25+$0x80D0];
	v2 =	vadd.f32 v2, v3  }
0x170: {  	v22 =	vld [tilespmem:s25+$0x80F0]  }
0x171: {  	v16 =	vperm.xlane v1, v9;
	v58 =	vld [tilespmem:s25+$0x8480];
	v3 =	vperm.xlane v2, v8  }
0x172: {  	v59 =	vld [tilespmem:s25+$0x8490]  }
0x173: {  	v1 =	vadd.f32 v1, v16;
	v24 =	vld [tilespmem:s25+$0x84B0];
	v2 =	vadd.f32 v2, v3  }
0x174: {  	v25 =	vld [tilespmem:s25+$0x84C0]  }
0x175: {  	v16 =	vperm.xlane v1, v10;
	v19 =	vld [tilespmem:s25+$0x80B0];
	v23 =	vperm.xlane v2, v9  }
0x176: {  	v21 =	vld [tilespmem:s25+$0x80E0]  }
0x177: {  	v1 =	vadd.f32 v1, v16;
	v60 =	vmul.f32 v30, v30;
	v18 =	vld [tilespmem:s25+$0x80C0];
	v2 =	vadd.f32 v2, v23  }
0x178: {  	v62 =	vmul.f32 v29, v29;
	v37 =	vmul.f32 v0, v0;
	v23 =	vld [tilespmem:s25+$0x84A0];
	[tilespmem:$0x1FD50] =	vst v0  }
0x179: {  	v1 =	vmax.f32 v1, $1.000000020e-24;
	v40 =	vmul.f32 v20, v20;
	v26 =	vld [tilespmem:s25+$0x84D0];
	v28 =	vperm.xlane v2, v10  }
0x17a: {  	v6 =	vmul.f32 v22, v22;
	v3 =	vshra.s32 v1, $0x1;
	v1 =	vmul.f32 $5.000000000e-01, v1;
	v43 =	vld [tilespmem:s25+$0x84F0]  }
0x17b: {  	v49 =	vmul.f32 v58, v58;
	v3 =	vsub.s32 $0x5F3759DF, v3;
	v2 =	vadd.f32 v2, v28;
	v28 =	vld [tilespmem:s25+$0x84E0];
	[tilespmem:$0x1FD60] =	vst v58  }
0x17c: {  	v50 =	vmul.f32 v59, v59;
	v1 =	vmul.f32 v3, v1;
	v0 =	vld [tilespmem:s25+$0x8000]  }
0x17d: {  	v57 =	vadd.f32 v62, v60;
	v60 =	vmul.f32 v24, v24;
	[tilespmem:$0x1FD70] =	vst v59;
	v2 =	vmax.f32 v2, $1.000000020e-24  }
0x17e: {  	v45 =	vmul.f32 v3, v1;
	v1 =	vld [tilespmem:s25+$0x8010];
	v44 =	vshra.s32 v2, $0x1;
	v2 =	vmul.f32 $5.000000000e-01, v2  }
0x17f: {  	v38 =	vmul.f32 v19, v19;
	v41 =	vmul.f32 v21, v21;
	v51 =	vsub.s32 $0x5F3759DF, v44  }
0x180: {  	v49 =	vadd.f32 v50, v49;
	v59 =	vmul.f32 v23, v23;
	v2 =	vmul.f32 v51, v2  }
0x181: {  	v39 =	vmul.f32 v18, v18;
	v48 =	vadd.f32 v6, v41;
	v45 =	vsub.f32 $1.500000000e+00, v45;
	v35 =	vmovc v0;
	v0 =	vld [tilespmem:s25+$0x8040]  }
0x182: {  	v50 =	vadd.f32 v60, v59;
	v59 =	vmul.f32 v43, v43;
	v2 =	vmul.f32 v51, v2  }
0x183: {  	v44 =	vadd.f32 v38, v37;
	v58 =	vmul.f32 v28, v28;
	v37 =	vmovc v1;
	v1 =	vadd.f32 v40, v39  }
0x184: {  	v4 =	vld [tilespmem:s25+$0x8030];
	v39 =	vmul.f32 v25, v25;
	v40 =	vmul.f32 v26, v26;
	v2 =	vsub.f32 $1.500000000e+00, v2  }
0x185: {  	v41 =	vmul.f32 v3, v45;
	v36 =	vld [tilespmem:s25+$0x8020];
	v3 =	vadd.f32 v44, v57;
	v1 =	vadd.f32 v48, v1  }
0x186: {  	v5 =	vld [tilespmem:s25+$0x8070];
	v62 =	vadd.f32 v59, v58;
	v38 =	vmovc v0;
	v0 =	vadd.f32 v40, v39;
	v57 =	vmul.f32 v51, v2  }
0x187: {  	v6 =	vld [tilespmem:s25+$0x8050];
	v1 =	vadd.f32 v1, v3;
	v2 =	vmul.f32 v35, v35;
	v3 =	vmul.f32 v37, v37  }
0x188: {  	v16 =	vld [tilespmem:s25+$0x8060];
	v60 =	vadd.f32 v50, v49;
	v0 =	vadd.f32 v62, v0  }
0x189: {  	v12 =	vmul.f32 v41, v12;
	v49 =	vld [tilespmem:s25+$0x8430];
	v39 =	vmov v4;
	v58 =	vadd.f32 v3, v2  }
0x18a: {  	v51 =	vld [tilespmem:s25+$0x8420];
	v3 =	vmul.f32 v36, v36;
	v0 =	vadd.f32 v0, v60;
	v60 =	vmul.f32 v39, v39  }
0x18b: {  	v45 =	vld [tilespmem:s25+$0x8440];
	v59 =	vmul.f32 v41, v46;
	v4 =	vmul.f32 v5, v5  }
0x18c: {  	v50 =	vld [tilespmem:s25+$0x8410];
	v62 =	vmul.f32 v41, v47;
	v2 =	vmul.f32 v38, v38;
	v3 =	vadd.f32 v60, v3  }
0x18d: {  	v44 =	vld [tilespmem:s25+$0x8470];
	v60 =	vmul.f32 v41, v53;
	v53 =	vmul.f32 v16, v16  }
0x18e: {  	[tilespmem:s24+$0x8090] =	vst v12;
	v48 =	vld [tilespmem:s25+$0x8400];
	v0 =	vadd.f32 v0, v1;
	v1 =	vmul.f32 v6, v6;
	v58 =	vadd.f32 v3, v58  }
0x18f: {  	v46 =	vld [tilespmem:s25+$0x8450];
	[tilespmem:s24+$0x84F0] =	vst v59;
	v3 =	vmul.f32 v51, v51;
	v4 =	vadd.f32 v4, v53;
	v53 =	vmul.f32 v49, v49  }
0x190: {  	v40 =	vmov v6;
	v47 =	vld [tilespmem:s25+$0x8460];
	[tilespmem:s24+$0x8080] =	vst v62;
	v6 =	vadd.f32 v1, v2;
	v1 =	vperm.xlane v0, v7  }
0x191: {  	v3 =	vadd.f32 v53, v3;
	v53 =	vld [tilespmem:$0x1FD80]  }
0x192: {  	v62 =	vmul.f32 v44, v44;
	v0 =	vadd.f32 v0, v1  }
0x193: {  	v2 =	vmul.f32 v48, v48;
	v1 =	vmul.f32 v50, v50  }
0x194: {  	v17 =	vmovc v16;
	v16 =	vmov v5;
	v5 =	vmul.f32 v45, v45;
	v59 =	vperm.xlane v0, v8  }
0x195: {  	v4 =	vadd.f32 v4, v6;
	v6 =	vmul.f32 v47, v47;
	v1 =	vadd.f32 v1, v2  }
0x196: {  	v2 =	vmul.f32 v46, v46;
	v0 =	vadd.f32 v0, v59;
	v59 =	vmul.f32 v57, v53  }
0x197: {  	[tilespmem:s24+$0x80A0] =	vst v60  }
0x198: {  	v2 =	vadd.f32 v2, v5;
	v5 =	vadd.f32 v62, v6;
	v62 =	vld [tilespmem:$0x1FD90];
	[tilespmem:s24+$0x8000] =	vst v59  }
0x199: {  	v59 =	vld [tilespmem:$0x1FDA0];
	_ =	sdelay $0x3  }
0x19a: {  	v6 =	vmul.f32 v57, v62  }
0x19b: {  	v60 =	vmul.f32 v57, v59  }
0x19c: {  	v62 =	vperm.xlane v0, v9;
	[tilespmem:s24+$0x8010] =	vst v6  }
0x19d: {  	v1 =	vadd.f32 v3, v1;
	v3 =	vld [tilespmem:$0x1FDB0];
	[tilespmem:s24+$0x8020] =	vst v60  }
0x19e: {  	v2 =	vadd.f32 v5, v2;
	v5 =	vadd.f32 v0, v62;
	v0 =	vld [tilespmem:$0x1FDC0];
	_ =	sdelay $0x4  }
0x19f: {  	v4 =	vadd.f32 v4, v58;
	v58 =	vmul.f32 v57, v0;
	v0 =	vld [tilespmem:$0x1FDD0];
	_ =	sdelay $0x2  }
0x1a0: {  	v3 =	vmul.f32 v57, v3;
	_ =	sdelay $0x1  }
0x1a1: {  	[tilespmem:s24+$0x8030] =	vst v3;
	v59 =	vmul.f32 v57, v0  }
0x1a2: {  	v1 =	vadd.f32 v2, v1;
	v0 =	vld [tilespmem:$0x1FDE0];
	[tilespmem:s24+$0x8040] =	vst v58  }
0x1a3: {  	[tilespmem:s24+$0x8050] =	vst v59  }
0x1a4: {  	v62 =	vadd.f32 v1, v4;
	v1 =	vld [tilespmem:$0x1FDF0];
	_ =	sdelay $0x3  }
0x1a5: {  	v2 =	vmul.f32 v57, v0  }
0x1a6: {  	v0 =	vmul.f32 v57, v61;
	v61 =	vmul.f32 v57, v1;
	v1 =	vld [tilespmem:$0x1FE00];
	_ =	sdelay $0x3  }
0x1a7: {  	[tilespmem:s24+$0x8060] =	vst v2  }
0x1a8: {  	v60 =	vmul.f32 v57, v1;
	v1 =	vld [tilespmem:$0x1FE10];
	_ =	sdelay $0x4  }
0x1a9: {  	v58 =	vmul.f32 v57, v1;
	v1 =	vld [tilespmem:$0x1FE20];
	_ =	sdelay $0x2  }
0x1aa: {  	v3 =	vperm.xlane v5, v10;
	_ =	sdelay $0x1  }
0x1ab: {  	s28 =	simm.s32 $0x200;
	s29 =	simm.s32 $0x400;
	s26 =	simm.s32 $0x2;
	v63 =	vmul.f32 v57, v63;
	v53 =	vadd.f32 v5, v3;
	v59 =	vmul.f32 v57, v1  }
.LBB2_4:
0x1ac: {  	[tilespmem:$0x1FCC0] =	vst v39  }
0x1ad: {  	v3 =	vmov v48;
	[tilespmem:s24+$0x8070] =	vst v0  }
0x1ae: {  	v2 =	vmov v50;
	[tilespmem:$0x1FCD0] =	vst v3  }
0x1af: {  	[tilespmem:$0x1FCF0] =	vst v2  }
0x1b0: {  	v4 =	vmov v51;
	[tilespmem:s24+$0x8400] =	vst v63  }
0x1b1: {  	v12 =	vld [tilespmem:$0x1FFC0];
	[tilespmem:$0x1FD00] =	vst v4  }
0x1b2: {  	s30 =	sand.u32 $0x7800, s29;
	s31 =	sand.u32 $0x300, s28;
	v3 =	vmax.f32 v53, $1.000000020e-24;
	[tilespmem:s24+$0x8410] =	vst v61;
	v53 =	vld [tilespmem:$0x1FD40]  }
0x1b3: {  	s30 =	sor.u32 s31, s30;
	[tilespmem:s24+$0x8430] =	vst v58;
	v58 =	vmul.f32 v41, v14;
	v14 =	vld [tilespmem:$0x1FFD0]  }
0x1b4: {  	v61 =	vmov v49;
	[tilespmem:s24+$0x8420] =	vst v60;
	v49 =	vld [tilespmem:s30+$0x8090]  }
0x1b5: {  	[tilespmem:$0x1FD10] =	vst v61;
	v61 =	vld [tilespmem:$0x1FD60]  }
0x1b6: {  	v6 =	vmov v45;
	[tilespmem:s24+$0x8440] =	vst v59;
	v59 =	vmul.f32 v41, v56;
	v56 =	vmov v22;
	v22 =	vld [tilespmem:s30+$0x80F0]  }
0x1b7: {  	v5 =	vmov v46;
	[tilespmem:$0x1FD30] =	vst v6;
	v4 =	vld [tilespmem:s30+$0x8480]  }
0x1b8: {  	v1 =	vmul.f32 v57, v33;
	[tilespmem:$0x1FCE0] =	vst v5;
	v5 =	vld [tilespmem:s30+$0x8490]  }
0x1b9: {  	v42 =	vmul.f32 v57, v42;
	[tilespmem:$0x1FD20] =	vst v56;
	v0 =	vmul.f32 v57, v27;
	v57 =	vmov v19;
	v19 =	vld [tilespmem:s30+$0x80B0]  }
0x1ba: {  	v39 =	vshra.s32 v3, $0x1;
	v3 =	vmul.f32 $5.000000000e-01, v3;
	[tilespmem:s24+$0x8460] =	vst v1;
	v60 =	vmul.f32 v41, v34;
	v34 =	vmovc v21;
	v21 =	vld [tilespmem:s30+$0x80E0]  }
0x1bb: {  	v45 =	vmul.f32 v41, v32;
	[tilespmem:s24+$0x8470] =	vst v42;
	v51 =	vsub.s32 $0x5F3759DF, v39;
	v56 =	vmov v23;
	v23 =	vld [tilespmem:s30+$0x84A0]  }
0x1bc: {  	v1 =	vmul.f32 v41, v54;
	v3 =	vmul.f32 v51, v3;
	[tilespmem:$0x1FD40] =	vst v57;
	v57 =	vld [tilespmem:s30+$0x80A0]  }
0x1bd: {  	v2 =	vperm.xlane v62, v12;
	v39 =	vmovc v36;
	v36 =	vmovc v37;
	v37 =	vmov v35;
	v35 =	vmov v20;
	v20 =	vld [tilespmem:s30+$0x80D0];
	[tilespmem:s24+$0x8450] =	vst v0  }
0x1be: {  	v50 =	vmul.f32 v41, v53;
	v53 =	vmovc v47;
	v47 =	vmul.f32 v41, v31;
	v31 =	vmov v24;
	v24 =	vld [tilespmem:s30+$0x84B0];
	[tilespmem:s24+$0x8480] =	vst v1  }
0x1bf: {  	v3 =	vmul.f32 v51, v3;
	v0 =	vmul.f32 v41, v55;
	v55 =	vmov v25;
	v25 =	vld [tilespmem:s30+$0x84C0];
	[tilespmem:s24+$0x8490] =	vst v45  }
0x1c0: {  	v2 =	vadd.f32 v62, v2;
	v62 =	vmov v18;
	v18 =	vld [tilespmem:s30+$0x80C0];
	[tilespmem:s24+$0x80C0] =	vst v60  }
0x1c1: {  	v46 =	vmul.f32 v41, v15;
	[tilespmem:s24+$0x80D0] =	vst v58;
	v3 =	vsub.f32 $1.500000000e+00, v3  }
0x1c2: {  	v15 =	vld [tilespmem:$0x1FFE0];
	v33 =	vmov v61;
	v58 =	vmul.f32 v41, v11;
	[tilespmem:s24+$0x80E0] =	vst v59;
	v61 =	vmul.f32 v22, v22  }
0x1c3: {  	v48 =	vld [tilespmem:s30+$0x8080];
	[tilespmem:s24+$0x80B0] =	vst v50;
	v50 =	vmul.f32 v41, v52;
	v3 =	vmul.f32 v51, v3  }
0x1c4: {  	[tilespmem:$0x1FCB0] =	vst v62;
	v63 =	vperm.xlane v2, v14;
	v60 =	vmul.f32 v21, v21  }
0x1c5: {  	v54 =	vmov v26;
	[tilespmem:s24+$0x80F0] =	vst v0;
	v51 =	vmul.f32 v41, v13;
	v26 =	vmul.f32 v3, v43  }
0x1c6: {  	v52 =	vmovc v28;
	v2 =	vadd.f32 v2, v63;
	v63 =	vld [tilespmem:$0x1FD70];
	[tilespmem:$0x1FD70] =	vst v5;
	v28 =	vmul.f32 v3, v30;
	v41 =	vmov v3  }
0x1c7: {  	v27 =	vld [tilespmem:$0x1FFF0];
	v45 =	vmul.f32 v23, v23;
	v7 =	vmul.f32 v41, v29;
	[tilespmem:s25+$0x84F0] =	vst v26  }
0x1c8: {  	v59 =	vmul.f32 v20, v20;
	v30 =	vmov v48;
	v62 =	vperm.xlane v2, v15;
	[tilespmem:s25+$0x8080] =	vst v28;
	v26 =	vld [tilespmem:s30+$0x84D0]  }
0x1c9: {  	v42 =	vmovc v44;
	v6 =	vmul.f32 v24, v24;
	v29 =	vmov v49;
	v0 =	vmul.f32 v48, v30;
	v28 =	vld [tilespmem:s30+$0x84E0];
	[tilespmem:s25+$0x8090] =	vst v7  }
0x1ca: {  	v48 =	vmul.f32 v57, v57;
	v44 =	vmul.f32 v49, v29;
	v2 =	vadd.f32 v2, v62;
	v43 =	vld [tilespmem:s30+$0x84F0];
	[tilespmem:s24+$0x84A0] =	vst v46  }
0x1cb: {  	v9 =	vld [tilespmem:s30+$0x8030];
	v49 =	vmul.f32 v19, v19;
	v62 =	vmul.f32 v4, v4;
	[tilespmem:s24+$0x84B0] =	vst v47  }
0x1cc: {  	v1 =	vld [tilespmem:s30+$0x8000];
	v6 =	vadd.f32 v6, v45;
	v46 =	vmul.f32 v25, v25;
	[tilespmem:s24+$0x84C0] =	vst v50;
	v3 =	vperm.xlane v2, v27  }
0x1cd: {  	v10 =	vld [tilespmem:s30+$0x8040];
	v32 =	vmovc v63;
	v63 =	vmul.f32 v5, v5;
	v0 =	vadd.f32 v44, v0;
	v44 =	vadd.f32 v49, v48  }
0x1ce: {  	v7 =	vld [tilespmem:s30+$0x8020];
	[tilespmem:s24+$0x84D0] =	vst v51;
	v2 =	vadd.f32 v2, v3;
	v3 =	vmul.f32 v18, v18;
	v8 =	vmul.f32 v26, v26  }
0x1cf: {  	[tilespmem:s24+$0x84E0] =	vst v58;
	s24 =	smov.u32 s25;
	s25 =	smov.u32 s30;
	v5 =	vld [tilespmem:s30+$0x8010];
	v49 =	vadd.f32 v61, v60;
	v47 =	vmul.f32 v28, v28;
	v48 =	vmul.f32 v43, v43  }
0x1d0: {  	v11 =	vld [tilespmem:s25+$0x8070];
	v50 =	vadd.f32 v63, v62;
	v3 =	vadd.f32 v59, v3  }
0x1d1: {  	v51 =	vmul.f32 v1, v1;
	v45 =	vld [tilespmem:s25+$0x8440];
	v8 =	vadd.f32 v8, v46;
	v60 =	vadd.f32 v48, v47  }
0x1d2: {  	v0 =	vadd.f32 v44, v0;
	v44 =	vmul.f32 v9, v9;
	v6 =	vadd.f32 v6, v50;
	v59 =	vld [tilespmem:s30+$0x8050]  }
0x1d3: {  	v62 =	vld [tilespmem:s25+$0x8060];
	v2 =	vmax.f32 v2, $1.000000020e-24;
	v3 =	vadd.f32 v49, v3;
	v8 =	vadd.f32 v60, v8  }
0x1d4: {  	[tilespmem:$0x1FD60] =	vst v4;
	v50 =	vld [tilespmem:s25+$0x8410];
	v58 =	vmul.f32 v5, v5;
	v4 =	vshra.s32 v2, $0x1;
	v47 =	vmul.f32 v7, v7  }
0x1d5: {  	v48 =	vld [tilespmem:s25+$0x8400];
	v2 =	vmul.f32 $5.000000000e-01, v2;
	v0 =	vadd.f32 v3, v0;
	v3 =	vadd.f32 v8, v6  }
0x1d6: {  	v46 =	vmul.f32 v10, v10;
	v4 =	vsub.s32 $0x5F3759DF, v4;
	v58 =	vadd.f32 v58, v51;
	v51 =	vld [tilespmem:s25+$0x8420]  }
0x1d7: {  	v49 =	vld [tilespmem:s25+$0x8430];
	v2 =	vmul.f32 v4, v2;
	v60 =	vmul.f32 v59, v59;
	v0 =	vadd.f32 v3, v0  }
0x1d8: {  	v6 =	vmul.f32 v62, v62;
	v8 =	vadd.f32 v44, v47;
	v44 =	vmul.f32 v11, v11;
	v47 =	vld [tilespmem:s25+$0x8460]  }
0x1d9: {  	v2 =	vmul.f32 v4, v2;
	v61 =	vperm.xlane v0, v12;
	v12 =	vld [tilespmem:$0x1FD50]  }
0x1da: {  	v60 =	vadd.f32 v60, v46;
	v46 =	vld [tilespmem:s25+$0x8450]  }
0x1db: {  	v3 =	vmul.f32 v48, v48;
	v6 =	vadd.f32 v44, v6;
	v44 =	vld [tilespmem:s25+$0x8470];
	v2 =	vsub.f32 $1.500000000e+00, v2  }
0x1dc: {  	v13 =	vmovc v57;
	v8 =	vadd.f32 v8, v58;
	v58 =	vmul.f32 v50, v50;
	v63 =	vmul.f32 v51, v51  }
0x1dd: {  	[tilespmem:$0x1FD50] =	vst v13;
	v13 =	vmul.f32 v49, v49;
	v6 =	vadd.f32 v6, v60;
	v57 =	vmul.f32 v4, v2  }
0x1de: {  	v0 =	vadd.f32 v0, v61;
	v61 =	vmul.f32 v45, v45;
	v12 =	vmul.f32 v41, v12  }
0x1df: {  	v60 =	vadd.f32 v13, v63;
	v13 =	vmul.f32 v47, v47;
	v2 =	vmul.f32 v46, v46  }
0x1e0: {  	[tilespmem:s24+$0x80A0] =	vst v12;
	v12 =	vperm.xlane v0, v14;
	v14 =	vmovc v35;
	v35 =	vmov v1;
	v1 =	vmul.f32 v44, v44  }
0x1e1: {  	v3 =	vadd.f32 v58, v3;
	v6 =	vadd.f32 v6, v8  }
0x1e2: {  	v8 =	vmul.f32 v57, v37;
	v2 =	vadd.f32 v2, v61;
	v1 =	vadd.f32 v1, v13;
	v13 =	vld [tilespmem:$0x1FCC0];
	_ =	sdelay $0x1  }
0x1e3: {  	v58 =	vld [tilespmem:$0x1FD00];
	v3 =	vadd.f32 v60, v3;
	[tilespmem:s24+$0x8000] =	vst v8;
	v8 =	vmul.f32 v57, v39;
	v1 =	vadd.f32 v1, v2  }
0x1e4: {  	v37 =	vmovc v5;
	v5 =	vmul.f32 v57, v40;
	v40 =	vmov v59;
	v59 =	vld [tilespmem:$0x1FD10];
	v0 =	vadd.f32 v0, v12  }
0x1e5: {  	v4 =	vmul.f32 v57, v38;
	v61 =	vmul.f32 v57, v36;
	[tilespmem:s24+$0x8020] =	vst v8;
	v8 =	vld [tilespmem:$0x1FCD0];
	v1 =	vadd.f32 v1, v3  }
0x1e6: {  	s26 =	sadd.s32 $0x2, s26;
	v12 =	vperm.xlane v0, v15;
	v63 =	vmul.f32 v57, v13;
	v13 =	vmovc v54;
	v54 =	vmovc v33;
	v33 =	vmov v53;
	v53 =	vld [tilespmem:$0x1FCF0]  }
0x1e7: {  	p0 =	slt.u32 s26, $0x7E;
	v36 =	vmovc v7;
	v7 =	vmul.f32 v57, v17;
	v17 =	vmov v62;
	v62 =	vadd.f32 v1, v6;
	v1 =	vld [tilespmem:$0x1FD30]  }
.Ltmp1:
0x1e8: {  	[tilespmem:s24+$0x8040] =	vst v4;
	v2 =	vadd.f32 v0, v12;
	(pc) =	sbr.rel @p0 .LBB2_4-.Ltmp1, $4  }
0x1e9: {  	v38 =	vmov v10;
	[tilespmem:s24+$0x8050] =	vst v5;
	v60 =	vmul.f32 v57, v58;
	v58 =	vmul.f32 v57, v59  }
0x1ea: {  	[tilespmem:s24+$0x8010] =	vst v61;
	v15 =	vmovc v56;
	v56 =	vmov v34;
	v34 =	vld [tilespmem:$0x1FCB0];
	v0 =	vmul.f32 v57, v16;
	v3 =	vperm.xlane v2, v27  }
0x1eb: {  	v39 =	vmovc v9;
	v16 =	vmovc v11;
	v11 =	vmov v52;
	v52 =	vmov v55;
	v55 =	vld [tilespmem:$0x1FD20];
	[tilespmem:s24+$0x8030] =	vst v63;
	v63 =	vmul.f32 v57, v8  }
0x1ec: {  	s28 =	sadd.s32 $0x100, s28;
	s29 =	sadd.s32 $0x200, s29;
	[tilespmem:s24+$0x8060] =	vst v7;
	v27 =	vld [tilespmem:$0x1FCE0];
	v61 =	vmul.f32 v57, v53;
	v53 =	vadd.f32 v2, v3;
	v59 =	vmul.f32 v57, v1  }
0x1ed: {  	v7 =	vld [tilespmem:$0x1FFC0];
	_ =	sdelay $0x2  }
0x1ee: {  	[tilespmem:s24+$0x8070] =	vst v0  }
0x1ef: {  	v8 =	vld [tilespmem:$0x1FFD0]  }
0x1f0: {  	v1 =	vperm.xlane v62, v7  }
0x1f1: {  	v2 =	vmax.f32 v53, $1.000000020e-24  }
0x1f2: {  	v3 =	vshra.s32 v2, $0x1;
	v2 =	vmul.f32 $5.000000000e-01, v2;
	v1 =	vadd.f32 v62, v1  }
0x1f3: {  	[tilespmem:s24+$0x8400] =	vst v63;
	v3 =	vsub.s32 $0x5F3759DF, v3  }
0x1f4: {  	[tilespmem:s24+$0x8410] =	vst v61;
	v2 =	vmul.f32 v3, v2;
	v0 =	vperm.xlane v1, v8  }
0x1f5: {  	[tilespmem:s24+$0x8420] =	vst v60  }
0x1f6: {  	[tilespmem:s24+$0x8430] =	vst v58;
	v2 =	vmul.f32 v3, v2;
	v0 =	vadd.f32 v1, v0;
	v1 =	vmul.f32 v57, v27  }
0x1f7: {  	v5 =	vmul.f32 v57, v33;
	v9 =	vld [tilespmem:$0x1FFE0];
	[tilespmem:s24+$0x8440] =	vst v59  }
0x1f8: {  	v6 =	vmul.f32 v57, v42;
	v2 =	vsub.f32 $1.500000000e+00, v2;
	[tilespmem:s24+$0x8450] =	vst v1  }
0x1f9: {  	v57 =	vmul.f32 v41, v34;
	v1 =	vld [tilespmem:$0x1FD40];
	[tilespmem:s24+$0x8460] =	vst v5  }
0x1fa: {  	v59 =	vmul.f32 v41, v14;
	v2 =	vmul.f32 v3, v2;
	[tilespmem:s24+$0x8470] =	vst v6  }
0x1fb: {  	v3 =	vmul.f32 v41, v55;
	v10 =	vld [tilespmem:$0x1FFF0];
	[tilespmem:s24+$0x80C0] =	vst v57  }
0x1fc: {  	v60 =	vmul.f32 v2, v43;
	v4 =	vperm.xlane v0, v9;
	[tilespmem:s24+$0x80D0] =	vst v59  }
0x1fd: {  	v61 =	vmul.f32 v2, v29;
	[tilespmem:s24+$0x80F0] =	vst v3  }
0x1fe: {  	v0 =	vadd.f32 v0, v4;
	[tilespmem:s25+$0x84F0] =	vst v60;
	v1 =	vmul.f32 v41, v1  }
0x1ff: {  	v62 =	vmul.f32 v41, v54;
	[tilespmem:s25+$0x8090] =	vst v61  }
0x200: {  	v58 =	vperm.xlane v0, v10;
	[tilespmem:s24+$0x80B0] =	vst v1;
	v1 =	vmul.f32 v41, v56  }
0x201: {  	v63 =	vmul.f32 v41, v15;
	[tilespmem:s24+$0x8480] =	vst v62  }
0x202: {  	v0 =	vadd.f32 v0, v58;
	[tilespmem:s24+$0x80E0] =	vst v1;
	v1 =	vmul.f32 v2, v30  }
0x203: {  	v33 =	vmul.f32 v41, v13;
	[tilespmem:s24+$0x84A0] =	vst v63  }
0x204: {  	v0 =	vmax.f32 v0, $1.000000020e-24;
	[tilespmem:s25+$0x8080] =	vst v1;
	v1 =	vmul.f32 v41, v32  }
0x205: {  	[tilespmem:s24+$0x84D0] =	vst v33;
	v3 =	vshra.s32 v0, $0x1;
	v0 =	vmul.f32 $5.000000000e-01, v0;
	v32 =	vmul.f32 v41, v31  }
0x206: {  	v3 =	vsub.s32 $0x5F3759DF, v3;
	[tilespmem:s24+$0x8490] =	vst v1;
	v1 =	vmul.f32 v41, v52  }
0x207: {  	v0 =	vmul.f32 v3, v0;
	[tilespmem:s24+$0x84B0] =	vst v32  }
0x208: {  	[tilespmem:s24+$0x84C0] =	vst v1  }
0x209: {  	v0 =	vmul.f32 v3, v0;
	v1 =	vld [tilespmem:$0x1FD50];
	_ =	sdelay $0x1  }
0x20a: {  	v0 =	vsub.f32 $1.500000000e+00, v0;
	_ =	sdelay $0x1  }
0x20b: {  	v34 =	vmul.f32 v41, v11;
	v0 =	vmul.f32 v3, v0  }
0x20c: {  	v1 =	vmul.f32 v2, v1  }
0x20d: {  	[tilespmem:s24+$0x84E0] =	vst v34;
	v3 =	vmul.f32 v0, v35  }
0x20e: {  	v41 =	vmul.f32 v0, v39;
	[tilespmem:s25+$0x80A0] =	vst v1  }
0x20f: {  	v42 =	vmul.f32 v0, v17;
	[tilespmem:s25+$0x8000] =	vst v3  }
0x210: {  	v43 =	vmul.f32 v0, v50;
	[tilespmem:s25+$0x8030] =	vst v41  }
0x211: {  	v1 =	vmul.f32 v0, v37;
	[tilespmem:s25+$0x8060] =	vst v42  }
0x212: {  	v3 =	vmul.f32 v0, v36;
	[tilespmem:s25+$0x8410] =	vst v43  }
0x213: {  	[tilespmem:s25+$0x8010] =	vst v1;
	v1 =	vmul.f32 v0, v38  }
0x214: {  	[tilespmem:s25+$0x8020] =	vst v3;
	v3 =	vmul.f32 v0, v40  }
0x215: {  	[tilespmem:s25+$0x8040] =	vst v1;
	v1 =	vmul.f32 v0, v16  }
0x216: {  	[tilespmem:s25+$0x8050] =	vst v3;
	v3 =	vmul.f32 v0, v48  }
0x217: {  	v48 =	vmul.f32 v0, v45;
	[tilespmem:s25+$0x8070] =	vst v1  }
0x218: {  	v1 =	vmul.f32 v0, v51;
	[tilespmem:s25+$0x8400] =	vst v3  }
0x219: {  	v3 =	vmul.f32 v0, v49;
	[tilespmem:s25+$0x8440] =	vst v48  }
0x21a: {  	[tilespmem:s25+$0x8420] =	vst v1;
	v1 =	vmul.f32 v0, v46  }
0x21b: {  	[tilespmem:s25+$0x8430] =	vst v3;
	v3 =	vmul.f32 v0, v47  }
0x21c: {  	v0 =	vmul.f32 v0, v44;
	[tilespmem:s25+$0x8450] =	vst v1  }
0x21d: {  	v1 =	vmul.f32 v2, v19;
	[tilespmem:s25+$0x8460] =	vst v3  }
0x21e: {  	v3 =	vmul.f32 v2, v18;
	[tilespmem:s25+$0x8470] =	vst v0  }
0x21f: {  	v0 =	vmul.f32 v2, v20;
	[tilespmem:s25+$0x80B0] =	vst v1  }
0x220: {  	v1 =	vmul.f32 v2, v21;
	[tilespmem:s25+$0x80C0] =	vst v3  }
0x221: {  	[tilespmem:s25+$0x80D0] =	vst v0  }
0x222: {  	v3 =	vmul.f32 v2, v22;
	v0 =	vld [tilespmem:$0x1FD60];
	[tilespmem:s25+$0x80E0] =	vst v1  }
0x223: {  	v1 =	vld [tilespmem:$0x1FD70]  }
0x224: {  	[tilespmem:s25+$0x80F0] =	vst v3;
	v3 =	vmul.f32 v2, v23;
	_ =	sdelay $0x1  }
0x225: {  	[tilespmem:s25+$0x84A0] =	vst v3;
	v3 =	vmul.f32 v2, v26  }
0x226: {  	v0 =	vmul.f32 v2, v0  }
0x227: {  	[tilespmem:s25+$0x84D0] =	vst v3;
	v1 =	vmul.f32 v2, v1  }
0x228: {  	[tilespmem:s25+$0x8480] =	vst v0;
	v0 =	vmul.f32 v2, v24  }
0x229: {  	[tilespmem:s25+$0x8490] =	vst v1;
	v1 =	vmul.f32 v2, v25  }
0x22a: {  	[tilespmem:s25+$0x84B0] =	vst v0;
	v0 =	vmul.f32 v2, v28  }
0x22b: {  	[tilespmem:s25+$0x84C0] =	vst v1  }
0x22c: {  	s26 =	simm.s32 $0x0;
	[tilespmem:s25+$0x84E0] =	vst v0  }
0x22d: {  	[hbm4b:s7+s26] =	stream.linear.scatter [tilespmem:s19], [sflag:$0x4], $0x8000, $0x38;
	[tilespmem:$0x10000] =	vst v63  }
0x22e: {  	_ =	swait.ge [sflag:s18], $0x8000  }
0x22f: {  	[sflag:s18] =	ssyncset.done $0x0  }
0x230: {  	[sflag:s18] =	ssyncadd.s32 $0xFFFF8000  }
0x231: {  	_ =	swait.ge [sflag:s22], $0x8000  }
0x232: {  	s30 =	sand.u32 $0x7800, s26;
	s24 =	sand.u32 $0x300, s26;
	[sflag:s22] =	ssyncset.done $0x0  }
0x233: {  	s24 =	sor.u32 s24, s30;
	[sflag:s22] =	ssyncadd.s32 $0xFFFF8000  }
0x234: {  	[tilespmem:s19], [sflag:$0x2] =	stream.linear.gather [hbm4b:s8+s26], $0x8000, $0x38;
	[tilespmem:$0x10000] =	vst v63  }
0x235: {  	v47 =	vld [tilespmem:s24+$0x80]  }
0x236: {  	v12 =	vld [tilespmem:s24+$0x90]  }
0x237: {  	v53 =	vld [tilespmem:s24+$0xA0]  }
0x238: {  	v0 =	vld [tilespmem:s24+$0xB0]  }
0x239: {  	v34 =	vld [tilespmem:s24+$0xC0]  }
0x23a: {  	v14 =	vld [tilespmem:s24+$0xD0]  }
0x23b: {  	v56 =	vld [tilespmem:s24+$0xE0]  }
0x23c: {  	v55 =	vld [tilespmem:s24+$0xF0]  }
0x23d: {  	v54 =	vld [tilespmem:s24+$0x480]  }
0x23e: {  	v32 =	vld [tilespmem:s24+$0x490]  }
0x23f: {  	v15 =	vld [tilespmem:s24+$0x4A0]  }
0x240: {  	v31 =	vld [tilespmem:s24+$0x4B0]  }
0x241: {  	v52 =	vld [tilespmem:s24+$0x4C0]  }
0x242: {  	v13 =	vld [tilespmem:s24+$0x4D0]  }
0x243: {  	v11 =	vld [tilespmem:s24+$0x4E0]  }
0x244: {  	v46 =	vld [tilespmem:s24+$0x4F0];
	[tilespmem:$0x1FBC0] =	vst v0  }
0x245: {  	v29 =	vld [tilespmem:s24+$0x0];
	_ =	sdelay $0x4  }
0x246: {  	[tilespmem:$0x1FC00] =	vst v29  }
0x247: {  	v49 =	vld [tilespmem:s24+$0x10];
	_ =	sdelay $0x4  }
0x248: {  	[tilespmem:$0x1FC10] =	vst v49  }
0x249: {  	v50 =	vld [tilespmem:s24+$0x20];
	_ =	sdelay $0x4  }
0x24a: {  	[tilespmem:$0x1FC20] =	vst v50  }
0x24b: {  	v16 =	vmul.f32 v0, v0;
	v0 =	vld [tilespmem:s24+$0x30];
	_ =	sdelay $0x4  }
0x24c: {  	[tilespmem:$0x1FC30] =	vst v0  }
0x24d: {  	v51 =	vld [tilespmem:s24+$0x40];
	_ =	sdelay $0x4  }
0x24e: {  	[tilespmem:$0x1FC40] =	vst v51  }
0x24f: {  	v28 =	vld [tilespmem:s24+$0x50];
	_ =	sdelay $0x4  }
0x250: {  	[tilespmem:$0x1FC50] =	vst v28  }
0x251: {  	v30 =	vld [tilespmem:s24+$0x60]  }
0x252: {  	v1 =	vmul.f32 v47, v47  }
0x253: {  	v2 =	vmul.f32 v12, v12;
	v3 =	vmul.f32 v53, v53  }
0x254: {  	v17 =	vmul.f32 v34, v34;
	v18 =	vmul.f32 v14, v14  }
0x255: {  	v21 =	vmul.f32 v54, v54;
	v22 =	vmul.f32 v32, v32  }
0x256: {  	v1 =	vadd.f32 v2, v1;
	v2 =	vadd.f32 v16, v3;
	[tilespmem:$0x1FC60] =	vst v30  }
0x257: {  	v16 =	vadd.f32 v18, v17;
	v18 =	vadd.f32 v22, v21;
	v22 =	vld [tilespmem:s24+$0x410];
	_ =	sdelay $0x2  }
0x258: {  	v19 =	vmul.f32 v56, v56;
	v20 =	vmul.f32 v55, v55  }
0x259: {  	v23 =	vmul.f32 v15, v15;
	v24 =	vmul.f32 v31, v31;
	v61 =	vld [tilespmem:s24+$0x70]  }
0x25a: {  	v63 =	vld [tilespmem:s24+$0x400];
	[tilespmem:$0x1FC70] =	vst v22  }
0x25b: {  	v17 =	vadd.f32 v20, v19;
	v19 =	vadd.f32 v24, v23;
	v23 =	vld [tilespmem:s24+$0x420];
	_ =	sdelay $0x4  }
0x25c: {  	[tilespmem:$0x1FC80] =	vst v23  }
0x25d: {  	v24 =	vld [tilespmem:s24+$0x430];
	_ =	sdelay $0x4  }
0x25e: {  	v25 =	vmul.f32 v52, v52;
	v26 =	vmul.f32 v13, v13;
	[tilespmem:$0x1FC90] =	vst v24  }
0x25f: {  	v27 =	vmul.f32 v11, v11;
	v3 =	vmul.f32 v46, v46;
	v57 =	vld [tilespmem:s24+$0x440];
	_ =	sdelay $0x1  }
0x260: {  	v20 =	vadd.f32 v26, v25;
	v3 =	vadd.f32 v3, v27  }
0x261: {  	v1 =	vadd.f32 v2, v1;
	v2 =	vadd.f32 v17, v16  }
0x262: {  	v16 =	vadd.f32 v19, v18;
	v3 =	vadd.f32 v3, v20  }
0x263: {  	v17 =	vmul.f32 v29, v29;
	[tilespmem:$0x1FCA0] =	vst v57  }
0x264: {  	v1 =	vadd.f32 v2, v1;
	v2 =	vadd.f32 v3, v16;
	v18 =	vmul.f32 v49, v49;
	v27 =	vld [tilespmem:s24+$0x450]  }
0x265: {  	v19 =	vmul.f32 v50, v50;
	v3 =	vmul.f32 v0, v0;
	v33 =	vld [tilespmem:s24+$0x460]  }
0x266: {  	v1 =	vadd.f32 v2, v1;
	v16 =	vmul.f32 v51, v51;
	v20 =	vmul.f32 v28, v28;
	v42 =	vld [tilespmem:s24+$0x470]  }
0x267: {  	v2 =	vadd.f32 v18, v17;
	v21 =	vmul.f32 v30, v30;
	v17 =	vmul.f32 v61, v61  }
0x268: {  	v3 =	vadd.f32 v3, v19;
	v18 =	vmul.f32 v63, v63;
	v19 =	vmul.f32 v22, v22  }
0x269: {  	v16 =	vadd.f32 v20, v16;
	v20 =	vmul.f32 v23, v23;
	v23 =	vmul.f32 v24, v24  }
0x26a: {  	v17 =	vadd.f32 v17, v21;
	v21 =	vmul.f32 v57, v57;
	v24 =	vmul.f32 v27, v27  }
0x26b: {  	v18 =	vadd.f32 v19, v18;
	v19 =	vmul.f32 v33, v33;
	v25 =	vmul.f32 v42, v42  }
0x26c: {  	v20 =	vadd.f32 v23, v20  }
0x26d: {  	v21 =	vadd.f32 v24, v21;
	v19 =	vadd.f32 v25, v19  }
0x26e: {  	v2 =	vadd.f32 v3, v2;
	v3 =	vadd.f32 v17, v16  }
0x26f: {  	v17 =	vadd.f32 v20, v18;
	v18 =	vadd.f32 v19, v21;
	_ =	sdelay $0x1  }
0x270: {  	s31 =	simm.s32 $0x100;
	s26 =	simm.s32 $0x200;
	v22 =	vperm.xlane v1, v7;
	v2 =	vadd.f32 v3, v2;
	v3 =	vadd.f32 v18, v17  }
0x271: {  	s25 =	sand.u32 $0x300, s31;
	s26 =	sand.u32 $0x7800, s26  }
0x272: {  	s25 =	sor.u32 s25, s26;
	v1 =	vadd.f32 v1, v22;
	v2 =	vadd.f32 v3, v2  }
0x273: {  	v30 =	vld [tilespmem:s25+$0x80]  }
0x274: {  	v16 =	vperm.xlane v1, v8;
	v29 =	vld [tilespmem:s25+$0x90];
	v3 =	vperm.xlane v2, v7  }
0x275: {  	v0 =	vld [tilespmem:s25+$0xA0]  }
0x276: {  	v1 =	vadd.f32 v1, v16;
	v20 =	vld [tilespmem:s25+$0xD0];
	v2 =	vadd.f32 v2, v3  }
0x277: {  	v22 =	vld [tilespmem:s25+$0xF0]  }
0x278: {  	v16 =	vperm.xlane v1, v9;
	v58 =	vld [tilespmem:s25+$0x480];
	v3 =	vperm.xlane v2, v8  }
0x279: {  	v59 =	vld [tilespmem:s25+$0x490]  }
0x27a: {  	v1 =	vadd.f32 v1, v16;
	v24 =	vld [tilespmem:s25+$0x4B0];
	v2 =	vadd.f32 v2, v3  }
0x27b: {  	v25 =	vld [tilespmem:s25+$0x4C0]  }
0x27c: {  	v16 =	vperm.xlane v1, v10;
	v19 =	vld [tilespmem:s25+$0xB0];
	v23 =	vperm.xlane v2, v9  }
0x27d: {  	v21 =	vld [tilespmem:s25+$0xE0]  }
0x27e: {  	v1 =	vadd.f32 v1, v16;
	v60 =	vmul.f32 v30, v30;
	v18 =	vld [tilespmem:s25+$0xC0];
	v2 =	vadd.f32 v2, v23  }
0x27f: {  	v62 =	vmul.f32 v29, v29;
	v37 =	vmul.f32 v0, v0;
	v23 =	vld [tilespmem:s25+$0x4A0];
	[tilespmem:$0x1FBD0] =	vst v0  }
0x280: {  	v1 =	vmax.f32 v1, $1.000000020e-24;
	v40 =	vmul.f32 v20, v20;
	v26 =	vld [tilespmem:s25+$0x4D0];
	v28 =	vperm.xlane v2, v10  }
0x281: {  	v6 =	vmul.f32 v22, v22;
	v3 =	vshra.s32 v1, $0x1;
	v1 =	vmul.f32 $5.000000000e-01, v1;
	v43 =	vld [tilespmem:s25+$0x4F0]  }
0x282: {  	v49 =	vmul.f32 v58, v58;
	v3 =	vsub.s32 $0x5F3759DF, v3;
	v2 =	vadd.f32 v2, v28;
	v28 =	vld [tilespmem:s25+$0x4E0];
	[tilespmem:$0x1FBE0] =	vst v58  }
0x283: {  	v50 =	vmul.f32 v59, v59;
	v1 =	vmul.f32 v3, v1;
	v0 =	vld [tilespmem:s25+$0x0]  }
0x284: {  	v57 =	vadd.f32 v62, v60;
	v60 =	vmul.f32 v24, v24;
	[tilespmem:$0x1FBF0] =	vst v59;
	v2 =	vmax.f32 v2, $1.000000020e-24  }
0x285: {  	v45 =	vmul.f32 v3, v1;
	v1 =	vld [tilespmem:s25+$0x10];
	v44 =	vshra.s32 v2, $0x1;
	v2 =	vmul.f32 $5.000000000e-01, v2  }
0x286: {  	v38 =	vmul.f32 v19, v19;
	v41 =	vmul.f32 v21, v21;
	v51 =	vsub.s32 $0x5F3759DF, v44  }
0x287: {  	v49 =	vadd.f32 v50, v49;
	v59 =	vmul.f32 v23, v23;
	v2 =	vmul.f32 v51, v2  }
0x288: {  	v39 =	vmul.f32 v18, v18;
	v48 =	vadd.f32 v6, v41;
	v45 =	vsub.f32 $1.500000000e+00, v45;
	v35 =	vmovc v0;
	v0 =	vld [tilespmem:s25+$0x40]  }
0x289: {  	v50 =	vadd.f32 v60, v59;
	v59 =	vmul.f32 v43, v43;
	v2 =	vmul.f32 v51, v2  }
0x28a: {  	v44 =	vadd.f32 v38, v37;
	v58 =	vmul.f32 v28, v28;
	v37 =	vmovc v1;
	v1 =	vadd.f32 v40, v39  }
0x28b: {  	v4 =	vld [tilespmem:s25+$0x30];
	v39 =	vmul.f32 v25, v25;
	v40 =	vmul.f32 v26, v26;
	v2 =	vsub.f32 $1.500000000e+00, v2  }
0x28c: {  	v41 =	vmul.f32 v3, v45;
	v36 =	vld [tilespmem:s25+$0x20];
	v3 =	vadd.f32 v44, v57;
	v1 =	vadd.f32 v48, v1  }
0x28d: {  	v5 =	vld [tilespmem:s25+$0x70];
	v62 =	vadd.f32 v59, v58;
	v38 =	vmovc v0;
	v0 =	vadd.f32 v40, v39;
	v57 =	vmul.f32 v51, v2  }
0x28e: {  	v6 =	vld [tilespmem:s25+$0x50];
	v1 =	vadd.f32 v1, v3;
	v2 =	vmul.f32 v35, v35;
	v3 =	vmul.f32 v37, v37  }
0x28f: {  	v16 =	vld [tilespmem:s25+$0x60];
	v60 =	vadd.f32 v50, v49;
	v0 =	vadd.f32 v62, v0  }
0x290: {  	v12 =	vmul.f32 v41, v12;
	v49 =	vld [tilespmem:s25+$0x430];
	v39 =	vmov v4;
	v58 =	vadd.f32 v3, v2  }
0x291: {  	v51 =	vld [tilespmem:s25+$0x420];
	v3 =	vmul.f32 v36, v36;
	v0 =	vadd.f32 v0, v60;
	v60 =	vmul.f32 v39, v39  }
0x292: {  	v45 =	vld [tilespmem:s25+$0x440];
	v59 =	vmul.f32 v41, v46;
	v4 =	vmul.f32 v5, v5  }
0x293: {  	v50 =	vld [tilespmem:s25+$0x410];
	v62 =	vmul.f32 v41, v47;
	v2 =	vmul.f32 v38, v38;
	v3 =	vadd.f32 v60, v3  }
0x294: {  	v44 =	vld [tilespmem:s25+$0x470];
	v60 =	vmul.f32 v41, v53;
	v53 =	vmul.f32 v16, v16  }
0x295: {  	[tilespmem:s24+$0x90] =	vst v12;
	v48 =	vld [tilespmem:s25+$0x400];
	v0 =	vadd.f32 v0, v1;
	v1 =	vmul.f32 v6, v6;
	v58 =	vadd.f32 v3, v58  }
0x296: {  	v46 =	vld [tilespmem:s25+$0x450];
	[tilespmem:s24+$0x4F0] =	vst v59;
	v3 =	vmul.f32 v51, v51;
	v4 =	vadd.f32 v4, v53;
	v53 =	vmul.f32 v49, v49  }
0x297: {  	v40 =	vmov v6;
	v47 =	vld [tilespmem:s25+$0x460];
	[tilespmem:s24+$0x80] =	vst v62;
	v6 =	vadd.f32 v1, v2;
	v1 =	vperm.xlane v0, v7  }
0x298: {  	v3 =	vadd.f32 v53, v3;
	v53 =	vld [tilespmem:$0x1FC00]  }
0x299: {  	v62 =	vmul.f32 v44, v44;
	v0 =	vadd.f32 v0, v1  }
0x29a: {  	v2 =	vmul.f32 v48, v48;
	v1 =	vmul.f32 v50, v50  }
0x29b: {  	v17 =	vmovc v16;
	v16 =	vmov v5;
	v5 =	vmul.f32 v45, v45;
	v59 =	vperm.xlane v0, v8  }
0x29c: {  	v4 =	vadd.f32 v4, v6;
	v6 =	vmul.f32 v47, v47;
	v1 =	vadd.f32 v1, v2  }
0x29d: {  	v2 =	vmul.f32 v46, v46;
	v0 =	vadd.f32 v0, v59;
	v59 =	vmul.f32 v57, v53  }
0x29e: {  	[tilespmem:s24+$0xA0] =	vst v60  }
0x29f: {  	v2 =	vadd.f32 v2, v5;
	v5 =	vadd.f32 v62, v6;
	v62 =	vld [tilespmem:$0x1FC10];
	[tilespmem:s24+$0x0] =	vst v59  }
0x2a0: {  	v59 =	vld [tilespmem:$0x1FC20];
	_ =	sdelay $0x3  }
0x2a1: {  	v6 =	vmul.f32 v57, v62  }
0x2a2: {  	v60 =	vmul.f32 v57, v59  }
0x2a3: {  	v62 =	vperm.xlane v0, v9;
	[tilespmem:s24+$0x10] =	vst v6  }
0x2a4: {  	v1 =	vadd.f32 v3, v1;
	v3 =	vld [tilespmem:$0x1FC30];
	[tilespmem:s24+$0x20] =	vst v60  }
0x2a5: {  	v2 =	vadd.f32 v5, v2;
	v5 =	vadd.f32 v0, v62;
	v0 =	vld [tilespmem:$0x1FC40];
	_ =	sdelay $0x4  }
0x2a6: {  	v4 =	vadd.f32 v4, v58;
	v58 =	vmul.f32 v57, v0;
	v0 =	vld [tilespmem:$0x1FC50];
	_ =	sdelay $0x2  }
0x2a7: {  	v3 =	vmul.f32 v57, v3;
	_ =	sdelay $0x1  }
0x2a8: {  	[tilespmem:s24+$0x30] =	vst v3;
	v59 =	vmul.f32 v57, v0  }
0x2a9: {  	v1 =	vadd.f32 v2, v1;
	v0 =	vld [tilespmem:$0x1FC60];
	[tilespmem:s24+$0x40] =	vst v58  }
0x2aa: {  	[tilespmem:s24+$0x50] =	vst v59  }
0x2ab: {  	v62 =	vadd.f32 v1, v4;
	v1 =	vld [tilespmem:$0x1FC70];
	_ =	sdelay $0x3  }
0x2ac: {  	v2 =	vmul.f32 v57, v0  }
0x2ad: {  	v0 =	vmul.f32 v57, v61;
	v61 =	vmul.f32 v57, v1;
	v1 =	vld [tilespmem:$0x1FC80];
	_ =	sdelay $0x3  }
0x2ae: {  	[tilespmem:s24+$0x60] =	vst v2  }
0x2af: {  	v60 =	vmul.f32 v57, v1;
	v1 =	vld [tilespmem:$0x1FC90];
	_ =	sdelay $0x4  }
0x2b0: {  	v58 =	vmul.f32 v57, v1;
	v1 =	vld [tilespmem:$0x1FCA0];
	_ =	sdelay $0x2  }
0x2b1: {  	v3 =	vperm.xlane v5, v10;
	_ =	sdelay $0x1  }
0x2b2: {  	s28 =	simm.s32 $0x200;
	s29 =	simm.s32 $0x400;
	s26 =	simm.s32 $0x2;
	v63 =	vmul.f32 v57, v63;
	v53 =	vadd.f32 v5, v3;
	v59 =	vmul.f32 v57, v1  }
.LBB2_6:
0x2b3: {  	[tilespmem:$0x1FB40] =	vst v39  }
0x2b4: {  	v3 =	vmov v48;
	[tilespmem:s24+$0x70] =	vst v0  }
0x2b5: {  	v2 =	vmov v50;
	[tilespmem:$0x1FB50] =	vst v3  }
0x2b6: {  	[tilespmem:$0x1FB70] =	vst v2  }
0x2b7: {  	v4 =	vmov v51;
	[tilespmem:s24+$0x400] =	vst v63  }
0x2b8: {  	v12 =	vld [tilespmem:$0x1FFC0];
	[tilespmem:$0x1FB80] =	vst v4  }
0x2b9: {  	s30 =	sand.u32 $0x7800, s29;
	s31 =	sand.u32 $0x300, s28;
	v3 =	vmax.f32 v53, $1.000000020e-24;
	[tilespmem:s24+$0x410] =	vst v61;
	v53 =	vld [tilespmem:$0x1FBC0]  }
0x2ba: {  	s30 =	sor.u32 s31, s30;
	[tilespmem:s24+$0x430] =	vst v58;
	v58 =	vmul.f32 v41, v14;
	v14 =	vld [tilespmem:$0x1FFD0]  }
0x2bb: {  	v61 =	vmov v49;
	[tilespmem:s24+$0x420] =	vst v60;
	v49 =	vld [tilespmem:s30+$0x90]  }
0x2bc: {  	[tilespmem:$0x1FB90] =	vst v61;
	v61 =	vld [tilespmem:$0x1FBE0]  }
0x2bd: {  	v6 =	vmov v45;
	[tilespmem:s24+$0x440] =	vst v59;
	v59 =	vmul.f32 v41, v56;
	v56 =	vmov v22;
	v22 =	vld [tilespmem:s30+$0xF0]  }
0x2be: {  	v5 =	vmov v46;
	[tilespmem:$0x1FBB0] =	vst v6;
	v4 =	vld [tilespmem:s30+$0x480]  }
0x2bf: {  	v1 =	vmul.f32 v57, v33;
	[tilespmem:$0x1FB60] =	vst v5;
	v5 =	vld [tilespmem:s30+$0x490]  }
0x2c0: {  	v42 =	vmul.f32 v57, v42;
	[tilespmem:$0x1FBA0] =	vst v56;
	v0 =	vmul.f32 v57, v27;
	v57 =	vmov v19;
	v19 =	vld [tilespmem:s30+$0xB0]  }
0x2c1: {  	v39 =	vshra.s32 v3, $0x1;
	v3 =	vmul.f32 $5.000000000e-01, v3;
	[tilespmem:s24+$0x460] =	vst v1;
	v60 =	vmul.f32 v41, v34;
	v34 =	vmovc v21;
	v21 =	vld [tilespmem:s30+$0xE0]  }
0x2c2: {  	v45 =	vmul.f32 v41, v32;
	[tilespmem:s24+$0x470] =	vst v42;
	v51 =	vsub.s32 $0x5F3759DF, v39;
	v56 =	vmov v23;
	v23 =	vld [tilespmem:s30+$0x4A0]  }
0x2c3: {  	v1 =	vmul.f32 v41, v54;
	v3 =	vmul.f32 v51, v3;
	[tilespmem:$0x1FBC0] =	vst v57;
	v57 =	vld [tilespmem:s30+$0xA0]  }
0x2c4: {  	v2 =	vperm.xlane v62, v12;
	v39 =	vmovc v36;
	v36 =	vmovc v37;
	v37 =	vmov v35;
	v35 =	vmov v20;
	v20 =	vld [tilespmem:s30+$0xD0];
	[tilespmem:s24+$0x450] =	vst v0  }
0x2c5: {  	v50 =	vmul.f32 v41, v53;
	v53 =	vmovc v47;
	v47 =	vmul.f32 v41, v31;
	v31 =	vmov v24;
	v24 =	vld [tilespmem:s30+$0x4B0];
	[tilespmem:s24+$0x480] =	vst v1  }
0x2c6: {  	v3 =	vmul.f32 v51, v3;
	v0 =	vmul.f32 v41, v55;
	v55 =	vmov v25;
	v25 =	vld [tilespmem:s30+$0x4C0];
	[tilespmem:s24+$0x490] =	vst v45  }
0x2c7: {  	v2 =	vadd.f32 v62, v2;
	v62 =	vmov v18;
	v18 =	vld [tilespmem:s30+$0xC0];
	[tilespmem:s24+$0xC0] =	vst v60  }
0x2c8: {  	v46 =	vmul.f32 v41, v15;
	[tilespmem:s24+$0xD0] =	vst v58;
	v3 =	vsub.f32 $1.500000000e+00, v3  }
0x2c9: {  	v15 =	vld [tilespmem:$0x1FFE0];
	v33 =	vmov v61;
	v58 =	vmul.f32 v41, v11;
	[tilespmem:s24+$0xE0] =	vst v59;
	v61 =	vmul.f32 v22, v22  }
0x2ca: {  	v48 =	vld [tilespmem:s30+$0x80];
	[tilespmem:s24+$0xB0] =	vst v50;
	v50 =	vmul.f32 v41, v52;
	v3 =	vmul.f32 v51, v3  }
0x2cb: {  	[tilespmem:$0x1FB30] =	vst v62;
	v63 =	vperm.xlane v2, v14;
	v60 =	vmul.f32 v21, v21  }
0x2cc: {  	v54 =	vmov v26;
	[tilespmem:s24+$0xF0] =	vst v0;
	v51 =	vmul.f32 v41, v13;
	v26 =	vmul.f32 v3, v43  }
0x2cd: {  	v52 =	vmovc v28;
	v2 =	vadd.f32 v2, v63;
	v63 =	vld [tilespmem:$0x1FBF0];
	[tilespmem:$0x1FBF0] =	vst v5;
	v28 =	vmul.f32 v3, v30;
	v41 =	vmov v3  }
0x2ce: {  	v27 =	vld [tilespmem:$0x1FFF0];
	v45 =	vmul.f32 v23, v23;
	v7 =	vmul.f32 v41, v29;
	[tilespmem:s25+$0x4F0] =	vst v26  }
0x2cf: {  	v59 =	vmul.f32 v20, v20;
	v30 =	vmov v48;
	v62 =	vperm.xlane v2, v15;
	[tilespmem:s25+$0x80] =	vst v28;
	v26 =	vld [tilespmem:s30+$0x4D0]  }
0x2d0: {  	v42 =	vmovc v44;
	v6 =	vmul.f32 v24, v24;
	v29 =	vmov v49;
	v0 =	vmul.f32 v48, v30;
	v28 =	vld [tilespmem:s30+$0x4E0];
	[tilespmem:s25+$0x90] =	vst v7  }
0x2d1: {  	v48 =	vmul.f32 v57, v57;
	v44 =	vmul.f32 v49, v29;
	v2 =	vadd.f32 v2, v62;
	v43 =	vld [tilespmem:s30+$0x4F0];
	[tilespmem:s24+$0x4A0] =	vst v46  }
0x2d2: {  	v9 =	vld [tilespmem:s30+$0x30];
	v49 =	vmul.f32 v19, v19;
	v62 =	vmul.f32 v4, v4;
	[tilespmem:s24+$0x4B0] =	vst v47  }
0x2d3: {  	v1 =	vld [tilespmem:s30+$0x0];
	v6 =	vadd.f32 v6, v45;
	v46 =	vmul.f32 v25, v25;
	[tilespmem:s24+$0x4C0] =	vst v50;
	v3 =	vperm.xlane v2, v27  }
0x2d4: {  	v10 =	vld [tilespmem:s30+$0x40];
	v32 =	vmovc v63;
	v63 =	vmul.f32 v5, v5;
	v0 =	vadd.f32 v44, v0;
	v44 =	vadd.f32 v49, v48  }
0x2d5: {  	v7 =	vld [tilespmem:s30+$0x20];
	[tilespmem:s24+$0x4D0] =	vst v51;
	v2 =	vadd.f32 v2, v3;
	v3 =	vmul.f32 v18, v18;
	v8 =	vmul.f32 v26, v26  }
0x2d6: {  	[tilespmem:s24+$0x4E0] =	vst v58;
	s24 =	smov.u32 s25;
	s25 =	smov.u32 s30;
	v5 =	vld [tilespmem:s30+$0x10];
	v49 =	vadd.f32 v61, v60;
	v47 =	vmul.f32 v28, v28;
	v48 =	vmul.f32 v43, v43  }
0x2d7: {  	v11 =	vld [tilespmem:s25+$0x70];
	v50 =	vadd.f32 v63, v62;
	v3 =	vadd.f32 v59, v3  }
0x2d8: {  	v51 =	vmul.f32 v1, v1;
	v45 =	vld [tilespmem:s25+$0x440];
	v8 =	vadd.f32 v8, v46;
	v60 =	vadd.f32 v48, v47  }
0x2d9: {  	v0 =	vadd.f32 v44, v0;
	v44 =	vmul.f32 v9, v9;
	v6 =	vadd.f32 v6, v50;
	v59 =	vld [tilespmem:s30+$0x50]  }
0x2da: {  	v62 =	vld [tilespmem:s25+$0x60];
	v2 =	vmax.f32 v2, $1.000000020e-24;
	v3 =	vadd.f32 v49, v3;
	v8 =	vadd.f32 v60, v8  }
0x2db: {  	[tilespmem:$0x1FBE0] =	vst v4;
	v50 =	vld [tilespmem:s25+$0x410];
	v58 =	vmul.f32 v5, v5;
	v4 =	vshra.s32 v2, $0x1;
	v47 =	vmul.f32 v7, v7  }
0x2dc: {  	v48 =	vld [tilespmem:s25+$0x400];
	v2 =	vmul.f32 $5.000000000e-01, v2;
	v0 =	vadd.f32 v3, v0;
	v3 =	vadd.f32 v8, v6  }
0x2dd: {  	v46 =	vmul.f32 v10, v10;
	v4 =	vsub.s32 $0x5F3759DF, v4;
	v58 =	vadd.f32 v58, v51;
	v51 =	vld [tilespmem:s25+$0x420]  }
0x2de: {  	v49 =	vld [tilespmem:s25+$0x430];
	v2 =	vmul.f32 v4, v2;
	v60 =	vmul.f32 v59, v59;
	v0 =	vadd.f32 v3, v0  }
0x2df: {  	v6 =	vmul.f32 v62, v62;
	v8 =	vadd.f32 v44, v47;
	v44 =	vmul.f32 v11, v11;
	v47 =	vld [tilespmem:s25+$0x460]  }
0x2e0: {  	v2 =	vmul.f32 v4, v2;
	v61 =	vperm.xlane v0, v12;
	v12 =	vld [tilespmem:$0x1FBD0]  }
0x2e1: {  	v60 =	vadd.f32 v60, v46;
	v46 =	vld [tilespmem:s25+$0x450]  }
0x2e2: {  	v3 =	vmul.f32 v48, v48;
	v6 =	vadd.f32 v44, v6;
	v44 =	vld [tilespmem:s25+$0x470];
	v2 =	vsub.f32 $1.500000000e+00, v2  }
0x2e3: {  	v13 =	vmovc v57;
	v8 =	vadd.f32 v8, v58;
	v58 =	vmul.f32 v50, v50;
	v63 =	vmul.f32 v51, v51  }
0x2e4: {  	[tilespmem:$0x1FBD0] =	vst v13;
	v13 =	vmul.f32 v49, v49;
	v6 =	vadd.f32 v6, v60;
	v57 =	vmul.f32 v4, v2  }
0x2e5: {  	v0 =	vadd.f32 v0, v61;
	v61 =	vmul.f32 v45, v45;
	v12 =	vmul.f32 v41, v12  }
0x2e6: {  	v60 =	vadd.f32 v13, v63;
	v13 =	vmul.f32 v47, v47;
	v2 =	vmul.f32 v46, v46  }
0x2e7: {  	[tilespmem:s24+$0xA0] =	vst v12;
	v12 =	vperm.xlane v0, v14;
	v14 =	vmovc v35;
	v35 =	vmov v1;
	v1 =	vmul.f32 v44, v44  }
0x2e8: {  	v3 =	vadd.f32 v58, v3;
	v6 =	vadd.f32 v6, v8  }
0x2e9: {  	v8 =	vmul.f32 v57, v37;
	v2 =	vadd.f32 v2, v61;
	v1 =	vadd.f32 v1, v13;
	v13 =	vld [tilespmem:$0x1FB40];
	_ =	sdelay $0x1  }
0x2ea: {  	v58 =	vld [tilespmem:$0x1FB80];
	v3 =	vadd.f32 v60, v3;
	[tilespmem:s24+$0x0] =	vst v8;
	v8 =	vmul.f32 v57, v39;
	v1 =	vadd.f32 v1, v2  }
0x2eb: {  	v37 =	vmovc v5;
	v5 =	vmul.f32 v57, v40;
	v40 =	vmov v59;
	v59 =	vld [tilespmem:$0x1FB90];
	v0 =	vadd.f32 v0, v12  }
0x2ec: {  	v4 =	vmul.f32 v57, v38;
	v61 =	vmul.f32 v57, v36;
	[tilespmem:s24+$0x20] =	vst v8;
	v8 =	vld [tilespmem:$0x1FB50];
	v1 =	vadd.f32 v1, v3  }
0x2ed: {  	s26 =	sadd.s32 $0x2, s26;
	v12 =	vperm.xlane v0, v15;
	v63 =	vmul.f32 v57, v13;
	v13 =	vmovc v54;
	v54 =	vmovc v33;
	v33 =	vmov v53;
	v53 =	vld [tilespmem:$0x1FB70]  }
0x2ee: {  	p0 =	slt.u32 s26, $0x7E;
	v36 =	vmovc v7;
	v7 =	vmul.f32 v57, v17;
	v17 =	vmov v62;
	v62 =	vadd.f32 v1, v6;
	v1 =	vld [tilespmem:$0x1FBB0]  }
.Ltmp2:
0x2ef: {  	[tilespmem:s24+$0x40] =	vst v4;
	v2 =	vadd.f32 v0, v12;
	(pc) =	sbr.rel @p0 .LBB2_6-.Ltmp2, $4  }
0x2f0: {  	v38 =	vmov v10;
	[tilespmem:s24+$0x50] =	vst v5;
	v60 =	vmul.f32 v57, v58;
	v58 =	vmul.f32 v57, v59  }
0x2f1: {  	[tilespmem:s24+$0x10] =	vst v61;
	v15 =	vmovc v56;
	v56 =	vmov v34;
	v34 =	vld [tilespmem:$0x1FB30];
	v0 =	vmul.f32 v57, v16;
	v3 =	vperm.xlane v2, v27  }
0x2f2: {  	v39 =	vmovc v9;
	v16 =	vmovc v11;
	v11 =	vmov v52;
	v52 =	vmov v55;
	v55 =	vld [tilespmem:$0x1FBA0];
	[tilespmem:s24+$0x30] =	vst v63;
	v63 =	vmul.f32 v57, v8  }
0x2f3: {  	s28 =	sadd.s32 $0x100, s28;
	s29 =	sadd.s32 $0x200, s29;
	[tilespmem:s24+$0x60] =	vst v7;
	v27 =	vld [tilespmem:$0x1FB60];
	v61 =	vmul.f32 v57, v53;
	v53 =	vadd.f32 v2, v3;
	v59 =	vmul.f32 v57, v1  }
0x2f4: {  	v7 =	vld [tilespmem:$0x1FFC0];
	_ =	sdelay $0x2  }
0x2f5: {  	[tilespmem:s24+$0x70] =	vst v0  }
0x2f6: {  	v8 =	vld [tilespmem:$0x1FFD0]  }
0x2f7: {  	v1 =	vperm.xlane v62, v7  }
0x2f8: {  	v2 =	vmax.f32 v53, $1.000000020e-24  }
0x2f9: {  	v3 =	vshra.s32 v2, $0x1;
	v2 =	vmul.f32 $5.000000000e-01, v2;
	v1 =	vadd.f32 v62, v1  }
0x2fa: {  	[tilespmem:s24+$0x400] =	vst v63;
	v3 =	vsub.s32 $0x5F3759DF, v3  }
0x2fb: {  	[tilespmem:s24+$0x410] =	vst v61;
	v2 =	vmul.f32 v3, v2;
	v0 =	vperm.xlane v1, v8  }
0x2fc: {  	[tilespmem:s24+$0x420] =	vst v60  }
0x2fd: {  	[tilespmem:s24+$0x430] =	vst v58;
	v2 =	vmul.f32 v3, v2;
	v0 =	vadd.f32 v1, v0;
	v1 =	vmul.f32 v57, v27  }
0x2fe: {  	v5 =	vmul.f32 v57, v33;
	v9 =	vld [tilespmem:$0x1FFE0];
	[tilespmem:s24+$0x440] =	vst v59  }
0x2ff: {  	v6 =	vmul.f32 v57, v42;
	v2 =	vsub.f32 $1.500000000e+00, v2;
	[tilespmem:s24+$0x450] =	vst v1  }
0x300: {  	v57 =	vmul.f32 v41, v34;
	v1 =	vld [tilespmem:$0x1FBC0];
	[tilespmem:s24+$0x460] =	vst v5  }
0x301: {  	v59 =	vmul.f32 v41, v14;
	v2 =	vmul.f32 v3, v2;
	[tilespmem:s24+$0x470] =	vst v6  }
0x302: {  	v3 =	vmul.f32 v41, v55;
	v10 =	vld [tilespmem:$0x1FFF0];
	[tilespmem:s24+$0xC0] =	vst v57  }
0x303: {  	v60 =	vmul.f32 v2, v43;
	v4 =	vperm.xlane v0, v9;
	[tilespmem:s24+$0xD0] =	vst v59  }
0x304: {  	v61 =	vmul.f32 v2, v29;
	[tilespmem:s24+$0xF0] =	vst v3  }
0x305: {  	v0 =	vadd.f32 v0, v4;
	[tilespmem:s25+$0x4F0] =	vst v60;
	v1 =	vmul.f32 v41, v1  }
0x306: {  	v62 =	vmul.f32 v41, v54;
	[tilespmem:s25+$0x90] =	vst v61  }
0x307: {  	v58 =	vperm.xlane v0, v10;
	[tilespmem:s24+$0xB0] =	vst v1;
	v1 =	vmul.f32 v41, v56  }
0x308: {  	v63 =	vmul.f32 v41, v15;
	[tilespmem:s24+$0x480] =	vst v62  }
0x309: {  	v0 =	vadd.f32 v0, v58;
	[tilespmem:s24+$0xE0] =	vst v1;
	v1 =	vmul.f32 v2, v30  }
0x30a: {  	v33 =	vmul.f32 v41, v13;
	[tilespmem:s24+$0x4A0] =	vst v63  }
0x30b: {  	v0 =	vmax.f32 v0, $1.000000020e-24;
	[tilespmem:s25+$0x80] =	vst v1;
	v1 =	vmul.f32 v41, v32  }
0x30c: {  	[tilespmem:s24+$0x4D0] =	vst v33;
	v3 =	vshra.s32 v0, $0x1;
	v0 =	vmul.f32 $5.000000000e-01, v0;
	v32 =	vmul.f32 v41, v31  }
0x30d: {  	v3 =	vsub.s32 $0x5F3759DF, v3;
	[tilespmem:s24+$0x490] =	vst v1;
	v1 =	vmul.f32 v41, v52  }
0x30e: {  	v0 =	vmul.f32 v3, v0;
	[tilespmem:s24+$0x4B0] =	vst v32  }
0x30f: {  	[tilespmem:s24+$0x4C0] =	vst v1  }
0x310: {  	v0 =	vmul.f32 v3, v0;
	v1 =	vld [tilespmem:$0x1FBD0];
	_ =	sdelay $0x1  }
0x311: {  	v0 =	vsub.f32 $1.500000000e+00, v0;
	_ =	sdelay $0x1  }
0x312: {  	v34 =	vmul.f32 v41, v11;
	v0 =	vmul.f32 v3, v0  }
0x313: {  	v1 =	vmul.f32 v2, v1  }
0x314: {  	[tilespmem:s24+$0x4E0] =	vst v34;
	v3 =	vmul.f32 v0, v35  }
0x315: {  	v41 =	vmul.f32 v0, v39;
	[tilespmem:s25+$0xA0] =	vst v1  }
0x316: {  	v42 =	vmul.f32 v0, v17;
	[tilespmem:s25+$0x0] =	vst v3  }
0x317: {  	v43 =	vmul.f32 v0, v50;
	[tilespmem:s25+$0x30] =	vst v41  }
0x318: {  	v1 =	vmul.f32 v0, v37;
	[tilespmem:s25+$0x60] =	vst v42  }
0x319: {  	v3 =	vmul.f32 v0, v36;
	[tilespmem:s25+$0x410] =	vst v43  }
0x31a: {  	[tilespmem:s25+$0x10] =	vst v1;
	v1 =	vmul.f32 v0, v38  }
0x31b: {  	[tilespmem:s25+$0x20] =	vst v3;
	v3 =	vmul.f32 v0, v40  }
0x31c: {  	[tilespmem:s25+$0x40] =	vst v1;
	v1 =	vmul.f32 v0, v16  }
0x31d: {  	[tilespmem:s25+$0x50] =	vst v3;
	v3 =	vmul.f32 v0, v48  }
0x31e: {  	v48 =	vmul.f32 v0, v45;
	[tilespmem:s25+$0x70] =	vst v1  }
0x31f: {  	v1 =	vmul.f32 v0, v51;
	[tilespmem:s25+$0x400] =	vst v3  }
0x320: {  	v3 =	vmul.f32 v0, v49;
	[tilespmem:s25+$0x440] =	vst v48  }
0x321: {  	[tilespmem:s25+$0x420] =	vst v1;
	v1 =	vmul.f32 v0, v46  }
0x322: {  	[tilespmem:s25+$0x430] =	vst v3;
	v3 =	vmul.f32 v0, v47  }
0x323: {  	v0 =	vmul.f32 v0, v44;
	[tilespmem:s25+$0x450] =	vst v1  }
0x324: {  	v1 =	vmul.f32 v2, v19;
	[tilespmem:s25+$0x460] =	vst v3  }
0x325: {  	v3 =	vmul.f32 v2, v18;
	[tilespmem:s25+$0x470] =	vst v0  }
0x326: {  	v0 =	vmul.f32 v2, v20;
	[tilespmem:s25+$0xB0] =	vst v1  }
0x327: {  	v1 =	vmul.f32 v2, v21;
	[tilespmem:s25+$0xC0] =	vst v3  }
0x328: {  	[tilespmem:s25+$0xD0] =	vst v0  }
0x329: {  	v3 =	vmul.f32 v2, v22;
	v0 =	vld [tilespmem:$0x1FBE0];
	[tilespmem:s25+$0xE0] =	vst v1  }
0x32a: {  	v1 =	vld [tilespmem:$0x1FBF0]  }
0x32b: {  	[tilespmem:s25+$0xF0] =	vst v3;
	v3 =	vmul.f32 v2, v23;
	_ =	sdelay $0x1  }
0x32c: {  	[tilespmem:s25+$0x4A0] =	vst v3;
	v3 =	vmul.f32 v2, v26  }
0x32d: {  	v0 =	vmul.f32 v2, v0  }
0x32e: {  	[tilespmem:s25+$0x4D0] =	vst v3;
	v1 =	vmul.f32 v2, v1  }
0x32f: {  	[tilespmem:s25+$0x480] =	vst v0;
	v0 =	vmul.f32 v2, v24  }
0x330: {  	[tilespmem:s25+$0x490] =	vst v1;
	v1 =	vmul.f32 v2, v25  }
0x331: {  	[tilespmem:s25+$0x4B0] =	vst v0;
	v0 =	vmul.f32 v2, v28  }
0x332: {  	[tilespmem:s25+$0x4C0] =	vst v1  }
0x333: {  	s26 =	simm.s32 $0x0;
	[tilespmem:s25+$0x4E0] =	vst v0  }
0x334: {  	[hbm4b:s9+s26] =	stream.linear.scatter [tilespmem:s26], [sflag:$0x3], $0x8000, $0x38;
	[tilespmem:$0x10000] =	vst v63  }
0x335: {  	_ =	swait.ge [sflag:s20], $0x8000  }
0x336: {  	[sflag:s20] =	ssyncset.done $0x0  }
0x337: {  	[sflag:s20] =	ssyncadd.s32 $0xFFFF8000  }
0x338: {  	_ =	swait.ge [sflag:s21], $0x8000  }
0x339: {  	s30 =	sand.u32 $0x7800, s26;
	s24 =	sand.u32 $0x300, s26;
	[sflag:s21] =	ssyncset.done $0x0  }
0x33a: {  	s24 =	sor.u32 s24, s30;
	[sflag:s21] =	ssyncadd.s32 $0xFFFF8000  }
0x33b: {  	[tilespmem:s26], [sflag:$0x1] =	stream.linear.gather [hbm4b:s10+s26], $0x8000, $0x38;
	[tilespmem:$0x10000] =	vst v63  }
0x33c: {  	v47 =	vld [tilespmem:s24+$0x8080]  }
0x33d: {  	v12 =	vld [tilespmem:s24+$0x8090]  }
0x33e: {  	v53 =	vld [tilespmem:s24+$0x80A0]  }
0x33f: {  	v0 =	vld [tilespmem:s24+$0x80B0]  }
0x340: {  	v34 =	vld [tilespmem:s24+$0x80C0]  }
0x341: {  	v14 =	vld [tilespmem:s24+$0x80D0]  }
0x342: {  	v56 =	vld [tilespmem:s24+$0x80E0]  }
0x343: {  	v55 =	vld [tilespmem:s24+$0x80F0]  }
0x344: {  	v54 =	vld [tilespmem:s24+$0x8480]  }
0x345: {  	v32 =	vld [tilespmem:s24+$0x8490]  }
0x346: {  	v15 =	vld [tilespmem:s24+$0x84A0]  }
0x347: {  	v31 =	vld [tilespmem:s24+$0x84B0]  }
0x348: {  	v52 =	vld [tilespmem:s24+$0x84C0]  }
0x349: {  	v13 =	vld [tilespmem:s24+$0x84D0]  }
0x34a: {  	v11 =	vld [tilespmem:s24+$0x84E0]  }
0x34b: {  	v46 =	vld [tilespmem:s24+$0x84F0];
	[tilespmem:$0x1FA40] =	vst v0  }
0x34c: {  	v29 =	vld [tilespmem:s24+$0x8000];
	_ =	sdelay $0x4  }
0x34d: {  	[tilespmem:$0x1FA80] =	vst v29  }
0x34e: {  	v49 =	vld [tilespmem:s24+$0x8010];
	_ =	sdelay $0x4  }
0x34f: {  	[tilespmem:$0x1FA90] =	vst v49  }
0x350: {  	v50 =	vld [tilespmem:s24+$0x8020];
	_ =	sdelay $0x4  }
0x351: {  	[tilespmem:$0x1FAA0] =	vst v50  }
0x352: {  	v16 =	vmul.f32 v0, v0;
	v0 =	vld [tilespmem:s24+$0x8030];
	_ =	sdelay $0x4  }
0x353: {  	[tilespmem:$0x1FAB0] =	vst v0  }
0x354: {  	v51 =	vld [tilespmem:s24+$0x8040];
	_ =	sdelay $0x4  }
0x355: {  	[tilespmem:$0x1FAC0] =	vst v51  }
0x356: {  	v28 =	vld [tilespmem:s24+$0x8050];
	_ =	sdelay $0x4  }
0x357: {  	[tilespmem:$0x1FAD0] =	vst v28  }
0x358: {  	v30 =	vld [tilespmem:s24+$0x8060]  }
0x359: {  	v1 =	vmul.f32 v47, v47  }
0x35a: {  	v2 =	vmul.f32 v12, v12;
	v3 =	vmul.f32 v53, v53  }
0x35b: {  	v17 =	vmul.f32 v34, v34;
	v18 =	vmul.f32 v14, v14  }
0x35c: {  	v21 =	vmul.f32 v54, v54;
	v22 =	vmul.f32 v32, v32  }
0x35d: {  	v1 =	vadd.f32 v2, v1;
	v2 =	vadd.f32 v16, v3;
	[tilespmem:$0x1FAE0] =	vst v30  }
0x35e: {  	v16 =	vadd.f32 v18, v17;
	v18 =	vadd.f32 v22, v21;
	v22 =	vld [tilespmem:s24+$0x8410];
	_ =	sdelay $0x2  }
0x35f: {  	v19 =	vmul.f32 v56, v56;
	v20 =	vmul.f32 v55, v55  }
0x360: {  	v23 =	vmul.f32 v15, v15;
	v24 =	vmul.f32 v31, v31;
	v61 =	vld [tilespmem:s24+$0x8070]  }
0x361: {  	v63 =	vld [tilespmem:s24+$0x8400];
	[tilespmem:$0x1FAF0] =	vst v22  }
0x362: {  	v17 =	vadd.f32 v20, v19;
	v19 =	vadd.f32 v24, v23;
	v23 =	vld [tilespmem:s24+$0x8420];
	_ =	sdelay $0x4  }
0x363: {  	[tilespmem:$0x1FB00] =	vst v23  }
0x364: {  	v24 =	vld [tilespmem:s24+$0x8430];
	_ =	sdelay $0x4  }
0x365: {  	v25 =	vmul.f32 v52, v52;
	v26 =	vmul.f32 v13, v13;
	[tilespmem:$0x1FB10] =	vst v24  }
0x366: {  	v27 =	vmul.f32 v11, v11;
	v3 =	vmul.f32 v46, v46;
	v57 =	vld [tilespmem:s24+$0x8440];
	_ =	sdelay $0x1  }
0x367: {  	v20 =	vadd.f32 v26, v25;
	v3 =	vadd.f32 v3, v27  }
0x368: {  	v1 =	vadd.f32 v2, v1;
	v2 =	vadd.f32 v17, v16  }
0x369: {  	v16 =	vadd.f32 v19, v18;
	v3 =	vadd.f32 v3, v20  }
0x36a: {  	v17 =	vmul.f32 v29, v29;
	[tilespmem:$0x1FB20] =	vst v57  }
0x36b: {  	v1 =	vadd.f32 v2, v1;
	v2 =	vadd.f32 v3, v16;
	v18 =	vmul.f32 v49, v49;
	v27 =	vld [tilespmem:s24+$0x8450]  }
0x36c: {  	v19 =	vmul.f32 v50, v50;
	v3 =	vmul.f32 v0, v0;
	v33 =	vld [tilespmem:s24+$0x8460]  }
0x36d: {  	v1 =	vadd.f32 v2, v1;
	v16 =	vmul.f32 v51, v51;
	v20 =	vmul.f32 v28, v28;
	v42 =	vld [tilespmem:s24+$0x8470]  }
0x36e: {  	v2 =	vadd.f32 v18, v17;
	v21 =	vmul.f32 v30, v30;
	v17 =	vmul.f32 v61, v61  }
0x36f: {  	v3 =	vadd.f32 v3, v19;
	v18 =	vmul.f32 v63, v63;
	v19 =	vmul.f32 v22, v22  }
0x370: {  	v16 =	vadd.f32 v20, v16;
	v20 =	vmul.f32 v23, v23;
	v23 =	vmul.f32 v24, v24  }
0x371: {  	v17 =	vadd.f32 v17, v21;
	v21 =	vmul.f32 v57, v57;
	v24 =	vmul.f32 v27, v27  }
0x372: {  	v18 =	vadd.f32 v19, v18;
	v19 =	vmul.f32 v33, v33;
	v25 =	vmul.f32 v42, v42  }
0x373: {  	v20 =	vadd.f32 v23, v20  }
0x374: {  	v21 =	vadd.f32 v24, v21;
	v19 =	vadd.f32 v25, v19  }
0x375: {  	v2 =	vadd.f32 v3, v2;
	v3 =	vadd.f32 v17, v16  }
0x376: {  	v17 =	vadd.f32 v20, v18;
	v18 =	vadd.f32 v19, v21;
	_ =	sdelay $0x1  }
0x377: {  	s31 =	simm.s32 $0x100;
	s26 =	simm.s32 $0x200;
	v22 =	vperm.xlane v1, v7;
	v2 =	vadd.f32 v3, v2;
	v3 =	vadd.f32 v18, v17  }
0x378: {  	s25 =	sand.u32 $0x300, s31;
	s26 =	sand.u32 $0x7800, s26  }
0x379: {  	s25 =	sor.u32 s25, s26;
	v1 =	vadd.f32 v1, v22;
	v2 =	vadd.f32 v3, v2  }
0x37a: {  	v30 =	vld [tilespmem:s25+$0x8080]  }
0x37b: {  	v16 =	vperm.xlane v1, v8;
	v29 =	vld [tilespmem:s25+$0x8090];
	v3 =	vperm.xlane v2, v7  }
0x37c: {  	v0 =	vld [tilespmem:s25+$0x80A0]  }
0x37d: {  	v1 =	vadd.f32 v1, v16;
	v20 =	vld [tilespmem:s25+$0x80D0];
	v2 =	vadd.f32 v2, v3  }
0x37e: {  	v22 =	vld [tilespmem:s25+$0x80F0]  }
0x37f: {  	v16 =	vperm.xlane v1, v9;
	v58 =	vld [tilespmem:s25+$0x8480];
	v3 =	vperm.xlane v2, v8  }
0x380: {  	v59 =	vld [tilespmem:s25+$0x8490]  }
0x381: {  	v1 =	vadd.f32 v1, v16;
	v24 =	vld [tilespmem:s25+$0x84B0];
	v2 =	vadd.f32 v2, v3  }
0x382: {  	v25 =	vld [tilespmem:s25+$0x84C0]  }
0x383: {  	v16 =	vperm.xlane v1, v10;
	v19 =	vld [tilespmem:s25+$0x80B0];
	v23 =	vperm.xlane v2, v9  }
0x384: {  	v21 =	vld [tilespmem:s25+$0x80E0]  }
0x385: {  	v1 =	vadd.f32 v1, v16;
	v60 =	vmul.f32 v30, v30;
	v18 =	vld [tilespmem:s25+$0x80C0];
	v2 =	vadd.f32 v2, v23  }
0x386: {  	v62 =	vmul.f32 v29, v29;
	v37 =	vmul.f32 v0, v0;
	v23 =	vld [tilespmem:s25+$0x84A0];
	[tilespmem:$0x1FA50] =	vst v0  }
0x387: {  	v1 =	vmax.f32 v1, $1.000000020e-24;
	v40 =	vmul.f32 v20, v20;
	v26 =	vld [tilespmem:s25+$0x84D0];
	v28 =	vperm.xlane v2, v10  }
0x388: {  	v6 =	vmul.f32 v22, v22;
	v3 =	vshra.s32 v1, $0x1;
	v1 =	vmul.f32 $5.000000000e-01, v1;
	v43 =	vld [tilespmem:s25+$0x84F0]  }
0x389: {  	v49 =	vmul.f32 v58, v58;
	v3 =	vsub.s32 $0x5F3759DF, v3;
	v2 =	vadd.f32 v2, v28;
	v28 =	vld [tilespmem:s25+$0x84E0];
	[tilespmem:$0x1FA60] =	vst v58  }
0x38a: {  	v50 =	vmul.f32 v59, v59;
	v1 =	vmul.f32 v3, v1;
	v0 =	vld [tilespmem:s25+$0x8000]  }
0x38b: {  	v57 =	vadd.f32 v62, v60;
	v60 =	vmul.f32 v24, v24;
	[tilespmem:$0x1FA70] =	vst v59;
	v2 =	vmax.f32 v2, $1.000000020e-24  }
0x38c: {  	v45 =	vmul.f32 v3, v1;
	v1 =	vld [tilespmem:s25+$0x8010];
	v44 =	vshra.s32 v2, $0x1;
	v2 =	vmul.f32 $5.000000000e-01, v2  }
0x38d: {  	v38 =	vmul.f32 v19, v19;
	v41 =	vmul.f32 v21, v21;
	v51 =	vsub.s32 $0x5F3759DF, v44  }
0x38e: {  	v49 =	vadd.f32 v50, v49;
	v59 =	vmul.f32 v23, v23;
	v2 =	vmul.f32 v51, v2  }
0x38f: {  	v39 =	vmul.f32 v18, v18;
	v48 =	vadd.f32 v6, v41;
	v45 =	vsub.f32 $1.500000000e+00, v45;
	v35 =	vmovc v0;
	v0 =	vld [tilespmem:s25+$0x8040]  }
0x390: {  	v50 =	vadd.f32 v60, v59;
	v59 =	vmul.f32 v43, v43;
	v2 =	vmul.f32 v51, v2  }
0x391: {  	v44 =	vadd.f32 v38, v37;
	v58 =	vmul.f32 v28, v28;
	v37 =	vmovc v1;
	v1 =	vadd.f32 v40, v39  }
0x392: {  	v4 =	vld [tilespmem:s25+$0x8030];
	v39 =	vmul.f32 v25, v25;
	v40 =	vmul.f32 v26, v26;
	v2 =	vsub.f32 $1.500000000e+00, v2  }
0x393: {  	v41 =	vmul.f32 v3, v45;
	v36 =	vld [tilespmem:s25+$0x8020];
	v3 =	vadd.f32 v44, v57;
	v1 =	vadd.f32 v48, v1  }
0x394: {  	v5 =	vld [tilespmem:s25+$0x8070];
	v62 =	vadd.f32 v59, v58;
	v38 =	vmovc v0;
	v0 =	vadd.f32 v40, v39;
	v57 =	vmul.f32 v51, v2  }
0x395: {  	v6 =	vld [tilespmem:s25+$0x8050];
	v1 =	vadd.f32 v1, v3;
	v2 =	vmul.f32 v35, v35;
	v3 =	vmul.f32 v37, v37  }
0x396: {  	v16 =	vld [tilespmem:s25+$0x8060];
	v60 =	vadd.f32 v50, v49;
	v0 =	vadd.f32 v62, v0  }
0x397: {  	v12 =	vmul.f32 v41, v12;
	v49 =	vld [tilespmem:s25+$0x8430];
	v39 =	vmov v4;
	v58 =	vadd.f32 v3, v2  }
0x398: {  	v51 =	vld [tilespmem:s25+$0x8420];
	v3 =	vmul.f32 v36, v36;
	v0 =	vadd.f32 v0, v60;
	v60 =	vmul.f32 v39, v39  }
0x399: {  	v45 =	vld [tilespmem:s25+$0x8440];
	v59 =	vmul.f32 v41, v46;
	v4 =	vmul.f32 v5, v5  }
0x39a: {  	v50 =	vld [tilespmem:s25+$0x8410];
	v62 =	vmul.f32 v41, v47;
	v2 =	vmul.f32 v38, v38;
	v3 =	vadd.f32 v60, v3  }
0x39b: {  	v44 =	vld [tilespmem:s25+$0x8470];
	v60 =	vmul.f32 v41, v53;
	v53 =	vmul.f32 v16, v16  }
0x39c: {  	[tilespmem:s24+$0x8090] =	vst v12;
	v48 =	vld [tilespmem:s25+$0x8400];
	v0 =	vadd.f32 v0, v1;
	v1 =	vmul.f32 v6, v6;
	v58 =	vadd.f32 v3, v58  }
0x39d: {  	v46 =	vld [tilespmem:s25+$0x8450];
	[tilespmem:s24+$0x84F0] =	vst v59;
	v3 =	vmul.f32 v51, v51;
	v4 =	vadd.f32 v4, v53;
	v53 =	vmul.f32 v49, v49  }
0x39e: {  	v40 =	vmov v6;
	v47 =	vld [tilespmem:s25+$0x8460];
	[tilespmem:s24+$0x8080] =	vst v62;
	v6 =	vadd.f32 v1, v2;
	v1 =	vperm.xlane v0, v7  }
0x39f: {  	v3 =	vadd.f32 v53, v3;
	v53 =	vld [tilespmem:$0x1FA80]  }
0x3a0: {  	v62 =	vmul.f32 v44, v44;
	v0 =	vadd.f32 v0, v1  }
0x3a1: {  	v2 =	vmul.f32 v48, v48;
	v1 =	vmul.f32 v50, v50  }
0x3a2: {  	v17 =	vmovc v16;
	v16 =	vmov v5;
	v5 =	vmul.f32 v45, v45;
	v59 =	vperm.xlane v0, v8  }
0x3a3: {  	v4 =	vadd.f32 v4, v6;
	v6 =	vmul.f32 v47, v47;
	v1 =	vadd.f32 v1, v2  }
0x3a4: {  	v2 =	vmul.f32 v46, v46;
	v0 =	vadd.f32 v0, v59;
	v59 =	vmul.f32 v57, v53  }
0x3a5: {  	[tilespmem:s24+$0x80A0] =	vst v60  }
0x3a6: {  	v2 =	vadd.f32 v2, v5;
	v5 =	vadd.f32 v62, v6;
	v62 =	vld [tilespmem:$0x1FA90];
	[tilespmem:s24+$0x8000] =	vst v59  }
0x3a7: {  	v59 =	vld [tilespmem:$0x1FAA0];
	_ =	sdelay $0x3  }
0x3a8: {  	v6 =	vmul.f32 v57, v62  }
0x3a9: {  	v60 =	vmul.f32 v57, v59  }
0x3aa: {  	v62 =	vperm.xlane v0, v9;
	[tilespmem:s24+$0x8010] =	vst v6  }
0x3ab: {  	v1 =	vadd.f32 v3, v1;
	v3 =	vld [tilespmem:$0x1FAB0];
	[tilespmem:s24+$0x8020] =	vst v60  }
0x3ac: {  	v2 =	vadd.f32 v5, v2;
	v5 =	vadd.f32 v0, v62;
	v0 =	vld [tilespmem:$0x1FAC0];
	_ =	sdelay $0x4  }
0x3ad: {  	v4 =	vadd.f32 v4, v58;
	v58 =	vmul.f32 v57, v0;
	v0 =	vld [tilespmem:$0x1FAD0];
	_ =	sdelay $0x2  }
0x3ae: {  	v3 =	vmul.f32 v57, v3;
	_ =	sdelay $0x1  }
0x3af: {  	[tilespmem:s24+$0x8030] =	vst v3;
	v59 =	vmul.f32 v57, v0  }
0x3b0: {  	v1 =	vadd.f32 v2, v1;
	v0 =	vld [tilespmem:$0x1FAE0];
	[tilespmem:s24+$0x8040] =	vst v58  }
0x3b1: {  	[tilespmem:s24+$0x8050] =	vst v59  }
0x3b2: {  	v62 =	vadd.f32 v1, v4;
	v1 =	vld [tilespmem:$0x1FAF0];
	_ =	sdelay $0x3  }
0x3b3: {  	v2 =	vmul.f32 v57, v0  }
0x3b4: {  	v0 =	vmul.f32 v57, v61;
	v61 =	vmul.f32 v57, v1;
	v1 =	vld [tilespmem:$0x1FB00];
	_ =	sdelay $0x3  }
0x3b5: {  	[tilespmem:s24+$0x8060] =	vst v2  }
0x3b6: {  	v60 =	vmul.f32 v57, v1;
	v1 =	vld [tilespmem:$0x1FB10];
	_ =	sdelay $0x4  }
0x3b7: {  	v58 =	vmul.f32 v57, v1;
	v1 =	vld [tilespmem:$0x1FB20];
	_ =	sdelay $0x2  }
0x3b8: {  	v3 =	vperm.xlane v5, v10;
	_ =	sdelay $0x1  }
0x3b9: {  	s28 =	simm.s32 $0x200;
	s29 =	simm.s32 $0x400;
	s26 =	simm.s32 $0x2;
	v63 =	vmul.f32 v57, v63;
	v53 =	vadd.f32 v5, v3;
	v59 =	vmul.f32 v57, v1  }
.LBB2_8:
0x3ba: {  	[tilespmem:$0x1F9C0] =	vst v39  }
0x3bb: {  	v3 =	vmov v48;
	[tilespmem:s24+$0x8070] =	vst v0  }
0x3bc: {  	v2 =	vmov v50;
	[tilespmem:$0x1F9D0] =	vst v3  }
0x3bd: {  	[tilespmem:$0x1F9F0] =	vst v2  }
0x3be: {  	v4 =	vmov v51;
	[tilespmem:s24+$0x8400] =	vst v63  }
0x3bf: {  	v12 =	vld [tilespmem:$0x1FFC0];
	[tilespmem:$0x1FA00] =	vst v4  }
0x3c0: {  	s30 =	sand.u32 $0x7800, s29;
	s31 =	sand.u32 $0x300, s28;
	v3 =	vmax.f32 v53, $1.000000020e-24;
	[tilespmem:s24+$0x8410] =	vst v61;
	v53 =	vld [tilespmem:$0x1FA40]  }
0x3c1: {  	s30 =	sor.u32 s31, s30;
	[tilespmem:s24+$0x8430] =	vst v58;
	v58 =	vmul.f32 v41, v14;
	v14 =	vld [tilespmem:$0x1FFD0]  }
0x3c2: {  	v61 =	vmov v49;
	[tilespmem:s24+$0x8420] =	vst v60;
	v49 =	vld [tilespmem:s30+$0x8090]  }
0x3c3: {  	[tilespmem:$0x1FA10] =	vst v61;
	v61 =	vld [tilespmem:$0x1FA60]  }
0x3c4: {  	v6 =	vmov v45;
	[tilespmem:s24+$0x8440] =	vst v59;
	v59 =	vmul.f32 v41, v56;
	v56 =	vmov v22;
	v22 =	vld [tilespmem:s30+$0x80F0]  }
0x3c5: {  	v5 =	vmov v46;
	[tilespmem:$0x1FA30] =	vst v6;
	v4 =	vld [tilespmem:s30+$0x8480]  }
0x3c6: {  	v1 =	vmul.f32 v57, v33;
	[tilespmem:$0x1F9E0] =	vst v5;
	v5 =	vld [tilespmem:s30+$0x8490]  }
0x3c7: {  	v42 =	vmul.f32 v57, v42;
	[tilespmem:$0x1FA20] =	vst v56;
	v0 =	vmul.f32 v57, v27;
	v57 =	vmov v19;
	v19 =	vld [tilespmem:s30+$0x80B0]  }
0x3c8: {  	v39 =	vshra.s32 v3, $0x1;
	v3 =	vmul.f32 $5.000000000e-01, v3;
	[tilespmem:s24+$0x8460] =	vst v1;
	v60 =	vmul.f32 v41, v34;
	v34 =	vmovc v21;
	v21 =	vld [tilespmem:s30+$0x80E0]  }
0x3c9: {  	v45 =	vmul.f32 v41, v32;
	[tilespmem:s24+$0x8470] =	vst v42;
	v51 =	vsub.s32 $0x5F3759DF, v39;
	v56 =	vmov v23;
	v23 =	vld [tilespmem:s30+$0x84A0]  }
0x3ca: {  	v1 =	vmul.f32 v41, v54;
	v3 =	vmul.f32 v51, v3;
	[tilespmem:$0x1FA40] =	vst v57;
	v57 =	vld [tilespmem:s30+$0x80A0]  }
0x3cb: {  	v2 =	vperm.xlane v62, v12;
	v39 =	vmovc v36;
	v36 =	vmovc v37;
	v37 =	vmov v35;
	v35 =	vmov v20;
	v20 =	vld [tilespmem:s30+$0x80D0];
	[tilespmem:s24+$0x8450] =	vst v0  }
0x3cc: {  	v50 =	vmul.f32 v41, v53;
	v53 =	vmovc v47;
	v47 =	vmul.f32 v41, v31;
	v31 =	vmov v24;
	v24 =	vld [tilespmem:s30+$0x84B0];
	[tilespmem:s24+$0x8480] =	vst v1  }
0x3cd: {  	v3 =	vmul.f32 v51, v3;
	v0 =	vmul.f32 v41, v55;
	v55 =	vmov v25;
	v25 =	vld [tilespmem:s30+$0x84C0];
	[tilespmem:s24+$0x8490] =	vst v45  }
0x3ce: {  	v2 =	vadd.f32 v62, v2;
	v62 =	vmov v18;
	v18 =	vld [tilespmem:s30+$0x80C0];
	[tilespmem:s24+$0x80C0] =	vst v60  }
0x3cf: {  	v46 =	vmul.f32 v41, v15;
	[tilespmem:s24+$0x80D0] =	vst v58;
	v3 =	vsub.f32 $1.500000000e+00, v3  }
0x3d0: {  	v15 =	vld [tilespmem:$0x1FFE0];
	v33 =	vmov v61;
	v58 =	vmul.f32 v41, v11;
	[tilespmem:s24+$0x80E0] =	vst v59;
	v61 =	vmul.f32 v22, v22  }
0x3d1: {  	v48 =	vld [tilespmem:s30+$0x8080];
	[tilespmem:s24+$0x80B0] =	vst v50;
	v50 =	vmul.f32 v41, v52;
	v3 =	vmul.f32 v51, v3  }
0x3d2: {  	[tilespmem:$0x1F9B0] =	vst v62;
	v63 =	vperm.xlane v2, v14;
	v60 =	vmul.f32 v21, v21  }
0x3d3: {  	v54 =	vmov v26;
	[tilespmem:s24+$0x80F0] =	vst v0;
	v51 =	vmul.f32 v41, v13;
	v26 =	vmul.f32 v3, v43  }
0x3d4: {  	v52 =	vmovc v28;
	v2 =	vadd.f32 v2, v63;
	v63 =	vld [tilespmem:$0x1FA70];
	[tilespmem:$0x1FA70] =	vst v5;
	v28 =	vmul.f32 v3, v30;
	v41 =	vmov v3  }
0x3d5: {  	v27 =	vld [tilespmem:$0x1FFF0];
	v45 =	vmul.f32 v23, v23;
	v7 =	vmul.f32 v41, v29;
	[tilespmem:s25+$0x84F0] =	vst v26  }
0x3d6: {  	v59 =	vmul.f32 v20, v20;
	v30 =	vmov v48;
	v62 =	vperm.xlane v2, v15;
	[tilespmem:s25+$0x8080] =	vst v28;
	v26 =	vld [tilespmem:s30+$0x84D0]  }
0x3d7: {  	v42 =	vmovc v44;
	v6 =	vmul.f32 v24, v24;
	v29 =	vmov v49;
	v0 =	vmul.f32 v48, v30;
	v28 =	vld [tilespmem:s30+$0x84E0];
	[tilespmem:s25+$0x8090] =	vst v7  }
0x3d8: {  	v48 =	vmul.f32 v57, v57;
	v44 =	vmul.f32 v49, v29;
	v2 =	vadd.f32 v2, v62;
	v43 =	vld [tilespmem:s30+$0x84F0];
	[tilespmem:s24+$0x84A0] =	vst v46  }
0x3d9: {  	v9 =	vld [tilespmem:s30+$0x8030];
	v49 =	vmul.f32 v19, v19;
	v62 =	vmul.f32 v4, v4;
	[tilespmem:s24+$0x84B0] =	vst v47  }
0x3da: {  	v1 =	vld [tilespmem:s30+$0x8000];
	v6 =	vadd.f32 v6, v45;
	v46 =	vmul.f32 v25, v25;
	[tilespmem:s24+$0x84C0] =	vst v50;
	v3 =	vperm.xlane v2, v27  }
0x3db: {  	v10 =	vld [tilespmem:s30+$0x8040];
	v32 =	vmovc v63;
	v63 =	vmul.f32 v5, v5;
	v0 =	vadd.f32 v44, v0;
	v44 =	vadd.f32 v49, v48  }
0x3dc: {  	v7 =	vld [tilespmem:s30+$0x8020];
	[tilespmem:s24+$0x84D0] =	vst v51;
	v2 =	vadd.f32 v2, v3;
	v3 =	vmul.f32 v18, v18;
	v8 =	vmul.f32 v26, v26  }
0x3dd: {  	[tilespmem:s24+$0x84E0] =	vst v58;
	s24 =	smov.u32 s25;
	s25 =	smov.u32 s30;
	v5 =	vld [tilespmem:s30+$0x8010];
	v49 =	vadd.f32 v61, v60;
	v47 =	vmul.f32 v28, v28;
	v48 =	vmul.f32 v43, v43  }
0x3de: {  	v11 =	vld [tilespmem:s25+$0x8070];
	v50 =	vadd.f32 v63, v62;
	v3 =	vadd.f32 v59, v3  }
0x3df: {  	v51 =	vmul.f32 v1, v1;
	v45 =	vld [tilespmem:s25+$0x8440];
	v8 =	vadd.f32 v8, v46;
	v60 =	vadd.f32 v48, v47  }
0x3e0: {  	v0 =	vadd.f32 v44, v0;
	v44 =	vmul.f32 v9, v9;
	v6 =	vadd.f32 v6, v50;
	v59 =	vld [tilespmem:s30+$0x8050]  }
0x3e1: {  	v62 =	vld [tilespmem:s25+$0x8060];
	v2 =	vmax.f32 v2, $1.000000020e-24;
	v3 =	vadd.f32 v49, v3;
	v8 =	vadd.f32 v60, v8  }
0x3e2: {  	[tilespmem:$0x1FA60] =	vst v4;
	v50 =	vld [tilespmem:s25+$0x8410];
	v58 =	vmul.f32 v5, v5;
	v4 =	vshra.s32 v2, $0x1;
	v47 =	vmul.f32 v7, v7  }
0x3e3: {  	v48 =	vld [tilespmem:s25+$0x8400];
	v2 =	vmul.f32 $5.000000000e-01, v2;
	v0 =	vadd.f32 v3, v0;
	v3 =	vadd.f32 v8, v6  }
0x3e4: {  	v46 =	vmul.f32 v10, v10;
	v4 =	vsub.s32 $0x5F3759DF, v4;
	v58 =	vadd.f32 v58, v51;
	v51 =	vld [tilespmem:s25+$0x8420]  }
0x3e5: {  	v49 =	vld [tilespmem:s25+$0x8430];
	v2 =	vmul.f32 v4, v2;
	v60 =	vmul.f32 v59, v59;
	v0 =	vadd.f32 v3, v0  }
0x3e6: {  	v6 =	vmul.f32 v62, v62;
	v8 =	vadd.f32 v44, v47;
	v44 =	vmul.f32 v11, v11;
	v47 =	vld [tilespmem:s25+$0x8460]  }
0x3e7: {  	v2 =	vmul.f32 v4, v2;
	v61 =	vperm.xlane v0, v12;
	v12 =	vld [tilespmem:$0x1FA50]  }
0x3e8: {  	v60 =	vadd.f32 v60, v46;
	v46 =	vld [tilespmem:s25+$0x8450]  }
0x3e9: {  	v3 =	vmul.f32 v48, v48;
	v6 =	vadd.f32 v44, v6;
	v44 =	vld [tilespmem:s25+$0x8470];
	v2 =	vsub.f32 $1.500000000e+00, v2  }
0x3ea: {  	v13 =	vmovc v57;
	v8 =	vadd.f32 v8, v58;
	v58 =	vmul.f32 v50, v50;
	v63 =	vmul.f32 v51, v51  }
0x3eb: {  	[tilespmem:$0x1FA50] =	vst v13;
	v13 =	vmul.f32 v49, v49;
	v6 =	vadd.f32 v6, v60;
	v57 =	vmul.f32 v4, v2  }
0x3ec: {  	v0 =	vadd.f32 v0, v61;
	v61 =	vmul.f32 v45, v45;
	v12 =	vmul.f32 v41, v12  }
0x3ed: {  	v60 =	vadd.f32 v13, v63;
	v13 =	vmul.f32 v47, v47;
	v2 =	vmul.f32 v46, v46  }
0x3ee: {  	[tilespmem:s24+$0x80A0] =	vst v12;
	v12 =	vperm.xlane v0, v14;
	v14 =	vmovc v35;
	v35 =	vmov v1;
	v1 =	vmul.f32 v44, v44  }
0x3ef: {  	v3 =	vadd.f32 v58, v3;
	v6 =	vadd.f32 v6, v8  }
0x3f0: {  	v8 =	vmul.f32 v57, v37;
	v2 =	vadd.f32 v2, v61;
	v1 =	vadd.f32 v1, v13;
	v13 =	vld [tilespmem:$0x1F9C0];
	_ =	sdelay $0x1  }
0x3f1: {  	v58 =	vld [tilespmem:$0x1FA00];
	v3 =	vadd.f32 v60, v3;
	[tilespmem:s24+$0x8000] =	vst v8;
	v8 =	vmul.f32 v57, v39;
	v1 =	vadd.f32 v1, v2  }
0x3f2: {  	v37 =	vmovc v5;
	v5 =	vmul.f32 v57, v40;
	v40 =	vmov v59;
	v59 =	vld [tilespmem:$0x1FA10];
	v0 =	vadd.f32 v0, v12  }
0x3f3: {  	v4 =	vmul.f32 v57, v38;
	v61 =	vmul.f32 v57, v36;
	[tilespmem:s24+$0x8020] =	vst v8;
	v8 =	vld [tilespmem:$0x1F9D0];
	v1 =	vadd.f32 v1, v3  }
0x3f4: {  	s26 =	sadd.s32 $0x2, s26;
	v12 =	vperm.xlane v0, v15;
	v63 =	vmul.f32 v57, v13;
	v13 =	vmovc v54;
	v54 =	vmovc v33;
	v33 =	vmov v53;
	v53 =	vld [tilespmem:$0x1F9F0]  }
0x3f5: {  	p0 =	slt.u32 s26, $0x7E;
	v36 =	vmovc v7;
	v7 =	vmul.f32 v57, v17;
	v17 =	vmov v62;
	v62 =	vadd.f32 v1, v6;
	v1 =	vld [tilespmem:$0x1FA30]  }
.Ltmp3:
0x3f6: {  	[tilespmem:s24+$0x8040] =	vst v4;
	v2 =	vadd.f32 v0, v12;
	(pc) =	sbr.rel @p0 .LBB2_8-.Ltmp3, $4  }
0x3f7: {  	v38 =	vmov v10;
	[tilespmem:s24+$0x8050] =	vst v5;
	v60 =	vmul.f32 v57, v58;
	v58 =	vmul.f32 v57, v59  }
0x3f8: {  	[tilespmem:s24+$0x8010] =	vst v61;
	v15 =	vmovc v56;
	v56 =	vmov v34;
	v34 =	vld [tilespmem:$0x1F9B0];
	v0 =	vmul.f32 v57, v16;
	v3 =	vperm.xlane v2, v27  }
0x3f9: {  	v39 =	vmovc v9;
	v16 =	vmovc v11;
	v11 =	vmov v52;
	v52 =	vmov v55;
	v55 =	vld [tilespmem:$0x1FA20];
	[tilespmem:s24+$0x8030] =	vst v63;
	v63 =	vmul.f32 v57, v8  }
0x3fa: {  	s28 =	sadd.s32 $0x100, s28;
	s29 =	sadd.s32 $0x200, s29;
	[tilespmem:s24+$0x8060] =	vst v7;
	v27 =	vld [tilespmem:$0x1F9E0];
	v61 =	vmul.f32 v57, v53;
	v53 =	vadd.f32 v2, v3;
	v59 =	vmul.f32 v57, v1  }
0x3fb: {  	v7 =	vld [tilespmem:$0x1FFC0];
	_ =	sdelay $0x2  }
0x3fc: {  	[tilespmem:s24+$0x8070] =	vst v0  }
0x3fd: {  	v8 =	vld [tilespmem:$0x1FFD0]  }
0x3fe: {  	v1 =	vperm.xlane v62, v7  }
0x3ff: {  	v2 =	vmax.f32 v53, $1.000000020e-24  }
0x400: {  	v3 =	vshra.s32 v2, $0x1;
	v2 =	vmul.f32 $5.000000000e-01, v2;
	v1 =	vadd.f32 v62, v1  }
0x401: {  	[tilespmem:s24+$0x8400] =	vst v63;
	v3 =	vsub.s32 $0x5F3759DF, v3  }
0x402: {  	[tilespmem:s24+$0x8410] =	vst v61;
	v2 =	vmul.f32 v3, v2;
	v0 =	vperm.xlane v1, v8  }
0x403: {  	[tilespmem:s24+$0x8420] =	vst v60  }
0x404: {  	[tilespmem:s24+$0x8430] =	vst v58;
	v2 =	vmul.f32 v3, v2;
	v0 =	vadd.f32 v1, v0;
	v1 =	vmul.f32 v57, v27  }
0x405: {  	v5 =	vmul.f32 v57, v33;
	v9 =	vld [tilespmem:$0x1FFE0];
	[tilespmem:s24+$0x8440] =	vst v59  }
0x406: {  	v6 =	vmul.f32 v57, v42;
	v2 =	vsub.f32 $1.500000000e+00, v2;
	[tilespmem:s24+$0x8450] =	vst v1  }
0x407: {  	v57 =	vmul.f32 v41, v34;
	v1 =	vld [tilespmem:$0x1FA40];
	[tilespmem:s24+$0x8460] =	vst v5  }
0x408: {  	v59 =	vmul.f32 v41, v14;
	v2 =	vmul.f32 v3, v2;
	[tilespmem:s24+$0x8470] =	vst v6  }
0x409: {  	v3 =	vmul.f32 v41, v55;
	v10 =	vld [tilespmem:$0x1FFF0];
	[tilespmem:s24+$0x80C0] =	vst v57  }
0x40a: {  	v60 =	vmul.f32 v2, v43;
	v4 =	vperm.xlane v0, v9;
	[tilespmem:s24+$0x80D0] =	vst v59  }
0x40b: {  	v61 =	vmul.f32 v2, v29;
	[tilespmem:s24+$0x80F0] =	vst v3  }
0x40c: {  	v0 =	vadd.f32 v0, v4;
	[tilespmem:s25+$0x84F0] =	vst v60;
	v1 =	vmul.f32 v41, v1  }
0x40d: {  	v62 =	vmul.f32 v41, v54;
	[tilespmem:s25+$0x8090] =	vst v61  }
0x40e: {  	v58 =	vperm.xlane v0, v10;
	[tilespmem:s24+$0x80B0] =	vst v1;
	v1 =	vmul.f32 v41, v56  }
0x40f: {  	v63 =	vmul.f32 v41, v15;
	[tilespmem:s24+$0x8480] =	vst v62  }
0x410: {  	v0 =	vadd.f32 v0, v58;
	[tilespmem:s24+$0x80E0] =	vst v1;
	v1 =	vmul.f32 v2, v30  }
0x411: {  	v33 =	vmul.f32 v41, v13;
	[tilespmem:s24+$0x84A0] =	vst v63  }
0x412: {  	v0 =	vmax.f32 v0, $1.000000020e-24;
	[tilespmem:s25+$0x8080] =	vst v1;
	v1 =	vmul.f32 v41, v32  }
0x413: {  	[tilespmem:s24+$0x84D0] =	vst v33;
	v3 =	vshra.s32 v0, $0x1;
	v0 =	vmul.f32 $5.000000000e-01, v0;
	v32 =	vmul.f32 v41, v31  }
0x414: {  	v3 =	vsub.s32 $0x5F3759DF, v3;
	[tilespmem:s24+$0x8490] =	vst v1;
	v1 =	vmul.f32 v41, v52  }
0x415: {  	v0 =	vmul.f32 v3, v0;
	[tilespmem:s24+$0x84B0] =	vst v32  }
0x416: {  	[tilespmem:s24+$0x84C0] =	vst v1  }
0x417: {  	v0 =	vmul.f32 v3, v0;
	v1 =	vld [tilespmem:$0x1FA50];
	_ =	sdelay $0x1  }
0x418: {  	v0 =	vsub.f32 $1.500000000e+00, v0;
	_ =	sdelay $0x1  }
0x419: {  	v34 =	vmul.f32 v41, v11;
	v0 =	vmul.f32 v3, v0  }
0x41a: {  	v1 =	vmul.f32 v2, v1  }
0x41b: {  	[tilespmem:s24+$0x84E0] =	vst v34;
	v3 =	vmul.f32 v0, v35  }
0x41c: {  	v41 =	vmul.f32 v0, v39;
	[tilespmem:s25+$0x80A0] =	vst v1  }
0x41d: {  	v42 =	vmul.f32 v0, v17;
	[tilespmem:s25+$0x8000] =	vst v3  }
0x41e: {  	v43 =	vmul.f32 v0, v50;
	[tilespmem:s25+$0x8030] =	vst v41  }
0x41f: {  	v1 =	vmul.f32 v0, v37;
	[tilespmem:s25+$0x8060] =	vst v42  }
0x420: {  	v3 =	vmul.f32 v0, v36;
	[tilespmem:s25+$0x8410] =	vst v43  }
0x421: {  	[tilespmem:s25+$0x8010] =	vst v1;
	v1 =	vmul.f32 v0, v38  }
0x422: {  	[tilespmem:s25+$0x8020] =	vst v3;
	v3 =	vmul.f32 v0, v40  }
0x423: {  	[tilespmem:s25+$0x8040] =	vst v1;
	v1 =	vmul.f32 v0, v16  }
0x424: {  	[tilespmem:s25+$0x8050] =	vst v3;
	v3 =	vmul.f32 v0, v48  }
0x425: {  	v48 =	vmul.f32 v0, v45;
	[tilespmem:s25+$0x8070] =	vst v1  }
0x426: {  	v1 =	vmul.f32 v0, v51;
	[tilespmem:s25+$0x8400] =	vst v3  }
0x427: {  	v3 =	vmul.f32 v0, v49;
	[tilespmem:s25+$0x8440] =	vst v48  }
0x428: {  	[tilespmem:s25+$0x8420] =	vst v1;
	v1 =	vmul.f32 v0, v46  }
0x429: {  	[tilespmem:s25+$0x8430] =	vst v3;
	v3 =	vmul.f32 v0, v47  }
0x42a: {  	v0 =	vmul.f32 v0, v44;
	[tilespmem:s25+$0x8450] =	vst v1  }
0x42b: {  	v1 =	vmul.f32 v2, v19;
	[tilespmem:s25+$0x8460] =	vst v3  }
0x42c: {  	v3 =	vmul.f32 v2, v18;
	[tilespmem:s25+$0x8470] =	vst v0  }
0x42d: {  	v0 =	vmul.f32 v2, v20;
	[tilespmem:s25+$0x80B0] =	vst v1  }
0x42e: {  	v1 =	vmul.f32 v2, v21;
	[tilespmem:s25+$0x80C0] =	vst v3  }
0x42f: {  	[tilespmem:s25+$0x80D0] =	vst v0  }
0x430: {  	v3 =	vmul.f32 v2, v22;
	v0 =	vld [tilespmem:$0x1FA60];
	[tilespmem:s25+$0x80E0] =	vst v1  }
0x431: {  	v1 =	vld [tilespmem:$0x1FA70]  }
0x432: {  	[tilespmem:s25+$0x80F0] =	vst v3;
	v3 =	vmul.f32 v2, v23;
	_ =	sdelay $0x1  }
0x433: {  	[tilespmem:s25+$0x84A0] =	vst v3;
	v3 =	vmul.f32 v2, v26  }
0x434: {  	v0 =	vmul.f32 v2, v0  }
0x435: {  	[tilespmem:s25+$0x84D0] =	vst v3;
	v1 =	vmul.f32 v2, v1  }
0x436: {  	[tilespmem:s25+$0x8480] =	vst v0;
	v0 =	vmul.f32 v2, v24  }
0x437: {  	[tilespmem:s25+$0x8490] =	vst v1;
	v1 =	vmul.f32 v2, v25  }
0x438: {  	[tilespmem:s25+$0x84B0] =	vst v0;
	v0 =	vmul.f32 v2, v28  }
0x439: {  	[tilespmem:s25+$0x84C0] =	vst v1  }
0x43a: {  	s26 =	simm.s32 $0x0;
	[tilespmem:s25+$0x84E0] =	vst v0  }
0x43b: {  	[hbm4b:s11+s26] =	stream.linear.scatter [tilespmem:s19], [sflag:$0x4], $0x8000, $0x38;
	[tilespmem:$0x10000] =	vst v63  }
0x43c: {  	_ =	swait.ge [sflag:s18], $0x8000  }
0x43d: {  	[sflag:s18] =	ssyncset.done $0x0  }
0x43e: {  	[sflag:s18] =	ssyncadd.s32 $0xFFFF8000  }
0x43f: {  	_ =	swait.ge [sflag:s22], $0x8000  }
0x440: {  	s30 =	sand.u32 $0x7800, s26;
	s24 =	sand.u32 $0x300, s26;
	[sflag:s22] =	ssyncset.done $0x0  }
0x441: {  	s24 =	sor.u32 s24, s30;
	[sflag:s22] =	ssyncadd.s32 $0xFFFF8000  }
0x442: {  	[tilespmem:s19], [sflag:$0x2] =	stream.linear.gather [hbm4b:s12+s26], $0x8000, $0x38;
	[tilespmem:$0x10000] =	vst v63  }
0x443: {  	v47 =	vld [tilespmem:s24+$0x80]  }
0x444: {  	v12 =	vld [tilespmem:s24+$0x90]  }
0x445: {  	v53 =	vld [tilespmem:s24+$0xA0]  }
0x446: {  	v0 =	vld [tilespmem:s24+$0xB0]  }
0x447: {  	v34 =	vld [tilespmem:s24+$0xC0]  }
0x448: {  	v14 =	vld [tilespmem:s24+$0xD0]  }
0x449: {  	v56 =	vld [tilespmem:s24+$0xE0]  }
0x44a: {  	v55 =	vld [tilespmem:s24+$0xF0]  }
0x44b: {  	v54 =	vld [tilespmem:s24+$0x480]  }
0x44c: {  	v32 =	vld [tilespmem:s24+$0x490]  }
0x44d: {  	v15 =	vld [tilespmem:s24+$0x4A0]  }
0x44e: {  	v31 =	vld [tilespmem:s24+$0x4B0]  }
0x44f: {  	v52 =	vld [tilespmem:s24+$0x4C0]  }
0x450: {  	v13 =	vld [tilespmem:s24+$0x4D0]  }
0x451: {  	v11 =	vld [tilespmem:s24+$0x4E0]  }
0x452: {  	v46 =	vld [tilespmem:s24+$0x4F0];
	[tilespmem:$0x1F8C0] =	vst v0  }
0x453: {  	v29 =	vld [tilespmem:s24+$0x0];
	_ =	sdelay $0x4  }
0x454: {  	[tilespmem:$0x1F900] =	vst v29  }
0x455: {  	v49 =	vld [tilespmem:s24+$0x10];
	_ =	sdelay $0x4  }
0x456: {  	[tilespmem:$0x1F910] =	vst v49  }
0x457: {  	v50 =	vld [tilespmem:s24+$0x20];
	_ =	sdelay $0x4  }
0x458: {  	[tilespmem:$0x1F920] =	vst v50  }
0x459: {  	v16 =	vmul.f32 v0, v0;
	v0 =	vld [tilespmem:s24+$0x30];
	_ =	sdelay $0x4  }
0x45a: {  	[tilespmem:$0x1F930] =	vst v0  }
0x45b: {  	v51 =	vld [tilespmem:s24+$0x40];
	_ =	sdelay $0x4  }
0x45c: {  	[tilespmem:$0x1F940] =	vst v51  }
0x45d: {  	v28 =	vld [tilespmem:s24+$0x50];
	_ =	sdelay $0x4  }
0x45e: {  	[tilespmem:$0x1F950] =	vst v28  }
0x45f: {  	v30 =	vld [tilespmem:s24+$0x60]  }
0x460: {  	v1 =	vmul.f32 v47, v47  }
0x461: {  	v2 =	vmul.f32 v12, v12;
	v3 =	vmul.f32 v53, v53  }
0x462: {  	v17 =	vmul.f32 v34, v34;
	v18 =	vmul.f32 v14, v14  }
0x463: {  	v21 =	vmul.f32 v54, v54;
	v22 =	vmul.f32 v32, v32  }
0x464: {  	v1 =	vadd.f32 v2, v1;
	v2 =	vadd.f32 v16, v3;
	[tilespmem:$0x1F960] =	vst v30  }
0x465: {  	v16 =	vadd.f32 v18, v17;
	v18 =	vadd.f32 v22, v21;
	v22 =	vld [tilespmem:s24+$0x410];
	_ =	sdelay $0x2  }
0x466: {  	v19 =	vmul.f32 v56, v56;
	v20 =	vmul.f32 v55, v55  }
0x467: {  	v23 =	vmul.f32 v15, v15;
	v24 =	vmul.f32 v31, v31;
	v61 =	vld [tilespmem:s24+$0x70]  }
0x468: {  	v63 =	vld [tilespmem:s24+$0x400];
	[tilespmem:$0x1F970] =	vst v22  }
0x469: {  	v17 =	vadd.f32 v20, v19;
	v19 =	vadd.f32 v24, v23;
	v23 =	vld [tilespmem:s24+$0x420];
	_ =	sdelay $0x4  }
0x46a: {  	[tilespmem:$0x1F980] =	vst v23  }
0x46b: {  	v24 =	vld [tilespmem:s24+$0x430];
	_ =	sdelay $0x4  }
0x46c: {  	v25 =	vmul.f32 v52, v52;
	v26 =	vmul.f32 v13, v13;
	[tilespmem:$0x1F990] =	vst v24  }
0x46d: {  	v27 =	vmul.f32 v11, v11;
	v3 =	vmul.f32 v46, v46;
	v57 =	vld [tilespmem:s24+$0x440];
	_ =	sdelay $0x1  }
0x46e: {  	v20 =	vadd.f32 v26, v25;
	v3 =	vadd.f32 v3, v27  }
0x46f: {  	v1 =	vadd.f32 v2, v1;
	v2 =	vadd.f32 v17, v16  }
0x470: {  	v16 =	vadd.f32 v19, v18;
	v3 =	vadd.f32 v3, v20  }
0x471: {  	v17 =	vmul.f32 v29, v29;
	[tilespmem:$0x1F9A0] =	vst v57  }
0x472: {  	v1 =	vadd.f32 v2, v1;
	v2 =	vadd.f32 v3, v16;
	v18 =	vmul.f32 v49, v49;
	v27 =	vld [tilespmem:s24+$0x450]  }
0x473: {  	v19 =	vmul.f32 v50, v50;
	v3 =	vmul.f32 v0, v0;
	v33 =	vld [tilespmem:s24+$0x460]  }
0x474: {  	v1 =	vadd.f32 v2, v1;
	v16 =	vmul.f32 v51, v51;
	v20 =	vmul.f32 v28, v28;
	v42 =	vld [tilespmem:s24+$0x470]  }
0x475: {  	v2 =	vadd.f32 v18, v17;
	v21 =	vmul.f32 v30, v30;
	v17 =	vmul.f32 v61, v61  }
0x476: {  	v3 =	vadd.f32 v3, v19;
	v18 =	vmul.f32 v63, v63;
	v19 =	vmul.f32 v22, v22  }
0x477: {  	v16 =	vadd.f32 v20, v16;
	v20 =	vmul.f32 v23, v23;
	v23 =	vmul.f32 v24, v24  }
0x478: {  	v17 =	vadd.f32 v17, v21;
	v21 =	vmul.f32 v57, v57;
	v24 =	vmul.f32 v27, v27  }
0x479: {  	v18 =	vadd.f32 v19, v18;
	v19 =	vmul.f32 v33, v33;
	v25 =	vmul.f32 v42, v42  }
0x47a: {  	v20 =	vadd.f32 v23, v20  }
0x47b: {  	v21 =	vadd.f32 v24, v21;
	v19 =	vadd.f32 v25, v19  }
0x47c: {  	v2 =	vadd.f32 v3, v2;
	v3 =	vadd.f32 v17, v16  }
0x47d: {  	v17 =	vadd.f32 v20, v18;
	v18 =	vadd.f32 v19, v21;
	_ =	sdelay $0x1  }
0x47e: {  	s31 =	simm.s32 $0x100;
	s26 =	simm.s32 $0x200;
	v22 =	vperm.xlane v1, v7;
	v2 =	vadd.f32 v3, v2;
	v3 =	vadd.f32 v18, v17  }
0x47f: {  	s25 =	sand.u32 $0x300, s31;
	s26 =	sand.u32 $0x7800, s26  }
0x480: {  	s25 =	sor.u32 s25, s26;
	v1 =	vadd.f32 v1, v22;
	v2 =	vadd.f32 v3, v2  }
0x481: {  	v30 =	vld [tilespmem:s25+$0x80]  }
0x482: {  	v16 =	vperm.xlane v1, v8;
	v29 =	vld [tilespmem:s25+$0x90];
	v3 =	vperm.xlane v2, v7  }
0x483: {  	v0 =	vld [tilespmem:s25+$0xA0]  }
0x484: {  	v1 =	vadd.f32 v1, v16;
	v20 =	vld [tilespmem:s25+$0xD0];
	v2 =	vadd.f32 v2, v3  }
0x485: {  	v22 =	vld [tilespmem:s25+$0xF0]  }
0x486: {  	v16 =	vperm.xlane v1, v9;
	v58 =	vld [tilespmem:s25+$0x480];
	v3 =	vperm.xlane v2, v8  }
0x487: {  	v59 =	vld [tilespmem:s25+$0x490]  }
0x488: {  	v1 =	vadd.f32 v1, v16;
	v24 =	vld [tilespmem:s25+$0x4B0];
	v2 =	vadd.f32 v2, v3  }
0x489: {  	v25 =	vld [tilespmem:s25+$0x4C0]  }
0x48a: {  	v16 =	vperm.xlane v1, v10;
	v19 =	vld [tilespmem:s25+$0xB0];
	v23 =	vperm.xlane v2, v9  }
0x48b: {  	v21 =	vld [tilespmem:s25+$0xE0]  }
0x48c: {  	v1 =	vadd.f32 v1, v16;
	v60 =	vmul.f32 v30, v30;
	v18 =	vld [tilespmem:s25+$0xC0];
	v2 =	vadd.f32 v2, v23  }
0x48d: {  	v62 =	vmul.f32 v29, v29;
	v37 =	vmul.f32 v0, v0;
	v23 =	vld [tilespmem:s25+$0x4A0];
	[tilespmem:$0x1F8D0] =	vst v0  }
0x48e: {  	v1 =	vmax.f32 v1, $1.000000020e-24;
	v40 =	vmul.f32 v20, v20;
	v26 =	vld [tilespmem:s25+$0x4D0];
	v28 =	vperm.xlane v2, v10  }
0x48f: {  	v6 =	vmul.f32 v22, v22;
	v3 =	vshra.s32 v1, $0x1;
	v1 =	vmul.f32 $5.000000000e-01, v1;
	v43 =	vld [tilespmem:s25+$0x4F0]  }
0x490: {  	v49 =	vmul.f32 v58, v58;
	v3 =	vsub.s32 $0x5F3759DF, v3;
	v2 =	vadd.f32 v2, v28;
	v28 =	vld [tilespmem:s25+$0x4E0];
	[tilespmem:$0x1F8E0] =	vst v58  }
0x491: {  	v50 =	vmul.f32 v59, v59;
	v1 =	vmul.f32 v3, v1;
	v0 =	vld [tilespmem:s25+$0x0]  }
0x492: {  	v57 =	vadd.f32 v62, v60;
	v60 =	vmul.f32 v24, v24;
	[tilespmem:$0x1F8F0] =	vst v59;
	v2 =	vmax.f32 v2, $1.000000020e-24  }
0x493: {  	v45 =	vmul.f32 v3, v1;
	v1 =	vld [tilespmem:s25+$0x10];
	v44 =	vshra.s32 v2, $0x1;
	v2 =	vmul.f32 $5.000000000e-01, v2  }
0x494: {  	v38 =	vmul.f32 v19, v19;
	v41 =	vmul.f32 v21, v21;
	v51 =	vsub.s32 $0x5F3759DF, v44  }
0x495: {  	v49 =	vadd.f32 v50, v49;
	v59 =	vmul.f32 v23, v23;
	v2 =	vmul.f32 v51, v2  }
0x496: {  	v39 =	vmul.f32 v18, v18;
	v48 =	vadd.f32 v6, v41;
	v45 =	vsub.f32 $1.500000000e+00, v45;
	v35 =	vmovc v0;
	v0 =	vld [tilespmem:s25+$0x40]  }
0x497: {  	v50 =	vadd.f32 v60, v59;
	v59 =	vmul.f32 v43, v43;
	v2 =	vmul.f32 v51, v2  }
0x498: {  	v44 =	vadd.f32 v38, v37;
	v58 =	vmul.f32 v28, v28;
	v37 =	vmovc v1;
	v1 =	vadd.f32 v40, v39  }
0x499: {  	v4 =	vld [tilespmem:s25+$0x30];
	v39 =	vmul.f32 v25, v25;
	v40 =	vmul.f32 v26, v26;
	v2 =	vsub.f32 $1.500000000e+00, v2  }
0x49a: {  	v41 =	vmul.f32 v3, v45;
	v36 =	vld [tilespmem:s25+$0x20];
	v3 =	vadd.f32 v44, v57;
	v1 =	vadd.f32 v48, v1  }
0x49b: {  	v5 =	vld [tilespmem:s25+$0x70];
	v62 =	vadd.f32 v59, v58;
	v38 =	vmovc v0;
	v0 =	vadd.f32 v40, v39;
	v57 =	vmul.f32 v51, v2  }
0x49c: {  	v6 =	vld [tilespmem:s25+$0x50];
	v1 =	vadd.f32 v1, v3;
	v2 =	vmul.f32 v35, v35;
	v3 =	vmul.f32 v37, v37  }
0x49d: {  	v16 =	vld [tilespmem:s25+$0x60];
	v60 =	vadd.f32 v50, v49;
	v0 =	vadd.f32 v62, v0  }
0x49e: {  	v12 =	vmul.f32 v41, v12;
	v49 =	vld [tilespmem:s25+$0x430];
	v39 =	vmov v4;
	v58 =	vadd.f32 v3, v2  }
0x49f: {  	v51 =	vld [tilespmem:s25+$0x420];
	v3 =	vmul.f32 v36, v36;
	v0 =	vadd.f32 v0, v60;
	v60 =	vmul.f32 v39, v39  }
0x4a0: {  	v45 =	vld [tilespmem:s25+$0x440];
	v59 =	vmul.f32 v41, v46;
	v4 =	vmul.f32 v5, v5  }
0x4a1: {  	v50 =	vld [tilespmem:s25+$0x410];
	v62 =	vmul.f32 v41, v47;
	v2 =	vmul.f32 v38, v38;
	v3 =	vadd.f32 v60, v3  }
0x4a2: {  	v44 =	vld [tilespmem:s25+$0x470];
	v60 =	vmul.f32 v41, v53;
	v53 =	vmul.f32 v16, v16  }
0x4a3: {  	[tilespmem:s24+$0x90] =	vst v12;
	v48 =	vld [tilespmem:s25+$0x400];
	v0 =	vadd.f32 v0, v1;
	v1 =	vmul.f32 v6, v6;
	v58 =	vadd.f32 v3, v58  }
0x4a4: {  	v46 =	vld [tilespmem:s25+$0x450];
	[tilespmem:s24+$0x4F0] =	vst v59;
	v3 =	vmul.f32 v51, v51;
	v4 =	vadd.f32 v4, v53;
	v53 =	vmul.f32 v49, v49  }
0x4a5: {  	v40 =	vmov v6;
	v47 =	vld [tilespmem:s25+$0x460];
	[tilespmem:s24+$0x80] =	vst v62;
	v6 =	vadd.f32 v1, v2;
	v1 =	vperm.xlane v0, v7  }
0x4a6: {  	v3 =	vadd.f32 v53, v3;
	v53 =	vld [tilespmem:$0x1F900]  }
0x4a7: {  	v62 =	vmul.f32 v44, v44;
	v0 =	vadd.f32 v0, v1  }
0x4a8: {  	v2 =	vmul.f32 v48, v48;
	v1 =	vmul.f32 v50, v50  }
0x4a9: {  	v17 =	vmovc v16;
	v16 =	vmov v5;
	v5 =	vmul.f32 v45, v45;
	v59 =	vperm.xlane v0, v8  }
0x4aa: {  	v4 =	vadd.f32 v4, v6;
	v6 =	vmul.f32 v47, v47;
	v1 =	vadd.f32 v1, v2  }
0x4ab: {  	v2 =	vmul.f32 v46, v46;
	v0 =	vadd.f32 v0, v59;
	v59 =	vmul.f32 v57, v53  }
0x4ac: {  	[tilespmem:s24+$0xA0] =	vst v60  }
0x4ad: {  	v2 =	vadd.f32 v2, v5;
	v5 =	vadd.f32 v62, v6;
	v62 =	vld [tilespmem:$0x1F910];
	[tilespmem:s24+$0x0] =	vst v59  }
0x4ae: {  	v59 =	vld [tilespmem:$0x1F920];
	_ =	sdelay $0x3  }
0x4af: {  	v6 =	vmul.f32 v57, v62  }
0x4b0: {  	v60 =	vmul.f32 v57, v59  }
0x4b1: {  	v62 =	vperm.xlane v0, v9;
	[tilespmem:s24+$0x10] =	vst v6  }
0x4b2: {  	v1 =	vadd.f32 v3, v1;
	v3 =	vld [tilespmem:$0x1F930];
	[tilespmem:s24+$0x20] =	vst v60  }
0x4b3: {  	v2 =	vadd.f32 v5, v2;
	v5 =	vadd.f32 v0, v62;
	v0 =	vld [tilespmem:$0x1F940];
	_ =	sdelay $0x4  }
0x4b4: {  	v4 =	vadd.f32 v4, v58;
	v58 =	vmul.f32 v57, v0;
	v0 =	vld [tilespmem:$0x1F950];
	_ =	sdelay $0x2  }
0x4b5: {  	v3 =	vmul.f32 v57, v3;
	_ =	sdelay $0x1  }
0x4b6: {  	[tilespmem:s24+$0x30] =	vst v3;
	v59 =	vmul.f32 v57, v0  }
0x4b7: {  	v1 =	vadd.f32 v2, v1;
	v0 =	vld [tilespmem:$0x1F960];
	[tilespmem:s24+$0x40] =	vst v58  }
0x4b8: {  	[tilespmem:s24+$0x50] =	vst v59  }
0x4b9: {  	v62 =	vadd.f32 v1, v4;
	v1 =	vld [tilespmem:$0x1F970];
	_ =	sdelay $0x3  }
0x4ba: {  	v2 =	vmul.f32 v57, v0  }
0x4bb: {  	v0 =	vmul.f32 v57, v61;
	v61 =	vmul.f32 v57, v1;
	v1 =	vld [tilespmem:$0x1F980];
	_ =	sdelay $0x3  }
0x4bc: {  	[tilespmem:s24+$0x60] =	vst v2  }
0x4bd: {  	v60 =	vmul.f32 v57, v1;
	v1 =	vld [tilespmem:$0x1F990];
	_ =	sdelay $0x4  }
0x4be: {  	v58 =	vmul.f32 v57, v1;
	v1 =	vld [tilespmem:$0x1F9A0];
	_ =	sdelay $0x2  }
0x4bf: {  	v3 =	vperm.xlane v5, v10;
	_ =	sdelay $0x1  }
0x4c0: {  	s28 =	simm.s32 $0x200;
	s29 =	simm.s32 $0x400;
	s26 =	simm.s32 $0x2;
	v63 =	vmul.f32 v57, v63;
	v53 =	vadd.f32 v5, v3;
	v59 =	vmul.f32 v57, v1  }
.LBB2_10:
0x4c1: {  	[tilespmem:$0x1F840] =	vst v39  }
0x4c2: {  	v3 =	vmov v48;
	[tilespmem:s24+$0x70] =	vst v0  }
0x4c3: {  	v2 =	vmov v50;
	[tilespmem:$0x1F850] =	vst v3  }
0x4c4: {  	[tilespmem:$0x1F870] =	vst v2  }
0x4c5: {  	v4 =	vmov v51;
	[tilespmem:s24+$0x400] =	vst v63  }
0x4c6: {  	v12 =	vld [tilespmem:$0x1FFC0];
	[tilespmem:$0x1F880] =	vst v4  }
0x4c7: {  	s30 =	sand.u32 $0x7800, s29;
	s31 =	sand.u32 $0x300, s28;
	v3 =	vmax.f32 v53, $1.000000020e-24;
	[tilespmem:s24+$0x410] =	vst v61;
	v53 =	vld [tilespmem:$0x1F8C0]  }
0x4c8: {  	s30 =	sor.u32 s31, s30;
	[tilespmem:s24+$0x430] =	vst v58;
	v58 =	vmul.f32 v41, v14;
	v14 =	vld [tilespmem:$0x1FFD0]  }
0x4c9: {  	v61 =	vmov v49;
	[tilespmem:s24+$0x420] =	vst v60;
	v49 =	vld [tilespmem:s30+$0x90]  }
0x4ca: {  	[tilespmem:$0x1F890] =	vst v61;
	v61 =	vld [tilespmem:$0x1F8E0]  }
0x4cb: {  	v6 =	vmov v45;
	[tilespmem:s24+$0x440] =	vst v59;
	v59 =	vmul.f32 v41, v56;
	v56 =	vmov v22;
	v22 =	vld [tilespmem:s30+$0xF0]  }
0x4cc: {  	v5 =	vmov v46;
	[tilespmem:$0x1F8B0] =	vst v6;
	v4 =	vld [tilespmem:s30+$0x480]  }
0x4cd: {  	v1 =	vmul.f32 v57, v33;
	[tilespmem:$0x1F860] =	vst v5;
	v5 =	vld [tilespmem:s30+$0x490]  }
0x4ce: {  	v42 =	vmul.f32 v57, v42;
	[tilespmem:$0x1F8A0] =	vst v56;
	v0 =	vmul.f32 v57, v27;
	v57 =	vmov v19;
	v19 =	vld [tilespmem:s30+$0xB0]  }
0x4cf: {  	v39 =	vshra.s32 v3, $0x1;
	v3 =	vmul.f32 $5.000000000e-01, v3;
	[tilespmem:s24+$0x460] =	vst v1;
	v60 =	vmul.f32 v41, v34;
	v34 =	vmovc v21;
	v21 =	vld [tilespmem:s30+$0xE0]  }
0x4d0: {  	v45 =	vmul.f32 v41, v32;
	[tilespmem:s24+$0x470] =	vst v42;
	v51 =	vsub.s32 $0x5F3759DF, v39;
	v56 =	vmov v23;
	v23 =	vld [tilespmem:s30+$0x4A0]  }
0x4d1: {  	v1 =	vmul.f32 v41, v54;
	v3 =	vmul.f32 v51, v3;
	[tilespmem:$0x1F8C0] =	vst v57;
	v57 =	vld [tilespmem:s30+$0xA0]  }
0x4d2: {  	v2 =	vperm.xlane v62, v12;
	v39 =	vmovc v36;
	v36 =	vmovc v37;
	v37 =	vmov v35;
	v35 =	vmov v20;
	v20 =	vld [tilespmem:s30+$0xD0];
	[tilespmem:s24+$0x450] =	vst v0  }
0x4d3: {  	v50 =	vmul.f32 v41, v53;
	v53 =	vmovc v47;
	v47 =	vmul.f32 v41, v31;
	v31 =	vmov v24;
	v24 =	vld [tilespmem:s30+$0x4B0];
	[tilespmem:s24+$0x480] =	vst v1  }
0x4d4: {  	v3 =	vmul.f32 v51, v3;
	v0 =	vmul.f32 v41, v55;
	v55 =	vmov v25;
	v25 =	vld [tilespmem:s30+$0x4C0];
	[tilespmem:s24+$0x490] =	vst v45  }
0x4d5: {  	v2 =	vadd.f32 v62, v2;
	v62 =	vmov v18;
	v18 =	vld [tilespmem:s30+$0xC0];
	[tilespmem:s24+$0xC0] =	vst v60  }
0x4d6: {  	v46 =	vmul.f32 v41, v15;
	[tilespmem:s24+$0xD0] =	vst v58;
	v3 =	vsub.f32 $1.500000000e+00, v3  }
0x4d7: {  	v15 =	vld [tilespmem:$0x1FFE0];
	v33 =	vmov v61;
	v58 =	vmul.f32 v41, v11;
	[tilespmem:s24+$0xE0] =	vst v59;
	v61 =	vmul.f32 v22, v22  }
0x4d8: {  	v48 =	vld [tilespmem:s30+$0x80];
	[tilespmem:s24+$0xB0] =	vst v50;
	v50 =	vmul.f32 v41, v52;
	v3 =	vmul.f32 v51, v3  }
0x4d9: {  	[tilespmem:$0x1F830] =	vst v62;
	v63 =	vperm.xlane v2, v14;
	v60 =	vmul.f32 v21, v21  }
0x4da: {  	v54 =	vmov v26;
	[tilespmem:s24+$0xF0] =	vst v0;
	v51 =	vmul.f32 v41, v13;
	v26 =	vmul.f32 v3, v43  }
0x4db: {  	v52 =	vmovc v28;
	v2 =	vadd.f32 v2, v63;
	v63 =	vld [tilespmem:$0x1F8F0];
	[tilespmem:$0x1F8F0] =	vst v5;
	v28 =	vmul.f32 v3, v30;
	v41 =	vmov v3  }
0x4dc: {  	v27 =	vld [tilespmem:$0x1FFF0];
	v45 =	vmul.f32 v23, v23;
	v7 =	vmul.f32 v41, v29;
	[tilespmem:s25+$0x4F0] =	vst v26  }
0x4dd: {  	v59 =	vmul.f32 v20, v20;
	v30 =	vmov v48;
	v62 =	vperm.xlane v2, v15;
	[tilespmem:s25+$0x80] =	vst v28;
	v26 =	vld [tilespmem:s30+$0x4D0]  }
0x4de: {  	v42 =	vmovc v44;
	v6 =	vmul.f32 v24, v24;
	v29 =	vmov v49;
	v0 =	vmul.f32 v48, v30;
	v28 =	vld [tilespmem:s30+$0x4E0];
	[tilespmem:s25+$0x90] =	vst v7  }
0x4df: {  	v48 =	vmul.f32 v57, v57;
	v44 =	vmul.f32 v49, v29;
	v2 =	vadd.f32 v2, v62;
	v43 =	vld [tilespmem:s30+$0x4F0];
	[tilespmem:s24+$0x4A0] =	vst v46  }
0x4e0: {  	v9 =	vld [tilespmem:s30+$0x30];
	v49 =	vmul.f32 v19, v19;
	v62 =	vmul.f32 v4, v4;
	[tilespmem:s24+$0x4B0] =	vst v47  }
0x4e1: {  	v1 =	vld [tilespmem:s30+$0x0];
	v6 =	vadd.f32 v6, v45;
	v46 =	vmul.f32 v25, v25;
	[tilespmem:s24+$0x4C0] =	vst v50;
	v3 =	vperm.xlane v2, v27  }
0x4e2: {  	v10 =	vld [tilespmem:s30+$0x40];
	v32 =	vmovc v63;
	v63 =	vmul.f32 v5, v5;
	v0 =	vadd.f32 v44, v0;
	v44 =	vadd.f32 v49, v48  }
0x4e3: {  	v7 =	vld [tilespmem:s30+$0x20];
	[tilespmem:s24+$0x4D0] =	vst v51;
	v2 =	vadd.f32 v2, v3;
	v3 =	vmul.f32 v18, v18;
	v8 =	vmul.f32 v26, v26  }
0x4e4: {  	[tilespmem:s24+$0x4E0] =	vst v58;
	s24 =	smov.u32 s25;
	s25 =	smov.u32 s30;
	v5 =	vld [tilespmem:s30+$0x10];
	v49 =	vadd.f32 v61, v60;
	v47 =	vmul.f32 v28, v28;
	v48 =	vmul.f32 v43, v43  }
0x4e5: {  	v11 =	vld [tilespmem:s25+$0x70];
	v50 =	vadd.f32 v63, v62;
	v3 =	vadd.f32 v59, v3  }
0x4e6: {  	v51 =	vmul.f32 v1, v1;
	v45 =	vld [tilespmem:s25+$0x440];
	v8 =	vadd.f32 v8, v46;
	v60 =	vadd.f32 v48, v47  }
0x4e7: {  	v0 =	vadd.f32 v44, v0;
	v44 =	vmul.f32 v9, v9;
	v6 =	vadd.f32 v6, v50;
	v59 =	vld [tilespmem:s30+$0x50]  }
0x4e8: {  	v62 =	vld [tilespmem:s25+$0x60];
	v2 =	vmax.f32 v2, $1.000000020e-24;
	v3 =	vadd.f32 v49, v3;
	v8 =	vadd.f32 v60, v8  }
0x4e9: {  	[tilespmem:$0x1F8E0] =	vst v4;
	v50 =	vld [tilespmem:s25+$0x410];
	v58 =	vmul.f32 v5, v5;
	v4 =	vshra.s32 v2, $0x1;
	v47 =	vmul.f32 v7, v7  }
0x4ea: {  	v48 =	vld [tilespmem:s25+$0x400];
	v2 =	vmul.f32 $5.000000000e-01, v2;
	v0 =	vadd.f32 v3, v0;
	v3 =	vadd.f32 v8, v6  }
0x4eb: {  	v46 =	vmul.f32 v10, v10;
	v4 =	vsub.s32 $0x5F3759DF, v4;
	v58 =	vadd.f32 v58, v51;
	v51 =	vld [tilespmem:s25+$0x420]  }
0x4ec: {  	v49 =	vld [tilespmem:s25+$0x430];
	v2 =	vmul.f32 v4, v2;
	v60 =	vmul.f32 v59, v59;
	v0 =	vadd.f32 v3, v0  }
0x4ed: {  	v6 =	vmul.f32 v62, v62;
	v8 =	vadd.f32 v44, v47;
	v44 =	vmul.f32 v11, v11;
	v47 =	vld [tilespmem:s25+$0x460]  }
0x4ee: {  	v2 =	vmul.f32 v4, v2;
	v61 =	vperm.xlane v0, v12;
	v12 =	vld [tilespmem:$0x1F8D0]  }
0x4ef: {  	v60 =	vadd.f32 v60, v46;
	v46 =	vld [tilespmem:s25+$0x450]  }
0x4f0: {  	v3 =	vmul.f32 v48, v48;
	v6 =	vadd.f32 v44, v6;
	v44 =	vld [tilespmem:s25+$0x470];
	v2 =	vsub.f32 $1.500000000e+00, v2  }
0x4f1: {  	v13 =	vmovc v57;
	v8 =	vadd.f32 v8, v58;
	v58 =	vmul.f32 v50, v50;
	v63 =	vmul.f32 v51, v51  }
0x4f2: {  	[tilespmem:$0x1F8D0] =	vst v13;
	v13 =	vmul.f32 v49, v49;
	v6 =	vadd.f32 v6, v60;
	v57 =	vmul.f32 v4, v2  }
0x4f3: {  	v0 =	vadd.f32 v0, v61;
	v61 =	vmul.f32 v45, v45;
	v12 =	vmul.f32 v41, v12  }
0x4f4: {  	v60 =	vadd.f32 v13, v63;
	v13 =	vmul.f32 v47, v47;
	v2 =	vmul.f32 v46, v46  }
0x4f5: {  	[tilespmem:s24+$0xA0] =	vst v12;
	v12 =	vperm.xlane v0, v14;
	v14 =	vmovc v35;
	v35 =	vmov v1;
	v1 =	vmul.f32 v44, v44  }
0x4f6: {  	v3 =	vadd.f32 v58, v3;
	v6 =	vadd.f32 v6, v8  }
0x4f7: {  	v8 =	vmul.f32 v57, v37;
	v2 =	vadd.f32 v2, v61;
	v1 =	vadd.f32 v1, v13;
	v13 =	vld [tilespmem:$0x1F840];
	_ =	sdelay $0x1  }
0x4f8: {  	v58 =	vld [tilespmem:$0x1F880];
	v3 =	vadd.f32 v60, v3;
	[tilespmem:s24+$0x0] =	vst v8;
	v8 =	vmul.f32 v57, v39;
	v1 =	vadd.f32 v1, v2  }
0x4f9: {  	v37 =	vmovc v5;
	v5 =	vmul.f32 v57, v40;
	v40 =	vmov v59;
	v59 =	vld [tilespmem:$0x1F890];
	v0 =	vadd.f32 v0, v12  }
0x4fa: {  	v4 =	vmul.f32 v57, v38;
	v61 =	vmul.f32 v57, v36;
	[tilespmem:s24+$0x20] =	vst v8;
	v8 =	vld [tilespmem:$0x1F850];
	v1 =	vadd.f32 v1, v3  }
0x4fb: {  	s26 =	sadd.s32 $0x2, s26;
	v12 =	vperm.xlane v0, v15;
	v63 =	vmul.f32 v57, v13;
	v13 =	vmovc v54;
	v54 =	vmovc v33;
	v33 =	vmov v53;
	v53 =	vld [tilespmem:$0x1F870]  }
0x4fc: {  	p0 =	slt.u32 s26, $0x7E;
	v36 =	vmovc v7;
	v7 =	vmul.f32 v57, v17;
	v17 =	vmov v62;
	v62 =	vadd.f32 v1, v6;
	v1 =	vld [tilespmem:$0x1F8B0]  }
.Ltmp4:
0x4fd: {  	[tilespmem:s24+$0x40] =	vst v4;
	v2 =	vadd.f32 v0, v12;
	(pc) =	sbr.rel @p0 .LBB2_10-.Ltmp4, $4  }
0x4fe: {  	v38 =	vmov v10;
	[tilespmem:s24+$0x50] =	vst v5;
	v60 =	vmul.f32 v57, v58;
	v58 =	vmul.f32 v57, v59  }
0x4ff: {  	[tilespmem:s24+$0x10] =	vst v61;
	v15 =	vmovc v56;
	v56 =	vmov v34;
	v34 =	vld [tilespmem:$0x1F830];
	v0 =	vmul.f32 v57, v16;
	v3 =	vperm.xlane v2, v27  }
0x500: {  	v39 =	vmovc v9;
	v16 =	vmovc v11;
	v11 =	vmov v52;
	v52 =	vmov v55;
	v55 =	vld [tilespmem:$0x1F8A0];
	[tilespmem:s24+$0x30] =	vst v63;
	v63 =	vmul.f32 v57, v8  }
0x501: {  	s28 =	sadd.s32 $0x100, s28;
	s29 =	sadd.s32 $0x200, s29;
	[tilespmem:s24+$0x60] =	vst v7;
	v27 =	vld [tilespmem:$0x1F860];
	v61 =	vmul.f32 v57, v53;
	v53 =	vadd.f32 v2, v3;
	v59 =	vmul.f32 v57, v1  }
0x502: {  	v7 =	vld [tilespmem:$0x1FFC0];
	_ =	sdelay $0x2  }
0x503: {  	[tilespmem:s24+$0x70] =	vst v0  }
0x504: {  	v8 =	vld [tilespmem:$0x1FFD0]  }
0x505: {  	v1 =	vperm.xlane v62, v7  }
0x506: {  	v2 =	vmax.f32 v53, $1.000000020e-24  }
0x507: {  	v3 =	vshra.s32 v2, $0x1;
	v2 =	vmul.f32 $5.000000000e-01, v2;
	v1 =	vadd.f32 v62, v1  }
0x508: {  	[tilespmem:s24+$0x400] =	vst v63;
	v3 =	vsub.s32 $0x5F3759DF, v3  }
0x509: {  	[tilespmem:s24+$0x410] =	vst v61;
	v2 =	vmul.f32 v3, v2;
	v0 =	vperm.xlane v1, v8  }
0x50a: {  	[tilespmem:s24+$0x420] =	vst v60  }
0x50b: {  	[tilespmem:s24+$0x430] =	vst v58;
	v2 =	vmul.f32 v3, v2;
	v0 =	vadd.f32 v1, v0;
	v1 =	vmul.f32 v57, v27  }
0x50c: {  	v5 =	vmul.f32 v57, v33;
	v9 =	vld [tilespmem:$0x1FFE0];
	[tilespmem:s24+$0x440] =	vst v59  }
0x50d: {  	v6 =	vmul.f32 v57, v42;
	v2 =	vsub.f32 $1.500000000e+00, v2;
	[tilespmem:s24+$0x450] =	vst v1  }
0x50e: {  	v57 =	vmul.f32 v41, v34;
	v1 =	vld [tilespmem:$0x1F8C0];
	[tilespmem:s24+$0x460] =	vst v5  }
0x50f: {  	v59 =	vmul.f32 v41, v14;
	v2 =	vmul.f32 v3, v2;
	[tilespmem:s24+$0x470] =	vst v6  }
0x510: {  	v3 =	vmul.f32 v41, v55;
	v10 =	vld [tilespmem:$0x1FFF0];
	[tilespmem:s24+$0xC0] =	vst v57  }
0x511: {  	v60 =	vmul.f32 v2, v43;
	v4 =	vperm.xlane v0, v9;
	[tilespmem:s24+$0xD0] =	vst v59  }
0x512: {  	v61 =	vmul.f32 v2, v29;
	[tilespmem:s24+$0xF0] =	vst v3  }
0x513: {  	v0 =	vadd.f32 v0, v4;
	[tilespmem:s25+$0x4F0] =	vst v60;
	v1 =	vmul.f32 v41, v1  }
0x514: {  	v62 =	vmul.f32 v41, v54;
	[tilespmem:s25+$0x90] =	vst v61  }
0x515: {  	v58 =	vperm.xlane v0, v10;
	[tilespmem:s24+$0xB0] =	vst v1;
	v1 =	vmul.f32 v41, v56  }
0x516: {  	v63 =	vmul.f32 v41, v15;
	[tilespmem:s24+$0x480] =	vst v62  }
0x517: {  	v0 =	vadd.f32 v0, v58;
	[tilespmem:s24+$0xE0] =	vst v1;
	v1 =	vmul.f32 v2, v30  }
0x518: {  	v33 =	vmul.f32 v41, v13;
	[tilespmem:s24+$0x4A0] =	vst v63  }
0x519: {  	v0 =	vmax.f32 v0, $1.000000020e-24;
	[tilespmem:s25+$0x80] =	vst v1;
	v1 =	vmul.f32 v41, v32  }
0x51a: {  	[tilespmem:s24+$0x4D0] =	vst v33;
	v3 =	vshra.s32 v0, $0x1;
	v0 =	vmul.f32 $5.000000000e-01, v0;
	v32 =	vmul.f32 v41, v31  }
0x51b: {  	v3 =	vsub.s32 $0x5F3759DF, v3;
	[tilespmem:s24+$0x490] =	vst v1;
	v1 =	vmul.f32 v41, v52  }
0x51c: {  	v0 =	vmul.f32 v3, v0;
	[tilespmem:s24+$0x4B0] =	vst v32  }
0x51d: {  	[tilespmem:s24+$0x4C0] =	vst v1  }
0x51e: {  	v0 =	vmul.f32 v3, v0;
	v1 =	vld [tilespmem:$0x1F8D0];
	_ =	sdelay $0x1  }
0x51f: {  	v0 =	vsub.f32 $1.500000000e+00, v0;
	_ =	sdelay $0x1  }
0x520: {  	v34 =	vmul.f32 v41, v11;
	v0 =	vmul.f32 v3, v0  }
0x521: {  	v1 =	vmul.f32 v2, v1  }
0x522: {  	[tilespmem:s24+$0x4E0] =	vst v34;
	v3 =	vmul.f32 v0, v35  }
0x523: {  	v41 =	vmul.f32 v0, v39;
	[tilespmem:s25+$0xA0] =	vst v1  }
0x524: {  	v42 =	vmul.f32 v0, v17;
	[tilespmem:s25+$0x0] =	vst v3  }
0x525: {  	v43 =	vmul.f32 v0, v50;
	[tilespmem:s25+$0x30] =	vst v41  }
0x526: {  	v1 =	vmul.f32 v0, v37;
	[tilespmem:s25+$0x60] =	vst v42  }
0x527: {  	v3 =	vmul.f32 v0, v36;
	[tilespmem:s25+$0x410] =	vst v43  }
0x528: {  	[tilespmem:s25+$0x10] =	vst v1;
	v1 =	vmul.f32 v0, v38  }
0x529: {  	[tilespmem:s25+$0x20] =	vst v3;
	v3 =	vmul.f32 v0, v40  }
0x52a: {  	[tilespmem:s25+$0x40] =	vst v1;
	v1 =	vmul.f32 v0, v16  }
0x52b: {  	[tilespmem:s25+$0x50] =	vst v3;
	v3 =	vmul.f32 v0, v48  }
0x52c: {  	v48 =	vmul.f32 v0, v45;
	[tilespmem:s25+$0x70] =	vst v1  }
0x52d: {  	v1 =	vmul.f32 v0, v51;
	[tilespmem:s25+$0x400] =	vst v3  }
0x52e: {  	v3 =	vmul.f32 v0, v49;
	[tilespmem:s25+$0x440] =	vst v48  }
0x52f: {  	[tilespmem:s25+$0x420] =	vst v1;
	v1 =	vmul.f32 v0, v46  }
0x530: {  	[tilespmem:s25+$0x430] =	vst v3;
	v3 =	vmul.f32 v0, v47  }
0x531: {  	v0 =	vmul.f32 v0, v44;
	[tilespmem:s25+$0x450] =	vst v1  }
0x532: {  	v1 =	vmul.f32 v2, v19;
	[tilespmem:s25+$0x460] =	vst v3  }
0x533: {  	v3 =	vmul.f32 v2, v18;
	[tilespmem:s25+$0x470] =	vst v0  }
0x534: {  	v0 =	vmul.f32 v2, v20;
	[tilespmem:s25+$0xB0] =	vst v1  }
0x535: {  	v1 =	vmul.f32 v2, v21;
	[tilespmem:s25+$0xC0] =	vst v3  }
0x536: {  	[tilespmem:s25+$0xD0] =	vst v0  }
0x537: {  	v3 =	vmul.f32 v2, v22;
	v0 =	vld [tilespmem:$0x1F8E0];
	[tilespmem:s25+$0xE0] =	vst v1  }
0x538: {  	v1 =	vld [tilespmem:$0x1F8F0]  }
0x539: {  	[tilespmem:s25+$0xF0] =	vst v3;
	v3 =	vmul.f32 v2, v23;
	_ =	sdelay $0x1  }
0x53a: {  	[tilespmem:s25+$0x4A0] =	vst v3;
	v3 =	vmul.f32 v2, v26  }
0x53b: {  	v0 =	vmul.f32 v2, v0  }
0x53c: {  	[tilespmem:s25+$0x4D0] =	vst v3;
	v1 =	vmul.f32 v2, v1  }
0x53d: {  	[tilespmem:s25+$0x480] =	vst v0;
	v0 =	vmul.f32 v2, v24  }
0x53e: {  	[tilespmem:s25+$0x490] =	vst v1;
	v1 =	vmul.f32 v2, v25  }
0x53f: {  	[tilespmem:s25+$0x4B0] =	vst v0;
	v0 =	vmul.f32 v2, v28  }
0x540: {  	[tilespmem:s25+$0x4C0] =	vst v1  }
0x541: {  	s26 =	simm.s32 $0x0;
	[tilespmem:s25+$0x4E0] =	vst v0  }
0x542: {  	[hbm4b:s13+s26] =	stream.linear.scatter [tilespmem:s26], [sflag:$0x3], $0x8000, $0x38;
	[tilespmem:$0x10000] =	vst v63  }
0x543: {  	_ =	swait.ge [sflag:s20], $0x8000  }
0x544: {  	[sflag:s20] =	ssyncset.done $0x0  }
0x545: {  	[sflag:s20] =	ssyncadd.s32 $0xFFFF8000  }
0x546: {  	_ =	swait.ge [sflag:s21], $0x8000  }
0x547: {  	s30 =	sand.u32 $0x7800, s26;
	s24 =	sand.u32 $0x300, s26;
	[sflag:s21] =	ssyncset.done $0x0  }
0x548: {  	s24 =	sor.u32 s24, s30;
	[sflag:s21] =	ssyncadd.s32 $0xFFFF8000  }
0x549: {  	[tilespmem:s26], [sflag:$0x1] =	stream.linear.gather [hbm4b:s14+s26], $0x8000, $0x38;
	[tilespmem:$0x10000] =	vst v63  }
0x54a: {  	v47 =	vld [tilespmem:s24+$0x8080]  }
0x54b: {  	v12 =	vld [tilespmem:s24+$0x8090]  }
0x54c: {  	v53 =	vld [tilespmem:s24+$0x80A0]  }
0x54d: {  	v0 =	vld [tilespmem:s24+$0x80B0]  }
0x54e: {  	v34 =	vld [tilespmem:s24+$0x80C0]  }
0x54f: {  	v14 =	vld [tilespmem:s24+$0x80D0]  }
0x550: {  	v56 =	vld [tilespmem:s24+$0x80E0]  }
0x551: {  	v55 =	vld [tilespmem:s24+$0x80F0]  }
0x552: {  	v54 =	vld [tilespmem:s24+$0x8480]  }
0x553: {  	v32 =	vld [tilespmem:s24+$0x8490]  }
0x554: {  	v15 =	vld [tilespmem:s24+$0x84A0]  }
0x555: {  	v31 =	vld [tilespmem:s24+$0x84B0]  }
0x556: {  	v52 =	vld [tilespmem:s24+$0x84C0]  }
0x557: {  	v13 =	vld [tilespmem:s24+$0x84D0]  }
0x558: {  	v11 =	vld [tilespmem:s24+$0x84E0]  }
0x559: {  	v46 =	vld [tilespmem:s24+$0x84F0];
	[tilespmem:$0x1F740] =	vst v0  }
0x55a: {  	v29 =	vld [tilespmem:s24+$0x8000];
	_ =	sdelay $0x4  }
0x55b: {  	[tilespmem:$0x1F780] =	vst v29  }
0x55c: {  	v49 =	vld [tilespmem:s24+$0x8010];
	_ =	sdelay $0x4  }
0x55d: {  	[tilespmem:$0x1F790] =	vst v49  }
0x55e: {  	v50 =	vld [tilespmem:s24+$0x8020];
	_ =	sdelay $0x4  }
0x55f: {  	[tilespmem:$0x1F7A0] =	vst v50  }
0x560: {  	v16 =	vmul.f32 v0, v0;
	v0 =	vld [tilespmem:s24+$0x8030];
	_ =	sdelay $0x4  }
0x561: {  	[tilespmem:$0x1F7B0] =	vst v0  }
0x562: {  	v51 =	vld [tilespmem:s24+$0x8040];
	_ =	sdelay $0x4  }
0x563: {  	[tilespmem:$0x1F7C0] =	vst v51  }
0x564: {  	v28 =	vld [tilespmem:s24+$0x8050];
	_ =	sdelay $0x4  }
0x565: {  	[tilespmem:$0x1F7D0] =	vst v28  }
0x566: {  	v30 =	vld [tilespmem:s24+$0x8060]  }
0x567: {  	v1 =	vmul.f32 v47, v47  }
0x568: {  	v2 =	vmul.f32 v12, v12;
	v3 =	vmul.f32 v53, v53  }
0x569: {  	v17 =	vmul.f32 v34, v34;
	v18 =	vmul.f32 v14, v14  }
0x56a: {  	v21 =	vmul.f32 v54, v54;
	v22 =	vmul.f32 v32, v32  }
0x56b: {  	v1 =	vadd.f32 v2, v1;
	v2 =	vadd.f32 v16, v3;
	[tilespmem:$0x1F7E0] =	vst v30  }
0x56c: {  	v16 =	vadd.f32 v18, v17;
	v18 =	vadd.f32 v22, v21;
	v22 =	vld [tilespmem:s24+$0x8410];
	_ =	sdelay $0x2  }
0x56d: {  	v19 =	vmul.f32 v56, v56;
	v20 =	vmul.f32 v55, v55  }
0x56e: {  	v23 =	vmul.f32 v15, v15;
	v24 =	vmul.f32 v31, v31;
	v61 =	vld [tilespmem:s24+$0x8070]  }
0x56f: {  	v63 =	vld [tilespmem:s24+$0x8400];
	[tilespmem:$0x1F7F0] =	vst v22  }
0x570: {  	v17 =	vadd.f32 v20, v19;
	v19 =	vadd.f32 v24, v23;
	v23 =	vld [tilespmem:s24+$0x8420];
	_ =	sdelay $0x4  }
0x571: {  	[tilespmem:$0x1F800] =	vst v23  }
0x572: {  	v24 =	vld [tilespmem:s24+$0x8430];
	_ =	sdelay $0x4  }
0x573: {  	v25 =	vmul.f32 v52, v52;
	v26 =	vmul.f32 v13, v13;
	[tilespmem:$0x1F810] =	vst v24  }
0x574: {  	v27 =	vmul.f32 v11, v11;
	v3 =	vmul.f32 v46, v46;
	v57 =	vld [tilespmem:s24+$0x8440];
	_ =	sdelay $0x1  }
0x575: {  	v20 =	vadd.f32 v26, v25;
	v3 =	vadd.f32 v3, v27  }
0x576: {  	v1 =	vadd.f32 v2, v1;
	v2 =	vadd.f32 v17, v16  }
0x577: {  	v16 =	vadd.f32 v19, v18;
	v3 =	vadd.f32 v3, v20  }
0x578: {  	v17 =	vmul.f32 v29, v29;
	[tilespmem:$0x1F820] =	vst v57  }
0x579: {  	v1 =	vadd.f32 v2, v1;
	v2 =	vadd.f32 v3, v16;
	v18 =	vmul.f32 v49, v49;
	v27 =	vld [tilespmem:s24+$0x8450]  }
0x57a: {  	v19 =	vmul.f32 v50, v50;
	v3 =	vmul.f32 v0, v0;
	v33 =	vld [tilespmem:s24+$0x8460]  }
0x57b: {  	v1 =	vadd.f32 v2, v1;
	v16 =	vmul.f32 v51, v51;
	v20 =	vmul.f32 v28, v28;
	v42 =	vld [tilespmem:s24+$0x8470]  }
0x57c: {  	v2 =	vadd.f32 v18, v17;
	v21 =	vmul.f32 v30, v30;
	v17 =	vmul.f32 v61, v61  }
0x57d: {  	v3 =	vadd.f32 v3, v19;
	v18 =	vmul.f32 v63, v63;
	v19 =	vmul.f32 v22, v22  }
0x57e: {  	v16 =	vadd.f32 v20, v16;
	v20 =	vmul.f32 v23, v23;
	v23 =	vmul.f32 v24, v24  }
0x57f: {  	v17 =	vadd.f32 v17, v21;
	v21 =	vmul.f32 v57, v57;
	v24 =	vmul.f32 v27, v27  }
0x580: {  	v18 =	vadd.f32 v19, v18;
	v19 =	vmul.f32 v33, v33;
	v25 =	vmul.f32 v42, v42  }
0x581: {  	v20 =	vadd.f32 v23, v20  }
0x582: {  	v21 =	vadd.f32 v24, v21;
	v19 =	vadd.f32 v25, v19  }
0x583: {  	v2 =	vadd.f32 v3, v2;
	v3 =	vadd.f32 v17, v16  }
0x584: {  	v17 =	vadd.f32 v20, v18;
	v18 =	vadd.f32 v19, v21;
	_ =	sdelay $0x1  }
0x585: {  	s31 =	simm.s32 $0x100;
	s26 =	simm.s32 $0x200;
	v22 =	vperm.xlane v1, v7;
	v2 =	vadd.f32 v3, v2;
	v3 =	vadd.f32 v18, v17  }
0x586: {  	s25 =	sand.u32 $0x300, s31;
	s26 =	sand.u32 $0x7800, s26  }
0x587: {  	s25 =	sor.u32 s25, s26;
	v1 =	vadd.f32 v1, v22;
	v2 =	vadd.f32 v3, v2  }
0x588: {  	v30 =	vld [tilespmem:s25+$0x8080]  }
0x589: {  	v16 =	vperm.xlane v1, v8;
	v29 =	vld [tilespmem:s25+$0x8090];
	v3 =	vperm.xlane v2, v7  }
0x58a: {  	v0 =	vld [tilespmem:s25+$0x80A0]  }
0x58b: {  	v1 =	vadd.f32 v1, v16;
	v20 =	vld [tilespmem:s25+$0x80D0];
	v2 =	vadd.f32 v2, v3  }
0x58c: {  	v22 =	vld [tilespmem:s25+$0x80F0]  }
0x58d: {  	v16 =	vperm.xlane v1, v9;
	v58 =	vld [tilespmem:s25+$0x8480];
	v3 =	vperm.xlane v2, v8  }
0x58e: {  	v59 =	vld [tilespmem:s25+$0x8490]  }
0x58f: {  	v1 =	vadd.f32 v1, v16;
	v24 =	vld [tilespmem:s25+$0x84B0];
	v2 =	vadd.f32 v2, v3  }
0x590: {  	v25 =	vld [tilespmem:s25+$0x84C0]  }
0x591: {  	v16 =	vperm.xlane v1, v10;
	v19 =	vld [tilespmem:s25+$0x80B0];
	v23 =	vperm.xlane v2, v9  }
0x592: {  	v21 =	vld [tilespmem:s25+$0x80E0]  }
0x593: {  	v1 =	vadd.f32 v1, v16;
	v60 =	vmul.f32 v30, v30;
	v18 =	vld [tilespmem:s25+$0x80C0];
	v2 =	vadd.f32 v2, v23  }
0x594: {  	v62 =	vmul.f32 v29, v29;
	v37 =	vmul.f32 v0, v0;
	v23 =	vld [tilespmem:s25+$0x84A0];
	[tilespmem:$0x1F750] =	vst v0  }
0x595: {  	v1 =	vmax.f32 v1, $1.000000020e-24;
	v40 =	vmul.f32 v20, v20;
	v26 =	vld [tilespmem:s25+$0x84D0];
	v28 =	vperm.xlane v2, v10  }
0x596: {  	v6 =	vmul.f32 v22, v22;
	v3 =	vshra.s32 v1, $0x1;
	v1 =	vmul.f32 $5.000000000e-01, v1;
	v43 =	vld [tilespmem:s25+$0x84F0]  }
0x597: {  	v49 =	vmul.f32 v58, v58;
	v3 =	vsub.s32 $0x5F3759DF, v3;
	v2 =	vadd.f32 v2, v28;
	v28 =	vld [tilespmem:s25+$0x84E0];
	[tilespmem:$0x1F760] =	vst v58  }
0x598: {  	v50 =	vmul.f32 v59, v59;
	v1 =	vmul.f32 v3, v1;
	v0 =	vld [tilespmem:s25+$0x8000]  }
0x599: {  	v57 =	vadd.f32 v62, v60;
	v60 =	vmul.f32 v24, v24;
	[tilespmem:$0x1F770] =	vst v59;
	v2 =	vmax.f32 v2, $1.000000020e-24  }
0x59a: {  	v45 =	vmul.f32 v3, v1;
	v1 =	vld [tilespmem:s25+$0x8010];
	v44 =	vshra.s32 v2, $0x1;
	v2 =	vmul.f32 $5.000000000e-01, v2  }
0x59b: {  	v38 =	vmul.f32 v19, v19;
	v41 =	vmul.f32 v21, v21;
	v51 =	vsub.s32 $0x5F3759DF, v44  }
0x59c: {  	v49 =	vadd.f32 v50, v49;
	v59 =	vmul.f32 v23, v23;
	v2 =	vmul.f32 v51, v2  }
0x59d: {  	v39 =	vmul.f32 v18, v18;
	v48 =	vadd.f32 v6, v41;
	v45 =	vsub.f32 $1.500000000e+00, v45;
	v35 =	vmovc v0;
	v0 =	vld [tilespmem:s25+$0x8040]  }
0x59e: {  	v50 =	vadd.f32 v60, v59;
	v59 =	vmul.f32 v43, v43;
	v2 =	vmul.f32 v51, v2  }
0x59f: {  	v44 =	vadd.f32 v38, v37;
	v58 =	vmul.f32 v28, v28;
	v37 =	vmovc v1;
	v1 =	vadd.f32 v40, v39  }
0x5a0: {  	v4 =	vld [tilespmem:s25+$0x8030];
	v39 =	vmul.f32 v25, v25;
	v40 =	vmul.f32 v26, v26;
	v2 =	vsub.f32 $1.500000000e+00, v2  }
0x5a1: {  	v41 =	vmul.f32 v3, v45;
	v36 =	vld [tilespmem:s25+$0x8020];
	v3 =	vadd.f32 v44, v57;
	v1 =	vadd.f32 v48, v1  }
0x5a2: {  	v5 =	vld [tilespmem:s25+$0x8070];
	v62 =	vadd.f32 v59, v58;
	v38 =	vmovc v0;
	v0 =	vadd.f32 v40, v39;
	v57 =	vmul.f32 v51, v2  }
0x5a3: {  	v6 =	vld [tilespmem:s25+$0x8050];
	v1 =	vadd.f32 v1, v3;
	v2 =	vmul.f32 v35, v35;
	v3 =	vmul.f32 v37, v37  }
0x5a4: {  	v16 =	vld [tilespmem:s25+$0x8060];
	v60 =	vadd.f32 v50, v49;
	v0 =	vadd.f32 v62, v0  }
0x5a5: {  	v12 =	vmul.f32 v41, v12;
	v49 =	vld [tilespmem:s25+$0x8430];
	v39 =	vmov v4;
	v58 =	vadd.f32 v3, v2  }
0x5a6: {  	v51 =	vld [tilespmem:s25+$0x8420];
	v3 =	vmul.f32 v36, v36;
	v0 =	vadd.f32 v0, v60;
	v60 =	vmul.f32 v39, v39  }
0x5a7: {  	v45 =	vld [tilespmem:s25+$0x8440];
	v59 =	vmul.f32 v41, v46;
	v4 =	vmul.f32 v5, v5  }
0x5a8: {  	v50 =	vld [tilespmem:s25+$0x8410];
	v62 =	vmul.f32 v41, v47;
	v2 =	vmul.f32 v38, v38;
	v3 =	vadd.f32 v60, v3  }
0x5a9: {  	v44 =	vld [tilespmem:s25+$0x8470];
	v60 =	vmul.f32 v41, v53;
	v53 =	vmul.f32 v16, v16  }
0x5aa: {  	[tilespmem:s24+$0x8090] =	vst v12;
	v48 =	vld [tilespmem:s25+$0x8400];
	v0 =	vadd.f32 v0, v1;
	v1 =	vmul.f32 v6, v6;
	v58 =	vadd.f32 v3, v58  }
0x5ab: {  	v46 =	vld [tilespmem:s25+$0x8450];
	[tilespmem:s24+$0x84F0] =	vst v59;
	v3 =	vmul.f32 v51, v51;
	v4 =	vadd.f32 v4, v53;
	v53 =	vmul.f32 v49, v49  }
0x5ac: {  	v40 =	vmov v6;
	v47 =	vld [tilespmem:s25+$0x8460];
	[tilespmem:s24+$0x8080] =	vst v62;
	v6 =	vadd.f32 v1, v2;
	v1 =	vperm.xlane v0, v7  }
0x5ad: {  	v3 =	vadd.f32 v53, v3;
	v53 =	vld [tilespmem:$0x1F780]  }
0x5ae: {  	v62 =	vmul.f32 v44, v44;
	v0 =	vadd.f32 v0, v1  }
0x5af: {  	v2 =	vmul.f32 v48, v48;
	v1 =	vmul.f32 v50, v50  }
0x5b0: {  	v17 =	vmovc v16;
	v16 =	vmov v5;
	v5 =	vmul.f32 v45, v45;
	v59 =	vperm.xlane v0, v8  }
0x5b1: {  	v4 =	vadd.f32 v4, v6;
	v6 =	vmul.f32 v47, v47;
	v1 =	vadd.f32 v1, v2  }
0x5b2: {  	v2 =	vmul.f32 v46, v46;
	v0 =	vadd.f32 v0, v59;
	v59 =	vmul.f32 v57, v53  }
0x5b3: {  	[tilespmem:s24+$0x80A0] =	vst v60  }
0x5b4: {  	v2 =	vadd.f32 v2, v5;
	v5 =	vadd.f32 v62, v6;
	v62 =	vld [tilespmem:$0x1F790];
	[tilespmem:s24+$0x8000] =	vst v59  }
0x5b5: {  	v59 =	vld [tilespmem:$0x1F7A0];
	_ =	sdelay $0x3  }
0x5b6: {  	v6 =	vmul.f32 v57, v62  }
0x5b7: {  	v60 =	vmul.f32 v57, v59  }
0x5b8: {  	v62 =	vperm.xlane v0, v9;
	[tilespmem:s24+$0x8010] =	vst v6  }
0x5b9: {  	v1 =	vadd.f32 v3, v1;
	v3 =	vld [tilespmem:$0x1F7B0];
	[tilespmem:s24+$0x8020] =	vst v60  }
0x5ba: {  	v2 =	vadd.f32 v5, v2;
	v5 =	vadd.f32 v0, v62;
	v0 =	vld [tilespmem:$0x1F7C0];
	_ =	sdelay $0x4  }
0x5bb: {  	v4 =	vadd.f32 v4, v58;
	v58 =	vmul.f32 v57, v0;
	v0 =	vld [tilespmem:$0x1F7D0];
	_ =	sdelay $0x2  }
0x5bc: {  	v3 =	vmul.f32 v57, v3;
	_ =	sdelay $0x1  }
0x5bd: {  	[tilespmem:s24+$0x8030] =	vst v3;
	v59 =	vmul.f32 v57, v0  }
0x5be: {  	v1 =	vadd.f32 v2, v1;
	v0 =	vld [tilespmem:$0x1F7E0];
	[tilespmem:s24+$0x8040] =	vst v58  }
0x5bf: {  	[tilespmem:s24+$0x8050] =	vst v59  }
0x5c0: {  	v62 =	vadd.f32 v1, v4;
	v1 =	vld [tilespmem:$0x1F7F0];
	_ =	sdelay $0x3  }
0x5c1: {  	v2 =	vmul.f32 v57, v0  }
0x5c2: {  	v0 =	vmul.f32 v57, v61;
	v61 =	vmul.f32 v57, v1;
	v1 =	vld [tilespmem:$0x1F800];
	_ =	sdelay $0x3  }
0x5c3: {  	[tilespmem:s24+$0x8060] =	vst v2  }
0x5c4: {  	v60 =	vmul.f32 v57, v1;
	v1 =	vld [tilespmem:$0x1F810];
	_ =	sdelay $0x4  }
0x5c5: {  	v58 =	vmul.f32 v57, v1;
	v1 =	vld [tilespmem:$0x1F820];
	_ =	sdelay $0x2  }
0x5c6: {  	v3 =	vperm.xlane v5, v10;
	_ =	sdelay $0x1  }
0x5c7: {  	s28 =	simm.s32 $0x200;
	s29 =	simm.s32 $0x400;
	s26 =	simm.s32 $0x2;
	v63 =	vmul.f32 v57, v63;
	v53 =	vadd.f32 v5, v3;
	v59 =	vmul.f32 v57, v1  }
.LBB2_12:
0x5c8: {  	[tilespmem:$0x1F6C0] =	vst v39  }
0x5c9: {  	v3 =	vmov v48;
	[tilespmem:s24+$0x8070] =	vst v0  }
0x5ca: {  	v2 =	vmov v50;
	[tilespmem:$0x1F6D0] =	vst v3  }
0x5cb: {  	[tilespmem:$0x1F6F0] =	vst v2  }
0x5cc: {  	v4 =	vmov v51;
	[tilespmem:s24+$0x8400] =	vst v63  }
0x5cd: {  	v12 =	vld [tilespmem:$0x1FFC0];
	[tilespmem:$0x1F700] =	vst v4  }
0x5ce: {  	s30 =	sand.u32 $0x7800, s29;
	s31 =	sand.u32 $0x300, s28;
	v3 =	vmax.f32 v53, $1.000000020e-24;
	[tilespmem:s24+$0x8410] =	vst v61;
	v53 =	vld [tilespmem:$0x1F740]  }
0x5cf: {  	s30 =	sor.u32 s31, s30;
	[tilespmem:s24+$0x8430] =	vst v58;
	v58 =	vmul.f32 v41, v14;
	v14 =	vld [tilespmem:$0x1FFD0]  }
0x5d0: {  	v61 =	vmov v49;
	[tilespmem:s24+$0x8420] =	vst v60;
	v49 =	vld [tilespmem:s30+$0x8090]  }
0x5d1: {  	[tilespmem:$0x1F710] =	vst v61;
	v61 =	vld [tilespmem:$0x1F760]  }
0x5d2: {  	v6 =	vmov v45;
	[tilespmem:s24+$0x8440] =	vst v59;
	v59 =	vmul.f32 v41, v56;
	v56 =	vmov v22;
	v22 =	vld [tilespmem:s30+$0x80F0]  }
0x5d3: {  	v5 =	vmov v46;
	[tilespmem:$0x1F730] =	vst v6;
	v4 =	vld [tilespmem:s30+$0x8480]  }
0x5d4: {  	v1 =	vmul.f32 v57, v33;
	[tilespmem:$0x1F6E0] =	vst v5;
	v5 =	vld [tilespmem:s30+$0x8490]  }
0x5d5: {  	v42 =	vmul.f32 v57, v42;
	[tilespmem:$0x1F720] =	vst v56;
	v0 =	vmul.f32 v57, v27;
	v57 =	vmov v19;
	v19 =	vld [tilespmem:s30+$0x80B0]  }
0x5d6: {  	v39 =	vshra.s32 v3, $0x1;
	v3 =	vmul.f32 $5.000000000e-01, v3;
	[tilespmem:s24+$0x8460] =	vst v1;
	v60 =	vmul.f32 v41, v34;
	v34 =	vmovc v21;
	v21 =	vld [tilespmem:s30+$0x80E0]  }
0x5d7: {  	v45 =	vmul.f32 v41, v32;
	[tilespmem:s24+$0x8470] =	vst v42;
	v51 =	vsub.s32 $0x5F3759DF, v39;
	v56 =	vmov v23;
	v23 =	vld [tilespmem:s30+$0x84A0]  }
0x5d8: {  	v1 =	vmul.f32 v41, v54;
	v3 =	vmul.f32 v51, v3;
	[tilespmem:$0x1F740] =	vst v57;
	v57 =	vld [tilespmem:s30+$0x80A0]  }
0x5d9: {  	v2 =	vperm.xlane v62, v12;
	v39 =	vmovc v36;
	v36 =	vmovc v37;
	v37 =	vmov v35;
	v35 =	vmov v20;
	v20 =	vld [tilespmem:s30+$0x80D0];
	[tilespmem:s24+$0x8450] =	vst v0  }
0x5da: {  	v50 =	vmul.f32 v41, v53;
	v53 =	vmovc v47;
	v47 =	vmul.f32 v41, v31;
	v31 =	vmov v24;
	v24 =	vld [tilespmem:s30+$0x84B0];
	[tilespmem:s24+$0x8480] =	vst v1  }
0x5db: {  	v3 =	vmul.f32 v51, v3;
	v0 =	vmul.f32 v41, v55;
	v55 =	vmov v25;
	v25 =	vld [tilespmem:s30+$0x84C0];
	[tilespmem:s24+$0x8490] =	vst v45  }
0x5dc: {  	v2 =	vadd.f32 v62, v2;
	v62 =	vmov v18;
	v18 =	vld [tilespmem:s30+$0x80C0];
	[tilespmem:s24+$0x80C0] =	vst v60  }
0x5dd: {  	v46 =	vmul.f32 v41, v15;
	[tilespmem:s24+$0x80D0] =	vst v58;
	v3 =	vsub.f32 $1.500000000e+00, v3  }
0x5de: {  	v15 =	vld [tilespmem:$0x1FFE0];
	v33 =	vmov v61;
	v58 =	vmul.f32 v41, v11;
	[tilespmem:s24+$0x80E0] =	vst v59;
	v61 =	vmul.f32 v22, v22  }
0x5df: {  	v48 =	vld [tilespmem:s30+$0x8080];
	[tilespmem:s24+$0x80B0] =	vst v50;
	v50 =	vmul.f32 v41, v52;
	v3 =	vmul.f32 v51, v3  }
0x5e0: {  	[tilespmem:$0x1F6B0] =	vst v62;
	v63 =	vperm.xlane v2, v14;
	v60 =	vmul.f32 v21, v21  }
0x5e1: {  	v54 =	vmov v26;
	[tilespmem:s24+$0x80F0] =	vst v0;
	v51 =	vmul.f32 v41, v13;
	v26 =	vmul.f32 v3, v43  }
0x5e2: {  	v52 =	vmovc v28;
	v2 =	vadd.f32 v2, v63;
	v63 =	vld [tilespmem:$0x1F770];
	[tilespmem:$0x1F770] =	vst v5;
	v28 =	vmul.f32 v3, v30;
	v41 =	vmov v3  }
0x5e3: {  	v27 =	vld [tilespmem:$0x1FFF0];
	v45 =	vmul.f32 v23, v23;
	v7 =	vmul.f32 v41, v29;
	[tilespmem:s25+$0x84F0] =	vst v26  }
0x5e4: {  	v59 =	vmul.f32 v20, v20;
	v30 =	vmov v48;
	v62 =	vperm.xlane v2, v15;
	[tilespmem:s25+$0x8080] =	vst v28;
	v26 =	vld [tilespmem:s30+$0x84D0]  }
0x5e5: {  	v42 =	vmovc v44;
	v6 =	vmul.f32 v24, v24;
	v29 =	vmov v49;
	v0 =	vmul.f32 v48, v30;
	v28 =	vld [tilespmem:s30+$0x84E0];
	[tilespmem:s25+$0x8090] =	vst v7  }
0x5e6: {  	v48 =	vmul.f32 v57, v57;
	v44 =	vmul.f32 v49, v29;
	v2 =	vadd.f32 v2, v62;
	v43 =	vld [tilespmem:s30+$0x84F0];
	[tilespmem:s24+$0x84A0] =	vst v46  }
0x5e7: {  	v9 =	vld [tilespmem:s30+$0x8030];
	v49 =	vmul.f32 v19, v19;
	v62 =	vmul.f32 v4, v4;
	[tilespmem:s24+$0x84B0] =	vst v47  }
0x5e8: {  	v1 =	vld [tilespmem:s30+$0x8000];
	v6 =	vadd.f32 v6, v45;
	v46 =	vmul.f32 v25, v25;
	[tilespmem:s24+$0x84C0] =	vst v50;
	v3 =	vperm.xlane v2, v27  }
0x5e9: {  	v10 =	vld [tilespmem:s30+$0x8040];
	v32 =	vmovc v63;
	v63 =	vmul.f32 v5, v5;
	v0 =	vadd.f32 v44, v0;
	v44 =	vadd.f32 v49, v48  }
0x5ea: {  	v7 =	vld [tilespmem:s30+$0x8020];
	[tilespmem:s24+$0x84D0] =	vst v51;
	v2 =	vadd.f32 v2, v3;
	v3 =	vmul.f32 v18, v18;
	v8 =	vmul.f32 v26, v26  }
0x5eb: {  	[tilespmem:s24+$0x84E0] =	vst v58;
	s24 =	smov.u32 s25;
	s25 =	smov.u32 s30;
	v5 =	vld [tilespmem:s30+$0x8010];
	v49 =	vadd.f32 v61, v60;
	v47 =	vmul.f32 v28, v28;
	v48 =	vmul.f32 v43, v43  }
0x5ec: {  	v11 =	vld [tilespmem:s25+$0x8070];
	v50 =	vadd.f32 v63, v62;
	v3 =	vadd.f32 v59, v3  }
0x5ed: {  	v51 =	vmul.f32 v1, v1;
	v45 =	vld [tilespmem:s25+$0x8440];
	v8 =	vadd.f32 v8, v46;
	v60 =	vadd.f32 v48, v47  }
0x5ee: {  	v0 =	vadd.f32 v44, v0;
	v44 =	vmul.f32 v9, v9;
	v6 =	vadd.f32 v6, v50;
	v59 =	vld [tilespmem:s30+$0x8050]  }
0x5ef: {  	v62 =	vld [tilespmem:s25+$0x8060];
	v2 =	vmax.f32 v2, $1.000000020e-24;
	v3 =	vadd.f32 v49, v3;
	v8 =	vadd.f32 v60, v8  }
0x5f0: {  	[tilespmem:$0x1F760] =	vst v4;
	v50 =	vld [tilespmem:s25+$0x8410];
	v58 =	vmul.f32 v5, v5;
	v4 =	vshra.s32 v2, $0x1;
	v47 =	vmul.f32 v7, v7  }
0x5f1: {  	v48 =	vld [tilespmem:s25+$0x8400];
	v2 =	vmul.f32 $5.000000000e-01, v2;
	v0 =	vadd.f32 v3, v0;
	v3 =	vadd.f32 v8, v6  }
0x5f2: {  	v46 =	vmul.f32 v10, v10;
	v4 =	vsub.s32 $0x5F3759DF, v4;
	v58 =	vadd.f32 v58, v51;
	v51 =	vld [tilespmem:s25+$0x8420]  }
0x5f3: {  	v49 =	vld [tilespmem:s25+$0x8430];
	v2 =	vmul.f32 v4, v2;
	v60 =	vmul.f32 v59, v59;
	v0 =	vadd.f32 v3, v0  }
0x5f4: {  	v6 =	vmul.f32 v62, v62;
	v8 =	vadd.f32 v44, v47;
	v44 =	vmul.f32 v11, v11;
	v47 =	vld [tilespmem:s25+$0x8460]  }
0x5f5: {  	v2 =	vmul.f32 v4, v2;
	v61 =	vperm.xlane v0, v12;
	v12 =	vld [tilespmem:$0x1F750]  }
0x5f6: {  	v60 =	vadd.f32 v60, v46;
	v46 =	vld [tilespmem:s25+$0x8450]  }
0x5f7: {  	v3 =	vmul.f32 v48, v48;
	v6 =	vadd.f32 v44, v6;
	v44 =	vld [tilespmem:s25+$0x8470];
	v2 =	vsub.f32 $1.500000000e+00, v2  }
0x5f8: {  	v13 =	vmovc v57;
	v8 =	vadd.f32 v8, v58;
	v58 =	vmul.f32 v50, v50;
	v63 =	vmul.f32 v51, v51  }
0x5f9: {  	[tilespmem:$0x1F750] =	vst v13;
	v13 =	vmul.f32 v49, v49;
	v6 =	vadd.f32 v6, v60;
	v57 =	vmul.f32 v4, v2  }
0x5fa: {  	v0 =	vadd.f32 v0, v61;
	v61 =	vmul.f32 v45, v45;
	v12 =	vmul.f32 v41, v12  }
0x5fb: {  	v60 =	vadd.f32 v13, v63;
	v13 =	vmul.f32 v47, v47;
	v2 =	vmul.f32 v46, v46  }
0x5fc: {  	[tilespmem:s24+$0x80A0] =	vst v12;
	v12 =	vperm.xlane v0, v14;
	v14 =	vmovc v35;
	v35 =	vmov v1;
	v1 =	vmul.f32 v44, v44  }
0x5fd: {  	v3 =	vadd.f32 v58, v3;
	v6 =	vadd.f32 v6, v8  }
0x5fe: {  	v8 =	vmul.f32 v57, v37;
	v2 =	vadd.f32 v2, v61;
	v1 =	vadd.f32 v1, v13;
	v13 =	vld [tilespmem:$0x1F6C0];
	_ =	sdelay $0x1  }
0x5ff: {  	v58 =	vld [tilespmem:$0x1F700];
	v3 =	vadd.f32 v60, v3;
	[tilespmem:s24+$0x8000] =	vst v8;
	v8 =	vmul.f32 v57, v39;
	v1 =	vadd.f32 v1, v2  }
0x600: {  	v37 =	vmovc v5;
	v5 =	vmul.f32 v57, v40;
	v40 =	vmov v59;
	v59 =	vld [tilespmem:$0x1F710];
	v0 =	vadd.f32 v0, v12  }
0x601: {  	v4 =	vmul.f32 v57, v38;
	v61 =	vmul.f32 v57, v36;
	[tilespmem:s24+$0x8020] =	vst v8;
	v8 =	vld [tilespmem:$0x1F6D0];
	v1 =	vadd.f32 v1, v3  }
0x602: {  	s26 =	sadd.s32 $0x2, s26;
	v12 =	vperm.xlane v0, v15;
	v63 =	vmul.f32 v57, v13;
	v13 =	vmovc v54;
	v54 =	vmovc v33;
	v33 =	vmov v53;
	v53 =	vld [tilespmem:$0x1F6F0]  }
0x603: {  	p0 =	slt.u32 s26, $0x7E;
	v36 =	vmovc v7;
	v7 =	vmul.f32 v57, v17;
	v17 =	vmov v62;
	v62 =	vadd.f32 v1, v6;
	v1 =	vld [tilespmem:$0x1F730]  }
.Ltmp5:
0x604: {  	[tilespmem:s24+$0x8040] =	vst v4;
	v2 =	vadd.f32 v0, v12;
	(pc) =	sbr.rel @p0 .LBB2_12-.Ltmp5, $4  }
0x605: {  	v38 =	vmov v10;
	[tilespmem:s24+$0x8050] =	vst v5;
	v60 =	vmul.f32 v57, v58;
	v58 =	vmul.f32 v57, v59  }
0x606: {  	[tilespmem:s24+$0x8010] =	vst v61;
	v15 =	vmovc v56;
	v56 =	vmov v34;
	v34 =	vld [tilespmem:$0x1F6B0];
	v0 =	vmul.f32 v57, v16;
	v3 =	vperm.xlane v2, v27  }
0x607: {  	v39 =	vmovc v9;
	v16 =	vmovc v11;
	v11 =	vmov v52;
	v52 =	vmov v55;
	v55 =	vld [tilespmem:$0x1F720];
	[tilespmem:s24+$0x8030] =	vst v63;
	v63 =	vmul.f32 v57, v8  }
0x608: {  	s28 =	sadd.s32 $0x100, s28;
	s29 =	sadd.s32 $0x200, s29;
	[tilespmem:s24+$0x8060] =	vst v7;
	v27 =	vld [tilespmem:$0x1F6E0];
	v61 =	vmul.f32 v57, v53;
	v53 =	vadd.f32 v2, v3;
	v59 =	vmul.f32 v57, v1  }
0x609: {  	v7 =	vld [tilespmem:$0x1FFC0];
	_ =	sdelay $0x2  }
0x60a: {  	[tilespmem:s24+$0x8070] =	vst v0  }
0x60b: {  	v8 =	vld [tilespmem:$0x1FFD0]  }
0x60c: {  	v1 =	vperm.xlane v62, v7  }
0x60d: {  	v2 =	vmax.f32 v53, $1.000000020e-24  }
0x60e: {  	v3 =	vshra.s32 v2, $0x1;
	v2 =	vmul.f32 $5.000000000e-01, v2;
	v1 =	vadd.f32 v62, v1  }
0x60f: {  	[tilespmem:s24+$0x8400] =	vst v63;
	v3 =	vsub.s32 $0x5F3759DF, v3  }
0x610: {  	[tilespmem:s24+$0x8410] =	vst v61;
	v2 =	vmul.f32 v3, v2;
	v0 =	vperm.xlane v1, v8  }
0x611: {  	[tilespmem:s24+$0x8420] =	vst v60  }
0x612: {  	[tilespmem:s24+$0x8430] =	vst v58;
	v2 =	vmul.f32 v3, v2;
	v0 =	vadd.f32 v1, v0;
	v1 =	vmul.f32 v57, v27  }
0x613: {  	v5 =	vmul.f32 v57, v33;
	v9 =	vld [tilespmem:$0x1FFE0];
	[tilespmem:s24+$0x8440] =	vst v59  }
0x614: {  	v6 =	vmul.f32 v57, v42;
	v2 =	vsub.f32 $1.500000000e+00, v2;
	[tilespmem:s24+$0x8450] =	vst v1  }
0x615: {  	v57 =	vmul.f32 v41, v34;
	v1 =	vld [tilespmem:$0x1F740];
	[tilespmem:s24+$0x8460] =	vst v5  }
0x616: {  	v59 =	vmul.f32 v41, v14;
	v2 =	vmul.f32 v3, v2;
	[tilespmem:s24+$0x8470] =	vst v6  }
0x617: {  	v3 =	vmul.f32 v41, v55;
	v10 =	vld [tilespmem:$0x1FFF0];
	[tilespmem:s24+$0x80C0] =	vst v57  }
0x618: {  	v60 =	vmul.f32 v2, v43;
	v4 =	vperm.xlane v0, v9;
	[tilespmem:s24+$0x80D0] =	vst v59  }
0x619: {  	v61 =	vmul.f32 v2, v29;
	[tilespmem:s24+$0x80F0] =	vst v3  }
0x61a: {  	v0 =	vadd.f32 v0, v4;
	[tilespmem:s25+$0x84F0] =	vst v60;
	v1 =	vmul.f32 v41, v1  }
0x61b: {  	v62 =	vmul.f32 v41, v54;
	[tilespmem:s25+$0x8090] =	vst v61  }
0x61c: {  	v58 =	vperm.xlane v0, v10;
	[tilespmem:s24+$0x80B0] =	vst v1;
	v1 =	vmul.f32 v41, v56  }
0x61d: {  	v63 =	vmul.f32 v41, v15;
	[tilespmem:s24+$0x8480] =	vst v62  }
0x61e: {  	v0 =	vadd.f32 v0, v58;
	[tilespmem:s24+$0x80E0] =	vst v1;
	v1 =	vmul.f32 v2, v30  }
0x61f: {  	v33 =	vmul.f32 v41, v13;
	[tilespmem:s24+$0x84A0] =	vst v63  }
0x620: {  	v0 =	vmax.f32 v0, $1.000000020e-24;
	[tilespmem:s25+$0x8080] =	vst v1;
	v1 =	vmul.f32 v41, v32  }
0x621: {  	[tilespmem:s24+$0x84D0] =	vst v33;
	v3 =	vshra.s32 v0, $0x1;
	v0 =	vmul.f32 $5.000000000e-01, v0;
	v32 =	vmul.f32 v41, v31  }
0x622: {  	v3 =	vsub.s32 $0x5F3759DF, v3;
	[tilespmem:s24+$0x8490] =	vst v1;
	v1 =	vmul.f32 v41, v52  }
0x623: {  	v0 =	vmul.f32 v3, v0;
	[tilespmem:s24+$0x84B0] =	vst v32  }
0x624: {  	[tilespmem:s24+$0x84C0] =	vst v1  }
0x625: {  	v0 =	vmul.f32 v3, v0;
	v1 =	vld [tilespmem:$0x1F750];
	_ =	sdelay $0x1  }
0x626: {  	v0 =	vsub.f32 $1.500000000e+00, v0;
	_ =	sdelay $0x1  }
0x627: {  	v34 =	vmul.f32 v41, v11;
	v0 =	vmul.f32 v3, v0  }
0x628: {  	v1 =	vmul.f32 v2, v1  }
0x629: {  	[tilespmem:s24+$0x84E0] =	vst v34;
	v3 =	vmul.f32 v0, v35  }
0x62a: {  	v41 =	vmul.f32 v0, v39;
	[tilespmem:s25+$0x80A0] =	vst v1  }
0x62b: {  	v42 =	vmul.f32 v0, v17;
	[tilespmem:s25+$0x8000] =	vst v3  }
0x62c: {  	v43 =	vmul.f32 v0, v50;
	[tilespmem:s25+$0x8030] =	vst v41  }
0x62d: {  	v1 =	vmul.f32 v0, v37;
	[tilespmem:s25+$0x8060] =	vst v42  }
0x62e: {  	v3 =	vmul.f32 v0, v36;
	[tilespmem:s25+$0x8410] =	vst v43  }
0x62f: {  	[tilespmem:s25+$0x8010] =	vst v1;
	v1 =	vmul.f32 v0, v38  }
0x630: {  	[tilespmem:s25+$0x8020] =	vst v3;
	v3 =	vmul.f32 v0, v40  }
0x631: {  	[tilespmem:s25+$0x8040] =	vst v1;
	v1 =	vmul.f32 v0, v16  }
0x632: {  	[tilespmem:s25+$0x8050] =	vst v3;
	v3 =	vmul.f32 v0, v48  }
0x633: {  	v48 =	vmul.f32 v0, v45;
	[tilespmem:s25+$0x8070] =	vst v1  }
0x634: {  	v1 =	vmul.f32 v0, v51;
	[tilespmem:s25+$0x8400] =	vst v3  }
0x635: {  	v3 =	vmul.f32 v0, v49;
	[tilespmem:s25+$0x8440] =	vst v48  }
0x636: {  	[tilespmem:s25+$0x8420] =	vst v1;
	v1 =	vmul.f32 v0, v46  }
0x637: {  	[tilespmem:s25+$0x8430] =	vst v3;
	v3 =	vmul.f32 v0, v47  }
0x638: {  	v0 =	vmul.f32 v0, v44;
	[tilespmem:s25+$0x8450] =	vst v1  }
0x639: {  	v1 =	vmul.f32 v2, v19;
	[tilespmem:s25+$0x8460] =	vst v3  }
0x63a: {  	v3 =	vmul.f32 v2, v18;
	[tilespmem:s25+$0x8470] =	vst v0  }
0x63b: {  	v0 =	vmul.f32 v2, v20;
	[tilespmem:s25+$0x80B0] =	vst v1  }
0x63c: {  	v1 =	vmul.f32 v2, v21;
	[tilespmem:s25+$0x80C0] =	vst v3  }
0x63d: {  	[tilespmem:s25+$0x80D0] =	vst v0  }
0x63e: {  	v3 =	vmul.f32 v2, v22;
	v0 =	vld [tilespmem:$0x1F760];
	[tilespmem:s25+$0x80E0] =	vst v1  }
0x63f: {  	v1 =	vld [tilespmem:$0x1F770]  }
0x640: {  	[tilespmem:s25+$0x80F0] =	vst v3;
	v3 =	vmul.f32 v2, v23;
	_ =	sdelay $0x1  }
0x641: {  	[tilespmem:s25+$0x84A0] =	vst v3;
	v3 =	vmul.f32 v2, v26  }
0x642: {  	v0 =	vmul.f32 v2, v0  }
0x643: {  	[tilespmem:s25+$0x84D0] =	vst v3;
	v1 =	vmul.f32 v2, v1  }
0x644: {  	[tilespmem:s25+$0x8480] =	vst v0;
	v0 =	vmul.f32 v2, v24  }
0x645: {  	[tilespmem:s25+$0x8490] =	vst v1;
	v1 =	vmul.f32 v2, v25  }
0x646: {  	[tilespmem:s25+$0x84B0] =	vst v0;
	v0 =	vmul.f32 v2, v28  }
0x647: {  	[tilespmem:s25+$0x84C0] =	vst v1  }
0x648: {  	s26 =	simm.s32 $0x0;
	[tilespmem:s25+$0x84E0] =	vst v0  }
0x649: {  	[hbm4b:s15+s26] =	stream.linear.scatter [tilespmem:s19], [sflag:$0x4], $0x8000, $0x38;
	[tilespmem:$0x10000] =	vst v63  }
0x64a: {  	_ =	swait.ge [sflag:s18], $0x8000  }
0x64b: {  	s30 =	sand.u32 $0x7800, s26;
	s24 =	sand.u32 $0x300, s26;
	[sflag:s18] =	ssyncset.done $0x0  }
0x64c: {  	s24 =	sor.u32 s24, s30;
	[sflag:s18] =	ssyncadd.s32 $0xFFFF8000  }
0x64d: {  	v47 =	vld [tilespmem:s24+$0x80]  }
0x64e: {  	v12 =	vld [tilespmem:s24+$0x90]  }
0x64f: {  	v53 =	vld [tilespmem:s24+$0xA0]  }
0x650: {  	v0 =	vld [tilespmem:s24+$0xB0]  }
0x651: {  	v34 =	vld [tilespmem:s24+$0xC0]  }
0x652: {  	v14 =	vld [tilespmem:s24+$0xD0]  }
0x653: {  	v56 =	vld [tilespmem:s24+$0xE0]  }
0x654: {  	v55 =	vld [tilespmem:s24+$0xF0]  }
0x655: {  	v54 =	vld [tilespmem:s24+$0x480]  }
0x656: {  	v32 =	vld [tilespmem:s24+$0x490]  }
0x657: {  	v15 =	vld [tilespmem:s24+$0x4A0]  }
0x658: {  	v31 =	vld [tilespmem:s24+$0x4B0]  }
0x659: {  	v52 =	vld [tilespmem:s24+$0x4C0]  }
0x65a: {  	v13 =	vld [tilespmem:s24+$0x4D0]  }
0x65b: {  	v11 =	vld [tilespmem:s24+$0x4E0]  }
0x65c: {  	v46 =	vld [tilespmem:s24+$0x4F0];
	[tilespmem:$0x1F5C0] =	vst v0  }
0x65d: {  	v29 =	vld [tilespmem:s24+$0x0];
	_ =	sdelay $0x4  }
0x65e: {  	[tilespmem:$0x1F600] =	vst v29  }
0x65f: {  	v49 =	vld [tilespmem:s24+$0x10];
	_ =	sdelay $0x4  }
0x660: {  	[tilespmem:$0x1F610] =	vst v49  }
0x661: {  	v50 =	vld [tilespmem:s24+$0x20];
	_ =	sdelay $0x4  }
0x662: {  	[tilespmem:$0x1F620] =	vst v50  }
0x663: {  	v16 =	vmul.f32 v0, v0;
	v0 =	vld [tilespmem:s24+$0x30];
	_ =	sdelay $0x4  }
0x664: {  	[tilespmem:$0x1F630] =	vst v0  }
0x665: {  	v51 =	vld [tilespmem:s24+$0x40];
	_ =	sdelay $0x4  }
0x666: {  	[tilespmem:$0x1F640] =	vst v51  }
0x667: {  	v28 =	vld [tilespmem:s24+$0x50];
	_ =	sdelay $0x4  }
0x668: {  	[tilespmem:$0x1F650] =	vst v28  }
0x669: {  	v30 =	vld [tilespmem:s24+$0x60]  }
0x66a: {  	v1 =	vmul.f32 v47, v47  }
0x66b: {  	v2 =	vmul.f32 v12, v12;
	v3 =	vmul.f32 v53, v53  }
0x66c: {  	v17 =	vmul.f32 v34, v34;
	v18 =	vmul.f32 v14, v14  }
0x66d: {  	v21 =	vmul.f32 v54, v54;
	v22 =	vmul.f32 v32, v32  }
0x66e: {  	v1 =	vadd.f32 v2, v1;
	v2 =	vadd.f32 v16, v3;
	[tilespmem:$0x1F660] =	vst v30  }
0x66f: {  	v16 =	vadd.f32 v18, v17;
	v18 =	vadd.f32 v22, v21;
	v22 =	vld [tilespmem:s24+$0x410];
	_ =	sdelay $0x2  }
0x670: {  	v19 =	vmul.f32 v56, v56;
	v20 =	vmul.f32 v55, v55  }
0x671: {  	v23 =	vmul.f32 v15, v15;
	v24 =	vmul.f32 v31, v31;
	v61 =	vld [tilespmem:s24+$0x70]  }
0x672: {  	v63 =	vld [tilespmem:s24+$0x400];
	[tilespmem:$0x1F670] =	vst v22  }
0x673: {  	v17 =	vadd.f32 v20, v19;
	v19 =	vadd.f32 v24, v23;
	v23 =	vld [tilespmem:s24+$0x420];
	_ =	sdelay $0x4  }
0x674: {  	[tilespmem:$0x1F680] =	vst v23  }
0x675: {  	v24 =	vld [tilespmem:s24+$0x430];
	_ =	sdelay $0x4  }
0x676: {  	v25 =	vmul.f32 v52, v52;
	v26 =	vmul.f32 v13, v13;
	[tilespmem:$0x1F690] =	vst v24  }
0x677: {  	v27 =	vmul.f32 v11, v11;
	v3 =	vmul.f32 v46, v46;
	v57 =	vld [tilespmem:s24+$0x440];
	_ =	sdelay $0x1  }
0x678: {  	v20 =	vadd.f32 v26, v25;
	v3 =	vadd.f32 v3, v27  }
0x679: {  	v1 =	vadd.f32 v2, v1;
	v2 =	vadd.f32 v17, v16  }
0x67a: {  	v16 =	vadd.f32 v19, v18;
	v3 =	vadd.f32 v3, v20  }
0x67b: {  	v17 =	vmul.f32 v29, v29;
	[tilespmem:$0x1F6A0] =	vst v57  }
0x67c: {  	v1 =	vadd.f32 v2, v1;
	v2 =	vadd.f32 v3, v16;
	v18 =	vmul.f32 v49, v49;
	v27 =	vld [tilespmem:s24+$0x450]  }
0x67d: {  	v19 =	vmul.f32 v50, v50;
	v3 =	vmul.f32 v0, v0;
	v33 =	vld [tilespmem:s24+$0x460]  }
0x67e: {  	v1 =	vadd.f32 v2, v1;
	v16 =	vmul.f32 v51, v51;
	v20 =	vmul.f32 v28, v28;
	v42 =	vld [tilespmem:s24+$0x470]  }
0x67f: {  	v2 =	vadd.f32 v18, v17;
	v21 =	vmul.f32 v30, v30;
	v17 =	vmul.f32 v61, v61  }
0x680: {  	v3 =	vadd.f32 v3, v19;
	v18 =	vmul.f32 v63, v63;
	v19 =	vmul.f32 v22, v22  }
0x681: {  	v16 =	vadd.f32 v20, v16;
	v20 =	vmul.f32 v23, v23;
	v23 =	vmul.f32 v24, v24  }
0x682: {  	v17 =	vadd.f32 v17, v21;
	v21 =	vmul.f32 v57, v57;
	v24 =	vmul.f32 v27, v27  }
0x683: {  	v18 =	vadd.f32 v19, v18;
	v19 =	vmul.f32 v33, v33;
	v25 =	vmul.f32 v42, v42  }
0x684: {  	v20 =	vadd.f32 v23, v20  }
0x685: {  	v21 =	vadd.f32 v24, v21;
	v19 =	vadd.f32 v25, v19  }
0x686: {  	v2 =	vadd.f32 v3, v2;
	v3 =	vadd.f32 v17, v16  }
0x687: {  	v17 =	vadd.f32 v20, v18;
	v18 =	vadd.f32 v19, v21;
	_ =	sdelay $0x1  }
0x688: {  	s31 =	simm.s32 $0x100;
	s26 =	simm.s32 $0x200;
	v22 =	vperm.xlane v1, v7;
	v2 =	vadd.f32 v3, v2;
	v3 =	vadd.f32 v18, v17  }
0x689: {  	s25 =	sand.u32 $0x300, s31;
	s26 =	sand.u32 $0x7800, s26  }
0x68a: {  	s25 =	sor.u32 s25, s26;
	v1 =	vadd.f32 v1, v22;
	v2 =	vadd.f32 v3, v2  }
0x68b: {  	v30 =	vld [tilespmem:s25+$0x80]  }
0x68c: {  	v16 =	vperm.xlane v1, v8;
	v29 =	vld [tilespmem:s25+$0x90];
	v3 =	vperm.xlane v2, v7  }
0x68d: {  	v0 =	vld [tilespmem:s25+$0xA0]  }
0x68e: {  	v1 =	vadd.f32 v1, v16;
	v20 =	vld [tilespmem:s25+$0xD0];
	v2 =	vadd.f32 v2, v3  }
0x68f: {  	v22 =	vld [tilespmem:s25+$0xF0]  }
0x690: {  	v16 =	vperm.xlane v1, v9;
	v58 =	vld [tilespmem:s25+$0x480];
	v3 =	vperm.xlane v2, v8  }
0x691: {  	v59 =	vld [tilespmem:s25+$0x490]  }
0x692: {  	v1 =	vadd.f32 v1, v16;
	v24 =	vld [tilespmem:s25+$0x4B0];
	v2 =	vadd.f32 v2, v3  }
0x693: {  	v25 =	vld [tilespmem:s25+$0x4C0]  }
0x694: {  	v16 =	vperm.xlane v1, v10;
	v19 =	vld [tilespmem:s25+$0xB0];
	v23 =	vperm.xlane v2, v9  }
0x695: {  	v21 =	vld [tilespmem:s25+$0xE0]  }
0x696: {  	v1 =	vadd.f32 v1, v16;
	v60 =	vmul.f32 v30, v30;
	v18 =	vld [tilespmem:s25+$0xC0];
	v2 =	vadd.f32 v2, v23  }
0x697: {  	v62 =	vmul.f32 v29, v29;
	v37 =	vmul.f32 v0, v0;
	v23 =	vld [tilespmem:s25+$0x4A0];
	[tilespmem:$0x1F5D0] =	vst v0  }
0x698: {  	v1 =	vmax.f32 v1, $1.000000020e-24;
	v40 =	vmul.f32 v20, v20;
	v26 =	vld [tilespmem:s25+$0x4D0];
	v28 =	vperm.xlane v2, v10  }
0x699: {  	v6 =	vmul.f32 v22, v22;
	v3 =	vshra.s32 v1, $0x1;
	v1 =	vmul.f32 $5.000000000e-01, v1;
	v43 =	vld [tilespmem:s25+$0x4F0]  }
0x69a: {  	v49 =	vmul.f32 v58, v58;
	v3 =	vsub.s32 $0x5F3759DF, v3;
	v2 =	vadd.f32 v2, v28;
	v28 =	vld [tilespmem:s25+$0x4E0];
	[tilespmem:$0x1F5E0] =	vst v58  }
0x69b: {  	v50 =	vmul.f32 v59, v59;
	v1 =	vmul.f32 v3, v1;
	v0 =	vld [tilespmem:s25+$0x0]  }
0x69c: {  	v57 =	vadd.f32 v62, v60;
	v60 =	vmul.f32 v24, v24;
	[tilespmem:$0x1F5F0] =	vst v59;
	v2 =	vmax.f32 v2, $1.000000020e-24  }
0x69d: {  	v45 =	vmul.f32 v3, v1;
	v1 =	vld [tilespmem:s25+$0x10];
	v44 =	vshra.s32 v2, $0x1;
	v2 =	vmul.f32 $5.000000000e-01, v2  }
0x69e: {  	v38 =	vmul.f32 v19, v19;
	v41 =	vmul.f32 v21, v21;
	v51 =	vsub.s32 $0x5F3759DF, v44  }
0x69f: {  	v49 =	vadd.f32 v50, v49;
	v59 =	vmul.f32 v23, v23;
	v2 =	vmul.f32 v51, v2  }
0x6a0: {  	v39 =	vmul.f32 v18, v18;
	v48 =	vadd.f32 v6, v41;
	v45 =	vsub.f32 $1.500000000e+00, v45;
	v35 =	vmovc v0;
	v0 =	vld [tilespmem:s25+$0x40]  }
0x6a1: {  	v50 =	vadd.f32 v60, v59;
	v59 =	vmul.f32 v43, v43;
	v2 =	vmul.f32 v51, v2  }
0x6a2: {  	v44 =	vadd.f32 v38, v37;
	v58 =	vmul.f32 v28, v28;
	v37 =	vmovc v1;
	v1 =	vadd.f32 v40, v39  }
0x6a3: {  	v4 =	vld [tilespmem:s25+$0x30];
	v39 =	vmul.f32 v25, v25;
	v40 =	vmul.f32 v26, v26;
	v2 =	vsub.f32 $1.500000000e+00, v2  }
0x6a4: {  	v41 =	vmul.f32 v3, v45;
	v36 =	vld [tilespmem:s25+$0x20];
	v3 =	vadd.f32 v44, v57;
	v1 =	vadd.f32 v48, v1  }
0x6a5: {  	v5 =	vld [tilespmem:s25+$0x70];
	v62 =	vadd.f32 v59, v58;
	v38 =	vmovc v0;
	v0 =	vadd.f32 v40, v39;
	v57 =	vmul.f32 v51, v2  }
0x6a6: {  	v6 =	vld [tilespmem:s25+$0x50];
	v1 =	vadd.f32 v1, v3;
	v2 =	vmul.f32 v35, v35;
	v3 =	vmul.f32 v37, v37  }
0x6a7: {  	v16 =	vld [tilespmem:s25+$0x60];
	v60 =	vadd.f32 v50, v49;
	v0 =	vadd.f32 v62, v0  }
0x6a8: {  	v12 =	vmul.f32 v41, v12;
	v49 =	vld [tilespmem:s25+$0x430];
	v39 =	vmov v4;
	v58 =	vadd.f32 v3, v2  }
0x6a9: {  	v51 =	vld [tilespmem:s25+$0x420];
	v3 =	vmul.f32 v36, v36;
	v0 =	vadd.f32 v0, v60;
	v60 =	vmul.f32 v39, v39  }
0x6aa: {  	v45 =	vld [tilespmem:s25+$0x440];
	v59 =	vmul.f32 v41, v46;
	v4 =	vmul.f32 v5, v5  }
0x6ab: {  	v50 =	vld [tilespmem:s25+$0x410];
	v62 =	vmul.f32 v41, v47;
	v2 =	vmul.f32 v38, v38;
	v3 =	vadd.f32 v60, v3  }
0x6ac: {  	v44 =	vld [tilespmem:s25+$0x470];
	v60 =	vmul.f32 v41, v53;
	v53 =	vmul.f32 v16, v16  }
0x6ad: {  	[tilespmem:s24+$0x90] =	vst v12;
	v48 =	vld [tilespmem:s25+$0x400];
	v0 =	vadd.f32 v0, v1;
	v1 =	vmul.f32 v6, v6;
	v58 =	vadd.f32 v3, v58  }
0x6ae: {  	v46 =	vld [tilespmem:s25+$0x450];
	[tilespmem:s24+$0x4F0] =	vst v59;
	v3 =	vmul.f32 v51, v51;
	v4 =	vadd.f32 v4, v53;
	v53 =	vmul.f32 v49, v49  }
0x6af: {  	v40 =	vmov v6;
	v47 =	vld [tilespmem:s25+$0x460];
	[tilespmem:s24+$0x80] =	vst v62;
	v6 =	vadd.f32 v1, v2;
	v1 =	vperm.xlane v0, v7  }
0x6b0: {  	v3 =	vadd.f32 v53, v3;
	v53 =	vld [tilespmem:$0x1F600]  }
0x6b1: {  	v62 =	vmul.f32 v44, v44;
	v0 =	vadd.f32 v0, v1  }
0x6b2: {  	v2 =	vmul.f32 v48, v48;
	v1 =	vmul.f32 v50, v50  }
0x6b3: {  	v17 =	vmovc v16;
	v16 =	vmov v5;
	v5 =	vmul.f32 v45, v45;
	v59 =	vperm.xlane v0, v8  }
0x6b4: {  	v4 =	vadd.f32 v4, v6;
	v6 =	vmul.f32 v47, v47;
	v1 =	vadd.f32 v1, v2  }
0x6b5: {  	v2 =	vmul.f32 v46, v46;
	v0 =	vadd.f32 v0, v59;
	v59 =	vmul.f32 v57, v53  }
0x6b6: {  	[tilespmem:s24+$0xA0] =	vst v60  }
0x6b7: {  	v2 =	vadd.f32 v2, v5;
	v5 =	vadd.f32 v62, v6;
	v62 =	vld [tilespmem:$0x1F610];
	[tilespmem:s24+$0x0] =	vst v59  }
0x6b8: {  	v59 =	vld [tilespmem:$0x1F620];
	_ =	sdelay $0x3  }
0x6b9: {  	v6 =	vmul.f32 v57, v62  }
0x6ba: {  	v60 =	vmul.f32 v57, v59  }
0x6bb: {  	v62 =	vperm.xlane v0, v9;
	[tilespmem:s24+$0x10] =	vst v6  }
0x6bc: {  	v1 =	vadd.f32 v3, v1;
	v3 =	vld [tilespmem:$0x1F630];
	[tilespmem:s24+$0x20] =	vst v60  }
0x6bd: {  	v2 =	vadd.f32 v5, v2;
	v5 =	vadd.f32 v0, v62;
	v0 =	vld [tilespmem:$0x1F640];
	_ =	sdelay $0x4  }
0x6be: {  	v4 =	vadd.f32 v4, v58;
	v58 =	vmul.f32 v57, v0;
	v0 =	vld [tilespmem:$0x1F650];
	_ =	sdelay $0x2  }
0x6bf: {  	v3 =	vmul.f32 v57, v3;
	_ =	sdelay $0x1  }
0x6c0: {  	[tilespmem:s24+$0x30] =	vst v3;
	v59 =	vmul.f32 v57, v0  }
0x6c1: {  	v1 =	vadd.f32 v2, v1;
	v0 =	vld [tilespmem:$0x1F660];
	[tilespmem:s24+$0x40] =	vst v58  }
0x6c2: {  	[tilespmem:s24+$0x50] =	vst v59  }
0x6c3: {  	v62 =	vadd.f32 v1, v4;
	v1 =	vld [tilespmem:$0x1F670];
	_ =	sdelay $0x3  }
0x6c4: {  	v2 =	vmul.f32 v57, v0  }
0x6c5: {  	v0 =	vmul.f32 v57, v61;
	v61 =	vmul.f32 v57, v1;
	v1 =	vld [tilespmem:$0x1F680];
	_ =	sdelay $0x3  }
0x6c6: {  	[tilespmem:s24+$0x60] =	vst v2  }
0x6c7: {  	v60 =	vmul.f32 v57, v1;
	v1 =	vld [tilespmem:$0x1F690];
	_ =	sdelay $0x4  }
0x6c8: {  	v58 =	vmul.f32 v57, v1;
	v1 =	vld [tilespmem:$0x1F6A0];
	_ =	sdelay $0x2  }
0x6c9: {  	v3 =	vperm.xlane v5, v10;
	_ =	sdelay $0x1  }
0x6ca: {  	s28 =	simm.s32 $0x200;
	s29 =	simm.s32 $0x400;
	s26 =	simm.s32 $0x2;
	v63 =	vmul.f32 v57, v63;
	v53 =	vadd.f32 v5, v3;
	v59 =	vmul.f32 v57, v1  }
.LBB2_14:
0x6cb: {  	[tilespmem:$0x1F540] =	vst v39  }
0x6cc: {  	v3 =	vmov v48;
	[tilespmem:s24+$0x70] =	vst v0  }
0x6cd: {  	v2 =	vmov v50;
	[tilespmem:$0x1F550] =	vst v3  }
0x6ce: {  	[tilespmem:$0x1F570] =	vst v2  }
0x6cf: {  	v4 =	vmov v51;
	[tilespmem:s24+$0x400] =	vst v63  }
0x6d0: {  	v12 =	vld [tilespmem:$0x1FFC0];
	[tilespmem:$0x1F580] =	vst v4  }
0x6d1: {  	s30 =	sand.u32 $0x7800, s29;
	s31 =	sand.u32 $0x300, s28;
	v3 =	vmax.f32 v53, $1.000000020e-24;
	[tilespmem:s24+$0x410] =	vst v61;
	v53 =	vld [tilespmem:$0x1F5C0]  }
0x6d2: {  	s30 =	sor.u32 s31, s30;
	[tilespmem:s24+$0x430] =	vst v58;
	v58 =	vmul.f32 v41, v14;
	v14 =	vld [tilespmem:$0x1FFD0]  }
0x6d3: {  	v61 =	vmov v49;
	[tilespmem:s24+$0x420] =	vst v60;
	v49 =	vld [tilespmem:s30+$0x90]  }
0x6d4: {  	[tilespmem:$0x1F590] =	vst v61;
	v61 =	vld [tilespmem:$0x1F5E0]  }
0x6d5: {  	v6 =	vmov v45;
	[tilespmem:s24+$0x440] =	vst v59;
	v59 =	vmul.f32 v41, v56;
	v56 =	vmov v22;
	v22 =	vld [tilespmem:s30+$0xF0]  }
0x6d6: {  	v5 =	vmov v46;
	[tilespmem:$0x1F5B0] =	vst v6;
	v4 =	vld [tilespmem:s30+$0x480]  }
0x6d7: {  	v1 =	vmul.f32 v57, v33;
	[tilespmem:$0x1F560] =	vst v5;
	v5 =	vld [tilespmem:s30+$0x490]  }
0x6d8: {  	v42 =	vmul.f32 v57, v42;
	[tilespmem:$0x1F5A0] =	vst v56;
	v0 =	vmul.f32 v57, v27;
	v57 =	vmov v19;
	v19 =	vld [tilespmem:s30+$0xB0]  }
0x6d9: {  	v39 =	vshra.s32 v3, $0x1;
	v3 =	vmul.f32 $5.000000000e-01, v3;
	[tilespmem:s24+$0x460] =	vst v1;
	v60 =	vmul.f32 v41, v34;
	v34 =	vmovc v21;
	v21 =	vld [tilespmem:s30+$0xE0]  }
0x6da: {  	v45 =	vmul.f32 v41, v32;
	[tilespmem:s24+$0x470] =	vst v42;
	v51 =	vsub.s32 $0x5F3759DF, v39;
	v56 =	vmov v23;
	v23 =	vld [tilespmem:s30+$0x4A0]  }
0x6db: {  	v1 =	vmul.f32 v41, v54;
	v3 =	vmul.f32 v51, v3;
	[tilespmem:$0x1F5C0] =	vst v57;
	v57 =	vld [tilespmem:s30+$0xA0]  }
0x6dc: {  	v2 =	vperm.xlane v62, v12;
	v39 =	vmovc v36;
	v36 =	vmovc v37;
	v37 =	vmov v35;
	v35 =	vmov v20;
	v20 =	vld [tilespmem:s30+$0xD0];
	[tilespmem:s24+$0x450] =	vst v0  }
0x6dd: {  	v50 =	vmul.f32 v41, v53;
	v53 =	vmovc v47;
	v47 =	vmul.f32 v41, v31;
	v31 =	vmov v24;
	v24 =	vld [tilespmem:s30+$0x4B0];
	[tilespmem:s24+$0x480] =	vst v1  }
0x6de: {  	v3 =	vmul.f32 v51, v3;
	v0 =	vmul.f32 v41, v55;
	v55 =	vmov v25;
	v25 =	vld [tilespmem:s30+$0x4C0];
	[tilespmem:s24+$0x490] =	vst v45  }
0x6df: {  	v2 =	vadd.f32 v62, v2;
	v62 =	vmov v18;
	v18 =	vld [tilespmem:s30+$0xC0];
	[tilespmem:s24+$0xC0] =	vst v60  }
0x6e0: {  	v46 =	vmul.f32 v41, v15;
	[tilespmem:s24+$0xD0] =	vst v58;
	v3 =	vsub.f32 $1.500000000e+00, v3  }
0x6e1: {  	v15 =	vld [tilespmem:$0x1FFE0];
	v33 =	vmov v61;
	v58 =	vmul.f32 v41, v11;
	[tilespmem:s24+$0xE0] =	vst v59;
	v61 =	vmul.f32 v22, v22  }
0x6e2: {  	v48 =	vld [tilespmem:s30+$0x80];
	[tilespmem:s24+$0xB0] =	vst v50;
	v50 =	vmul.f32 v41, v52;
	v3 =	vmul.f32 v51, v3  }
0x6e3: {  	[tilespmem:$0x1F530] =	vst v62;
	v63 =	vperm.xlane v2, v14;
	v60 =	vmul.f32 v21, v21  }
0x6e4: {  	v54 =	vmov v26;
	[tilespmem:s24+$0xF0] =	vst v0;
	v51 =	vmul.f32 v41, v13;
	v26 =	vmul.f32 v3, v43  }
0x6e5: {  	v52 =	vmovc v28;
	v2 =	vadd.f32 v2, v63;
	v63 =	vld [tilespmem:$0x1F5F0];
	[tilespmem:$0x1F5F0] =	vst v5;
	v28 =	vmul.f32 v3, v30;
	v41 =	vmov v3  }
0x6e6: {  	v27 =	vld [tilespmem:$0x1FFF0];
	v45 =	vmul.f32 v23, v23;
	v7 =	vmul.f32 v41, v29;
	[tilespmem:s25+$0x4F0] =	vst v26  }
0x6e7: {  	v59 =	vmul.f32 v20, v20;
	v30 =	vmov v48;
	v62 =	vperm.xlane v2, v15;
	[tilespmem:s25+$0x80] =	vst v28;
	v26 =	vld [tilespmem:s30+$0x4D0]  }
0x6e8: {  	v42 =	vmovc v44;
	v6 =	vmul.f32 v24, v24;
	v29 =	vmov v49;
	v0 =	vmul.f32 v48, v30;
	v28 =	vld [tilespmem:s30+$0x4E0];
	[tilespmem:s25+$0x90] =	vst v7  }
0x6e9: {  	v48 =	vmul.f32 v57, v57;
	v44 =	vmul.f32 v49, v29;
	v2 =	vadd.f32 v2, v62;
	v43 =	vld [tilespmem:s30+$0x4F0];
	[tilespmem:s24+$0x4A0] =	vst v46  }
0x6ea: {  	v9 =	vld [tilespmem:s30+$0x30];
	v49 =	vmul.f32 v19, v19;
	v62 =	vmul.f32 v4, v4;
	[tilespmem:s24+$0x4B0] =	vst v47  }
0x6eb: {  	v1 =	vld [tilespmem:s30+$0x0];
	v6 =	vadd.f32 v6, v45;
	v46 =	vmul.f32 v25, v25;
	[tilespmem:s24+$0x4C0] =	vst v50;
	v3 =	vperm.xlane v2, v27  }
0x6ec: {  	v10 =	vld [tilespmem:s30+$0x40];
	v32 =	vmovc v63;
	v63 =	vmul.f32 v5, v5;
	v0 =	vadd.f32 v44, v0;
	v44 =	vadd.f32 v49, v48  }
0x6ed: {  	v7 =	vld [tilespmem:s30+$0x20];
	[tilespmem:s24+$0x4D0] =	vst v51;
	v2 =	vadd.f32 v2, v3;
	v3 =	vmul.f32 v18, v18;
	v8 =	vmul.f32 v26, v26  }
0x6ee: {  	[tilespmem:s24+$0x4E0] =	vst v58;
	s24 =	smov.u32 s25;
	s25 =	smov.u32 s30;
	v5 =	vld [tilespmem:s30+$0x10];
	v49 =	vadd.f32 v61, v60;
	v47 =	vmul.f32 v28, v28;
	v48 =	vmul.f32 v43, v43  }
0x6ef: {  	v11 =	vld [tilespmem:s25+$0x70];
	v50 =	vadd.f32 v63, v62;
	v3 =	vadd.f32 v59, v3  }
0x6f0: {  	v51 =	vmul.f32 v1, v1;
	v45 =	vld [tilespmem:s25+$0x440];
	v8 =	vadd.f32 v8, v46;
	v60 =	vadd.f32 v48, v47  }
0x6f1: {  	v0 =	vadd.f32 v44, v0;
	v44 =	vmul.f32 v9, v9;
	v6 =	vadd.f32 v6, v50;
	v59 =	vld [tilespmem:s30+$0x50]  }
0x6f2: {  	v62 =	vld [tilespmem:s25+$0x60];
	v2 =	vmax.f32 v2, $1.000000020e-24;
	v3 =	vadd.f32 v49, v3;
	v8 =	vadd.f32 v60, v8  }
0x6f3: {  	[tilespmem:$0x1F5E0] =	vst v4;
	v50 =	vld [tilespmem:s25+$0x410];
	v58 =	vmul.f32 v5, v5;
	v4 =	vshra.s32 v2, $0x1;
	v47 =	vmul.f32 v7, v7  }
0x6f4: {  	v48 =	vld [tilespmem:s25+$0x400];
	v2 =	vmul.f32 $5.000000000e-01, v2;
	v0 =	vadd.f32 v3, v0;
	v3 =	vadd.f32 v8, v6  }
0x6f5: {  	v46 =	vmul.f32 v10, v10;
	v4 =	vsub.s32 $0x5F3759DF, v4;
	v58 =	vadd.f32 v58, v51;
	v51 =	vld [tilespmem:s25+$0x420]  }
0x6f6: {  	v49 =	vld [tilespmem:s25+$0x430];
	v2 =	vmul.f32 v4, v2;
	v60 =	vmul.f32 v59, v59;
	v0 =	vadd.f32 v3, v0  }
0x6f7: {  	v6 =	vmul.f32 v62, v62;
	v8 =	vadd.f32 v44, v47;
	v44 =	vmul.f32 v11, v11;
	v47 =	vld [tilespmem:s25+$0x460]  }
0x6f8: {  	v2 =	vmul.f32 v4, v2;
	v61 =	vperm.xlane v0, v12;
	v12 =	vld [tilespmem:$0x1F5D0]  }
0x6f9: {  	v60 =	vadd.f32 v60, v46;
	v46 =	vld [tilespmem:s25+$0x450]  }
0x6fa: {  	v3 =	vmul.f32 v48, v48;
	v6 =	vadd.f32 v44, v6;
	v44 =	vld [tilespmem:s25+$0x470];
	v2 =	vsub.f32 $1.500000000e+00, v2  }
0x6fb: {  	v13 =	vmovc v57;
	v8 =	vadd.f32 v8, v58;
	v58 =	vmul.f32 v50, v50;
	v63 =	vmul.f32 v51, v51  }
0x6fc: {  	[tilespmem:$0x1F5D0] =	vst v13;
	v13 =	vmul.f32 v49, v49;
	v6 =	vadd.f32 v6, v60;
	v57 =	vmul.f32 v4, v2  }
0x6fd: {  	v0 =	vadd.f32 v0, v61;
	v61 =	vmul.f32 v45, v45;
	v12 =	vmul.f32 v41, v12  }
0x6fe: {  	v60 =	vadd.f32 v13, v63;
	v13 =	vmul.f32 v47, v47;
	v2 =	vmul.f32 v46, v46  }
0x6ff: {  	[tilespmem:s24+$0xA0] =	vst v12;
	v12 =	vperm.xlane v0, v14;
	v14 =	vmovc v35;
	v35 =	vmov v1;
	v1 =	vmul.f32 v44, v44  }
0x700: {  	v3 =	vadd.f32 v58, v3;
	v6 =	vadd.f32 v6, v8  }
0x701: {  	v8 =	vmul.f32 v57, v37;
	v2 =	vadd.f32 v2, v61;
	v1 =	vadd.f32 v1, v13;
	v13 =	vld [tilespmem:$0x1F540];
	_ =	sdelay $0x1  }
0x702: {  	v58 =	vld [tilespmem:$0x1F580];
	v3 =	vadd.f32 v60, v3;
	[tilespmem:s24+$0x0] =	vst v8;
	v8 =	vmul.f32 v57, v39;
	v1 =	vadd.f32 v1, v2  }
0x703: {  	v37 =	vmovc v5;
	v5 =	vmul.f32 v57, v40;
	v40 =	vmov v59;
	v59 =	vld [tilespmem:$0x1F590];
	v0 =	vadd.f32 v0, v12  }
0x704: {  	v4 =	vmul.f32 v57, v38;
	v61 =	vmul.f32 v57, v36;
	[tilespmem:s24+$0x20] =	vst v8;
	v8 =	vld [tilespmem:$0x1F550];
	v1 =	vadd.f32 v1, v3  }
0x705: {  	s26 =	sadd.s32 $0x2, s26;
	v12 =	vperm.xlane v0, v15;
	v63 =	vmul.f32 v57, v13;
	v13 =	vmovc v54;
	v54 =	vmovc v33;
	v33 =	vmov v53;
	v53 =	vld [tilespmem:$0x1F570]  }
0x706: {  	p0 =	slt.u32 s26, $0x7E;
	v36 =	vmovc v7;
	v7 =	vmul.f32 v57, v17;
	v17 =	vmov v62;
	v62 =	vadd.f32 v1, v6;
	v1 =	vld [tilespmem:$0x1F5B0]  }
.Ltmp6:
0x707: {  	[tilespmem:s24+$0x40] =	vst v4;
	v2 =	vadd.f32 v0, v12;
	(pc) =	sbr.rel @p0 .LBB2_14-.Ltmp6, $4  }
0x708: {  	v38 =	vmov v10;
	[tilespmem:s24+$0x50] =	vst v5;
	v60 =	vmul.f32 v57, v58;
	v58 =	vmul.f32 v57, v59  }
0x709: {  	[tilespmem:s24+$0x10] =	vst v61;
	v15 =	vmovc v56;
	v56 =	vmov v34;
	v34 =	vld [tilespmem:$0x1F530];
	v0 =	vmul.f32 v57, v16;
	v3 =	vperm.xlane v2, v27  }
0x70a: {  	v39 =	vmovc v9;
	v16 =	vmovc v11;
	v11 =	vmov v52;
	v52 =	vmov v55;
	v55 =	vld [tilespmem:$0x1F5A0];
	[tilespmem:s24+$0x30] =	vst v63;
	v63 =	vmul.f32 v57, v8  }
0x70b: {  	s28 =	sadd.s32 $0x100, s28;
	s29 =	sadd.s32 $0x200, s29;
	[tilespmem:s24+$0x60] =	vst v7;
	v27 =	vld [tilespmem:$0x1F560];
	v61 =	vmul.f32 v57, v53;
	v53 =	vadd.f32 v2, v3;
	v59 =	vmul.f32 v57, v1  }
0x70c: {  	v1 =	vld [tilespmem:$0x1FFC0];
	_ =	sdelay $0x2  }
0x70d: {  	[tilespmem:s24+$0x70] =	vst v0  }
0x70e: {  	v0 =	vld [tilespmem:$0x1FFD0]  }
0x70f: {  	[tilespmem:s24+$0x400] =	vst v63;
	v1 =	vperm.xlane v62, v1  }
0x710: {  	[tilespmem:s24+$0x410] =	vst v61  }
0x711: {  	v2 =	vmax.f32 v53, $1.000000020e-24;
	[tilespmem:s24+$0x420] =	vst v60;
	v1 =	vadd.f32 v62, v1  }
0x712: {  	[tilespmem:s24+$0x430] =	vst v58;
	v3 =	vshra.s32 v2, $0x1;
	v2 =	vmul.f32 $5.000000000e-01, v2;
	v53 =	vmul.f32 v57, v27  }
0x713: {  	v5 =	vmul.f32 v57, v33;
	v4 =	vld [tilespmem:$0x1FFE0];
	[tilespmem:s24+$0x440] =	vst v59;
	v3 =	vsub.s32 $0x5F3759DF, v3;
	v0 =	vperm.xlane v1, v0  }
0x714: {  	v6 =	vmul.f32 v57, v42;
	v2 =	vmul.f32 v3, v2;
	[tilespmem:s24+$0x450] =	vst v53  }
0x715: {  	v61 =	vmul.f32 v41, v34;
	v0 =	vadd.f32 v1, v0;
	v1 =	vld [tilespmem:$0x1F5C0];
	[tilespmem:s24+$0x460] =	vst v5  }
0x716: {  	v2 =	vmul.f32 v3, v2;
	v62 =	vmul.f32 v41, v14;
	[tilespmem:s24+$0x470] =	vst v6  }
0x717: {  	v63 =	vmul.f32 v41, v56;
	v5 =	vld [tilespmem:$0x1FFF0];
	[tilespmem:s24+$0xC0] =	vst v61  }
0x718: {  	v8 =	vmul.f32 v41, v55;
	v2 =	vsub.f32 $1.500000000e+00, v2;
	[tilespmem:s24+$0xD0] =	vst v62;
	v4 =	vperm.xlane v0, v4  }
0x719: {  	v27 =	vmul.f32 v41, v54;
	[tilespmem:s24+$0xE0] =	vst v63  }
0x71a: {  	v31 =	vmul.f32 v41, v31;
	v2 =	vmul.f32 v3, v2;
	[tilespmem:s24+$0xF0] =	vst v8;
	v0 =	vadd.f32 v0, v4  }
0x71b: {  	v33 =	vmul.f32 v41, v13;
	[tilespmem:s24+$0x480] =	vst v27  }
0x71c: {  	v9 =	vmul.f32 v2, v43;
	[tilespmem:s24+$0x4B0] =	vst v31;
	v5 =	vperm.xlane v0, v5  }
0x71d: {  	v10 =	vmul.f32 v2, v30;
	[tilespmem:s24+$0x4D0] =	vst v33  }
0x71e: {  	v14 =	vmul.f32 v2, v29;
	[tilespmem:s25+$0x4F0] =	vst v9;
	v0 =	vadd.f32 v0, v5  }
0x71f: {  	v29 =	vmul.f32 v41, v32;
	[tilespmem:s25+$0x80] =	vst v10  }
0x720: {  	v30 =	vmul.f32 v41, v15;
	[tilespmem:s25+$0x90] =	vst v14;
	v0 =	vmax.f32 v0, $1.000000020e-24  }
0x721: {  	v32 =	vmul.f32 v41, v52;
	[tilespmem:s24+$0x490] =	vst v29;
	v12 =	vshra.s32 v0, $0x1;
	v0 =	vmul.f32 $5.000000000e-01, v0  }
0x722: {  	[tilespmem:s24+$0x4A0] =	vst v30;
	v1 =	vmul.f32 v41, v1;
	v3 =	vsub.s32 $0x5F3759DF, v12  }
0x723: {  	[tilespmem:s24+$0x4C0] =	vst v32;
	v0 =	vmul.f32 v3, v0  }
0x724: {  	[tilespmem:s24+$0xB0] =	vst v1  }
0x725: {  	v1 =	vld [tilespmem:$0x1F5D0];
	v0 =	vmul.f32 v3, v0  }
0x726: {  	v34 =	vmul.f32 v41, v11  }
0x727: {  	v54 =	vmul.f32 v2, v19;
	v0 =	vsub.f32 $1.500000000e+00, v0  }
0x728: {  	v55 =	vmul.f32 v2, v18;
	[tilespmem:s24+$0x4E0] =	vst v34  }
0x729: {  	v56 =	vmul.f32 v2, v20;
	[tilespmem:s25+$0xB0] =	vst v54;
	v0 =	vmul.f32 v3, v0  }
0x72a: {  	[tilespmem:s25+$0xC0] =	vst v55;
	v1 =	vmul.f32 v2, v1  }
0x72b: {  	[tilespmem:s25+$0xD0] =	vst v56;
	v3 =	vmul.f32 v0, v35  }
0x72c: {  	[tilespmem:s25+$0xA0] =	vst v1;
	v35 =	vmul.f32 v0, v37  }
0x72d: {  	v36 =	vmul.f32 v0, v36;
	[tilespmem:s25+$0x0] =	vst v3  }
0x72e: {  	v37 =	vmul.f32 v0, v39;
	[tilespmem:s25+$0x10] =	vst v35  }
0x72f: {  	v38 =	vmul.f32 v0, v38;
	[tilespmem:s25+$0x20] =	vst v36  }
0x730: {  	v39 =	vmul.f32 v0, v40;
	[tilespmem:s25+$0x30] =	vst v37  }
0x731: {  	v40 =	vmul.f32 v0, v17;
	[tilespmem:s25+$0x40] =	vst v38  }
0x732: {  	v41 =	vmul.f32 v0, v16;
	[tilespmem:s25+$0x50] =	vst v39  }
0x733: {  	v42 =	vmul.f32 v0, v48;
	[tilespmem:s25+$0x60] =	vst v40  }
0x734: {  	v43 =	vmul.f32 v0, v50;
	[tilespmem:s25+$0x70] =	vst v41  }
0x735: {  	v48 =	vmul.f32 v0, v51;
	[tilespmem:s25+$0x400] =	vst v42  }
0x736: {  	v50 =	vmul.f32 v0, v49;
	[tilespmem:s25+$0x410] =	vst v43  }
0x737: {  	v51 =	vmul.f32 v0, v45;
	[tilespmem:s25+$0x420] =	vst v48  }
0x738: {  	v52 =	vmul.f32 v0, v46;
	[tilespmem:s25+$0x430] =	vst v50  }
0x739: {  	v53 =	vmul.f32 v0, v47;
	[tilespmem:s25+$0x440] =	vst v51  }
0x73a: {  	v0 =	vmul.f32 v0, v44;
	[tilespmem:s25+$0x450] =	vst v52  }
0x73b: {  	v57 =	vmul.f32 v2, v21;
	[tilespmem:s25+$0x460] =	vst v53  }
0x73c: {  	v58 =	vmul.f32 v2, v22;
	[tilespmem:s25+$0x470] =	vst v0  }
0x73d: {  	v59 =	vmul.f32 v2, v23;
	v0 =	vld [tilespmem:$0x1F5E0];
	[tilespmem:s25+$0xE0] =	vst v57  }
0x73e: {  	v60 =	vmul.f32 v2, v24;
	v1 =	vld [tilespmem:$0x1F5F0];
	[tilespmem:s25+$0xF0] =	vst v58  }
0x73f: {  	v61 =	vmul.f32 v2, v25;
	[tilespmem:s25+$0x4A0] =	vst v59  }
0x740: {  	v62 =	vmul.f32 v2, v26;
	[tilespmem:s25+$0x4B0] =	vst v60  }
0x741: {  	v63 =	vmul.f32 v2, v28;
	[tilespmem:s25+$0x4C0] =	vst v61  }
0x742: {  	[tilespmem:s25+$0x4D0] =	vst v62;
	v0 =	vmul.f32 v2, v0  }
0x743: {  	[tilespmem:s25+$0x4E0] =	vst v63;
	v1 =	vmul.f32 v2, v1  }
0x744: {  	[tilespmem:s25+$0x480] =	vst v0  }
0x745: {  	s23 =	sadd.s32 $0x1, s23;
	[tilespmem:s25+$0x490] =	vst v1  }
0x746: {  	[hbm4b:s16+s2] =	stream.linear.scatter [tilespmem:s2], [sflag:$0x3], $0x8000, $0x38;
	[tilespmem:$0x10000] =	vst v63  }
0x747: {  	p0 =	sne.s32 s23, s17;
	_ =	swait.ge [sflag:s22], $0x8000  }
.Ltmp7:
0x748: {  	[sflag:s22] =	ssyncset.done $0x0;
	(pc) =	sbr.rel @p0 .LBB2_1-.Ltmp7, $4  }
0x749: {  	[sflag:s22] =	ssyncadd.s32 $0xFFFF8000  }
0x74a: {  	_ =	swait.ge [sflag:s21], $0x8000  }
0x74b: {  	[sflag:s21] =	ssyncset.done $0x0  }
0x74c: {  	[sflag:s21] =	ssyncadd.s32 $0xFFFF8000  }
0x74d: {  	_ =	sfence.sel $0x180000  }
0x74e: {  	[bflag:$0x0] =	sbarrier.arrive $0xFFFF  }
0x74f: {  	p0 =	sne.s32 s0, $0x0;
	_ =	strace $0x90000047  }
0x750: {  	s0 =	sadd.s32 @!p0 $0x100000, s1;
	[bflag:$0x2] =	sbarrier.arrive $0xFFFF  }
0x751: {  	[sflag:s0] =	ssyncadd.tile.s32 @!p0 $0x1;
	_ =	shalt  }
.Lfunc_end2:
_tile_overlayer_lowered:
.L_overlay_start_2:
0x752: {  	(tag) =	ssettag $0x2  }
0x753: {  	s0 =	rddreg [dreg:$0x0];
	s2 =	stileid.u32  }
0x754: {  	s1 =	rddreg [dreg:$0x1];
	p0 =	sne.s32 s2, $0x0  }
0x755: {  	s3 =	rddreg [dreg:$0x2];
	[bflag:$0x3] =	sbarrier.arrive $0xFFFF;
	s2 =	simm.s32 @!p0 $0x1C05  }
0x756: {  	[timem:s3], [sflag:s2] =	dma.local @!p0 [hbm:s0], s1  }
0x757: {  	s0 =	simm.s32 @!p0 $0x5  }
0x758: {  	_ =	swait.ge @!p0 [sflag:s0], s1  }
0x759: {  	s1 =	ssub.s32 @!p0 $0x0, s1;
	[sflag:s0] =	ssyncset.done @!p0 $0x0  }
0x75a: {  	[sflag:s0] =	ssyncadd.s32 @!p0 s1  }
0x75b: {  	[bflag:$0x3] =	sbarrier.arrive $0xFFFF  }
0x75c: {  	_ =	shalt  }

</sc_bundles>
